<compile_context>
chip_gen: v7x
topology: tpu7x:2x2x1
jax: 0.10.2.dev20260603
libtpu: 0.0.44.dev20260713+nightly
codegen_flags: <defaults>
</compile_context>

<pallas_src>
import functools

import jax
import jax.numpy as jnp
from jax import lax
from jax.experimental import pallas as pl
from jax.experimental.pallas import tpu as pltpu
from jax.experimental.pallas import tpu_sc as plsc

B = 4096
L = 200
D = 64
V = 201
NW = 32
DB = 8
BH = 2048
NBH = B // BH
UPL = (D // DB) * NBH
NUNITS = L * UPL
UPW = NUNITS // NW
NBUF = 4
G16 = BH // 16
UNROLL = 8

_mesh = plsc.VectorSubcoreMesh(core_axis_name="c", subcore_axis_name="s")


@functools.partial(
    pl.kernel,
    mesh=_mesh,
    out_type=jax.ShapeDtypeStruct((L, D, B), jnp.float32),
    scratch_types=[
        pltpu.VMEM((V * D,), jnp.float32),
        pltpu.VMEM((NBUF, BH), jnp.int32),
        pltpu.VMEM((NBUF, DB, BH), jnp.float32),
        [pltpu.SemaphoreType.DMA] * NBUF,
        [pltpu.SemaphoreType.DMA] * NBUF,
    ],
    compiler_params=pltpu.CompilerParams(needs_layout_passes=False),
)
def _emb(xt_hbm, tabf_hbm, out_hbm, tab_v, x_v, o_v, sems_x, sems_out):
    wid = lax.axis_index("s") * 2 + lax.axis_index("c")
    ubase = wid * UPW
    pltpu.sync_copy(tabf_hbm, tab_v)
    zeros = jnp.zeros((16,), jnp.float32)
    zlanes = lax.iota(jnp.int32, 16) * 0

    def unit_ldb(u):
        l = u // UPL
        r = u % UPL
        return l, (r // NBH) * DB, (r % NBH) * BH

    def x_copy(u, b):
        l, _, b0 = unit_ldb(u)
        return pltpu.make_async_copy(
            xt_hbm.at[l, pl.ds(b0, BH)], x_v.at[b], sems_x[b]
        )

    def out_copy(u, b):
        l, d0, b0 = unit_ldb(u)
        return pltpu.make_async_copy(
            o_v.at[b], out_hbm.at[l, pl.ds(d0, DB), pl.ds(b0, BH)], sems_out[b]
        )

    def compute(u, b):
        l, d0, _ = unit_ldb(u)
        base = (l + 1) * D + d0
        trows = [
            plsc.load_gather(tab_v, [base + d + zlanes]) for d in range(DB)
        ]

        big = jnp.full((16,), 2147483647, jnp.int32)

        def gbody(g, accs):
            accs = list(accs)
            for gu in range(UNROLL):
                o = (g * UNROLL + gu) * 16
                accs[gu % 4] = jnp.minimum(accs[gu % 4], x_v[b, pl.ds(o, 16)])
                for d in range(DB):
                    o_v[b, d, pl.ds(o, 16)] = trows[d]
            return tuple(accs)

        accs = lax.fori_loop(0, G16 // UNROLL, gbody, (big, big, big, big))

        acc = jnp.minimum(
            jnp.minimum(accs[0], accs[1]), jnp.minimum(accs[2], accs[3])
        )
        amin = lax.reduce_min(acc, (0,))

        @pl.when(amin == 0)
        def _():
            def fbody(g, c2):
                o = g * 16
                m = x_v[b, pl.ds(o, 16)] != 0
                for d in range(DB):
                    o_v[b, d, pl.ds(o, 16)] = jnp.where(m, trows[d], zeros)
                return c2

            lax.fori_loop(0, G16, fbody, 0)

    def body(i, carry):
        base = ubase + i * NBUF
        for b in range(NBUF):
            u = base + b

            @pl.when(i > 0)
            def _(u=u, b=b):
                out_copy(u - NBUF, b).wait()

            x_copy(u, b).start()
        for b in range(NBUF):
            u = base + b
            x_copy(u, b).wait()
            compute(u, b)
            out_copy(u, b).start()
        return carry

    lax.fori_loop(0, UPW // NBUF, body, 0)
    for b in range(NBUF):
        out_copy(ubase + UPW - NBUF + b, b).wait()


def kernel(x, table):
    out = _emb(x.T, table.reshape(V * D))
    return out.transpose(2, 0, 1)

# --- scband reference (transcript-rebuilt; emitter-appended) ---
"""Pipeline reference for scband-learnable-positional-embedding-26568667693569 (READ-ONLY COPY).

The authoritative reference and input builder live on the scoring server;
editing this copy changes nothing except your own understanding.
"""

import jax, jax.numpy as jnp
import numpy as np

N_POSITIONS = 200
EMBED_DIM = 64
PADDING_IDX = 0
BATCH = 4096
SEQ_LEN = 200


def setup_inputs(seed: int = 0) -> dict:
    key = jax.random.key(seed)
    k1, k2 = jax.random.split(key)
    # token ids; value 0 is the padding_idx, other values are content tokens
    x = jax.random.randint(k1, (BATCH, SEQ_LEN), 0, 100000, dtype=jnp.int32)
    # learned positional embedding table: (n_positions + 1, embedding_dim),
    # init normal std=0.02, padding_idx row zeroed (nn.Embedding semantics)
    table = jax.random.normal(k2, (N_POSITIONS + 1, EMBED_DIM), dtype=jnp.float32) * 0.02
    table = table.at[PADDING_IDX].set(0.0)
    return {"x": x, "table": table}


def reference(x, table):
    B, L = x.shape
    # content_mask = x.ne(padding_idx); positions = mask * arange(1, L+1)
    content_mask = (x != PADDING_IDX).astype(jnp.int32)
    positions = content_mask * jnp.arange(1, L + 1, dtype=jnp.int32)[None, :]
    # embedding lookup: padded tokens map to row 0 (the zero padding row)
    out = jnp.take(table, positions, axis=0)
    return out

if __name__ == "__main__":
    import jax
    _d = setup_inputs()
    print(jax.jit(kernel)(*tuple(_d.values())))

</pallas_src>

<mosaic_0001>
#map = affine_map<(d0, d1) -> (0, 0)>
#map1 = affine_map<(d0, d1) -> (0)>
#map2 = affine_map<(d0, d1) -> (0, 0, 0)>
module attributes {stable_mosaic.version = 14 : i64} {
  func.func @_emb(%arg0: i32, %arg1: i32, %arg2: memref<200x4096xi32, #tpu.memory_space<hbm>>, %arg3: memref<12864xf32, #tpu.memory_space<hbm>>, %arg4: memref<200x64x4096xf32, #tpu.memory_space<hbm>>, %arg5: memref<12864xf32, #tpu.memory_space<vmem>>, %arg6: memref<4x2048xi32, #tpu.memory_space<vmem>>, %arg7: memref<4x8x2048xf32, #tpu.memory_space<vmem>>, %arg8: memref<!tpu.dma_semaphore, #tpu.memory_space<semaphore_mem>>, %arg9: memref<!tpu.dma_semaphore, #tpu.memory_space<semaphore_mem>>, %arg10: memref<!tpu.dma_semaphore, #tpu.memory_space<semaphore_mem>>, %arg11: memref<!tpu.dma_semaphore, #tpu.memory_space<semaphore_mem>>, %arg12: memref<!tpu.dma_semaphore, #tpu.memory_space<semaphore_mem>>, %arg13: memref<!tpu.dma_semaphore, #tpu.memory_space<semaphore_mem>>, %arg14: memref<!tpu.dma_semaphore, #tpu.memory_space<semaphore_mem>>, %arg15: memref<!tpu.dma_semaphore, #tpu.memory_space<semaphore_mem>>) attributes {dimension_semantics = [#tpu.dimension_semantics<core_parallel>, #tpu.dimension_semantics<subcore_parallel>], iteration_bounds = array<i64: 2, 16>, scalar_prefetch = 0 : i64, scratch_operands = 11 : i64, tpu.core_type = #tpu.core_type<sc_vector_subcore>, window_params = [{transform_indices = #map}, {transform_indices = #map1}, {transform_indices = #map2}]} {
    %mul3A = arith.constant 2 : i32
    %mul3A_0 = arith.muli %arg1, %mul3A : i32
    %add3A = arith.addi %mul3A_0, %arg0 : i32
    %mul3A_1 = arith.constant 100 : i32
    %mul3A_2 = arith.muli %add3A, %mul3A_1 : i32
    "tpu.region"() ({
      %run_scoped3A = tpu.sem_alloc : memref<!tpu.dma_semaphore, #tpu.memory_space<semaphore_mem>>
      tpu.enqueue_dma source(%arg3 : memref<12864xf32, #tpu.memory_space<hbm>>) target(%arg5 : memref<12864xf32, #tpu.memory_space<vmem>>) target_semaphore(%run_scoped3A : memref<!tpu.dma_semaphore, #tpu.memory_space<semaphore_mem>>)
      tpu.wait_dma2 semaphore(%run_scoped3A : memref<!tpu.dma_semaphore, #tpu.memory_space<semaphore_mem>>) src(%arg3 : memref<12864xf32, #tpu.memory_space<hbm>>) dst(%arg5 : memref<12864xf32, #tpu.memory_space<vmem>>)
      tpu.yield
    }) : () -> ()
    %broadcast_in_dim3A = arith.constant 0.000000e+00 : f32
    %broadcast_in_dim3A_3 = vector.broadcast %broadcast_in_dim3A : f32 to vector<16xf32>
    %iota3A = tpu.iota {dimensions = array<i32: 0>} : vector<16xi32>
    %mul3A_4 = arith.constant 0 : i32
    %mul3A_5 = vector.broadcast %mul3A_4 : i32 to vector<16xi32>
    %mul3A_6 = arith.muli %iota3A, %mul3A_5 : vector<16xi32>
    %scan3A = arith.constant 0 : i32
    %scan3A_7 = arith.constant 0 : i32
    %scan3A_8 = arith.constant 25 : i32
    %scan3A_9 = arith.addi %scan3A_7, %scan3A_8 : i32
    %scan3A_10 = arith.constant 1 : i32
    scf.for %scan3A_413 = %scan3A_7 to %scan3A_9 step %scan3A_10  : i32 {
      %mul3A_414 = arith.constant 4 : i32
      %mul3A_415 = arith.muli %scan3A_413, %mul3A_414 : i32
      %add3A_416 = arith.addi %mul3A_2, %mul3A_415 : i32
      %add3A_417 = arith.constant 0 : i32
      %add3A_418 = arith.addi %add3A_416, %add3A_417 : i32
      %gt3A = arith.constant 0 : i32
      %gt3A_419 = arith.cmpi sgt, %scan3A_413, %gt3A : i32
      %convert_element_type3A = arith.extui %gt3A_419 : i1 to i32
      %cond3A = arith.constant 0 : i32
      %cond3A_420 = arith.cmpi ne, %convert_element_type3A, %cond3A : i32
      scf.if %cond3A_420 {
        %sub3A_2206 = arith.constant 4 : i32
        %sub3A_2207 = arith.subi %add3A_418, %sub3A_2206 : i32
        %jit3A_2208 = arith.constant 16 : i32
        %div3A_2209 = arith.divsi %sub3A_2207, %jit3A_2208 : i32
        %sign3A_2210 = arith.constant 0 : i32
        %sign3A_2211 = arith.cmpi sgt, %sub3A_2207, %sign3A_2210 : i32
        %sign3A_2212 = arith.extui %sign3A_2211 : i1 to i32
        %sign3A_2213 = arith.constant 0 : i32
        %sign3A_2214 = arith.cmpi slt, %sub3A_2207, %sign3A_2213 : i32
        %sign3A_2215 = arith.extui %sign3A_2214 : i1 to i32
        %sign3A_2216 = arith.subi %sign3A_2212, %sign3A_2215 : i32
        %sign3A_2217 = arith.constant 0 : i32
        %sign3A_2218 = arith.cmpi sgt, %jit3A_2208, %sign3A_2217 : i32
        %sign3A_2219 = arith.extui %sign3A_2218 : i1 to i32
        %sign3A_2220 = arith.constant 0 : i32
        %sign3A_2221 = arith.cmpi slt, %jit3A_2208, %sign3A_2220 : i32
        %sign3A_2222 = arith.extui %sign3A_2221 : i1 to i32
        %sign3A_2223 = arith.subi %sign3A_2219, %sign3A_2222 : i32
        %ne3A_2224 = arith.cmpi ne, %sign3A_2216, %sign3A_2223 : i32
        %rem3A_2225 = arith.remsi %sub3A_2207, %jit3A_2208 : i32
        %ne3A_2226 = arith.constant 0 : i32
        %ne3A_2227 = arith.cmpi ne, %rem3A_2225, %ne3A_2226 : i32
        %and3A_2228 = arith.andi %ne3A_2224, %ne3A_2227 : i1
        %sub3A_2229 = arith.constant 1 : i32
        %sub3A_2230 = arith.subi %div3A_2209, %sub3A_2229 : i32
        %select_n3A_2231 = arith.select %and3A_2228, %sub3A_2230, %div3A_2209 : i32
        %jit3A_2232 = arith.constant 16 : i32
        %eq3A_2233 = arith.constant 0 : i32
        %eq3A_2234 = arith.cmpi eq, %jit3A_2232, %eq3A_2233 : i32
        %jit3A_2235 = arith.constant 1 : i32
        %select_n3A_2236 = arith.select %eq3A_2234, %jit3A_2235, %jit3A_2232 : i32
        %rem3A_2237 = arith.remsi %sub3A_2207, %select_n3A_2236 : i32
        %ne3A_2238 = arith.constant 0 : i32
        %ne3A_2239 = arith.cmpi ne, %rem3A_2237, %ne3A_2238 : i32
        %lt3A_2240 = arith.constant 0 : i32
        %lt3A_2241 = arith.cmpi slt, %rem3A_2237, %lt3A_2240 : i32
        %lt3A_2242 = arith.constant 0 : i32
        %lt3A_2243 = arith.cmpi slt, %select_n3A_2236, %lt3A_2242 : i32
        %ne3A_2244 = arith.xori %lt3A_2241, %lt3A_2243 : i1
        %and3A_2245 = arith.andi %ne3A_2244, %ne3A_2239 : i1
        %add3A_2246 = arith.addi %rem3A_2237, %select_n3A_2236 : i32
        %select_n3A_2247 = arith.select %and3A_2245, %add3A_2246, %rem3A_2237 : i32
        %jit3A_2248 = arith.constant 2 : i32
        %div3A_2249 = arith.divsi %select_n3A_2247, %jit3A_2248 : i32
        %sign3A_2250 = arith.constant 0 : i32
        %sign3A_2251 = arith.cmpi sgt, %select_n3A_2247, %sign3A_2250 : i32
        %sign3A_2252 = arith.extui %sign3A_2251 : i1 to i32
        %sign3A_2253 = arith.constant 0 : i32
        %sign3A_2254 = arith.cmpi slt, %select_n3A_2247, %sign3A_2253 : i32
        %sign3A_2255 = arith.extui %sign3A_2254 : i1 to i32
        %sign3A_2256 = arith.subi %sign3A_2252, %sign3A_2255 : i32
        %sign3A_2257 = arith.constant 0 : i32
        %sign3A_2258 = arith.cmpi sgt, %jit3A_2248, %sign3A_2257 : i32
        %sign3A_2259 = arith.extui %sign3A_2258 : i1 to i32
        %sign3A_2260 = arith.constant 0 : i32
        %sign3A_2261 = arith.cmpi slt, %jit3A_2248, %sign3A_2260 : i32
        %sign3A_2262 = arith.extui %sign3A_2261 : i1 to i32
        %sign3A_2263 = arith.subi %sign3A_2259, %sign3A_2262 : i32
        %ne3A_2264 = arith.cmpi ne, %sign3A_2256, %sign3A_2263 : i32
        %rem3A_2265 = arith.remsi %select_n3A_2247, %jit3A_2248 : i32
        %ne3A_2266 = arith.constant 0 : i32
        %ne3A_2267 = arith.cmpi ne, %rem3A_2265, %ne3A_2266 : i32
        %and3A_2268 = arith.andi %ne3A_2264, %ne3A_2267 : i1
        %sub3A_2269 = arith.constant 1 : i32
        %sub3A_2270 = arith.subi %div3A_2249, %sub3A_2269 : i32
        %select_n3A_2271 = arith.select %and3A_2268, %sub3A_2270, %div3A_2249 : i32
        %mul3A_2272 = arith.constant 8 : i32
        %mul3A_2273 = arith.muli %select_n3A_2271, %mul3A_2272 : i32
        %jit3A_2274 = arith.constant 2 : i32
        %eq3A_2275 = arith.constant 0 : i32
        %eq3A_2276 = arith.cmpi eq, %jit3A_2274, %eq3A_2275 : i32
        %jit3A_2277 = arith.constant 1 : i32
        %select_n3A_2278 = arith.select %eq3A_2276, %jit3A_2277, %jit3A_2274 : i32
        %rem3A_2279 = arith.remsi %select_n3A_2247, %select_n3A_2278 : i32
        %ne3A_2280 = arith.constant 0 : i32
        %ne3A_2281 = arith.cmpi ne, %rem3A_2279, %ne3A_2280 : i32
        %lt3A_2282 = arith.constant 0 : i32
        %lt3A_2283 = arith.cmpi slt, %rem3A_2279, %lt3A_2282 : i32
        %lt3A_2284 = arith.constant 0 : i32
        %lt3A_2285 = arith.cmpi slt, %select_n3A_2278, %lt3A_2284 : i32
        %ne3A_2286 = arith.xori %lt3A_2283, %lt3A_2285 : i1
        %and3A_2287 = arith.andi %ne3A_2286, %ne3A_2281 : i1
        %add3A_2288 = arith.addi %rem3A_2279, %select_n3A_2278 : i32
        %select_n3A_2289 = arith.select %and3A_2287, %add3A_2288, %rem3A_2279 : i32
        %mul3A_2290 = arith.constant 2048 : i32
        %mul3A_2291 = arith.muli %select_n3A_2289, %mul3A_2290 : i32
        %dma_wait3A_2292 = arith.constant 0 : i32
        %dma_wait3A_2293 = arith.constant 0 : i32
        %dma_wait3A_2294 = arith.constant 0 : i32
        %dma_wait3A_2295 = tpu.memref_slice %arg7[%dma_wait3A_2292, %dma_wait3A_2293, %dma_wait3A_2294] : memref<4x8x2048xf32, #tpu.memory_space<vmem>> -> memref<1x8x2048xf32, #tpu.memory_space<vmem>>
        %dma_wait3A_2296 = tpu.memref_squeeze %dma_wait3A_2295 : memref<1x8x2048xf32, #tpu.memory_space<vmem>> -> memref<8x2048xf32, #tpu.memory_space<vmem>>
        %dma_wait3A_2297 = tpu.memref_slice %arg4[%select_n3A_2231, %mul3A_2273, %mul3A_2291] : memref<200x64x4096xf32, #tpu.memory_space<hbm>> -> memref<1x8x2048xf32, #tpu.memory_space<hbm>>
        %dma_wait3A_2298 = tpu.memref_squeeze %dma_wait3A_2297 : memref<1x8x2048xf32, #tpu.memory_space<hbm>> -> memref<8x2048xf32, #tpu.memory_space<hbm>>
        %dma_wait3A_2299 = tpu.memref_slice %arg4[%select_n3A_2231, %mul3A_2273, %mul3A_2291] : memref<200x64x4096xf32, #tpu.memory_space<hbm>> -> memref<1x8x2048xf32, #tpu.memory_space<hbm>>
        %dma_wait3A_2300 = tpu.memref_squeeze %dma_wait3A_2299 : memref<1x8x2048xf32, #tpu.memory_space<hbm>> -> memref<8x2048xf32, #tpu.memory_space<hbm>>
        %dma_wait3A_2301 = arith.constant 0 : i32
        %dma_wait3A_2302 = arith.constant 0 : i32
        %dma_wait3A_2303 = tpu.memref_slice %arg7[%dma_wait3A_2292, %dma_wait3A_2301, %dma_wait3A_2302] : memref<4x8x2048xf32, #tpu.memory_space<vmem>> -> memref<1x8x2048xf32, #tpu.memory_space<vmem>>
        %dma_wait3A_2304 = tpu.memref_squeeze %dma_wait3A_2303 : memref<1x8x2048xf32, #tpu.memory_space<vmem>> -> memref<8x2048xf32, #tpu.memory_space<vmem>>
        tpu.wait_dma2 semaphore(%arg12 : memref<!tpu.dma_semaphore, #tpu.memory_space<semaphore_mem>>) src(%dma_wait3A_2304 : memref<8x2048xf32, #tpu.memory_space<vmem>>) dst(%dma_wait3A_2300 : memref<8x2048xf32, #tpu.memory_space<hbm>>)
      } else {
      }
      %jit3A_421 = arith.constant 16 : i32
      %div3A_422 = arith.divsi %add3A_418, %jit3A_421 : i32
      %sign3A_423 = arith.constant 0 : i32
      %sign3A_424 = arith.cmpi sgt, %add3A_418, %sign3A_423 : i32
      %sign3A_425 = arith.extui %sign3A_424 : i1 to i32
      %sign3A_426 = arith.constant 0 : i32
      %sign3A_427 = arith.cmpi slt, %add3A_418, %sign3A_426 : i32
      %sign3A_428 = arith.extui %sign3A_427 : i1 to i32
      %sign3A_429 = arith.subi %sign3A_425, %sign3A_428 : i32
      %sign3A_430 = arith.constant 0 : i32
      %sign3A_431 = arith.cmpi sgt, %jit3A_421, %sign3A_430 : i32
      %sign3A_432 = arith.extui %sign3A_431 : i1 to i32
      %sign3A_433 = arith.constant 0 : i32
      %sign3A_434 = arith.cmpi slt, %jit3A_421, %sign3A_433 : i32
      %sign3A_435 = arith.extui %sign3A_434 : i1 to i32
      %sign3A_436 = arith.subi %sign3A_432, %sign3A_435 : i32
      %ne3A_437 = arith.cmpi ne, %sign3A_429, %sign3A_436 : i32
      %rem3A_438 = arith.remsi %add3A_418, %jit3A_421 : i32
      %ne3A_439 = arith.constant 0 : i32
      %ne3A_440 = arith.cmpi ne, %rem3A_438, %ne3A_439 : i32
      %and3A_441 = arith.andi %ne3A_437, %ne3A_440 : i1
      %sub3A_442 = arith.constant 1 : i32
      %sub3A_443 = arith.subi %div3A_422, %sub3A_442 : i32
      %select_n3A_444 = arith.select %and3A_441, %sub3A_443, %div3A_422 : i32
      %jit3A_445 = arith.constant 16 : i32
      %eq3A_446 = arith.constant 0 : i32
      %eq3A_447 = arith.cmpi eq, %jit3A_445, %eq3A_446 : i32
      %jit3A_448 = arith.constant 1 : i32
      %select_n3A_449 = arith.select %eq3A_447, %jit3A_448, %jit3A_445 : i32
      %rem3A_450 = arith.remsi %add3A_418, %select_n3A_449 : i32
      %ne3A_451 = arith.constant 0 : i32
      %ne3A_452 = arith.cmpi ne, %rem3A_450, %ne3A_451 : i32
      %lt3A_453 = arith.constant 0 : i32
      %lt3A_454 = arith.cmpi slt, %rem3A_450, %lt3A_453 : i32
      %lt3A_455 = arith.constant 0 : i32
      %lt3A_456 = arith.cmpi slt, %select_n3A_449, %lt3A_455 : i32
      %ne3A_457 = arith.xori %lt3A_454, %lt3A_456 : i1
      %and3A_458 = arith.andi %ne3A_457, %ne3A_452 : i1
      %add3A_459 = arith.addi %rem3A_450, %select_n3A_449 : i32
      %select_n3A_460 = arith.select %and3A_458, %add3A_459, %rem3A_450 : i32
      %jit3A_461 = arith.constant 2 : i32
      %div3A_462 = arith.divsi %select_n3A_460, %jit3A_461 : i32
      %sign3A_463 = arith.constant 0 : i32
      %sign3A_464 = arith.cmpi sgt, %select_n3A_460, %sign3A_463 : i32
      %sign3A_465 = arith.extui %sign3A_464 : i1 to i32
      %sign3A_466 = arith.constant 0 : i32
      %sign3A_467 = arith.cmpi slt, %select_n3A_460, %sign3A_466 : i32
      %sign3A_468 = arith.extui %sign3A_467 : i1 to i32
      %sign3A_469 = arith.subi %sign3A_465, %sign3A_468 : i32
      %sign3A_470 = arith.constant 0 : i32
      %sign3A_471 = arith.cmpi sgt, %jit3A_461, %sign3A_470 : i32
      %sign3A_472 = arith.extui %sign3A_471 : i1 to i32
      %sign3A_473 = arith.constant 0 : i32
      %sign3A_474 = arith.cmpi slt, %jit3A_461, %sign3A_473 : i32
      %sign3A_475 = arith.extui %sign3A_474 : i1 to i32
      %sign3A_476 = arith.subi %sign3A_472, %sign3A_475 : i32
      %ne3A_477 = arith.cmpi ne, %sign3A_469, %sign3A_476 : i32
      %rem3A_478 = arith.remsi %select_n3A_460, %jit3A_461 : i32
      %ne3A_479 = arith.constant 0 : i32
      %ne3A_480 = arith.cmpi ne, %rem3A_478, %ne3A_479 : i32
      %and3A_481 = arith.andi %ne3A_477, %ne3A_480 : i1
      %sub3A_482 = arith.constant 1 : i32
      %sub3A_483 = arith.subi %div3A_462, %sub3A_482 : i32
      %select_n3A_484 = arith.select %and3A_481, %sub3A_483, %div3A_462 : i32
      %mul3A_485 = arith.constant 8 : i32
      %mul3A_486 = arith.muli %select_n3A_484, %mul3A_485 : i32
      %jit3A_487 = arith.constant 2 : i32
      %eq3A_488 = arith.constant 0 : i32
      %eq3A_489 = arith.cmpi eq, %jit3A_487, %eq3A_488 : i32
      %jit3A_490 = arith.constant 1 : i32
      %select_n3A_491 = arith.select %eq3A_489, %jit3A_490, %jit3A_487 : i32
      %rem3A_492 = arith.remsi %select_n3A_460, %select_n3A_491 : i32
      %ne3A_493 = arith.constant 0 : i32
      %ne3A_494 = arith.cmpi ne, %rem3A_492, %ne3A_493 : i32
      %lt3A_495 = arith.constant 0 : i32
      %lt3A_496 = arith.cmpi slt, %rem3A_492, %lt3A_495 : i32
      %lt3A_497 = arith.constant 0 : i32
      %lt3A_498 = arith.cmpi slt, %select_n3A_491, %lt3A_497 : i32
      %ne3A_499 = arith.xori %lt3A_496, %lt3A_498 : i1
      %and3A_500 = arith.andi %ne3A_499, %ne3A_494 : i1
      %add3A_501 = arith.addi %rem3A_492, %select_n3A_491 : i32
      %select_n3A_502 = arith.select %and3A_500, %add3A_501, %rem3A_492 : i32
      %mul3A_503 = arith.constant 2048 : i32
      %mul3A_504 = arith.muli %select_n3A_502, %mul3A_503 : i32
      %dma_start3A = arith.constant 0 : i32
      %dma_start3A_505 = arith.constant 0 : i32
      %dma_start3A_506 = tpu.memref_slice %arg6[%dma_start3A, %dma_start3A_505] : memref<4x2048xi32, #tpu.memory_space<vmem>> -> memref<1x2048xi32, #tpu.memory_space<vmem>>
      %dma_start3A_507 = tpu.memref_squeeze %dma_start3A_506 : memref<1x2048xi32, #tpu.memory_space<vmem>> -> memref<2048xi32, #tpu.memory_space<vmem>>
      %dma_start3A_508 = tpu.memref_slice %arg2[%select_n3A_444, %mul3A_504] : memref<200x4096xi32, #tpu.memory_space<hbm>> -> memref<1x2048xi32, #tpu.memory_space<hbm>>
      %dma_start3A_509 = tpu.memref_squeeze %dma_start3A_508 : memref<1x2048xi32, #tpu.memory_space<hbm>> -> memref<2048xi32, #tpu.memory_space<hbm>>
      %dma_start3A_510 = arith.constant 0 : i32
      %dma_start3A_511 = tpu.memref_slice %arg6[%dma_start3A, %dma_start3A_510] : memref<4x2048xi32, #tpu.memory_space<vmem>> -> memref<1x2048xi32, #tpu.memory_space<vmem>>
      %dma_start3A_512 = tpu.memref_squeeze %dma_start3A_511 : memref<1x2048xi32, #tpu.memory_space<vmem>> -> memref<2048xi32, #tpu.memory_space<vmem>>
      %dma_start3A_513 = tpu.memref_slice %arg2[%select_n3A_444, %mul3A_504] : memref<200x4096xi32, #tpu.memory_space<hbm>> -> memref<1x2048xi32, #tpu.memory_space<hbm>>
      %dma_start3A_514 = tpu.memref_squeeze %dma_start3A_513 : memref<1x2048xi32, #tpu.memory_space<hbm>> -> memref<2048xi32, #tpu.memory_space<hbm>>
      tpu.enqueue_dma source(%dma_start3A_514 : memref<2048xi32, #tpu.memory_space<hbm>>) target(%dma_start3A_512 : memref<2048xi32, #tpu.memory_space<vmem>>) target_semaphore(%arg8 : memref<!tpu.dma_semaphore, #tpu.memory_space<semaphore_mem>>)
      %add3A_515 = arith.constant 1 : i32
      %add3A_516 = arith.addi %add3A_416, %add3A_515 : i32
      %gt3A_517 = arith.constant 0 : i32
      %gt3A_518 = arith.cmpi sgt, %scan3A_413, %gt3A_517 : i32
      %convert_element_type3A_519 = arith.extui %gt3A_518 : i1 to i32
      %cond3A_520 = arith.constant 0 : i32
      %cond3A_521 = arith.cmpi ne, %convert_element_type3A_519, %cond3A_520 : i32
      scf.if %cond3A_521 {
        %sub3A_2206 = arith.constant 4 : i32
        %sub3A_2207 = arith.subi %add3A_516, %sub3A_2206 : i32
        %jit3A_2208 = arith.constant 16 : i32
        %div3A_2209 = arith.divsi %sub3A_2207, %jit3A_2208 : i32
        %sign3A_2210 = arith.constant 0 : i32
        %sign3A_2211 = arith.cmpi sgt, %sub3A_2207, %sign3A_2210 : i32
        %sign3A_2212 = arith.extui %sign3A_2211 : i1 to i32
        %sign3A_2213 = arith.constant 0 : i32
        %sign3A_2214 = arith.cmpi slt, %sub3A_2207, %sign3A_2213 : i32
        %sign3A_2215 = arith.extui %sign3A_2214 : i1 to i32
        %sign3A_2216 = arith.subi %sign3A_2212, %sign3A_2215 : i32
        %sign3A_2217 = arith.constant 0 : i32
        %sign3A_2218 = arith.cmpi sgt, %jit3A_2208, %sign3A_2217 : i32
        %sign3A_2219 = arith.extui %sign3A_2218 : i1 to i32
        %sign3A_2220 = arith.constant 0 : i32
        %sign3A_2221 = arith.cmpi slt, %jit3A_2208, %sign3A_2220 : i32
        %sign3A_2222 = arith.extui %sign3A_2221 : i1 to i32
        %sign3A_2223 = arith.subi %sign3A_2219, %sign3A_2222 : i32
        %ne3A_2224 = arith.cmpi ne, %sign3A_2216, %sign3A_2223 : i32
        %rem3A_2225 = arith.remsi %sub3A_2207, %jit3A_2208 : i32
        %ne3A_2226 = arith.constant 0 : i32
        %ne3A_2227 = arith.cmpi ne, %rem3A_2225, %ne3A_2226 : i32
        %and3A_2228 = arith.andi %ne3A_2224, %ne3A_2227 : i1
        %sub3A_2229 = arith.constant 1 : i32
        %sub3A_2230 = arith.subi %div3A_2209, %sub3A_2229 : i32
        %select_n3A_2231 = arith.select %and3A_2228, %sub3A_2230, %div3A_2209 : i32
        %jit3A_2232 = arith.constant 16 : i32
        %eq3A_2233 = arith.constant 0 : i32
        %eq3A_2234 = arith.cmpi eq, %jit3A_2232, %eq3A_2233 : i32
        %jit3A_2235 = arith.constant 1 : i32
        %select_n3A_2236 = arith.select %eq3A_2234, %jit3A_2235, %jit3A_2232 : i32
        %rem3A_2237 = arith.remsi %sub3A_2207, %select_n3A_2236 : i32
        %ne3A_2238 = arith.constant 0 : i32
        %ne3A_2239 = arith.cmpi ne, %rem3A_2237, %ne3A_2238 : i32
        %lt3A_2240 = arith.constant 0 : i32
        %lt3A_2241 = arith.cmpi slt, %rem3A_2237, %lt3A_2240 : i32
        %lt3A_2242 = arith.constant 0 : i32
        %lt3A_2243 = arith.cmpi slt, %select_n3A_2236, %lt3A_2242 : i32
        %ne3A_2244 = arith.xori %lt3A_2241, %lt3A_2243 : i1
        %and3A_2245 = arith.andi %ne3A_2244, %ne3A_2239 : i1
        %add3A_2246 = arith.addi %rem3A_2237, %select_n3A_2236 : i32
        %select_n3A_2247 = arith.select %and3A_2245, %add3A_2246, %rem3A_2237 : i32
        %jit3A_2248 = arith.constant 2 : i32
        %div3A_2249 = arith.divsi %select_n3A_2247, %jit3A_2248 : i32
        %sign3A_2250 = arith.constant 0 : i32
        %sign3A_2251 = arith.cmpi sgt, %select_n3A_2247, %sign3A_2250 : i32
        %sign3A_2252 = arith.extui %sign3A_2251 : i1 to i32
        %sign3A_2253 = arith.constant 0 : i32
        %sign3A_2254 = arith.cmpi slt, %select_n3A_2247, %sign3A_2253 : i32
        %sign3A_2255 = arith.extui %sign3A_2254 : i1 to i32
        %sign3A_2256 = arith.subi %sign3A_2252, %sign3A_2255 : i32
        %sign3A_2257 = arith.constant 0 : i32
        %sign3A_2258 = arith.cmpi sgt, %jit3A_2248, %sign3A_2257 : i32
        %sign3A_2259 = arith.extui %sign3A_2258 : i1 to i32
        %sign3A_2260 = arith.constant 0 : i32
        %sign3A_2261 = arith.cmpi slt, %jit3A_2248, %sign3A_2260 : i32
        %sign3A_2262 = arith.extui %sign3A_2261 : i1 to i32
        %sign3A_2263 = arith.subi %sign3A_2259, %sign3A_2262 : i32
        %ne3A_2264 = arith.cmpi ne, %sign3A_2256, %sign3A_2263 : i32
        %rem3A_2265 = arith.remsi %select_n3A_2247, %jit3A_2248 : i32
        %ne3A_2266 = arith.constant 0 : i32
        %ne3A_2267 = arith.cmpi ne, %rem3A_2265, %ne3A_2266 : i32
        %and3A_2268 = arith.andi %ne3A_2264, %ne3A_2267 : i1
        %sub3A_2269 = arith.constant 1 : i32
        %sub3A_2270 = arith.subi %div3A_2249, %sub3A_2269 : i32
        %select_n3A_2271 = arith.select %and3A_2268, %sub3A_2270, %div3A_2249 : i32
        %mul3A_2272 = arith.constant 8 : i32
        %mul3A_2273 = arith.muli %select_n3A_2271, %mul3A_2272 : i32
        %jit3A_2274 = arith.constant 2 : i32
        %eq3A_2275 = arith.constant 0 : i32
        %eq3A_2276 = arith.cmpi eq, %jit3A_2274, %eq3A_2275 : i32
        %jit3A_2277 = arith.constant 1 : i32
        %select_n3A_2278 = arith.select %eq3A_2276, %jit3A_2277, %jit3A_2274 : i32
        %rem3A_2279 = arith.remsi %select_n3A_2247, %select_n3A_2278 : i32
        %ne3A_2280 = arith.constant 0 : i32
        %ne3A_2281 = arith.cmpi ne, %rem3A_2279, %ne3A_2280 : i32
        %lt3A_2282 = arith.constant 0 : i32
        %lt3A_2283 = arith.cmpi slt, %rem3A_2279, %lt3A_2282 : i32
        %lt3A_2284 = arith.constant 0 : i32
        %lt3A_2285 = arith.cmpi slt, %select_n3A_2278, %lt3A_2284 : i32
        %ne3A_2286 = arith.xori %lt3A_2283, %lt3A_2285 : i1
        %and3A_2287 = arith.andi %ne3A_2286, %ne3A_2281 : i1
        %add3A_2288 = arith.addi %rem3A_2279, %select_n3A_2278 : i32
        %select_n3A_2289 = arith.select %and3A_2287, %add3A_2288, %rem3A_2279 : i32
        %mul3A_2290 = arith.constant 2048 : i32
        %mul3A_2291 = arith.muli %select_n3A_2289, %mul3A_2290 : i32
        %dma_wait3A_2292 = arith.constant 1 : i32
        %dma_wait3A_2293 = arith.constant 0 : i32
        %dma_wait3A_2294 = arith.constant 0 : i32
        %dma_wait3A_2295 = tpu.memref_slice %arg7[%dma_wait3A_2292, %dma_wait3A_2293, %dma_wait3A_2294] : memref<4x8x2048xf32, #tpu.memory_space<vmem>> -> memref<1x8x2048xf32, #tpu.memory_space<vmem>>
        %dma_wait3A_2296 = tpu.memref_squeeze %dma_wait3A_2295 : memref<1x8x2048xf32, #tpu.memory_space<vmem>> -> memref<8x2048xf32, #tpu.memory_space<vmem>>
        %dma_wait3A_2297 = tpu.memref_slice %arg4[%select_n3A_2231, %mul3A_2273, %mul3A_2291] : memref<200x64x4096xf32, #tpu.memory_space<hbm>> -> memref<1x8x2048xf32, #tpu.memory_space<hbm>>
        %dma_wait3A_2298 = tpu.memref_squeeze %dma_wait3A_2297 : memref<1x8x2048xf32, #tpu.memory_space<hbm>> -> memref<8x2048xf32, #tpu.memory_space<hbm>>
        %dma_wait3A_2299 = tpu.memref_slice %arg4[%select_n3A_2231, %mul3A_2273, %mul3A_2291] : memref<200x64x4096xf32, #tpu.memory_space<hbm>> -> memref<1x8x2048xf32, #tpu.memory_space<hbm>>
        %dma_wait3A_2300 = tpu.memref_squeeze %dma_wait3A_2299 : memref<1x8x2048xf32, #tpu.memory_space<hbm>> -> memref<8x2048xf32, #tpu.memory_space<hbm>>
        %dma_wait3A_2301 = arith.constant 0 : i32
        %dma_wait3A_2302 = arith.constant 0 : i32
        %dma_wait3A_2303 = tpu.memref_slice %arg7[%dma_wait3A_2292, %dma_wait3A_2301, %dma_wait3A_2302] : memref<4x8x2048xf32, #tpu.memory_space<vmem>> -> memref<1x8x2048xf32, #tpu.memory_space<vmem>>
        %dma_wait3A_2304 = tpu.memref_squeeze %dma_wait3A_2303 : memref<1x8x2048xf32, #tpu.memory_space<vmem>> -> memref<8x2048xf32, #tpu.memory_space<vmem>>
        tpu.wait_dma2 semaphore(%arg13 : memref<!tpu.dma_semaphore, #tpu.memory_space<semaphore_mem>>) src(%dma_wait3A_2304 : memref<8x2048xf32, #tpu.memory_space<vmem>>) dst(%dma_wait3A_2300 : memref<8x2048xf32, #tpu.memory_space<hbm>>)
      } else {
      }
      %jit3A_522 = arith.constant 16 : i32
      %div3A_523 = arith.divsi %add3A_516, %jit3A_522 : i32
      %sign3A_524 = arith.constant 0 : i32
      %sign3A_525 = arith.cmpi sgt, %add3A_516, %sign3A_524 : i32
      %sign3A_526 = arith.extui %sign3A_525 : i1 to i32
      %sign3A_527 = arith.constant 0 : i32
      %sign3A_528 = arith.cmpi slt, %add3A_516, %sign3A_527 : i32
      %sign3A_529 = arith.extui %sign3A_528 : i1 to i32
      %sign3A_530 = arith.subi %sign3A_526, %sign3A_529 : i32
      %sign3A_531 = arith.constant 0 : i32
      %sign3A_532 = arith.cmpi sgt, %jit3A_522, %sign3A_531 : i32
      %sign3A_533 = arith.extui %sign3A_532 : i1 to i32
      %sign3A_534 = arith.constant 0 : i32
      %sign3A_535 = arith.cmpi slt, %jit3A_522, %sign3A_534 : i32
      %sign3A_536 = arith.extui %sign3A_535 : i1 to i32
      %sign3A_537 = arith.subi %sign3A_533, %sign3A_536 : i32
      %ne3A_538 = arith.cmpi ne, %sign3A_530, %sign3A_537 : i32
      %rem3A_539 = arith.remsi %add3A_516, %jit3A_522 : i32
      %ne3A_540 = arith.constant 0 : i32
      %ne3A_541 = arith.cmpi ne, %rem3A_539, %ne3A_540 : i32
      %and3A_542 = arith.andi %ne3A_538, %ne3A_541 : i1
      %sub3A_543 = arith.constant 1 : i32
      %sub3A_544 = arith.subi %div3A_523, %sub3A_543 : i32
      %select_n3A_545 = arith.select %and3A_542, %sub3A_544, %div3A_523 : i32
      %jit3A_546 = arith.constant 16 : i32
      %eq3A_547 = arith.constant 0 : i32
      %eq3A_548 = arith.cmpi eq, %jit3A_546, %eq3A_547 : i32
      %jit3A_549 = arith.constant 1 : i32
      %select_n3A_550 = arith.select %eq3A_548, %jit3A_549, %jit3A_546 : i32
      %rem3A_551 = arith.remsi %add3A_516, %select_n3A_550 : i32
      %ne3A_552 = arith.constant 0 : i32
      %ne3A_553 = arith.cmpi ne, %rem3A_551, %ne3A_552 : i32
      %lt3A_554 = arith.constant 0 : i32
      %lt3A_555 = arith.cmpi slt, %rem3A_551, %lt3A_554 : i32
      %lt3A_556 = arith.constant 0 : i32
      %lt3A_557 = arith.cmpi slt, %select_n3A_550, %lt3A_556 : i32
      %ne3A_558 = arith.xori %lt3A_555, %lt3A_557 : i1
      %and3A_559 = arith.andi %ne3A_558, %ne3A_553 : i1
      %add3A_560 = arith.addi %rem3A_551, %select_n3A_550 : i32
      %select_n3A_561 = arith.select %and3A_559, %add3A_560, %rem3A_551 : i32
      %jit3A_562 = arith.constant 2 : i32
      %div3A_563 = arith.divsi %select_n3A_561, %jit3A_562 : i32
      %sign3A_564 = arith.constant 0 : i32
      %sign3A_565 = arith.cmpi sgt, %select_n3A_561, %sign3A_564 : i32
      %sign3A_566 = arith.extui %sign3A_565 : i1 to i32
      %sign3A_567 = arith.constant 0 : i32
      %sign3A_568 = arith.cmpi slt, %select_n3A_561, %sign3A_567 : i32
      %sign3A_569 = arith.extui %sign3A_568 : i1 to i32
      %sign3A_570 = arith.subi %sign3A_566, %sign3A_569 : i32
      %sign3A_571 = arith.constant 0 : i32
      %sign3A_572 = arith.cmpi sgt, %jit3A_562, %sign3A_571 : i32
      %sign3A_573 = arith.extui %sign3A_572 : i1 to i32
      %sign3A_574 = arith.constant 0 : i32
      %sign3A_575 = arith.cmpi slt, %jit3A_562, %sign3A_574 : i32
      %sign3A_576 = arith.extui %sign3A_575 : i1 to i32
      %sign3A_577 = arith.subi %sign3A_573, %sign3A_576 : i32
      %ne3A_578 = arith.cmpi ne, %sign3A_570, %sign3A_577 : i32
      %rem3A_579 = arith.remsi %select_n3A_561, %jit3A_562 : i32
      %ne3A_580 = arith.constant 0 : i32
      %ne3A_581 = arith.cmpi ne, %rem3A_579, %ne3A_580 : i32
      %and3A_582 = arith.andi %ne3A_578, %ne3A_581 : i1
      %sub3A_583 = arith.constant 1 : i32
      %sub3A_584 = arith.subi %div3A_563, %sub3A_583 : i32
      %select_n3A_585 = arith.select %and3A_582, %sub3A_584, %div3A_563 : i32
      %mul3A_586 = arith.constant 8 : i32
      %mul3A_587 = arith.muli %select_n3A_585, %mul3A_586 : i32
      %jit3A_588 = arith.constant 2 : i32
      %eq3A_589 = arith.constant 0 : i32
      %eq3A_590 = arith.cmpi eq, %jit3A_588, %eq3A_589 : i32
      %jit3A_591 = arith.constant 1 : i32
      %select_n3A_592 = arith.select %eq3A_590, %jit3A_591, %jit3A_588 : i32
      %rem3A_593 = arith.remsi %select_n3A_561, %select_n3A_592 : i32
      %ne3A_594 = arith.constant 0 : i32
      %ne3A_595 = arith.cmpi ne, %rem3A_593, %ne3A_594 : i32
      %lt3A_596 = arith.constant 0 : i32
      %lt3A_597 = arith.cmpi slt, %rem3A_593, %lt3A_596 : i32
      %lt3A_598 = arith.constant 0 : i32
      %lt3A_599 = arith.cmpi slt, %select_n3A_592, %lt3A_598 : i32
      %ne3A_600 = arith.xori %lt3A_597, %lt3A_599 : i1
      %and3A_601 = arith.andi %ne3A_600, %ne3A_595 : i1
      %add3A_602 = arith.addi %rem3A_593, %select_n3A_592 : i32
      %select_n3A_603 = arith.select %and3A_601, %add3A_602, %rem3A_593 : i32
      %mul3A_604 = arith.constant 2048 : i32
      %mul3A_605 = arith.muli %select_n3A_603, %mul3A_604 : i32
      %dma_start3A_606 = arith.constant 1 : i32
      %dma_start3A_607 = arith.constant 0 : i32
      %dma_start3A_608 = tpu.memref_slice %arg6[%dma_start3A_606, %dma_start3A_607] : memref<4x2048xi32, #tpu.memory_space<vmem>> -> memref<1x2048xi32, #tpu.memory_space<vmem>>
      %dma_start3A_609 = tpu.memref_squeeze %dma_start3A_608 : memref<1x2048xi32, #tpu.memory_space<vmem>> -> memref<2048xi32, #tpu.memory_space<vmem>>
      %dma_start3A_610 = tpu.memref_slice %arg2[%select_n3A_545, %mul3A_605] : memref<200x4096xi32, #tpu.memory_space<hbm>> -> memref<1x2048xi32, #tpu.memory_space<hbm>>
      %dma_start3A_611 = tpu.memref_squeeze %dma_start3A_610 : memref<1x2048xi32, #tpu.memory_space<hbm>> -> memref<2048xi32, #tpu.memory_space<hbm>>
      %dma_start3A_612 = arith.constant 0 : i32
      %dma_start3A_613 = tpu.memref_slice %arg6[%dma_start3A_606, %dma_start3A_612] : memref<4x2048xi32, #tpu.memory_space<vmem>> -> memref<1x2048xi32, #tpu.memory_space<vmem>>
      %dma_start3A_614 = tpu.memref_squeeze %dma_start3A_613 : memref<1x2048xi32, #tpu.memory_space<vmem>> -> memref<2048xi32, #tpu.memory_space<vmem>>
      %dma_start3A_615 = tpu.memref_slice %arg2[%select_n3A_545, %mul3A_605] : memref<200x4096xi32, #tpu.memory_space<hbm>> -> memref<1x2048xi32, #tpu.memory_space<hbm>>
      %dma_start3A_616 = tpu.memref_squeeze %dma_start3A_615 : memref<1x2048xi32, #tpu.memory_space<hbm>> -> memref<2048xi32, #tpu.memory_space<hbm>>
      tpu.enqueue_dma source(%dma_start3A_616 : memref<2048xi32, #tpu.memory_space<hbm>>) target(%dma_start3A_614 : memref<2048xi32, #tpu.memory_space<vmem>>) target_semaphore(%arg9 : memref<!tpu.dma_semaphore, #tpu.memory_space<semaphore_mem>>)
      %add3A_617 = arith.constant 2 : i32
      %add3A_618 = arith.addi %add3A_416, %add3A_617 : i32
      %gt3A_619 = arith.constant 0 : i32
      %gt3A_620 = arith.cmpi sgt, %scan3A_413, %gt3A_619 : i32
      %convert_element_type3A_621 = arith.extui %gt3A_620 : i1 to i32
      %cond3A_622 = arith.constant 0 : i32
      %cond3A_623 = arith.cmpi ne, %convert_element_type3A_621, %cond3A_622 : i32
      scf.if %cond3A_623 {
        %sub3A_2206 = arith.constant 4 : i32
        %sub3A_2207 = arith.subi %add3A_618, %sub3A_2206 : i32
        %jit3A_2208 = arith.constant 16 : i32
        %div3A_2209 = arith.divsi %sub3A_2207, %jit3A_2208 : i32
        %sign3A_2210 = arith.constant 0 : i32
        %sign3A_2211 = arith.cmpi sgt, %sub3A_2207, %sign3A_2210 : i32
        %sign3A_2212 = arith.extui %sign3A_2211 : i1 to i32
        %sign3A_2213 = arith.constant 0 : i32
        %sign3A_2214 = arith.cmpi slt, %sub3A_2207, %sign3A_2213 : i32
        %sign3A_2215 = arith.extui %sign3A_2214 : i1 to i32
        %sign3A_2216 = arith.subi %sign3A_2212, %sign3A_2215 : i32
        %sign3A_2217 = arith.constant 0 : i32
        %sign3A_2218 = arith.cmpi sgt, %jit3A_2208, %sign3A_2217 : i32
        %sign3A_2219 = arith.extui %sign3A_2218 : i1 to i32
        %sign3A_2220 = arith.constant 0 : i32
        %sign3A_2221 = arith.cmpi slt, %jit3A_2208, %sign3A_2220 : i32
        %sign3A_2222 = arith.extui %sign3A_2221 : i1 to i32
        %sign3A_2223 = arith.subi %sign3A_2219, %sign3A_2222 : i32
        %ne3A_2224 = arith.cmpi ne, %sign3A_2216, %sign3A_2223 : i32
        %rem3A_2225 = arith.remsi %sub3A_2207, %jit3A_2208 : i32
        %ne3A_2226 = arith.constant 0 : i32
        %ne3A_2227 = arith.cmpi ne, %rem3A_2225, %ne3A_2226 : i32
        %and3A_2228 = arith.andi %ne3A_2224, %ne3A_2227 : i1
        %sub3A_2229 = arith.constant 1 : i32
        %sub3A_2230 = arith.subi %div3A_2209, %sub3A_2229 : i32
        %select_n3A_2231 = arith.select %and3A_2228, %sub3A_2230, %div3A_2209 : i32
        %jit3A_2232 = arith.constant 16 : i32
        %eq3A_2233 = arith.constant 0 : i32
        %eq3A_2234 = arith.cmpi eq, %jit3A_2232, %eq3A_2233 : i32
        %jit3A_2235 = arith.constant 1 : i32
        %select_n3A_2236 = arith.select %eq3A_2234, %jit3A_2235, %jit3A_2232 : i32
        %rem3A_2237 = arith.remsi %sub3A_2207, %select_n3A_2236 : i32
        %ne3A_2238 = arith.constant 0 : i32
        %ne3A_2239 = arith.cmpi ne, %rem3A_2237, %ne3A_2238 : i32
        %lt3A_2240 = arith.constant 0 : i32
        %lt3A_2241 = arith.cmpi slt, %rem3A_2237, %lt3A_2240 : i32
        %lt3A_2242 = arith.constant 0 : i32
        %lt3A_2243 = arith.cmpi slt, %select_n3A_2236, %lt3A_2242 : i32
        %ne3A_2244 = arith.xori %lt3A_2241, %lt3A_2243 : i1
        %and3A_2245 = arith.andi %ne3A_2244, %ne3A_2239 : i1
        %add3A_2246 = arith.addi %rem3A_2237, %select_n3A_2236 : i32
        %select_n3A_2247 = arith.select %and3A_2245, %add3A_2246, %rem3A_2237 : i32
        %jit3A_2248 = arith.constant 2 : i32
        %div3A_2249 = arith.divsi %select_n3A_2247, %jit3A_2248 : i32
        %sign3A_2250 = arith.constant 0 : i32
        %sign3A_2251 = arith.cmpi sgt, %select_n3A_2247, %sign3A_2250 : i32
        %sign3A_2252 = arith.extui %sign3A_2251 : i1 to i32
        %sign3A_2253 = arith.constant 0 : i32
        %sign3A_2254 = arith.cmpi slt, %select_n3A_2247, %sign3A_2253 : i32
        %sign3A_2255 = arith.extui %sign3A_2254 : i1 to i32
        %sign3A_2256 = arith.subi %sign3A_2252, %sign3A_2255 : i32
        %sign3A_2257 = arith.constant 0 : i32
        %sign3A_2258 = arith.cmpi sgt, %jit3A_2248, %sign3A_2257 : i32
        %sign3A_2259 = arith.extui %sign3A_2258 : i1 to i32
        %sign3A_2260 = arith.constant 0 : i32
        %sign3A_2261 = arith.cmpi slt, %jit3A_2248, %sign3A_2260 : i32
        %sign3A_2262 = arith.extui %sign3A_2261 : i1 to i32
        %sign3A_2263 = arith.subi %sign3A_2259, %sign3A_2262 : i32
        %ne3A_2264 = arith.cmpi ne, %sign3A_2256, %sign3A_2263 : i32
        %rem3A_2265 = arith.remsi %select_n3A_2247, %jit3A_2248 : i32
        %ne3A_2266 = arith.constant 0 : i32
        %ne3A_2267 = arith.cmpi ne, %rem3A_2265, %ne3A_2266 : i32
        %and3A_2268 = arith.andi %ne3A_2264, %ne3A_2267 : i1
        %sub3A_2269 = arith.constant 1 : i32
        %sub3A_2270 = arith.subi %div3A_2249, %sub3A_2269 : i32
        %select_n3A_2271 = arith.select %and3A_2268, %sub3A_2270, %div3A_2249 : i32
        %mul3A_2272 = arith.constant 8 : i32
        %mul3A_2273 = arith.muli %select_n3A_2271, %mul3A_2272 : i32
        %jit3A_2274 = arith.constant 2 : i32
        %eq3A_2275 = arith.constant 0 : i32
        %eq3A_2276 = arith.cmpi eq, %jit3A_2274, %eq3A_2275 : i32
        %jit3A_2277 = arith.constant 1 : i32
        %select_n3A_2278 = arith.select %eq3A_2276, %jit3A_2277, %jit3A_2274 : i32
        %rem3A_2279 = arith.remsi %select_n3A_2247, %select_n3A_2278 : i32
        %ne3A_2280 = arith.constant 0 : i32
        %ne3A_2281 = arith.cmpi ne, %rem3A_2279, %ne3A_2280 : i32
        %lt3A_2282 = arith.constant 0 : i32
        %lt3A_2283 = arith.cmpi slt, %rem3A_2279, %lt3A_2282 : i32
        %lt3A_2284 = arith.constant 0 : i32
        %lt3A_2285 = arith.cmpi slt, %select_n3A_2278, %lt3A_2284 : i32
        %ne3A_2286 = arith.xori %lt3A_2283, %lt3A_2285 : i1
        %and3A_2287 = arith.andi %ne3A_2286, %ne3A_2281 : i1
        %add3A_2288 = arith.addi %rem3A_2279, %select_n3A_2278 : i32
        %select_n3A_2289 = arith.select %and3A_2287, %add3A_2288, %rem3A_2279 : i32
        %mul3A_2290 = arith.constant 2048 : i32
        %mul3A_2291 = arith.muli %select_n3A_2289, %mul3A_2290 : i32
        %dma_wait3A_2292 = arith.constant 2 : i32
        %dma_wait3A_2293 = arith.constant 0 : i32
        %dma_wait3A_2294 = arith.constant 0 : i32
        %dma_wait3A_2295 = tpu.memref_slice %arg7[%dma_wait3A_2292, %dma_wait3A_2293, %dma_wait3A_2294] : memref<4x8x2048xf32, #tpu.memory_space<vmem>> -> memref<1x8x2048xf32, #tpu.memory_space<vmem>>
        %dma_wait3A_2296 = tpu.memref_squeeze %dma_wait3A_2295 : memref<1x8x2048xf32, #tpu.memory_space<vmem>> -> memref<8x2048xf32, #tpu.memory_space<vmem>>
        %dma_wait3A_2297 = tpu.memref_slice %arg4[%select_n3A_2231, %mul3A_2273, %mul3A_2291] : memref<200x64x4096xf32, #tpu.memory_space<hbm>> -> memref<1x8x2048xf32, #tpu.memory_space<hbm>>
        %dma_wait3A_2298 = tpu.memref_squeeze %dma_wait3A_2297 : memref<1x8x2048xf32, #tpu.memory_space<hbm>> -> memref<8x2048xf32, #tpu.memory_space<hbm>>
        %dma_wait3A_2299 = tpu.memref_slice %arg4[%select_n3A_2231, %mul3A_2273, %mul3A_2291] : memref<200x64x4096xf32, #tpu.memory_space<hbm>> -> memref<1x8x2048xf32, #tpu.memory_space<hbm>>
        %dma_wait3A_2300 = tpu.memref_squeeze %dma_wait3A_2299 : memref<1x8x2048xf32, #tpu.memory_space<hbm>> -> memref<8x2048xf32, #tpu.memory_space<hbm>>
        %dma_wait3A_2301 = arith.constant 0 : i32
        %dma_wait3A_2302 = arith.constant 0 : i32
        %dma_wait3A_2303 = tpu.memref_slice %arg7[%dma_wait3A_2292, %dma_wait3A_2301, %dma_wait3A_2302] : memref<4x8x2048xf32, #tpu.memory_space<vmem>> -> memref<1x8x2048xf32, #tpu.memory_space<vmem>>
        %dma_wait3A_2304 = tpu.memref_squeeze %dma_wait3A_2303 : memref<1x8x2048xf32, #tpu.memory_space<vmem>> -> memref<8x2048xf32, #tpu.memory_space<vmem>>
        tpu.wait_dma2 semaphore(%arg14 : memref<!tpu.dma_semaphore, #tpu.memory_space<semaphore_mem>>) src(%dma_wait3A_2304 : memref<8x2048xf32, #tpu.memory_space<vmem>>) dst(%dma_wait3A_2300 : memref<8x2048xf32, #tpu.memory_space<hbm>>)
      } else {
      }
      %jit3A_624 = arith.constant 16 : i32
      %div3A_625 = arith.divsi %add3A_618, %jit3A_624 : i32
      %sign3A_626 = arith.constant 0 : i32
      %sign3A_627 = arith.cmpi sgt, %add3A_618, %sign3A_626 : i32
      %sign3A_628 = arith.extui %sign3A_627 : i1 to i32
      %sign3A_629 = arith.constant 0 : i32
      %sign3A_630 = arith.cmpi slt, %add3A_618, %sign3A_629 : i32
      %sign3A_631 = arith.extui %sign3A_630 : i1 to i32
      %sign3A_632 = arith.subi %sign3A_628, %sign3A_631 : i32
      %sign3A_633 = arith.constant 0 : i32
      %sign3A_634 = arith.cmpi sgt, %jit3A_624, %sign3A_633 : i32
      %sign3A_635 = arith.extui %sign3A_634 : i1 to i32
      %sign3A_636 = arith.constant 0 : i32
      %sign3A_637 = arith.cmpi slt, %jit3A_624, %sign3A_636 : i32
      %sign3A_638 = arith.extui %sign3A_637 : i1 to i32
      %sign3A_639 = arith.subi %sign3A_635, %sign3A_638 : i32
      %ne3A_640 = arith.cmpi ne, %sign3A_632, %sign3A_639 : i32
      %rem3A_641 = arith.remsi %add3A_618, %jit3A_624 : i32
      %ne3A_642 = arith.constant 0 : i32
      %ne3A_643 = arith.cmpi ne, %rem3A_641, %ne3A_642 : i32
      %and3A_644 = arith.andi %ne3A_640, %ne3A_643 : i1
      %sub3A_645 = arith.constant 1 : i32
      %sub3A_646 = arith.subi %div3A_625, %sub3A_645 : i32
      %select_n3A_647 = arith.select %and3A_644, %sub3A_646, %div3A_625 : i32
      %jit3A_648 = arith.constant 16 : i32
      %eq3A_649 = arith.constant 0 : i32
      %eq3A_650 = arith.cmpi eq, %jit3A_648, %eq3A_649 : i32
      %jit3A_651 = arith.constant 1 : i32
      %select_n3A_652 = arith.select %eq3A_650, %jit3A_651, %jit3A_648 : i32
      %rem3A_653 = arith.remsi %add3A_618, %select_n3A_652 : i32
      %ne3A_654 = arith.constant 0 : i32
      %ne3A_655 = arith.cmpi ne, %rem3A_653, %ne3A_654 : i32
      %lt3A_656 = arith.constant 0 : i32
      %lt3A_657 = arith.cmpi slt, %rem3A_653, %lt3A_656 : i32
      %lt3A_658 = arith.constant 0 : i32
      %lt3A_659 = arith.cmpi slt, %select_n3A_652, %lt3A_658 : i32
      %ne3A_660 = arith.xori %lt3A_657, %lt3A_659 : i1
      %and3A_661 = arith.andi %ne3A_660, %ne3A_655 : i1
      %add3A_662 = arith.addi %rem3A_653, %select_n3A_652 : i32
      %select_n3A_663 = arith.select %and3A_661, %add3A_662, %rem3A_653 : i32
      %jit3A_664 = arith.constant 2 : i32
      %div3A_665 = arith.divsi %select_n3A_663, %jit3A_664 : i32
      %sign3A_666 = arith.constant 0 : i32
      %sign3A_667 = arith.cmpi sgt, %select_n3A_663, %sign3A_666 : i32
      %sign3A_668 = arith.extui %sign3A_667 : i1 to i32
      %sign3A_669 = arith.constant 0 : i32
      %sign3A_670 = arith.cmpi slt, %select_n3A_663, %sign3A_669 : i32
      %sign3A_671 = arith.extui %sign3A_670 : i1 to i32
      %sign3A_672 = arith.subi %sign3A_668, %sign3A_671 : i32
      %sign3A_673 = arith.constant 0 : i32
      %sign3A_674 = arith.cmpi sgt, %jit3A_664, %sign3A_673 : i32
      %sign3A_675 = arith.extui %sign3A_674 : i1 to i32
      %sign3A_676 = arith.constant 0 : i32
      %sign3A_677 = arith.cmpi slt, %jit3A_664, %sign3A_676 : i32
      %sign3A_678 = arith.extui %sign3A_677 : i1 to i32
      %sign3A_679 = arith.subi %sign3A_675, %sign3A_678 : i32
      %ne3A_680 = arith.cmpi ne, %sign3A_672, %sign3A_679 : i32
      %rem3A_681 = arith.remsi %select_n3A_663, %jit3A_664 : i32
      %ne3A_682 = arith.constant 0 : i32
      %ne3A_683 = arith.cmpi ne, %rem3A_681, %ne3A_682 : i32
      %and3A_684 = arith.andi %ne3A_680, %ne3A_683 : i1
      %sub3A_685 = arith.constant 1 : i32
      %sub3A_686 = arith.subi %div3A_665, %sub3A_685 : i32
      %select_n3A_687 = arith.select %and3A_684, %sub3A_686, %div3A_665 : i32
      %mul3A_688 = arith.constant 8 : i32
      %mul3A_689 = arith.muli %select_n3A_687, %mul3A_688 : i32
      %jit3A_690 = arith.constant 2 : i32
      %eq3A_691 = arith.constant 0 : i32
      %eq3A_692 = arith.cmpi eq, %jit3A_690, %eq3A_691 : i32
      %jit3A_693 = arith.constant 1 : i32
      %select_n3A_694 = arith.select %eq3A_692, %jit3A_693, %jit3A_690 : i32
      %rem3A_695 = arith.remsi %select_n3A_663, %select_n3A_694 : i32
      %ne3A_696 = arith.constant 0 : i32
      %ne3A_697 = arith.cmpi ne, %rem3A_695, %ne3A_696 : i32
      %lt3A_698 = arith.constant 0 : i32
      %lt3A_699 = arith.cmpi slt, %rem3A_695, %lt3A_698 : i32
      %lt3A_700 = arith.constant 0 : i32
      %lt3A_701 = arith.cmpi slt, %select_n3A_694, %lt3A_700 : i32
      %ne3A_702 = arith.xori %lt3A_699, %lt3A_701 : i1
      %and3A_703 = arith.andi %ne3A_702, %ne3A_697 : i1
      %add3A_704 = arith.addi %rem3A_695, %select_n3A_694 : i32
      %select_n3A_705 = arith.select %and3A_703, %add3A_704, %rem3A_695 : i32
      %mul3A_706 = arith.constant 2048 : i32
      %mul3A_707 = arith.muli %select_n3A_705, %mul3A_706 : i32
      %dma_start3A_708 = arith.constant 2 : i32
      %dma_start3A_709 = arith.constant 0 : i32
      %dma_start3A_710 = tpu.memref_slice %arg6[%dma_start3A_708, %dma_start3A_709] : memref<4x2048xi32, #tpu.memory_space<vmem>> -> memref<1x2048xi32, #tpu.memory_space<vmem>>
      %dma_start3A_711 = tpu.memref_squeeze %dma_start3A_710 : memref<1x2048xi32, #tpu.memory_space<vmem>> -> memref<2048xi32, #tpu.memory_space<vmem>>
      %dma_start3A_712 = tpu.memref_slice %arg2[%select_n3A_647, %mul3A_707] : memref<200x4096xi32, #tpu.memory_space<hbm>> -> memref<1x2048xi32, #tpu.memory_space<hbm>>
      %dma_start3A_713 = tpu.memref_squeeze %dma_start3A_712 : memref<1x2048xi32, #tpu.memory_space<hbm>> -> memref<2048xi32, #tpu.memory_space<hbm>>
      %dma_start3A_714 = arith.constant 0 : i32
      %dma_start3A_715 = tpu.memref_slice %arg6[%dma_start3A_708, %dma_start3A_714] : memref<4x2048xi32, #tpu.memory_space<vmem>> -> memref<1x2048xi32, #tpu.memory_space<vmem>>
      %dma_start3A_716 = tpu.memref_squeeze %dma_start3A_715 : memref<1x2048xi32, #tpu.memory_space<vmem>> -> memref<2048xi32, #tpu.memory_space<vmem>>
      %dma_start3A_717 = tpu.memref_slice %arg2[%select_n3A_647, %mul3A_707] : memref<200x4096xi32, #tpu.memory_space<hbm>> -> memref<1x2048xi32, #tpu.memory_space<hbm>>
      %dma_start3A_718 = tpu.memref_squeeze %dma_start3A_717 : memref<1x2048xi32, #tpu.memory_space<hbm>> -> memref<2048xi32, #tpu.memory_space<hbm>>
      tpu.enqueue_dma source(%dma_start3A_718 : memref<2048xi32, #tpu.memory_space<hbm>>) target(%dma_start3A_716 : memref<2048xi32, #tpu.memory_space<vmem>>) target_semaphore(%arg10 : memref<!tpu.dma_semaphore, #tpu.memory_space<semaphore_mem>>)
      %add3A_719 = arith.constant 3 : i32
      %add3A_720 = arith.addi %add3A_416, %add3A_719 : i32
      %gt3A_721 = arith.constant 0 : i32
      %gt3A_722 = arith.cmpi sgt, %scan3A_413, %gt3A_721 : i32
      %convert_element_type3A_723 = arith.extui %gt3A_722 : i1 to i32
      %cond3A_724 = arith.constant 0 : i32
      %cond3A_725 = arith.cmpi ne, %convert_element_type3A_723, %cond3A_724 : i32
      scf.if %cond3A_725 {
        %sub3A_2206 = arith.constant 4 : i32
        %sub3A_2207 = arith.subi %add3A_720, %sub3A_2206 : i32
        %jit3A_2208 = arith.constant 16 : i32
        %div3A_2209 = arith.divsi %sub3A_2207, %jit3A_2208 : i32
        %sign3A_2210 = arith.constant 0 : i32
        %sign3A_2211 = arith.cmpi sgt, %sub3A_2207, %sign3A_2210 : i32
        %sign3A_2212 = arith.extui %sign3A_2211 : i1 to i32
        %sign3A_2213 = arith.constant 0 : i32
        %sign3A_2214 = arith.cmpi slt, %sub3A_2207, %sign3A_2213 : i32
        %sign3A_2215 = arith.extui %sign3A_2214 : i1 to i32
        %sign3A_2216 = arith.subi %sign3A_2212, %sign3A_2215 : i32
        %sign3A_2217 = arith.constant 0 : i32
        %sign3A_2218 = arith.cmpi sgt, %jit3A_2208, %sign3A_2217 : i32
        %sign3A_2219 = arith.extui %sign3A_2218 : i1 to i32
        %sign3A_2220 = arith.constant 0 : i32
        %sign3A_2221 = arith.cmpi slt, %jit3A_2208, %sign3A_2220 : i32
        %sign3A_2222 = arith.extui %sign3A_2221 : i1 to i32
        %sign3A_2223 = arith.subi %sign3A_2219, %sign3A_2222 : i32
        %ne3A_2224 = arith.cmpi ne, %sign3A_2216, %sign3A_2223 : i32
        %rem3A_2225 = arith.remsi %sub3A_2207, %jit3A_2208 : i32
        %ne3A_2226 = arith.constant 0 : i32
        %ne3A_2227 = arith.cmpi ne, %rem3A_2225, %ne3A_2226 : i32
        %and3A_2228 = arith.andi %ne3A_2224, %ne3A_2227 : i1
        %sub3A_2229 = arith.constant 1 : i32
        %sub3A_2230 = arith.subi %div3A_2209, %sub3A_2229 : i32
        %select_n3A_2231 = arith.select %and3A_2228, %sub3A_2230, %div3A_2209 : i32
        %jit3A_2232 = arith.constant 16 : i32
        %eq3A_2233 = arith.constant 0 : i32
        %eq3A_2234 = arith.cmpi eq, %jit3A_2232, %eq3A_2233 : i32
        %jit3A_2235 = arith.constant 1 : i32
        %select_n3A_2236 = arith.select %eq3A_2234, %jit3A_2235, %jit3A_2232 : i32
        %rem3A_2237 = arith.remsi %sub3A_2207, %select_n3A_2236 : i32
        %ne3A_2238 = arith.constant 0 : i32
        %ne3A_2239 = arith.cmpi ne, %rem3A_2237, %ne3A_2238 : i32
        %lt3A_2240 = arith.constant 0 : i32
        %lt3A_2241 = arith.cmpi slt, %rem3A_2237, %lt3A_2240 : i32
        %lt3A_2242 = arith.constant 0 : i32
        %lt3A_2243 = arith.cmpi slt, %select_n3A_2236, %lt3A_2242 : i32
        %ne3A_2244 = arith.xori %lt3A_2241, %lt3A_2243 : i1
        %and3A_2245 = arith.andi %ne3A_2244, %ne3A_2239 : i1
        %add3A_2246 = arith.addi %rem3A_2237, %select_n3A_2236 : i32
        %select_n3A_2247 = arith.select %and3A_2245, %add3A_2246, %rem3A_2237 : i32
        %jit3A_2248 = arith.constant 2 : i32
        %div3A_2249 = arith.divsi %select_n3A_2247, %jit3A_2248 : i32
        %sign3A_2250 = arith.constant 0 : i32
        %sign3A_2251 = arith.cmpi sgt, %select_n3A_2247, %sign3A_2250 : i32
        %sign3A_2252 = arith.extui %sign3A_2251 : i1 to i32
        %sign3A_2253 = arith.constant 0 : i32
        %sign3A_2254 = arith.cmpi slt, %select_n3A_2247, %sign3A_2253 : i32
        %sign3A_2255 = arith.extui %sign3A_2254 : i1 to i32
        %sign3A_2256 = arith.subi %sign3A_2252, %sign3A_2255 : i32
        %sign3A_2257 = arith.constant 0 : i32
        %sign3A_2258 = arith.cmpi sgt, %jit3A_2248, %sign3A_2257 : i32
        %sign3A_2259 = arith.extui %sign3A_2258 : i1 to i32
        %sign3A_2260 = arith.constant 0 : i32
        %sign3A_2261 = arith.cmpi slt, %jit3A_2248, %sign3A_2260 : i32
        %sign3A_2262 = arith.extui %sign3A_2261 : i1 to i32
        %sign3A_2263 = arith.subi %sign3A_2259, %sign3A_2262 : i32
        %ne3A_2264 = arith.cmpi ne, %sign3A_2256, %sign3A_2263 : i32
        %rem3A_2265 = arith.remsi %select_n3A_2247, %jit3A_2248 : i32
        %ne3A_2266 = arith.constant 0 : i32
        %ne3A_2267 = arith.cmpi ne, %rem3A_2265, %ne3A_2266 : i32
        %and3A_2268 = arith.andi %ne3A_2264, %ne3A_2267 : i1
        %sub3A_2269 = arith.constant 1 : i32
        %sub3A_2270 = arith.subi %div3A_2249, %sub3A_2269 : i32
        %select_n3A_2271 = arith.select %and3A_2268, %sub3A_2270, %div3A_2249 : i32
        %mul3A_2272 = arith.constant 8 : i32
        %mul3A_2273 = arith.muli %select_n3A_2271, %mul3A_2272 : i32
        %jit3A_2274 = arith.constant 2 : i32
        %eq3A_2275 = arith.constant 0 : i32
        %eq3A_2276 = arith.cmpi eq, %jit3A_2274, %eq3A_2275 : i32
        %jit3A_2277 = arith.constant 1 : i32
        %select_n3A_2278 = arith.select %eq3A_2276, %jit3A_2277, %jit3A_2274 : i32
        %rem3A_2279 = arith.remsi %select_n3A_2247, %select_n3A_2278 : i32
        %ne3A_2280 = arith.constant 0 : i32
        %ne3A_2281 = arith.cmpi ne, %rem3A_2279, %ne3A_2280 : i32
        %lt3A_2282 = arith.constant 0 : i32
        %lt3A_2283 = arith.cmpi slt, %rem3A_2279, %lt3A_2282 : i32
        %lt3A_2284 = arith.constant 0 : i32
        %lt3A_2285 = arith.cmpi slt, %select_n3A_2278, %lt3A_2284 : i32
        %ne3A_2286 = arith.xori %lt3A_2283, %lt3A_2285 : i1
        %and3A_2287 = arith.andi %ne3A_2286, %ne3A_2281 : i1
        %add3A_2288 = arith.addi %rem3A_2279, %select_n3A_2278 : i32
        %select_n3A_2289 = arith.select %and3A_2287, %add3A_2288, %rem3A_2279 : i32
        %mul3A_2290 = arith.constant 2048 : i32
        %mul3A_2291 = arith.muli %select_n3A_2289, %mul3A_2290 : i32
        %dma_wait3A_2292 = arith.constant 3 : i32
        %dma_wait3A_2293 = arith.constant 0 : i32
        %dma_wait3A_2294 = arith.constant 0 : i32
        %dma_wait3A_2295 = tpu.memref_slice %arg7[%dma_wait3A_2292, %dma_wait3A_2293, %dma_wait3A_2294] : memref<4x8x2048xf32, #tpu.memory_space<vmem>> -> memref<1x8x2048xf32, #tpu.memory_space<vmem>>
        %dma_wait3A_2296 = tpu.memref_squeeze %dma_wait3A_2295 : memref<1x8x2048xf32, #tpu.memory_space<vmem>> -> memref<8x2048xf32, #tpu.memory_space<vmem>>
        %dma_wait3A_2297 = tpu.memref_slice %arg4[%select_n3A_2231, %mul3A_2273, %mul3A_2291] : memref<200x64x4096xf32, #tpu.memory_space<hbm>> -> memref<1x8x2048xf32, #tpu.memory_space<hbm>>
        %dma_wait3A_2298 = tpu.memref_squeeze %dma_wait3A_2297 : memref<1x8x2048xf32, #tpu.memory_space<hbm>> -> memref<8x2048xf32, #tpu.memory_space<hbm>>
        %dma_wait3A_2299 = tpu.memref_slice %arg4[%select_n3A_2231, %mul3A_2273, %mul3A_2291] : memref<200x64x4096xf32, #tpu.memory_space<hbm>> -> memref<1x8x2048xf32, #tpu.memory_space<hbm>>
        %dma_wait3A_2300 = tpu.memref_squeeze %dma_wait3A_2299 : memref<1x8x2048xf32, #tpu.memory_space<hbm>> -> memref<8x2048xf32, #tpu.memory_space<hbm>>
        %dma_wait3A_2301 = arith.constant 0 : i32
        %dma_wait3A_2302 = arith.constant 0 : i32
        %dma_wait3A_2303 = tpu.memref_slice %arg7[%dma_wait3A_2292, %dma_wait3A_2301, %dma_wait3A_2302] : memref<4x8x2048xf32, #tpu.memory_space<vmem>> -> memref<1x8x2048xf32, #tpu.memory_space<vmem>>
        %dma_wait3A_2304 = tpu.memref_squeeze %dma_wait3A_2303 : memref<1x8x2048xf32, #tpu.memory_space<vmem>> -> memref<8x2048xf32, #tpu.memory_space<vmem>>
        tpu.wait_dma2 semaphore(%arg15 : memref<!tpu.dma_semaphore, #tpu.memory_space<semaphore_mem>>) src(%dma_wait3A_2304 : memref<8x2048xf32, #tpu.memory_space<vmem>>) dst(%dma_wait3A_2300 : memref<8x2048xf32, #tpu.memory_space<hbm>>)
      } else {
      }
      %jit3A_726 = arith.constant 16 : i32
      %div3A_727 = arith.divsi %add3A_720, %jit3A_726 : i32
      %sign3A_728 = arith.constant 0 : i32
      %sign3A_729 = arith.cmpi sgt, %add3A_720, %sign3A_728 : i32
      %sign3A_730 = arith.extui %sign3A_729 : i1 to i32
      %sign3A_731 = arith.constant 0 : i32
      %sign3A_732 = arith.cmpi slt, %add3A_720, %sign3A_731 : i32
      %sign3A_733 = arith.extui %sign3A_732 : i1 to i32
      %sign3A_734 = arith.subi %sign3A_730, %sign3A_733 : i32
      %sign3A_735 = arith.constant 0 : i32
      %sign3A_736 = arith.cmpi sgt, %jit3A_726, %sign3A_735 : i32
      %sign3A_737 = arith.extui %sign3A_736 : i1 to i32
      %sign3A_738 = arith.constant 0 : i32
      %sign3A_739 = arith.cmpi slt, %jit3A_726, %sign3A_738 : i32
      %sign3A_740 = arith.extui %sign3A_739 : i1 to i32
      %sign3A_741 = arith.subi %sign3A_737, %sign3A_740 : i32
      %ne3A_742 = arith.cmpi ne, %sign3A_734, %sign3A_741 : i32
      %rem3A_743 = arith.remsi %add3A_720, %jit3A_726 : i32
      %ne3A_744 = arith.constant 0 : i32
      %ne3A_745 = arith.cmpi ne, %rem3A_743, %ne3A_744 : i32
      %and3A_746 = arith.andi %ne3A_742, %ne3A_745 : i1
      %sub3A_747 = arith.constant 1 : i32
      %sub3A_748 = arith.subi %div3A_727, %sub3A_747 : i32
      %select_n3A_749 = arith.select %and3A_746, %sub3A_748, %div3A_727 : i32
      %jit3A_750 = arith.constant 16 : i32
      %eq3A_751 = arith.constant 0 : i32
      %eq3A_752 = arith.cmpi eq, %jit3A_750, %eq3A_751 : i32
      %jit3A_753 = arith.constant 1 : i32
      %select_n3A_754 = arith.select %eq3A_752, %jit3A_753, %jit3A_750 : i32
      %rem3A_755 = arith.remsi %add3A_720, %select_n3A_754 : i32
      %ne3A_756 = arith.constant 0 : i32
      %ne3A_757 = arith.cmpi ne, %rem3A_755, %ne3A_756 : i32
      %lt3A_758 = arith.constant 0 : i32
      %lt3A_759 = arith.cmpi slt, %rem3A_755, %lt3A_758 : i32
      %lt3A_760 = arith.constant 0 : i32
      %lt3A_761 = arith.cmpi slt, %select_n3A_754, %lt3A_760 : i32
      %ne3A_762 = arith.xori %lt3A_759, %lt3A_761 : i1
      %and3A_763 = arith.andi %ne3A_762, %ne3A_757 : i1
      %add3A_764 = arith.addi %rem3A_755, %select_n3A_754 : i32
      %select_n3A_765 = arith.select %and3A_763, %add3A_764, %rem3A_755 : i32
      %jit3A_766 = arith.constant 2 : i32
      %div3A_767 = arith.divsi %select_n3A_765, %jit3A_766 : i32
      %sign3A_768 = arith.constant 0 : i32
      %sign3A_769 = arith.cmpi sgt, %select_n3A_765, %sign3A_768 : i32
      %sign3A_770 = arith.extui %sign3A_769 : i1 to i32
      %sign3A_771 = arith.constant 0 : i32
      %sign3A_772 = arith.cmpi slt, %select_n3A_765, %sign3A_771 : i32
      %sign3A_773 = arith.extui %sign3A_772 : i1 to i32
      %sign3A_774 = arith.subi %sign3A_770, %sign3A_773 : i32
      %sign3A_775 = arith.constant 0 : i32
      %sign3A_776 = arith.cmpi sgt, %jit3A_766, %sign3A_775 : i32
      %sign3A_777 = arith.extui %sign3A_776 : i1 to i32
      %sign3A_778 = arith.constant 0 : i32
      %sign3A_779 = arith.cmpi slt, %jit3A_766, %sign3A_778 : i32
      %sign3A_780 = arith.extui %sign3A_779 : i1 to i32
      %sign3A_781 = arith.subi %sign3A_777, %sign3A_780 : i32
      %ne3A_782 = arith.cmpi ne, %sign3A_774, %sign3A_781 : i32
      %rem3A_783 = arith.remsi %select_n3A_765, %jit3A_766 : i32
      %ne3A_784 = arith.constant 0 : i32
      %ne3A_785 = arith.cmpi ne, %rem3A_783, %ne3A_784 : i32
      %and3A_786 = arith.andi %ne3A_782, %ne3A_785 : i1
      %sub3A_787 = arith.constant 1 : i32
      %sub3A_788 = arith.subi %div3A_767, %sub3A_787 : i32
      %select_n3A_789 = arith.select %and3A_786, %sub3A_788, %div3A_767 : i32
      %mul3A_790 = arith.constant 8 : i32
      %mul3A_791 = arith.muli %select_n3A_789, %mul3A_790 : i32
      %jit3A_792 = arith.constant 2 : i32
      %eq3A_793 = arith.constant 0 : i32
      %eq3A_794 = arith.cmpi eq, %jit3A_792, %eq3A_793 : i32
      %jit3A_795 = arith.constant 1 : i32
      %select_n3A_796 = arith.select %eq3A_794, %jit3A_795, %jit3A_792 : i32
      %rem3A_797 = arith.remsi %select_n3A_765, %select_n3A_796 : i32
      %ne3A_798 = arith.constant 0 : i32
      %ne3A_799 = arith.cmpi ne, %rem3A_797, %ne3A_798 : i32
      %lt3A_800 = arith.constant 0 : i32
      %lt3A_801 = arith.cmpi slt, %rem3A_797, %lt3A_800 : i32
      %lt3A_802 = arith.constant 0 : i32
      %lt3A_803 = arith.cmpi slt, %select_n3A_796, %lt3A_802 : i32
      %ne3A_804 = arith.xori %lt3A_801, %lt3A_803 : i1
      %and3A_805 = arith.andi %ne3A_804, %ne3A_799 : i1
      %add3A_806 = arith.addi %rem3A_797, %select_n3A_796 : i32
      %select_n3A_807 = arith.select %and3A_805, %add3A_806, %rem3A_797 : i32
      %mul3A_808 = arith.constant 2048 : i32
      %mul3A_809 = arith.muli %select_n3A_807, %mul3A_808 : i32
      %dma_start3A_810 = arith.constant 3 : i32
      %dma_start3A_811 = arith.constant 0 : i32
      %dma_start3A_812 = tpu.memref_slice %arg6[%dma_start3A_810, %dma_start3A_811] : memref<4x2048xi32, #tpu.memory_space<vmem>> -> memref<1x2048xi32, #tpu.memory_space<vmem>>
      %dma_start3A_813 = tpu.memref_squeeze %dma_start3A_812 : memref<1x2048xi32, #tpu.memory_space<vmem>> -> memref<2048xi32, #tpu.memory_space<vmem>>
      %dma_start3A_814 = tpu.memref_slice %arg2[%select_n3A_749, %mul3A_809] : memref<200x4096xi32, #tpu.memory_space<hbm>> -> memref<1x2048xi32, #tpu.memory_space<hbm>>
      %dma_start3A_815 = tpu.memref_squeeze %dma_start3A_814 : memref<1x2048xi32, #tpu.memory_space<hbm>> -> memref<2048xi32, #tpu.memory_space<hbm>>
      %dma_start3A_816 = arith.constant 0 : i32
      %dma_start3A_817 = tpu.memref_slice %arg6[%dma_start3A_810, %dma_start3A_816] : memref<4x2048xi32, #tpu.memory_space<vmem>> -> memref<1x2048xi32, #tpu.memory_space<vmem>>
      %dma_start3A_818 = tpu.memref_squeeze %dma_start3A_817 : memref<1x2048xi32, #tpu.memory_space<vmem>> -> memref<2048xi32, #tpu.memory_space<vmem>>
      %dma_start3A_819 = tpu.memref_slice %arg2[%select_n3A_749, %mul3A_809] : memref<200x4096xi32, #tpu.memory_space<hbm>> -> memref<1x2048xi32, #tpu.memory_space<hbm>>
      %dma_start3A_820 = tpu.memref_squeeze %dma_start3A_819 : memref<1x2048xi32, #tpu.memory_space<hbm>> -> memref<2048xi32, #tpu.memory_space<hbm>>
      tpu.enqueue_dma source(%dma_start3A_820 : memref<2048xi32, #tpu.memory_space<hbm>>) target(%dma_start3A_818 : memref<2048xi32, #tpu.memory_space<vmem>>) target_semaphore(%arg11 : memref<!tpu.dma_semaphore, #tpu.memory_space<semaphore_mem>>)
      %add3A_821 = arith.constant 0 : i32
      %add3A_822 = arith.addi %add3A_416, %add3A_821 : i32
      %jit3A_823 = arith.constant 16 : i32
      %div3A_824 = arith.divsi %add3A_822, %jit3A_823 : i32
      %sign3A_825 = arith.constant 0 : i32
      %sign3A_826 = arith.cmpi sgt, %add3A_822, %sign3A_825 : i32
      %sign3A_827 = arith.extui %sign3A_826 : i1 to i32
      %sign3A_828 = arith.constant 0 : i32
      %sign3A_829 = arith.cmpi slt, %add3A_822, %sign3A_828 : i32
      %sign3A_830 = arith.extui %sign3A_829 : i1 to i32
      %sign3A_831 = arith.subi %sign3A_827, %sign3A_830 : i32
      %sign3A_832 = arith.constant 0 : i32
      %sign3A_833 = arith.cmpi sgt, %jit3A_823, %sign3A_832 : i32
      %sign3A_834 = arith.extui %sign3A_833 : i1 to i32
      %sign3A_835 = arith.constant 0 : i32
      %sign3A_836 = arith.cmpi slt, %jit3A_823, %sign3A_835 : i32
      %sign3A_837 = arith.extui %sign3A_836 : i1 to i32
      %sign3A_838 = arith.subi %sign3A_834, %sign3A_837 : i32
      %ne3A_839 = arith.cmpi ne, %sign3A_831, %sign3A_838 : i32
      %rem3A_840 = arith.remsi %add3A_822, %jit3A_823 : i32
      %ne3A_841 = arith.constant 0 : i32
      %ne3A_842 = arith.cmpi ne, %rem3A_840, %ne3A_841 : i32
      %and3A_843 = arith.andi %ne3A_839, %ne3A_842 : i1
      %sub3A_844 = arith.constant 1 : i32
      %sub3A_845 = arith.subi %div3A_824, %sub3A_844 : i32
      %select_n3A_846 = arith.select %and3A_843, %sub3A_845, %div3A_824 : i32
      %jit3A_847 = arith.constant 16 : i32
      %eq3A_848 = arith.constant 0 : i32
      %eq3A_849 = arith.cmpi eq, %jit3A_847, %eq3A_848 : i32
      %jit3A_850 = arith.constant 1 : i32
      %select_n3A_851 = arith.select %eq3A_849, %jit3A_850, %jit3A_847 : i32
      %rem3A_852 = arith.remsi %add3A_822, %select_n3A_851 : i32
      %ne3A_853 = arith.constant 0 : i32
      %ne3A_854 = arith.cmpi ne, %rem3A_852, %ne3A_853 : i32
      %lt3A_855 = arith.constant 0 : i32
      %lt3A_856 = arith.cmpi slt, %rem3A_852, %lt3A_855 : i32
      %lt3A_857 = arith.constant 0 : i32
      %lt3A_858 = arith.cmpi slt, %select_n3A_851, %lt3A_857 : i32
      %ne3A_859 = arith.xori %lt3A_856, %lt3A_858 : i1
      %and3A_860 = arith.andi %ne3A_859, %ne3A_854 : i1
      %add3A_861 = arith.addi %rem3A_852, %select_n3A_851 : i32
      %select_n3A_862 = arith.select %and3A_860, %add3A_861, %rem3A_852 : i32
      %jit3A_863 = arith.constant 2 : i32
      %div3A_864 = arith.divsi %select_n3A_862, %jit3A_863 : i32
      %sign3A_865 = arith.constant 0 : i32
      %sign3A_866 = arith.cmpi sgt, %select_n3A_862, %sign3A_865 : i32
      %sign3A_867 = arith.extui %sign3A_866 : i1 to i32
      %sign3A_868 = arith.constant 0 : i32
      %sign3A_869 = arith.cmpi slt, %select_n3A_862, %sign3A_868 : i32
      %sign3A_870 = arith.extui %sign3A_869 : i1 to i32
      %sign3A_871 = arith.subi %sign3A_867, %sign3A_870 : i32
      %sign3A_872 = arith.constant 0 : i32
      %sign3A_873 = arith.cmpi sgt, %jit3A_863, %sign3A_872 : i32
      %sign3A_874 = arith.extui %sign3A_873 : i1 to i32
      %sign3A_875 = arith.constant 0 : i32
      %sign3A_876 = arith.cmpi slt, %jit3A_863, %sign3A_875 : i32
      %sign3A_877 = arith.extui %sign3A_876 : i1 to i32
      %sign3A_878 = arith.subi %sign3A_874, %sign3A_877 : i32
      %ne3A_879 = arith.cmpi ne, %sign3A_871, %sign3A_878 : i32
      %rem3A_880 = arith.remsi %select_n3A_862, %jit3A_863 : i32
      %ne3A_881 = arith.constant 0 : i32
      %ne3A_882 = arith.cmpi ne, %rem3A_880, %ne3A_881 : i32
      %and3A_883 = arith.andi %ne3A_879, %ne3A_882 : i1
      %sub3A_884 = arith.constant 1 : i32
      %sub3A_885 = arith.subi %div3A_864, %sub3A_884 : i32
      %select_n3A_886 = arith.select %and3A_883, %sub3A_885, %div3A_864 : i32
      %mul3A_887 = arith.constant 8 : i32
      %mul3A_888 = arith.muli %select_n3A_886, %mul3A_887 : i32
      %jit3A_889 = arith.constant 2 : i32
      %eq3A_890 = arith.constant 0 : i32
      %eq3A_891 = arith.cmpi eq, %jit3A_889, %eq3A_890 : i32
      %jit3A_892 = arith.constant 1 : i32
      %select_n3A_893 = arith.select %eq3A_891, %jit3A_892, %jit3A_889 : i32
      %rem3A_894 = arith.remsi %select_n3A_862, %select_n3A_893 : i32
      %ne3A_895 = arith.constant 0 : i32
      %ne3A_896 = arith.cmpi ne, %rem3A_894, %ne3A_895 : i32
      %lt3A_897 = arith.constant 0 : i32
      %lt3A_898 = arith.cmpi slt, %rem3A_894, %lt3A_897 : i32
      %lt3A_899 = arith.constant 0 : i32
      %lt3A_900 = arith.cmpi slt, %select_n3A_893, %lt3A_899 : i32
      %ne3A_901 = arith.xori %lt3A_898, %lt3A_900 : i1
      %and3A_902 = arith.andi %ne3A_901, %ne3A_896 : i1
      %add3A_903 = arith.addi %rem3A_894, %select_n3A_893 : i32
      %select_n3A_904 = arith.select %and3A_902, %add3A_903, %rem3A_894 : i32
      %mul3A_905 = arith.constant 2048 : i32
      %mul3A_906 = arith.muli %select_n3A_904, %mul3A_905 : i32
      %dma_wait3A_907 = arith.constant 0 : i32
      %dma_wait3A_908 = arith.constant 0 : i32
      %dma_wait3A_909 = tpu.memref_slice %arg6[%dma_wait3A_907, %dma_wait3A_908] : memref<4x2048xi32, #tpu.memory_space<vmem>> -> memref<1x2048xi32, #tpu.memory_space<vmem>>
      %dma_wait3A_910 = tpu.memref_squeeze %dma_wait3A_909 : memref<1x2048xi32, #tpu.memory_space<vmem>> -> memref<2048xi32, #tpu.memory_space<vmem>>
      %dma_wait3A_911 = tpu.memref_slice %arg2[%select_n3A_846, %mul3A_906] : memref<200x4096xi32, #tpu.memory_space<hbm>> -> memref<1x2048xi32, #tpu.memory_space<hbm>>
      %dma_wait3A_912 = tpu.memref_squeeze %dma_wait3A_911 : memref<1x2048xi32, #tpu.memory_space<hbm>> -> memref<2048xi32, #tpu.memory_space<hbm>>
      %dma_wait3A_913 = arith.constant 0 : i32
      %dma_wait3A_914 = tpu.memref_slice %arg6[%dma_wait3A_907, %dma_wait3A_913] : memref<4x2048xi32, #tpu.memory_space<vmem>> -> memref<1x2048xi32, #tpu.memory_space<vmem>>
      %dma_wait3A_915 = tpu.memref_squeeze %dma_wait3A_914 : memref<1x2048xi32, #tpu.memory_space<vmem>> -> memref<2048xi32, #tpu.memory_space<vmem>>
      %dma_wait3A_916 = tpu.memref_slice %arg2[%select_n3A_846, %mul3A_906] : memref<200x4096xi32, #tpu.memory_space<hbm>> -> memref<1x2048xi32, #tpu.memory_space<hbm>>
      %dma_wait3A_917 = tpu.memref_squeeze %dma_wait3A_916 : memref<1x2048xi32, #tpu.memory_space<hbm>> -> memref<2048xi32, #tpu.memory_space<hbm>>
      tpu.wait_dma2 semaphore(%arg8 : memref<!tpu.dma_semaphore, #tpu.memory_space<semaphore_mem>>) src(%dma_wait3A_917 : memref<2048xi32, #tpu.memory_space<hbm>>) dst(%dma_wait3A_915 : memref<2048xi32, #tpu.memory_space<vmem>>)
      %jit3A_918 = arith.constant 16 : i32
      %div3A_919 = arith.divsi %add3A_822, %jit3A_918 : i32
      %sign3A_920 = arith.constant 0 : i32
      %sign3A_921 = arith.cmpi sgt, %add3A_822, %sign3A_920 : i32
      %sign3A_922 = arith.extui %sign3A_921 : i1 to i32
      %sign3A_923 = arith.constant 0 : i32
      %sign3A_924 = arith.cmpi slt, %add3A_822, %sign3A_923 : i32
      %sign3A_925 = arith.extui %sign3A_924 : i1 to i32
      %sign3A_926 = arith.subi %sign3A_922, %sign3A_925 : i32
      %sign3A_927 = arith.constant 0 : i32
      %sign3A_928 = arith.cmpi sgt, %jit3A_918, %sign3A_927 : i32
      %sign3A_929 = arith.extui %sign3A_928 : i1 to i32
      %sign3A_930 = arith.constant 0 : i32
      %sign3A_931 = arith.cmpi slt, %jit3A_918, %sign3A_930 : i32
      %sign3A_932 = arith.extui %sign3A_931 : i1 to i32
      %sign3A_933 = arith.subi %sign3A_929, %sign3A_932 : i32
      %ne3A_934 = arith.cmpi ne, %sign3A_926, %sign3A_933 : i32
      %rem3A_935 = arith.remsi %add3A_822, %jit3A_918 : i32
      %ne3A_936 = arith.constant 0 : i32
      %ne3A_937 = arith.cmpi ne, %rem3A_935, %ne3A_936 : i32
      %and3A_938 = arith.andi %ne3A_934, %ne3A_937 : i1
      %sub3A_939 = arith.constant 1 : i32
      %sub3A_940 = arith.subi %div3A_919, %sub3A_939 : i32
      %select_n3A_941 = arith.select %and3A_938, %sub3A_940, %div3A_919 : i32
      %jit3A_942 = arith.constant 16 : i32
      %eq3A_943 = arith.constant 0 : i32
      %eq3A_944 = arith.cmpi eq, %jit3A_942, %eq3A_943 : i32
      %jit3A_945 = arith.constant 1 : i32
      %select_n3A_946 = arith.select %eq3A_944, %jit3A_945, %jit3A_942 : i32
      %rem3A_947 = arith.remsi %add3A_822, %select_n3A_946 : i32
      %ne3A_948 = arith.constant 0 : i32
      %ne3A_949 = arith.cmpi ne, %rem3A_947, %ne3A_948 : i32
      %lt3A_950 = arith.constant 0 : i32
      %lt3A_951 = arith.cmpi slt, %rem3A_947, %lt3A_950 : i32
      %lt3A_952 = arith.constant 0 : i32
      %lt3A_953 = arith.cmpi slt, %select_n3A_946, %lt3A_952 : i32
      %ne3A_954 = arith.xori %lt3A_951, %lt3A_953 : i1
      %and3A_955 = arith.andi %ne3A_954, %ne3A_949 : i1
      %add3A_956 = arith.addi %rem3A_947, %select_n3A_946 : i32
      %select_n3A_957 = arith.select %and3A_955, %add3A_956, %rem3A_947 : i32
      %jit3A_958 = arith.constant 2 : i32
      %div3A_959 = arith.divsi %select_n3A_957, %jit3A_958 : i32
      %sign3A_960 = arith.constant 0 : i32
      %sign3A_961 = arith.cmpi sgt, %select_n3A_957, %sign3A_960 : i32
      %sign3A_962 = arith.extui %sign3A_961 : i1 to i32
      %sign3A_963 = arith.constant 0 : i32
      %sign3A_964 = arith.cmpi slt, %select_n3A_957, %sign3A_963 : i32
      %sign3A_965 = arith.extui %sign3A_964 : i1 to i32
      %sign3A_966 = arith.subi %sign3A_962, %sign3A_965 : i32
      %sign3A_967 = arith.constant 0 : i32
      %sign3A_968 = arith.cmpi sgt, %jit3A_958, %sign3A_967 : i32
      %sign3A_969 = arith.extui %sign3A_968 : i1 to i32
      %sign3A_970 = arith.constant 0 : i32
      %sign3A_971 = arith.cmpi slt, %jit3A_958, %sign3A_970 : i32
      %sign3A_972 = arith.extui %sign3A_971 : i1 to i32
      %sign3A_973 = arith.subi %sign3A_969, %sign3A_972 : i32
      %ne3A_974 = arith.cmpi ne, %sign3A_966, %sign3A_973 : i32
      %rem3A_975 = arith.remsi %select_n3A_957, %jit3A_958 : i32
      %ne3A_976 = arith.constant 0 : i32
      %ne3A_977 = arith.cmpi ne, %rem3A_975, %ne3A_976 : i32
      %and3A_978 = arith.andi %ne3A_974, %ne3A_977 : i1
      %sub3A_979 = arith.constant 1 : i32
      %sub3A_980 = arith.subi %div3A_959, %sub3A_979 : i32
      %select_n3A_981 = arith.select %and3A_978, %sub3A_980, %div3A_959 : i32
      %mul3A_982 = arith.constant 8 : i32
      %mul3A_983 = arith.muli %select_n3A_981, %mul3A_982 : i32
      %jit3A_984 = arith.constant 2 : i32
      %eq3A_985 = arith.constant 0 : i32
      %eq3A_986 = arith.cmpi eq, %jit3A_984, %eq3A_985 : i32
      %jit3A_987 = arith.constant 1 : i32
      %select_n3A_988 = arith.select %eq3A_986, %jit3A_987, %jit3A_984 : i32
      %rem3A_989 = arith.remsi %select_n3A_957, %select_n3A_988 : i32
      %ne3A_990 = arith.constant 0 : i32
      %ne3A_991 = arith.cmpi ne, %rem3A_989, %ne3A_990 : i32
      %lt3A_992 = arith.constant 0 : i32
      %lt3A_993 = arith.cmpi slt, %rem3A_989, %lt3A_992 : i32
      %lt3A_994 = arith.constant 0 : i32
      %lt3A_995 = arith.cmpi slt, %select_n3A_988, %lt3A_994 : i32
      %ne3A_996 = arith.xori %lt3A_993, %lt3A_995 : i1
      %and3A_997 = arith.andi %ne3A_996, %ne3A_991 : i1
      %add3A_998 = arith.addi %rem3A_989, %select_n3A_988 : i32
      %select_n3A_999 = arith.select %and3A_997, %add3A_998, %rem3A_989 : i32
      %mul3A_1000 = arith.constant 2048 : i32
      %mul3A_1001 = arith.muli %select_n3A_999, %mul3A_1000 : i32
      %add3A_1002 = arith.constant 1 : i32
      %add3A_1003 = arith.addi %select_n3A_941, %add3A_1002 : i32
      %mul3A_1004 = arith.constant 64 : i32
      %mul3A_1005 = arith.muli %add3A_1003, %mul3A_1004 : i32
      %add3A_1006 = arith.addi %mul3A_1005, %mul3A_983 : i32
      %add3A_1007 = arith.constant 0 : i32
      %add3A_1008 = arith.addi %add3A_1006, %add3A_1007 : i32
      %add3A_1009 = vector.broadcast %add3A_1008 : i32 to vector<16xi32>
      %add3A_1010 = arith.addi %add3A_1009, %mul3A_6 : vector<16xi32>
      %gather3A = tpu.vector_load_idx %arg5[%add3A_1010] : memref<12864xf32, #tpu.memory_space<vmem>>[vector<16xi32>], vector<16xf32>,
      %add3A_1011 = arith.constant 1 : i32
      %add3A_1012 = arith.addi %add3A_1006, %add3A_1011 : i32
      %add3A_1013 = vector.broadcast %add3A_1012 : i32 to vector<16xi32>
      %add3A_1014 = arith.addi %add3A_1013, %mul3A_6 : vector<16xi32>
      %gather3A_1015 = tpu.vector_load_idx %arg5[%add3A_1014] : memref<12864xf32, #tpu.memory_space<vmem>>[vector<16xi32>], vector<16xf32>,
      %add3A_1016 = arith.constant 2 : i32
      %add3A_1017 = arith.addi %add3A_1006, %add3A_1016 : i32
      %add3A_1018 = vector.broadcast %add3A_1017 : i32 to vector<16xi32>
      %add3A_1019 = arith.addi %add3A_1018, %mul3A_6 : vector<16xi32>
      %gather3A_1020 = tpu.vector_load_idx %arg5[%add3A_1019] : memref<12864xf32, #tpu.memory_space<vmem>>[vector<16xi32>], vector<16xf32>,
      %add3A_1021 = arith.constant 3 : i32
      %add3A_1022 = arith.addi %add3A_1006, %add3A_1021 : i32
      %add3A_1023 = vector.broadcast %add3A_1022 : i32 to vector<16xi32>
      %add3A_1024 = arith.addi %add3A_1023, %mul3A_6 : vector<16xi32>
      %gather3A_1025 = tpu.vector_load_idx %arg5[%add3A_1024] : memref<12864xf32, #tpu.memory_space<vmem>>[vector<16xi32>], vector<16xf32>,
      %add3A_1026 = arith.constant 4 : i32
      %add3A_1027 = arith.addi %add3A_1006, %add3A_1026 : i32
      %add3A_1028 = vector.broadcast %add3A_1027 : i32 to vector<16xi32>
      %add3A_1029 = arith.addi %add3A_1028, %mul3A_6 : vector<16xi32>
      %gather3A_1030 = tpu.vector_load_idx %arg5[%add3A_1029] : memref<12864xf32, #tpu.memory_space<vmem>>[vector<16xi32>], vector<16xf32>,
      %add3A_1031 = arith.constant 5 : i32
      %add3A_1032 = arith.addi %add3A_1006, %add3A_1031 : i32
      %add3A_1033 = vector.broadcast %add3A_1032 : i32 to vector<16xi32>
      %add3A_1034 = arith.addi %add3A_1033, %mul3A_6 : vector<16xi32>
      %gather3A_1035 = tpu.vector_load_idx %arg5[%add3A_1034] : memref<12864xf32, #tpu.memory_space<vmem>>[vector<16xi32>], vector<16xf32>,
      %add3A_1036 = arith.constant 6 : i32
      %add3A_1037 = arith.addi %add3A_1006, %add3A_1036 : i32
      %add3A_1038 = vector.broadcast %add3A_1037 : i32 to vector<16xi32>
      %add3A_1039 = arith.addi %add3A_1038, %mul3A_6 : vector<16xi32>
      %gather3A_1040 = tpu.vector_load_idx %arg5[%add3A_1039] : memref<12864xf32, #tpu.memory_space<vmem>>[vector<16xi32>], vector<16xf32>,
      %add3A_1041 = arith.constant 7 : i32
      %add3A_1042 = arith.addi %add3A_1006, %add3A_1041 : i32
      %add3A_1043 = vector.broadcast %add3A_1042 : i32 to vector<16xi32>
      %add3A_1044 = arith.addi %add3A_1043, %mul3A_6 : vector<16xi32>
      %gather3A_1045 = tpu.vector_load_idx %arg5[%add3A_1044] : memref<12864xf32, #tpu.memory_space<vmem>>[vector<16xi32>], vector<16xf32>,
      %broadcast_in_dim3A_1046 = arith.constant 2147483647 : i32
      %broadcast_in_dim3A_1047 = vector.broadcast %broadcast_in_dim3A_1046 : i32 to vector<16xi32>
      %scan3A_1048 = arith.constant 0 : i32
      %scan3A_1049 = arith.constant 16 : i32
      %scan3A_1050 = arith.addi %scan3A_1048, %scan3A_1049 : i32
      %scan3A_1051 = arith.constant 1 : i32
      %scan3A_1052:4 = scf.for %scan3A_2206 = %scan3A_1048 to %scan3A_1050 step %scan3A_1051 iter_args(%scan3A_2207 = %broadcast_in_dim3A_1047, %scan3A_2208 = %broadcast_in_dim3A_1047, %scan3A_2209 = %broadcast_in_dim3A_1047, %scan3A_2210 = %broadcast_in_dim3A_1047) -> (vector<16xi32>, vector<16xi32>, vector<16xi32>, vector<16xi32>)  : i32 {
        %mul3A_2211 = arith.constant 8 : i32
        %mul3A_2212 = arith.muli %scan3A_2206, %mul3A_2211 : i32
        %add3A_2213 = arith.constant 0 : i32
        %add3A_2214 = arith.addi %mul3A_2212, %add3A_2213 : i32
        %mul3A_2215 = arith.constant 16 : i32
        %mul3A_2216 = arith.muli %add3A_2214, %mul3A_2215 : i32
        %get3A = arith.constant 0 : i32
        %get3A_2217 = arith.index_cast %get3A : i32 to index
        %get3A_2218 = arith.index_cast %mul3A_2216 : i32 to index
        %get3A_2219 = tpu.vector_load %arg6[%get3A_2217, %get3A_2218] {strides = array<i32>} : memref<4x2048xi32, #tpu.memory_space<vmem>>, vector<16xi32>,
        %min3A_2220 = arith.minsi %scan3A_2207, %get3A_2219 : vector<16xi32>
        %swap3A = arith.constant 0 : i32
        %swap3A_2221 = arith.constant 0 : i32
        %swap3A_2222 = arith.index_cast %swap3A : i32 to index
        %swap3A_2223 = arith.index_cast %swap3A_2221 : i32 to index
        %swap3A_2224 = arith.index_cast %mul3A_2216 : i32 to index
        %swap3A_2225 = tpu.vector_load %arg7[%swap3A_2222, %swap3A_2223, %swap3A_2224] {strides = array<i32>} : memref<4x8x2048xf32, #tpu.memory_space<vmem>>, vector<16xf32>,
        tpu.vector_store %arg7[%swap3A_2222, %swap3A_2223, %swap3A_2224], %gather3A {strides = array<i32>} : memref<4x8x2048xf32, #tpu.memory_space<vmem>>, vector<16xf32>,
        %swap3A_2226 = arith.constant 0 : i32
        %swap3A_2227 = arith.constant 1 : i32
        %swap3A_2228 = arith.index_cast %swap3A_2226 : i32 to index
        %swap3A_2229 = arith.index_cast %swap3A_2227 : i32 to index
        %swap3A_2230 = arith.index_cast %mul3A_2216 : i32 to index
        %swap3A_2231 = tpu.vector_load %arg7[%swap3A_2228, %swap3A_2229, %swap3A_2230] {strides = array<i32>} : memref<4x8x2048xf32, #tpu.memory_space<vmem>>, vector<16xf32>,
        tpu.vector_store %arg7[%swap3A_2228, %swap3A_2229, %swap3A_2230], %gather3A_1015 {strides = array<i32>} : memref<4x8x2048xf32, #tpu.memory_space<vmem>>, vector<16xf32>,
        %swap3A_2232 = arith.constant 0 : i32
        %swap3A_2233 = arith.constant 2 : i32
        %swap3A_2234 = arith.index_cast %swap3A_2232 : i32 to index
        %swap3A_2235 = arith.index_cast %swap3A_2233 : i32 to index
        %swap3A_2236 = arith.index_cast %mul3A_2216 : i32 to index
        %swap3A_2237 = tpu.vector_load %arg7[%swap3A_2234, %swap3A_2235, %swap3A_2236] {strides = array<i32>} : memref<4x8x2048xf32, #tpu.memory_space<vmem>>, vector<16xf32>,
        tpu.vector_store %arg7[%swap3A_2234, %swap3A_2235, %swap3A_2236], %gather3A_1020 {strides = array<i32>} : memref<4x8x2048xf32, #tpu.memory_space<vmem>>, vector<16xf32>,
        %swap3A_2238 = arith.constant 0 : i32
        %swap3A_2239 = arith.constant 3 : i32
        %swap3A_2240 = arith.index_cast %swap3A_2238 : i32 to index
        %swap3A_2241 = arith.index_cast %swap3A_2239 : i32 to index
        %swap3A_2242 = arith.index_cast %mul3A_2216 : i32 to index
        %swap3A_2243 = tpu.vector_load %arg7[%swap3A_2240, %swap3A_2241, %swap3A_2242] {strides = array<i32>} : memref<4x8x2048xf32, #tpu.memory_space<vmem>>, vector<16xf32>,
        tpu.vector_store %arg7[%swap3A_2240, %swap3A_2241, %swap3A_2242], %gather3A_1025 {strides = array<i32>} : memref<4x8x2048xf32, #tpu.memory_space<vmem>>, vector<16xf32>,
        %swap3A_2244 = arith.constant 0 : i32
        %swap3A_2245 = arith.constant 4 : i32
        %swap3A_2246 = arith.index_cast %swap3A_2244 : i32 to index
        %swap3A_2247 = arith.index_cast %swap3A_2245 : i32 to index
        %swap3A_2248 = arith.index_cast %mul3A_2216 : i32 to index
        %swap3A_2249 = tpu.vector_load %arg7[%swap3A_2246, %swap3A_2247, %swap3A_2248] {strides = array<i32>} : memref<4x8x2048xf32, #tpu.memory_space<vmem>>, vector<16xf32>,
        tpu.vector_store %arg7[%swap3A_2246, %swap3A_2247, %swap3A_2248], %gather3A_1030 {strides = array<i32>} : memref<4x8x2048xf32, #tpu.memory_space<vmem>>, vector<16xf32>,
        %swap3A_2250 = arith.constant 0 : i32
        %swap3A_2251 = arith.constant 5 : i32
        %swap3A_2252 = arith.index_cast %swap3A_2250 : i32 to index
        %swap3A_2253 = arith.index_cast %swap3A_2251 : i32 to index
        %swap3A_2254 = arith.index_cast %mul3A_2216 : i32 to index
        %swap3A_2255 = tpu.vector_load %arg7[%swap3A_2252, %swap3A_2253, %swap3A_2254] {strides = array<i32>} : memref<4x8x2048xf32, #tpu.memory_space<vmem>>, vector<16xf32>,
        tpu.vector_store %arg7[%swap3A_2252, %swap3A_2253, %swap3A_2254], %gather3A_1035 {strides = array<i32>} : memref<4x8x2048xf32, #tpu.memory_space<vmem>>, vector<16xf32>,
        %swap3A_2256 = arith.constant 0 : i32
        %swap3A_2257 = arith.constant 6 : i32
        %swap3A_2258 = arith.index_cast %swap3A_2256 : i32 to index
        %swap3A_2259 = arith.index_cast %swap3A_2257 : i32 to index
        %swap3A_2260 = arith.index_cast %mul3A_2216 : i32 to index
        %swap3A_2261 = tpu.vector_load %arg7[%swap3A_2258, %swap3A_2259, %swap3A_2260] {strides = array<i32>} : memref<4x8x2048xf32, #tpu.memory_space<vmem>>, vector<16xf32>,
        tpu.vector_store %arg7[%swap3A_2258, %swap3A_2259, %swap3A_2260], %gather3A_1040 {strides = array<i32>} : memref<4x8x2048xf32, #tpu.memory_space<vmem>>, vector<16xf32>,
        %swap3A_2262 = arith.constant 0 : i32
        %swap3A_2263 = arith.constant 7 : i32
        %swap3A_2264 = arith.index_cast %swap3A_2262 : i32 to index
        %swap3A_2265 = arith.index_cast %swap3A_2263 : i32 to index
        %swap3A_2266 = arith.index_cast %mul3A_2216 : i32 to index
        %swap3A_2267 = tpu.vector_load %arg7[%swap3A_2264, %swap3A_2265, %swap3A_2266] {strides = array<i32>} : memref<4x8x2048xf32, #tpu.memory_space<vmem>>, vector<16xf32>,
        tpu.vector_store %arg7[%swap3A_2264, %swap3A_2265, %swap3A_2266], %gather3A_1045 {strides = array<i32>} : memref<4x8x2048xf32, #tpu.memory_space<vmem>>, vector<16xf32>,
        %mul3A_2268 = arith.constant 8 : i32
        %mul3A_2269 = arith.muli %scan3A_2206, %mul3A_2268 : i32
        %add3A_2270 = arith.constant 1 : i32
        %add3A_2271 = arith.addi %mul3A_2269, %add3A_2270 : i32
        %mul3A_2272 = arith.constant 16 : i32
        %mul3A_2273 = arith.muli %add3A_2271, %mul3A_2272 : i32
        %get3A_2274 = arith.constant 0 : i32
        %get3A_2275 = arith.index_cast %get3A_2274 : i32 to index
        %get3A_2276 = arith.index_cast %mul3A_2273 : i32 to index
        %get3A_2277 = tpu.vector_load %arg6[%get3A_2275, %get3A_2276] {strides = array<i32>} : memref<4x2048xi32, #tpu.memory_space<vmem>>, vector<16xi32>,
        %min3A_2278 = arith.minsi %scan3A_2208, %get3A_2277 : vector<16xi32>
        %swap3A_2279 = arith.constant 0 : i32
        %swap3A_2280 = arith.constant 0 : i32
        %swap3A_2281 = arith.index_cast %swap3A_2279 : i32 to index
        %swap3A_2282 = arith.index_cast %swap3A_2280 : i32 to index
        %swap3A_2283 = arith.index_cast %mul3A_2273 : i32 to index
        %swap3A_2284 = tpu.vector_load %arg7[%swap3A_2281, %swap3A_2282, %swap3A_2283] {strides = array<i32>} : memref<4x8x2048xf32, #tpu.memory_space<vmem>>, vector<16xf32>,
        tpu.vector_store %arg7[%swap3A_2281, %swap3A_2282, %swap3A_2283], %gather3A {strides = array<i32>} : memref<4x8x2048xf32, #tpu.memory_space<vmem>>, vector<16xf32>,
        %swap3A_2285 = arith.constant 0 : i32
        %swap3A_2286 = arith.constant 1 : i32
        %swap3A_2287 = arith.index_cast %swap3A_2285 : i32 to index
        %swap3A_2288 = arith.index_cast %swap3A_2286 : i32 to index
        %swap3A_2289 = arith.index_cast %mul3A_2273 : i32 to index
        %swap3A_2290 = tpu.vector_load %arg7[%swap3A_2287, %swap3A_2288, %swap3A_2289] {strides = array<i32>} : memref<4x8x2048xf32, #tpu.memory_space<vmem>>, vector<16xf32>,
        tpu.vector_store %arg7[%swap3A_2287, %swap3A_2288, %swap3A_2289], %gather3A_1015 {strides = array<i32>} : memref<4x8x2048xf32, #tpu.memory_space<vmem>>, vector<16xf32>,
        %swap3A_2291 = arith.constant 0 : i32
        %swap3A_2292 = arith.constant 2 : i32
        %swap3A_2293 = arith.index_cast %swap3A_2291 : i32 to index
        %swap3A_2294 = arith.index_cast %swap3A_2292 : i32 to index
        %swap3A_2295 = arith.index_cast %mul3A_2273 : i32 to index
        %swap3A_2296 = tpu.vector_load %arg7[%swap3A_2293, %swap3A_2294, %swap3A_2295] {strides = array<i32>} : memref<4x8x2048xf32, #tpu.memory_space<vmem>>, vector<16xf32>,
        tpu.vector_store %arg7[%swap3A_2293, %swap3A_2294, %swap3A_2295], %gather3A_1020 {strides = array<i32>} : memref<4x8x2048xf32, #tpu.memory_space<vmem>>, vector<16xf32>,
        %swap3A_2297 = arith.constant 0 : i32
        %swap3A_2298 = arith.constant 3 : i32
        %swap3A_2299 = arith.index_cast %swap3A_2297 : i32 to index
        %swap3A_2300 = arith.index_cast %swap3A_2298 : i32 to index
        %swap3A_2301 = arith.index_cast %mul3A_2273 : i32 to index
        %swap3A_2302 = tpu.vector_load %arg7[%swap3A_2299, %swap3A_2300, %swap3A_2301] {strides = array<i32>} : memref<4x8x2048xf32, #tpu.memory_space<vmem>>, vector<16xf32>,
        tpu.vector_store %arg7[%swap3A_2299, %swap3A_2300, %swap3A_2301], %gather3A_1025 {strides = array<i32>} : memref<4x8x2048xf32, #tpu.memory_space<vmem>>, vector<16xf32>,
        %swap3A_2303 = arith.constant 0 : i32
        %swap3A_2304 = arith.constant 4 : i32
        %swap3A_2305 = arith.index_cast %swap3A_2303 : i32 to index
        %swap3A_2306 = arith.index_cast %swap3A_2304 : i32 to index
        %swap3A_2307 = arith.index_cast %mul3A_2273 : i32 to index
        %swap3A_2308 = tpu.vector_load %arg7[%swap3A_2305, %swap3A_2306, %swap3A_2307] {strides = array<i32>} : memref<4x8x2048xf32, #tpu.memory_space<vmem>>, vector<16xf32>,
        tpu.vector_store %arg7[%swap3A_2305, %swap3A_2306, %swap3A_2307], %gather3A_1030 {strides = array<i32>} : memref<4x8x2048xf32, #tpu.memory_space<vmem>>, vector<16xf32>,
        %swap3A_2309 = arith.constant 0 : i32
        %swap3A_2310 = arith.constant 5 : i32
        %swap3A_2311 = arith.index_cast %swap3A_2309 : i32 to index
        %swap3A_2312 = arith.index_cast %swap3A_2310 : i32 to index
        %swap3A_2313 = arith.index_cast %mul3A_2273 : i32 to index
        %swap3A_2314 = tpu.vector_load %arg7[%swap3A_2311, %swap3A_2312, %swap3A_2313] {strides = array<i32>} : memref<4x8x2048xf32, #tpu.memory_space<vmem>>, vector<16xf32>,
        tpu.vector_store %arg7[%swap3A_2311, %swap3A_2312, %swap3A_2313], %gather3A_1035 {strides = array<i32>} : memref<4x8x2048xf32, #tpu.memory_space<vmem>>, vector<16xf32>,
        %swap3A_2315 = arith.constant 0 : i32
        %swap3A_2316 = arith.constant 6 : i32
        %swap3A_2317 = arith.index_cast %swap3A_2315 : i32 to index
        %swap3A_2318 = arith.index_cast %swap3A_2316 : i32 to index
        %swap3A_2319 = arith.index_cast %mul3A_2273 : i32 to index
        %swap3A_2320 = tpu.vector_load %arg7[%swap3A_2317, %swap3A_2318, %swap3A_2319] {strides = array<i32>} : memref<4x8x2048xf32, #tpu.memory_space<vmem>>, vector<16xf32>,
        tpu.vector_store %arg7[%swap3A_2317, %swap3A_2318, %swap3A_2319], %gather3A_1040 {strides = array<i32>} : memref<4x8x2048xf32, #tpu.memory_space<vmem>>, vector<16xf32>,
        %swap3A_2321 = arith.constant 0 : i32
        %swap3A_2322 = arith.constant 7 : i32
        %swap3A_2323 = arith.index_cast %swap3A_2321 : i32 to index
        %swap3A_2324 = arith.index_cast %swap3A_2322 : i32 to index
        %swap3A_2325 = arith.index_cast %mul3A_2273 : i32 to index
        %swap3A_2326 = tpu.vector_load %arg7[%swap3A_2323, %swap3A_2324, %swap3A_2325] {strides = array<i32>} : memref<4x8x2048xf32, #tpu.memory_space<vmem>>, vector<16xf32>,
        tpu.vector_store %arg7[%swap3A_2323, %swap3A_2324, %swap3A_2325], %gather3A_1045 {strides = array<i32>} : memref<4x8x2048xf32, #tpu.memory_space<vmem>>, vector<16xf32>,
        %mul3A_2327 = arith.constant 8 : i32
        %mul3A_2328 = arith.muli %scan3A_2206, %mul3A_2327 : i32
        %add3A_2329 = arith.constant 2 : i32
        %add3A_2330 = arith.addi %mul3A_2328, %add3A_2329 : i32
        %mul3A_2331 = arith.constant 16 : i32
        %mul3A_2332 = arith.muli %add3A_2330, %mul3A_2331 : i32
        %get3A_2333 = arith.constant 0 : i32
        %get3A_2334 = arith.index_cast %get3A_2333 : i32 to index
        %get3A_2335 = arith.index_cast %mul3A_2332 : i32 to index
        %get3A_2336 = tpu.vector_load %arg6[%get3A_2334, %get3A_2335] {strides = array<i32>} : memref<4x2048xi32, #tpu.memory_space<vmem>>, vector<16xi32>,
        %min3A_2337 = arith.minsi %scan3A_2209, %get3A_2336 : vector<16xi32>
        %swap3A_2338 = arith.constant 0 : i32
        %swap3A_2339 = arith.constant 0 : i32
        %swap3A_2340 = arith.index_cast %swap3A_2338 : i32 to index
        %swap3A_2341 = arith.index_cast %swap3A_2339 : i32 to index
        %swap3A_2342 = arith.index_cast %mul3A_2332 : i32 to index
        %swap3A_2343 = tpu.vector_load %arg7[%swap3A_2340, %swap3A_2341, %swap3A_2342] {strides = array<i32>} : memref<4x8x2048xf32, #tpu.memory_space<vmem>>, vector<16xf32>,
        tpu.vector_store %arg7[%swap3A_2340, %swap3A_2341, %swap3A_2342], %gather3A {strides = array<i32>} : memref<4x8x2048xf32, #tpu.memory_space<vmem>>, vector<16xf32>,
        %swap3A_2344 = arith.constant 0 : i32
        %swap3A_2345 = arith.constant 1 : i32
        %swap3A_2346 = arith.index_cast %swap3A_2344 : i32 to index
        %swap3A_2347 = arith.index_cast %swap3A_2345 : i32 to index
        %swap3A_2348 = arith.index_cast %mul3A_2332 : i32 to index
        %swap3A_2349 = tpu.vector_load %arg7[%swap3A_2346, %swap3A_2347, %swap3A_2348] {strides = array<i32>} : memref<4x8x2048xf32, #tpu.memory_space<vmem>>, vector<16xf32>,
        tpu.vector_store %arg7[%swap3A_2346, %swap3A_2347, %swap3A_2348], %gather3A_1015 {strides = array<i32>} : memref<4x8x2048xf32, #tpu.memory_space<vmem>>, vector<16xf32>,
        %swap3A_2350 = arith.constant 0 : i32
        %swap3A_2351 = arith.constant 2 : i32
        %swap3A_2352 = arith.index_cast %swap3A_2350 : i32 to index
        %swap3A_2353 = arith.index_cast %swap3A_2351 : i32 to index
        %swap3A_2354 = arith.index_cast %mul3A_2332 : i32 to index
        %swap3A_2355 = tpu.vector_load %arg7[%swap3A_2352, %swap3A_2353, %swap3A_2354] {strides = array<i32>} : memref<4x8x2048xf32, #tpu.memory_space<vmem>>, vector<16xf32>,
        tpu.vector_store %arg7[%swap3A_2352, %swap3A_2353, %swap3A_2354], %gather3A_1020 {strides = array<i32>} : memref<4x8x2048xf32, #tpu.memory_space<vmem>>, vector<16xf32>,
        %swap3A_2356 = arith.constant 0 : i32
        %swap3A_2357 = arith.constant 3 : i32
        %swap3A_2358 = arith.index_cast %swap3A_2356 : i32 to index
        %swap3A_2359 = arith.index_cast %swap3A_2357 : i32 to index
        %swap3A_2360 = arith.index_cast %mul3A_2332 : i32 to index
        %swap3A_2361 = tpu.vector_load %arg7[%swap3A_2358, %swap3A_2359, %swap3A_2360] {strides = array<i32>} : memref<4x8x2048xf32, #tpu.memory_space<vmem>>, vector<16xf32>,
        tpu.vector_store %arg7[%swap3A_2358, %swap3A_2359, %swap3A_2360], %gather3A_1025 {strides = array<i32>} : memref<4x8x2048xf32, #tpu.memory_space<vmem>>, vector<16xf32>,
        %swap3A_2362 = arith.constant 0 : i32
        %swap3A_2363 = arith.constant 4 : i32
        %swap3A_2364 = arith.index_cast %swap3A_2362 : i32 to index
        %swap3A_2365 = arith.index_cast %swap3A_2363 : i32 to index
        %swap3A_2366 = arith.index_cast %mul3A_2332 : i32 to index
        %swap3A_2367 = tpu.vector_load %arg7[%swap3A_2364, %swap3A_2365, %swap3A_2366] {strides = array<i32>} : memref<4x8x2048xf32, #tpu.memory_space<vmem>>, vector<16xf32>,
        tpu.vector_store %arg7[%swap3A_2364, %swap3A_2365, %swap3A_2366], %gather3A_1030 {strides = array<i32>} : memref<4x8x2048xf32, #tpu.memory_space<vmem>>, vector<16xf32>,
        %swap3A_2368 = arith.constant 0 : i32
        %swap3A_2369 = arith.constant 5 : i32
        %swap3A_2370 = arith.index_cast %swap3A_2368 : i32 to index
        %swap3A_2371 = arith.index_cast %swap3A_2369 : i32 to index
        %swap3A_2372 = arith.index_cast %mul3A_2332 : i32 to index
        %swap3A_2373 = tpu.vector_load %arg7[%swap3A_2370, %swap3A_2371, %swap3A_2372] {strides = array<i32>} : memref<4x8x2048xf32, #tpu.memory_space<vmem>>, vector<16xf32>,
        tpu.vector_store %arg7[%swap3A_2370, %swap3A_2371, %swap3A_2372], %gather3A_1035 {strides = array<i32>} : memref<4x8x2048xf32, #tpu.memory_space<vmem>>, vector<16xf32>,
        %swap3A_2374 = arith.constant 0 : i32
        %swap3A_2375 = arith.constant 6 : i32
        %swap3A_2376 = arith.index_cast %swap3A_2374 : i32 to index
        %swap3A_2377 = arith.index_cast %swap3A_2375 : i32 to index
        %swap3A_2378 = arith.index_cast %mul3A_2332 : i32 to index
        %swap3A_2379 = tpu.vector_load %arg7[%swap3A_2376, %swap3A_2377, %swap3A_2378] {strides = array<i32>} : memref<4x8x2048xf32, #tpu.memory_space<vmem>>, vector<16xf32>,
        tpu.vector_store %arg7[%swap3A_2376, %swap3A_2377, %swap3A_2378], %gather3A_1040 {strides = array<i32>} : memref<4x8x2048xf32, #tpu.memory_space<vmem>>, vector<16xf32>,
        %swap3A_2380 = arith.constant 0 : i32
        %swap3A_2381 = arith.constant 7 : i32
        %swap3A_2382 = arith.index_cast %swap3A_2380 : i32 to index
        %swap3A_2383 = arith.index_cast %swap3A_2381 : i32 to index
        %swap3A_2384 = arith.index_cast %mul3A_2332 : i32 to index
        %swap3A_2385 = tpu.vector_load %arg7[%swap3A_2382, %swap3A_2383, %swap3A_2384] {strides = array<i32>} : memref<4x8x2048xf32, #tpu.memory_space<vmem>>, vector<16xf32>,
        tpu.vector_store %arg7[%swap3A_2382, %swap3A_2383, %swap3A_2384], %gather3A_1045 {strides = array<i32>} : memref<4x8x2048xf32, #tpu.memory_space<vmem>>, vector<16xf32>,
        %mul3A_2386 = arith.constant 8 : i32
        %mul3A_2387 = arith.muli %scan3A_2206, %mul3A_2386 : i32
        %add3A_2388 = arith.constant 3 : i32
        %add3A_2389 = arith.addi %mul3A_2387, %add3A_2388 : i32
        %mul3A_2390 = arith.constant 16 : i32
        %mul3A_2391 = arith.muli %add3A_2389, %mul3A_2390 : i32
        %get3A_2392 = arith.constant 0 : i32
        %get3A_2393 = arith.index_cast %get3A_2392 : i32 to index
        %get3A_2394 = arith.index_cast %mul3A_2391 : i32 to index
        %get3A_2395 = tpu.vector_load %arg6[%get3A_2393, %get3A_2394] {strides = array<i32>} : memref<4x2048xi32, #tpu.memory_space<vmem>>, vector<16xi32>,
        %min3A_2396 = arith.minsi %scan3A_2210, %get3A_2395 : vector<16xi32>
        %swap3A_2397 = arith.constant 0 : i32
        %swap3A_2398 = arith.constant 0 : i32
        %swap3A_2399 = arith.index_cast %swap3A_2397 : i32 to index
        %swap3A_2400 = arith.index_cast %swap3A_2398 : i32 to index
        %swap3A_2401 = arith.index_cast %mul3A_2391 : i32 to index
        %swap3A_2402 = tpu.vector_load %arg7[%swap3A_2399, %swap3A_2400, %swap3A_2401] {strides = array<i32>} : memref<4x8x2048xf32, #tpu.memory_space<vmem>>, vector<16xf32>,
        tpu.vector_store %arg7[%swap3A_2399, %swap3A_2400, %swap3A_2401], %gather3A {strides = array<i32>} : memref<4x8x2048xf32, #tpu.memory_space<vmem>>, vector<16xf32>,
        %swap3A_2403 = arith.constant 0 : i32
        %swap3A_2404 = arith.constant 1 : i32
        %swap3A_2405 = arith.index_cast %swap3A_2403 : i32 to index
        %swap3A_2406 = arith.index_cast %swap3A_2404 : i32 to index
        %swap3A_2407 = arith.index_cast %mul3A_2391 : i32 to index
        %swap3A_2408 = tpu.vector_load %arg7[%swap3A_2405, %swap3A_2406, %swap3A_2407] {strides = array<i32>} : memref<4x8x2048xf32, #tpu.memory_space<vmem>>, vector<16xf32>,
        tpu.vector_store %arg7[%swap3A_2405, %swap3A_2406, %swap3A_2407], %gather3A_1015 {strides = array<i32>} : memref<4x8x2048xf32, #tpu.memory_space<vmem>>, vector<16xf32>,
        %swap3A_2409 = arith.constant 0 : i32
        %swap3A_2410 = arith.constant 2 : i32
        %swap3A_2411 = arith.index_cast %swap3A_2409 : i32 to index
        %swap3A_2412 = arith.index_cast %swap3A_2410 : i32 to index
        %swap3A_2413 = arith.index_cast %mul3A_2391 : i32 to index
        %swap3A_2414 = tpu.vector_load %arg7[%swap3A_2411, %swap3A_2412, %swap3A_2413] {strides = array<i32>} : memref<4x8x2048xf32, #tpu.memory_space<vmem>>, vector<16xf32>,
        tpu.vector_store %arg7[%swap3A_2411, %swap3A_2412, %swap3A_2413], %gather3A_1020 {strides = array<i32>} : memref<4x8x2048xf32, #tpu.memory_space<vmem>>, vector<16xf32>,
        %swap3A_2415 = arith.constant 0 : i32
        %swap3A_2416 = arith.constant 3 : i32
        %swap3A_2417 = arith.index_cast %swap3A_2415 : i32 to index
        %swap3A_2418 = arith.index_cast %swap3A_2416 : i32 to index
        %swap3A_2419 = arith.index_cast %mul3A_2391 : i32 to index
        %swap3A_2420 = tpu.vector_load %arg7[%swap3A_2417, %swap3A_2418, %swap3A_2419] {strides = array<i32>} : memref<4x8x2048xf32, #tpu.memory_space<vmem>>, vector<16xf32>,
        tpu.vector_store %arg7[%swap3A_2417, %swap3A_2418, %swap3A_2419], %gather3A_1025 {strides = array<i32>} : memref<4x8x2048xf32, #tpu.memory_space<vmem>>, vector<16xf32>,
        %swap3A_2421 = arith.constant 0 : i32
        %swap3A_2422 = arith.constant 4 : i32
        %swap3A_2423 = arith.index_cast %swap3A_2421 : i32 to index
        %swap3A_2424 = arith.index_cast %swap3A_2422 : i32 to index
        %swap3A_2425 = arith.index_cast %mul3A_2391 : i32 to index
        %swap3A_2426 = tpu.vector_load %arg7[%swap3A_2423, %swap3A_2424, %swap3A_2425] {strides = array<i32>} : memref<4x8x2048xf32, #tpu.memory_space<vmem>>, vector<16xf32>,
        tpu.vector_store %arg7[%swap3A_2423, %swap3A_2424, %swap3A_2425], %gather3A_1030 {strides = array<i32>} : memref<4x8x2048xf32, #tpu.memory_space<vmem>>, vector<16xf32>,
        %swap3A_2427 = arith.constant 0 : i32
        %swap3A_2428 = arith.constant 5 : i32
        %swap3A_2429 = arith.index_cast %swap3A_2427 : i32 to index
        %swap3A_2430 = arith.index_cast %swap3A_2428 : i32 to index
        %swap3A_2431 = arith.index_cast %mul3A_2391 : i32 to index
        %swap3A_2432 = tpu.vector_load %arg7[%swap3A_2429, %swap3A_2430, %swap3A_2431] {strides = array<i32>} : memref<4x8x2048xf32, #tpu.memory_space<vmem>>, vector<16xf32>,
        tpu.vector_store %arg7[%swap3A_2429, %swap3A_2430, %swap3A_2431], %gather3A_1035 {strides = array<i32>} : memref<4x8x2048xf32, #tpu.memory_space<vmem>>, vector<16xf32>,
        %swap3A_2433 = arith.constant 0 : i32
        %swap3A_2434 = arith.constant 6 : i32
        %swap3A_2435 = arith.index_cast %swap3A_2433 : i32 to index
        %swap3A_2436 = arith.index_cast %swap3A_2434 : i32 to index
        %swap3A_2437 = arith.index_cast %mul3A_2391 : i32 to index
        %swap3A_2438 = tpu.vector_load %arg7[%swap3A_2435, %swap3A_2436, %swap3A_2437] {strides = array<i32>} : memref<4x8x2048xf32, #tpu.memory_space<vmem>>, vector<16xf32>,
        tpu.vector_store %arg7[%swap3A_2435, %swap3A_2436, %swap3A_2437], %gather3A_1040 {strides = array<i32>} : memref<4x8x2048xf32, #tpu.memory_space<vmem>>, vector<16xf32>,
        %swap3A_2439 = arith.constant 0 : i32
        %swap3A_2440 = arith.constant 7 : i32
        %swap3A_2441 = arith.index_cast %swap3A_2439 : i32 to index
        %swap3A_2442 = arith.index_cast %swap3A_2440 : i32 to index
        %swap3A_2443 = arith.index_cast %mul3A_2391 : i32 to index
        %swap3A_2444 = tpu.vector_load %arg7[%swap3A_2441, %swap3A_2442, %swap3A_2443] {strides = array<i32>} : memref<4x8x2048xf32, #tpu.memory_space<vmem>>, vector<16xf32>,
        tpu.vector_store %arg7[%swap3A_2441, %swap3A_2442, %swap3A_2443], %gather3A_1045 {strides = array<i32>} : memref<4x8x2048xf32, #tpu.memory_space<vmem>>, vector<16xf32>,
        %mul3A_2445 = arith.constant 8 : i32
        %mul3A_2446 = arith.muli %scan3A_2206, %mul3A_2445 : i32
        %add3A_2447 = arith.constant 4 : i32
        %add3A_2448 = arith.addi %mul3A_2446, %add3A_2447 : i32
        %mul3A_2449 = arith.constant 16 : i32
        %mul3A_2450 = arith.muli %add3A_2448, %mul3A_2449 : i32
        %get3A_2451 = arith.constant 0 : i32
        %get3A_2452 = arith.index_cast %get3A_2451 : i32 to index
        %get3A_2453 = arith.index_cast %mul3A_2450 : i32 to index
        %get3A_2454 = tpu.vector_load %arg6[%get3A_2452, %get3A_2453] {strides = array<i32>} : memref<4x2048xi32, #tpu.memory_space<vmem>>, vector<16xi32>,
        %min3A_2455 = arith.minsi %min3A_2220, %get3A_2454 : vector<16xi32>
        %swap3A_2456 = arith.constant 0 : i32
        %swap3A_2457 = arith.constant 0 : i32
        %swap3A_2458 = arith.index_cast %swap3A_2456 : i32 to index
        %swap3A_2459 = arith.index_cast %swap3A_2457 : i32 to index
        %swap3A_2460 = arith.index_cast %mul3A_2450 : i32 to index
        %swap3A_2461 = tpu.vector_load %arg7[%swap3A_2458, %swap3A_2459, %swap3A_2460] {strides = array<i32>} : memref<4x8x2048xf32, #tpu.memory_space<vmem>>, vector<16xf32>,
        tpu.vector_store %arg7[%swap3A_2458, %swap3A_2459, %swap3A_2460], %gather3A {strides = array<i32>} : memref<4x8x2048xf32, #tpu.memory_space<vmem>>, vector<16xf32>,
        %swap3A_2462 = arith.constant 0 : i32
        %swap3A_2463 = arith.constant 1 : i32
        %swap3A_2464 = arith.index_cast %swap3A_2462 : i32 to index
        %swap3A_2465 = arith.index_cast %swap3A_2463 : i32 to index
        %swap3A_2466 = arith.index_cast %mul3A_2450 : i32 to index
        %swap3A_2467 = tpu.vector_load %arg7[%swap3A_2464, %swap3A_2465, %swap3A_2466] {strides = array<i32>} : memref<4x8x2048xf32, #tpu.memory_space<vmem>>, vector<16xf32>,
        tpu.vector_store %arg7[%swap3A_2464, %swap3A_2465, %swap3A_2466], %gather3A_1015 {strides = array<i32>} : memref<4x8x2048xf32, #tpu.memory_space<vmem>>, vector<16xf32>,
        %swap3A_2468 = arith.constant 0 : i32
        %swap3A_2469 = arith.constant 2 : i32
        %swap3A_2470 = arith.index_cast %swap3A_2468 : i32 to index
        %swap3A_2471 = arith.index_cast %swap3A_2469 : i32 to index
        %swap3A_2472 = arith.index_cast %mul3A_2450 : i32 to index
        %swap3A_2473 = tpu.vector_load %arg7[%swap3A_2470, %swap3A_2471, %swap3A_2472] {strides = array<i32>} : memref<4x8x2048xf32, #tpu.memory_space<vmem>>, vector<16xf32>,
        tpu.vector_store %arg7[%swap3A_2470, %swap3A_2471, %swap3A_2472], %gather3A_1020 {strides = array<i32>} : memref<4x8x2048xf32, #tpu.memory_space<vmem>>, vector<16xf32>,
        %swap3A_2474 = arith.constant 0 : i32
        %swap3A_2475 = arith.constant 3 : i32
        %swap3A_2476 = arith.index_cast %swap3A_2474 : i32 to index
        %swap3A_2477 = arith.index_cast %swap3A_2475 : i32 to index
        %swap3A_2478 = arith.index_cast %mul3A_2450 : i32 to index
        %swap3A_2479 = tpu.vector_load %arg7[%swap3A_2476, %swap3A_2477, %swap3A_2478] {strides = array<i32>} : memref<4x8x2048xf32, #tpu.memory_space<vmem>>, vector<16xf32>,
        tpu.vector_store %arg7[%swap3A_2476, %swap3A_2477, %swap3A_2478], %gather3A_1025 {strides = array<i32>} : memref<4x8x2048xf32, #tpu.memory_space<vmem>>, vector<16xf32>,
        %swap3A_2480 = arith.constant 0 : i32
        %swap3A_2481 = arith.constant 4 : i32
        %swap3A_2482 = arith.index_cast %swap3A_2480 : i32 to index
        %swap3A_2483 = arith.index_cast %swap3A_2481 : i32 to index
        %swap3A_2484 = arith.index_cast %mul3A_2450 : i32 to index
        %swap3A_2485 = tpu.vector_load %arg7[%swap3A_2482, %swap3A_2483, %swap3A_2484] {strides = array<i32>} : memref<4x8x2048xf32, #tpu.memory_space<vmem>>, vector<16xf32>,
        tpu.vector_store %arg7[%swap3A_2482, %swap3A_2483, %swap3A_2484], %gather3A_1030 {strides = array<i32>} : memref<4x8x2048xf32, #tpu.memory_space<vmem>>, vector<16xf32>,
        %swap3A_2486 = arith.constant 0 : i32
        %swap3A_2487 = arith.constant 5 : i32
        %swap3A_2488 = arith.index_cast %swap3A_2486 : i32 to index
        %swap3A_2489 = arith.index_cast %swap3A_2487 : i32 to index
        %swap3A_2490 = arith.index_cast %mul3A_2450 : i32 to index
        %swap3A_2491 = tpu.vector_load %arg7[%swap3A_2488, %swap3A_2489, %swap3A_2490] {strides = array<i32>} : memref<4x8x2048xf32, #tpu.memory_space<vmem>>, vector<16xf32>,
        tpu.vector_store %arg7[%swap3A_2488, %swap3A_2489, %swap3A_2490], %gather3A_1035 {strides = array<i32>} : memref<4x8x2048xf32, #tpu.memory_space<vmem>>, vector<16xf32>,
        %swap3A_2492 = arith.constant 0 : i32
        %swap3A_2493 = arith.constant 6 : i32
        %swap3A_2494 = arith.index_cast %swap3A_2492 : i32 to index
        %swap3A_2495 = arith.index_cast %swap3A_2493 : i32 to index
        %swap3A_2496 = arith.index_cast %mul3A_2450 : i32 to index
        %swap3A_2497 = tpu.vector_load %arg7[%swap3A_2494, %swap3A_2495, %swap3A_2496] {strides = array<i32>} : memref<4x8x2048xf32, #tpu.memory_space<vmem>>, vector<16xf32>,
        tpu.vector_store %arg7[%swap3A_2494, %swap3A_2495, %swap3A_2496], %gather3A_1040 {strides = array<i32>} : memref<4x8x2048xf32, #tpu.memory_space<vmem>>, vector<16xf32>,
        %swap3A_2498 = arith.constant 0 : i32
        %swap3A_2499 = arith.constant 7 : i32
        %swap3A_2500 = arith.index_cast %swap3A_2498 : i32 to index
        %swap3A_2501 = arith.index_cast %swap3A_2499 : i32 to index
        %swap3A_2502 = arith.index_cast %mul3A_2450 : i32 to index
        %swap3A_2503 = tpu.vector_load %arg7[%swap3A_2500, %swap3A_2501, %swap3A_2502] {strides = array<i32>} : memref<4x8x2048xf32, #tpu.memory_space<vmem>>, vector<16xf32>,
        tpu.vector_store %arg7[%swap3A_2500, %swap3A_2501, %swap3A_2502], %gather3A_1045 {strides = array<i32>} : memref<4x8x2048xf32, #tpu.memory_space<vmem>>, vector<16xf32>,
        %mul3A_2504 = arith.constant 8 : i32
        %mul3A_2505 = arith.muli %scan3A_2206, %mul3A_2504 : i32
        %add3A_2506 = arith.constant 5 : i32
        %add3A_2507 = arith.addi %mul3A_2505, %add3A_2506 : i32
        %mul3A_2508 = arith.constant 16 : i32
        %mul3A_2509 = arith.muli %add3A_2507, %mul3A_2508 : i32
        %get3A_2510 = arith.constant 0 : i32
        %get3A_2511 = arith.index_cast %get3A_2510 : i32 to index
        %get3A_2512 = arith.index_cast %mul3A_2509 : i32 to index
        %get3A_2513 = tpu.vector_load %arg6[%get3A_2511, %get3A_2512] {strides = array<i32>} : memref<4x2048xi32, #tpu.memory_space<vmem>>, vector<16xi32>,
        %min3A_2514 = arith.minsi %min3A_2278, %get3A_2513 : vector<16xi32>
        %swap3A_2515 = arith.constant 0 : i32
        %swap3A_2516 = arith.constant 0 : i32
        %swap3A_2517 = arith.index_cast %swap3A_2515 : i32 to index
        %swap3A_2518 = arith.index_cast %swap3A_2516 : i32 to index
        %swap3A_2519 = arith.index_cast %mul3A_2509 : i32 to index
        %swap3A_2520 = tpu.vector_load %arg7[%swap3A_2517, %swap3A_2518, %swap3A_2519] {strides = array<i32>} : memref<4x8x2048xf32, #tpu.memory_space<vmem>>, vector<16xf32>,
        tpu.vector_store %arg7[%swap3A_2517, %swap3A_2518, %swap3A_2519], %gather3A {strides = array<i32>} : memref<4x8x2048xf32, #tpu.memory_space<vmem>>, vector<16xf32>,
        %swap3A_2521 = arith.constant 0 : i32
        %swap3A_2522 = arith.constant 1 : i32
        %swap3A_2523 = arith.index_cast %swap3A_2521 : i32 to index
        %swap3A_2524 = arith.index_cast %swap3A_2522 : i32 to index
        %swap3A_2525 = arith.index_cast %mul3A_2509 : i32 to index
        %swap3A_2526 = tpu.vector_load %arg7[%swap3A_2523, %swap3A_2524, %swap3A_2525] {strides = array<i32>} : memref<4x8x2048xf32, #tpu.memory_space<vmem>>, vector<16xf32>,
        tpu.vector_store %arg7[%swap3A_2523, %swap3A_2524, %swap3A_2525], %gather3A_1015 {strides = array<i32>} : memref<4x8x2048xf32, #tpu.memory_space<vmem>>, vector<16xf32>,
        %swap3A_2527 = arith.constant 0 : i32
        %swap3A_2528 = arith.constant 2 : i32
        %swap3A_2529 = arith.index_cast %swap3A_2527 : i32 to index
        %swap3A_2530 = arith.index_cast %swap3A_2528 : i32 to index
        %swap3A_2531 = arith.index_cast %mul3A_2509 : i32 to index
        %swap3A_2532 = tpu.vector_load %arg7[%swap3A_2529, %swap3A_2530, %swap3A_2531] {strides = array<i32>} : memref<4x8x2048xf32, #tpu.memory_space<vmem>>, vector<16xf32>,
        tpu.vector_store %arg7[%swap3A_2529, %swap3A_2530, %swap3A_2531], %gather3A_1020 {strides = array<i32>} : memref<4x8x2048xf32, #tpu.memory_space<vmem>>, vector<16xf32>,
        %swap3A_2533 = arith.constant 0 : i32
        %swap3A_2534 = arith.constant 3 : i32
        %swap3A_2535 = arith.index_cast %swap3A_2533 : i32 to index
        %swap3A_2536 = arith.index_cast %swap3A_2534 : i32 to index
        %swap3A_2537 = arith.index_cast %mul3A_2509 : i32 to index
        %swap3A_2538 = tpu.vector_load %arg7[%swap3A_2535, %swap3A_2536, %swap3A_2537] {strides = array<i32>} : memref<4x8x2048xf32, #tpu.memory_space<vmem>>, vector<16xf32>,
        tpu.vector_store %arg7[%swap3A_2535, %swap3A_2536, %swap3A_2537], %gather3A_1025 {strides = array<i32>} : memref<4x8x2048xf32, #tpu.memory_space<vmem>>, vector<16xf32>,
        %swap3A_2539 = arith.constant 0 : i32
        %swap3A_2540 = arith.constant 4 : i32
        %swap3A_2541 = arith.index_cast %swap3A_2539 : i32 to index
        %swap3A_2542 = arith.index_cast %swap3A_2540 : i32 to index
        %swap3A_2543 = arith.index_cast %mul3A_2509 : i32 to index
        %swap3A_2544 = tpu.vector_load %arg7[%swap3A_2541, %swap3A_2542, %swap3A_2543] {strides = array<i32>} : memref<4x8x2048xf32, #tpu.memory_space<vmem>>, vector<16xf32>,
        tpu.vector_store %arg7[%swap3A_2541, %swap3A_2542, %swap3A_2543], %gather3A_1030 {strides = array<i32>} : memref<4x8x2048xf32, #tpu.memory_space<vmem>>, vector<16xf32>,
        %swap3A_2545 = arith.constant 0 : i32
        %swap3A_2546 = arith.constant 5 : i32
        %swap3A_2547 = arith.index_cast %swap3A_2545 : i32 to index
        %swap3A_2548 = arith.index_cast %swap3A_2546 : i32 to index
        %swap3A_2549 = arith.index_cast %mul3A_2509 : i32 to index
        %swap3A_2550 = tpu.vector_load %arg7[%swap3A_2547, %swap3A_2548, %swap3A_2549] {strides = array<i32>} : memref<4x8x2048xf32, #tpu.memory_space<vmem>>, vector<16xf32>,
        tpu.vector_store %arg7[%swap3A_2547, %swap3A_2548, %swap3A_2549], %gather3A_1035 {strides = array<i32>} : memref<4x8x2048xf32, #tpu.memory_space<vmem>>, vector<16xf32>,
        %swap3A_2551 = arith.constant 0 : i32
        %swap3A_2552 = arith.constant 6 : i32
        %swap3A_2553 = arith.index_cast %swap3A_2551 : i32 to index
        %swap3A_2554 = arith.index_cast %swap3A_2552 : i32 to index
        %swap3A_2555 = arith.index_cast %mul3A_2509 : i32 to index
        %swap3A_2556 = tpu.vector_load %arg7[%swap3A_2553, %swap3A_2554, %swap3A_2555] {strides = array<i32>} : memref<4x8x2048xf32, #tpu.memory_space<vmem>>, vector<16xf32>,
        tpu.vector_store %arg7[%swap3A_2553, %swap3A_2554, %swap3A_2555], %gather3A_1040 {strides = array<i32>} : memref<4x8x2048xf32, #tpu.memory_space<vmem>>, vector<16xf32>,
        %swap3A_2557 = arith.constant 0 : i32
        %swap3A_2558 = arith.constant 7 : i32
        %swap3A_2559 = arith.index_cast %swap3A_2557 : i32 to index
        %swap3A_2560 = arith.index_cast %swap3A_2558 : i32 to index
        %swap3A_2561 = arith.index_cast %mul3A_2509 : i32 to index
        %swap3A_2562 = tpu.vector_load %arg7[%swap3A_2559, %swap3A_2560, %swap3A_2561] {strides = array<i32>} : memref<4x8x2048xf32, #tpu.memory_space<vmem>>, vector<16xf32>,
        tpu.vector_store %arg7[%swap3A_2559, %swap3A_2560, %swap3A_2561], %gather3A_1045 {strides = array<i32>} : memref<4x8x2048xf32, #tpu.memory_space<vmem>>, vector<16xf32>,
        %mul3A_2563 = arith.constant 8 : i32
        %mul3A_2564 = arith.muli %scan3A_2206, %mul3A_2563 : i32
        %add3A_2565 = arith.constant 6 : i32
        %add3A_2566 = arith.addi %mul3A_2564, %add3A_2565 : i32
        %mul3A_2567 = arith.constant 16 : i32
        %mul3A_2568 = arith.muli %add3A_2566, %mul3A_2567 : i32
        %get3A_2569 = arith.constant 0 : i32
        %get3A_2570 = arith.index_cast %get3A_2569 : i32 to index
        %get3A_2571 = arith.index_cast %mul3A_2568 : i32 to index
        %get3A_2572 = tpu.vector_load %arg6[%get3A_2570, %get3A_2571] {strides = array<i32>} : memref<4x2048xi32, #tpu.memory_space<vmem>>, vector<16xi32>,
        %min3A_2573 = arith.minsi %min3A_2337, %get3A_2572 : vector<16xi32>
        %swap3A_2574 = arith.constant 0 : i32
        %swap3A_2575 = arith.constant 0 : i32
        %swap3A_2576 = arith.index_cast %swap3A_2574 : i32 to index
        %swap3A_2577 = arith.index_cast %swap3A_2575 : i32 to index
        %swap3A_2578 = arith.index_cast %mul3A_2568 : i32 to index
        %swap3A_2579 = tpu.vector_load %arg7[%swap3A_2576, %swap3A_2577, %swap3A_2578] {strides = array<i32>} : memref<4x8x2048xf32, #tpu.memory_space<vmem>>, vector<16xf32>,
        tpu.vector_store %arg7[%swap3A_2576, %swap3A_2577, %swap3A_2578], %gather3A {strides = array<i32>} : memref<4x8x2048xf32, #tpu.memory_space<vmem>>, vector<16xf32>,
        %swap3A_2580 = arith.constant 0 : i32
        %swap3A_2581 = arith.constant 1 : i32
        %swap3A_2582 = arith.index_cast %swap3A_2580 : i32 to index
        %swap3A_2583 = arith.index_cast %swap3A_2581 : i32 to index
        %swap3A_2584 = arith.index_cast %mul3A_2568 : i32 to index
        %swap3A_2585 = tpu.vector_load %arg7[%swap3A_2582, %swap3A_2583, %swap3A_2584] {strides = array<i32>} : memref<4x8x2048xf32, #tpu.memory_space<vmem>>, vector<16xf32>,
        tpu.vector_store %arg7[%swap3A_2582, %swap3A_2583, %swap3A_2584], %gather3A_1015 {strides = array<i32>} : memref<4x8x2048xf32, #tpu.memory_space<vmem>>, vector<16xf32>,
        %swap3A_2586 = arith.constant 0 : i32
        %swap3A_2587 = arith.constant 2 : i32
        %swap3A_2588 = arith.index_cast %swap3A_2586 : i32 to index
        %swap3A_2589 = arith.index_cast %swap3A_2587 : i32 to index
        %swap3A_2590 = arith.index_cast %mul3A_2568 : i32 to index
        %swap3A_2591 = tpu.vector_load %arg7[%swap3A_2588, %swap3A_2589, %swap3A_2590] {strides = array<i32>} : memref<4x8x2048xf32, #tpu.memory_space<vmem>>, vector<16xf32>,
        tpu.vector_store %arg7[%swap3A_2588, %swap3A_2589, %swap3A_2590], %gather3A_1020 {strides = array<i32>} : memref<4x8x2048xf32, #tpu.memory_space<vmem>>, vector<16xf32>,
        %swap3A_2592 = arith.constant 0 : i32
        %swap3A_2593 = arith.constant 3 : i32
        %swap3A_2594 = arith.index_cast %swap3A_2592 : i32 to index
        %swap3A_2595 = arith.index_cast %swap3A_2593 : i32 to index
        %swap3A_2596 = arith.index_cast %mul3A_2568 : i32 to index
        %swap3A_2597 = tpu.vector_load %arg7[%swap3A_2594, %swap3A_2595, %swap3A_2596] {strides = array<i32>} : memref<4x8x2048xf32, #tpu.memory_space<vmem>>, vector<16xf32>,
        tpu.vector_store %arg7[%swap3A_2594, %swap3A_2595, %swap3A_2596], %gather3A_1025 {strides = array<i32>} : memref<4x8x2048xf32, #tpu.memory_space<vmem>>, vector<16xf32>,
        %swap3A_2598 = arith.constant 0 : i32
        %swap3A_2599 = arith.constant 4 : i32
        %swap3A_2600 = arith.index_cast %swap3A_2598 : i32 to index
        %swap3A_2601 = arith.index_cast %swap3A_2599 : i32 to index
        %swap3A_2602 = arith.index_cast %mul3A_2568 : i32 to index
        %swap3A_2603 = tpu.vector_load %arg7[%swap3A_2600, %swap3A_2601, %swap3A_2602] {strides = array<i32>} : memref<4x8x2048xf32, #tpu.memory_space<vmem>>, vector<16xf32>,
        tpu.vector_store %arg7[%swap3A_2600, %swap3A_2601, %swap3A_2602], %gather3A_1030 {strides = array<i32>} : memref<4x8x2048xf32, #tpu.memory_space<vmem>>, vector<16xf32>,
        %swap3A_2604 = arith.constant 0 : i32
        %swap3A_2605 = arith.constant 5 : i32
        %swap3A_2606 = arith.index_cast %swap3A_2604 : i32 to index
        %swap3A_2607 = arith.index_cast %swap3A_2605 : i32 to index
        %swap3A_2608 = arith.index_cast %mul3A_2568 : i32 to index
        %swap3A_2609 = tpu.vector_load %arg7[%swap3A_2606, %swap3A_2607, %swap3A_2608] {strides = array<i32>} : memref<4x8x2048xf32, #tpu.memory_space<vmem>>, vector<16xf32>,
        tpu.vector_store %arg7[%swap3A_2606, %swap3A_2607, %swap3A_2608], %gather3A_1035 {strides = array<i32>} : memref<4x8x2048xf32, #tpu.memory_space<vmem>>, vector<16xf32>,
        %swap3A_2610 = arith.constant 0 : i32
        %swap3A_2611 = arith.constant 6 : i32
        %swap3A_2612 = arith.index_cast %swap3A_2610 : i32 to index
        %swap3A_2613 = arith.index_cast %swap3A_2611 : i32 to index
        %swap3A_2614 = arith.index_cast %mul3A_2568 : i32 to index
        %swap3A_2615 = tpu.vector_load %arg7[%swap3A_2612, %swap3A_2613, %swap3A_2614] {strides = array<i32>} : memref<4x8x2048xf32, #tpu.memory_space<vmem>>, vector<16xf32>,
        tpu.vector_store %arg7[%swap3A_2612, %swap3A_2613, %swap3A_2614], %gather3A_1040 {strides = array<i32>} : memref<4x8x2048xf32, #tpu.memory_space<vmem>>, vector<16xf32>,
        %swap3A_2616 = arith.constant 0 : i32
        %swap3A_2617 = arith.constant 7 : i32
        %swap3A_2618 = arith.index_cast %swap3A_2616 : i32 to index
        %swap3A_2619 = arith.index_cast %swap3A_2617 : i32 to index
        %swap3A_2620 = arith.index_cast %mul3A_2568 : i32 to index
        %swap3A_2621 = tpu.vector_load %arg7[%swap3A_2618, %swap3A_2619, %swap3A_2620] {strides = array<i32>} : memref<4x8x2048xf32, #tpu.memory_space<vmem>>, vector<16xf32>,
        tpu.vector_store %arg7[%swap3A_2618, %swap3A_2619, %swap3A_2620], %gather3A_1045 {strides = array<i32>} : memref<4x8x2048xf32, #tpu.memory_space<vmem>>, vector<16xf32>,
        %mul3A_2622 = arith.constant 8 : i32
        %mul3A_2623 = arith.muli %scan3A_2206, %mul3A_2622 : i32
        %add3A_2624 = arith.constant 7 : i32
        %add3A_2625 = arith.addi %mul3A_2623, %add3A_2624 : i32
        %mul3A_2626 = arith.constant 16 : i32
        %mul3A_2627 = arith.muli %add3A_2625, %mul3A_2626 : i32
        %get3A_2628 = arith.constant 0 : i32
        %get3A_2629 = arith.index_cast %get3A_2628 : i32 to index
        %get3A_2630 = arith.index_cast %mul3A_2627 : i32 to index
        %get3A_2631 = tpu.vector_load %arg6[%get3A_2629, %get3A_2630] {strides = array<i32>} : memref<4x2048xi32, #tpu.memory_space<vmem>>, vector<16xi32>,
        %min3A_2632 = arith.minsi %min3A_2396, %get3A_2631 : vector<16xi32>
        %swap3A_2633 = arith.constant 0 : i32
        %swap3A_2634 = arith.constant 0 : i32
        %swap3A_2635 = arith.index_cast %swap3A_2633 : i32 to index
        %swap3A_2636 = arith.index_cast %swap3A_2634 : i32 to index
        %swap3A_2637 = arith.index_cast %mul3A_2627 : i32 to index
        %swap3A_2638 = tpu.vector_load %arg7[%swap3A_2635, %swap3A_2636, %swap3A_2637] {strides = array<i32>} : memref<4x8x2048xf32, #tpu.memory_space<vmem>>, vector<16xf32>,
        tpu.vector_store %arg7[%swap3A_2635, %swap3A_2636, %swap3A_2637], %gather3A {strides = array<i32>} : memref<4x8x2048xf32, #tpu.memory_space<vmem>>, vector<16xf32>,
        %swap3A_2639 = arith.constant 0 : i32
        %swap3A_2640 = arith.constant 1 : i32
        %swap3A_2641 = arith.index_cast %swap3A_2639 : i32 to index
        %swap3A_2642 = arith.index_cast %swap3A_2640 : i32 to index
        %swap3A_2643 = arith.index_cast %mul3A_2627 : i32 to index
        %swap3A_2644 = tpu.vector_load %arg7[%swap3A_2641, %swap3A_2642, %swap3A_2643] {strides = array<i32>} : memref<4x8x2048xf32, #tpu.memory_space<vmem>>, vector<16xf32>,
        tpu.vector_store %arg7[%swap3A_2641, %swap3A_2642, %swap3A_2643], %gather3A_1015 {strides = array<i32>} : memref<4x8x2048xf32, #tpu.memory_space<vmem>>, vector<16xf32>,
        %swap3A_2645 = arith.constant 0 : i32
        %swap3A_2646 = arith.constant 2 : i32
        %swap3A_2647 = arith.index_cast %swap3A_2645 : i32 to index
        %swap3A_2648 = arith.index_cast %swap3A_2646 : i32 to index
        %swap3A_2649 = arith.index_cast %mul3A_2627 : i32 to index
        %swap3A_2650 = tpu.vector_load %arg7[%swap3A_2647, %swap3A_2648, %swap3A_2649] {strides = array<i32>} : memref<4x8x2048xf32, #tpu.memory_space<vmem>>, vector<16xf32>,
        tpu.vector_store %arg7[%swap3A_2647, %swap3A_2648, %swap3A_2649], %gather3A_1020 {strides = array<i32>} : memref<4x8x2048xf32, #tpu.memory_space<vmem>>, vector<16xf32>,
        %swap3A_2651 = arith.constant 0 : i32
        %swap3A_2652 = arith.constant 3 : i32
        %swap3A_2653 = arith.index_cast %swap3A_2651 : i32 to index
        %swap3A_2654 = arith.index_cast %swap3A_2652 : i32 to index
        %swap3A_2655 = arith.index_cast %mul3A_2627 : i32 to index
        %swap3A_2656 = tpu.vector_load %arg7[%swap3A_2653, %swap3A_2654, %swap3A_2655] {strides = array<i32>} : memref<4x8x2048xf32, #tpu.memory_space<vmem>>, vector<16xf32>,
        tpu.vector_store %arg7[%swap3A_2653, %swap3A_2654, %swap3A_2655], %gather3A_1025 {strides = array<i32>} : memref<4x8x2048xf32, #tpu.memory_space<vmem>>, vector<16xf32>,
        %swap3A_2657 = arith.constant 0 : i32
        %swap3A_2658 = arith.constant 4 : i32
        %swap3A_2659 = arith.index_cast %swap3A_2657 : i32 to index
        %swap3A_2660 = arith.index_cast %swap3A_2658 : i32 to index
        %swap3A_2661 = arith.index_cast %mul3A_2627 : i32 to index
        %swap3A_2662 = tpu.vector_load %arg7[%swap3A_2659, %swap3A_2660, %swap3A_2661] {strides = array<i32>} : memref<4x8x2048xf32, #tpu.memory_space<vmem>>, vector<16xf32>,
        tpu.vector_store %arg7[%swap3A_2659, %swap3A_2660, %swap3A_2661], %gather3A_1030 {strides = array<i32>} : memref<4x8x2048xf32, #tpu.memory_space<vmem>>, vector<16xf32>,
        %swap3A_2663 = arith.constant 0 : i32
        %swap3A_2664 = arith.constant 5 : i32
        %swap3A_2665 = arith.index_cast %swap3A_2663 : i32 to index
        %swap3A_2666 = arith.index_cast %swap3A_2664 : i32 to index
        %swap3A_2667 = arith.index_cast %mul3A_2627 : i32 to index
        %swap3A_2668 = tpu.vector_load %arg7[%swap3A_2665, %swap3A_2666, %swap3A_2667] {strides = array<i32>} : memref<4x8x2048xf32, #tpu.memory_space<vmem>>, vector<16xf32>,
        tpu.vector_store %arg7[%swap3A_2665, %swap3A_2666, %swap3A_2667], %gather3A_1035 {strides = array<i32>} : memref<4x8x2048xf32, #tpu.memory_space<vmem>>, vector<16xf32>,
        %swap3A_2669 = arith.constant 0 : i32
        %swap3A_2670 = arith.constant 6 : i32
        %swap3A_2671 = arith.index_cast %swap3A_2669 : i32 to index
        %swap3A_2672 = arith.index_cast %swap3A_2670 : i32 to index
        %swap3A_2673 = arith.index_cast %mul3A_2627 : i32 to index
        %swap3A_2674 = tpu.vector_load %arg7[%swap3A_2671, %swap3A_2672, %swap3A_2673] {strides = array<i32>} : memref<4x8x2048xf32, #tpu.memory_space<vmem>>, vector<16xf32>,
        tpu.vector_store %arg7[%swap3A_2671, %swap3A_2672, %swap3A_2673], %gather3A_1040 {strides = array<i32>} : memref<4x8x2048xf32, #tpu.memory_space<vmem>>, vector<16xf32>,
        %swap3A_2675 = arith.constant 0 : i32
        %swap3A_2676 = arith.constant 7 : i32
        %swap3A_2677 = arith.index_cast %swap3A_2675 : i32 to index
        %swap3A_2678 = arith.index_cast %swap3A_2676 : i32 to index
        %swap3A_2679 = arith.index_cast %mul3A_2627 : i32 to index
        %swap3A_2680 = tpu.vector_load %arg7[%swap3A_2677, %swap3A_2678, %swap3A_2679] {strides = array<i32>} : memref<4x8x2048xf32, #tpu.memory_space<vmem>>, vector<16xf32>,
        tpu.vector_store %arg7[%swap3A_2677, %swap3A_2678, %swap3A_2679], %gather3A_1045 {strides = array<i32>} : memref<4x8x2048xf32, #tpu.memory_space<vmem>>, vector<16xf32>,
        scf.yield %min3A_2455, %min3A_2514, %min3A_2573, %min3A_2632 : vector<16xi32>, vector<16xi32>, vector<16xi32>, vector<16xi32>
      }
      %scan3A_1053 = arith.constant 16 : i32
      %min3A = arith.minsi %scan3A_1052#0, %scan3A_1052#1 : vector<16xi32>
      %min3A_1054 = arith.minsi %scan3A_1052#2, %scan3A_1052#3 : vector<16xi32>
      %min3A_1055 = arith.minsi %min3A, %min3A_1054 : vector<16xi32>
      %reduce_min3A = arith.constant true
      %reduce_min3A_1056 = vector.broadcast %reduce_min3A : i1 to vector<16xi1>
      %reduce_min3A_1057 = arith.constant -2147483648 : i32
      %reduce_min3A_1058 = vector.broadcast %reduce_min3A_1057 : i32 to vector<16xi32>
      %reduce_min3A_1059 = arith.xori %min3A_1055, %reduce_min3A_1058 : vector<16xi32>
      %reduce_min3A_1060 = tpu.scan <min>, %reduce_min3A_1059 masked %reduce_min3A_1056 : vector<16xi32>, vector<16xi1> -> vector<16xi32>
      %reduce_min3A_1061 = arith.xori %reduce_min3A_1060, %reduce_min3A_1058 : vector<16xi32>
      %reduce_min3A_1062 = vector.extract %reduce_min3A_1061[15] : i32 from vector<16xi32>
      %eq3A_1063 = arith.constant 0 : i32
      %eq3A_1064 = arith.cmpi eq, %reduce_min3A_1062, %eq3A_1063 : i32
      %convert_element_type3A_1065 = arith.extui %eq3A_1064 : i1 to i32
      %cond3A_1066 = arith.constant 0 : i32
      %cond3A_1067 = arith.cmpi ne, %convert_element_type3A_1065, %cond3A_1066 : i32
      scf.if %cond3A_1067 {
        %scan3A_2206 = arith.constant 0 : i32
        %scan3A_2207 = arith.constant 0 : i32
        %scan3A_2208 = arith.constant 128 : i32
        %scan3A_2209 = arith.addi %scan3A_2207, %scan3A_2208 : i32
        %scan3A_2210 = arith.constant 1 : i32
        scf.for %scan3A_2212 = %scan3A_2207 to %scan3A_2209 step %scan3A_2210  : i32 {
          %mul3A_2213 = arith.constant 16 : i32
          %mul3A_2214 = arith.muli %scan3A_2212, %mul3A_2213 : i32
          %get3A = arith.constant 0 : i32
          %get3A_2215 = arith.index_cast %get3A : i32 to index
          %get3A_2216 = arith.index_cast %mul3A_2214 : i32 to index
          %get3A_2217 = tpu.vector_load %arg6[%get3A_2215, %get3A_2216] {strides = array<i32>} : memref<4x2048xi32, #tpu.memory_space<vmem>>, vector<16xi32>,
          %ne3A_2218 = arith.constant 0 : i32
          %ne3A_2219 = vector.broadcast %ne3A_2218 : i32 to vector<16xi32>
          %ne3A_2220 = arith.cmpi ne, %get3A_2217, %ne3A_2219 : vector<16xi32>
          %select_n3A_2221 = arith.select %ne3A_2220, %gather3A, %broadcast_in_dim3A_3 : vector<16xi1>, vector<16xf32>
          %swap3A = arith.constant 0 : i32
          %swap3A_2222 = arith.constant 0 : i32
          %swap3A_2223 = arith.index_cast %swap3A : i32 to index
          %swap3A_2224 = arith.index_cast %swap3A_2222 : i32 to index
          %swap3A_2225 = arith.index_cast %mul3A_2214 : i32 to index
          %swap3A_2226 = tpu.vector_load %arg7[%swap3A_2223, %swap3A_2224, %swap3A_2225] {strides = array<i32>} : memref<4x8x2048xf32, #tpu.memory_space<vmem>>, vector<16xf32>,
          tpu.vector_store %arg7[%swap3A_2223, %swap3A_2224, %swap3A_2225], %select_n3A_2221 {strides = array<i32>} : memref<4x8x2048xf32, #tpu.memory_space<vmem>>, vector<16xf32>,
          %select_n3A_2227 = arith.select %ne3A_2220, %gather3A_1015, %broadcast_in_dim3A_3 : vector<16xi1>, vector<16xf32>
          %swap3A_2228 = arith.constant 0 : i32
          %swap3A_2229 = arith.constant 1 : i32
          %swap3A_2230 = arith.index_cast %swap3A_2228 : i32 to index
          %swap3A_2231 = arith.index_cast %swap3A_2229 : i32 to index
          %swap3A_2232 = arith.index_cast %mul3A_2214 : i32 to index
          %swap3A_2233 = tpu.vector_load %arg7[%swap3A_2230, %swap3A_2231, %swap3A_2232] {strides = array<i32>} : memref<4x8x2048xf32, #tpu.memory_space<vmem>>, vector<16xf32>,
          tpu.vector_store %arg7[%swap3A_2230, %swap3A_2231, %swap3A_2232], %select_n3A_2227 {strides = array<i32>} : memref<4x8x2048xf32, #tpu.memory_space<vmem>>, vector<16xf32>,
          %select_n3A_2234 = arith.select %ne3A_2220, %gather3A_1020, %broadcast_in_dim3A_3 : vector<16xi1>, vector<16xf32>
          %swap3A_2235 = arith.constant 0 : i32
          %swap3A_2236 = arith.constant 2 : i32
          %swap3A_2237 = arith.index_cast %swap3A_2235 : i32 to index
          %swap3A_2238 = arith.index_cast %swap3A_2236 : i32 to index
          %swap3A_2239 = arith.index_cast %mul3A_2214 : i32 to index
          %swap3A_2240 = tpu.vector_load %arg7[%swap3A_2237, %swap3A_2238, %swap3A_2239] {strides = array<i32>} : memref<4x8x2048xf32, #tpu.memory_space<vmem>>, vector<16xf32>,
          tpu.vector_store %arg7[%swap3A_2237, %swap3A_2238, %swap3A_2239], %select_n3A_2234 {strides = array<i32>} : memref<4x8x2048xf32, #tpu.memory_space<vmem>>, vector<16xf32>,
          %select_n3A_2241 = arith.select %ne3A_2220, %gather3A_1025, %broadcast_in_dim3A_3 : vector<16xi1>, vector<16xf32>
          %swap3A_2242 = arith.constant 0 : i32
          %swap3A_2243 = arith.constant 3 : i32
          %swap3A_2244 = arith.index_cast %swap3A_2242 : i32 to index
          %swap3A_2245 = arith.index_cast %swap3A_2243 : i32 to index
          %swap3A_2246 = arith.index_cast %mul3A_2214 : i32 to index
          %swap3A_2247 = tpu.vector_load %arg7[%swap3A_2244, %swap3A_2245, %swap3A_2246] {strides = array<i32>} : memref<4x8x2048xf32, #tpu.memory_space<vmem>>, vector<16xf32>,
          tpu.vector_store %arg7[%swap3A_2244, %swap3A_2245, %swap3A_2246], %select_n3A_2241 {strides = array<i32>} : memref<4x8x2048xf32, #tpu.memory_space<vmem>>, vector<16xf32>,
          %select_n3A_2248 = arith.select %ne3A_2220, %gather3A_1030, %broadcast_in_dim3A_3 : vector<16xi1>, vector<16xf32>
          %swap3A_2249 = arith.constant 0 : i32
          %swap3A_2250 = arith.constant 4 : i32
          %swap3A_2251 = arith.index_cast %swap3A_2249 : i32 to index
          %swap3A_2252 = arith.index_cast %swap3A_2250 : i32 to index
          %swap3A_2253 = arith.index_cast %mul3A_2214 : i32 to index
          %swap3A_2254 = tpu.vector_load %arg7[%swap3A_2251, %swap3A_2252, %swap3A_2253] {strides = array<i32>} : memref<4x8x2048xf32, #tpu.memory_space<vmem>>, vector<16xf32>,
          tpu.vector_store %arg7[%swap3A_2251, %swap3A_2252, %swap3A_2253], %select_n3A_2248 {strides = array<i32>} : memref<4x8x2048xf32, #tpu.memory_space<vmem>>, vector<16xf32>,
          %select_n3A_2255 = arith.select %ne3A_2220, %gather3A_1035, %broadcast_in_dim3A_3 : vector<16xi1>, vector<16xf32>
          %swap3A_2256 = arith.constant 0 : i32
          %swap3A_2257 = arith.constant 5 : i32
          %swap3A_2258 = arith.index_cast %swap3A_2256 : i32 to index
          %swap3A_2259 = arith.index_cast %swap3A_2257 : i32 to index
          %swap3A_2260 = arith.index_cast %mul3A_2214 : i32 to index
          %swap3A_2261 = tpu.vector_load %arg7[%swap3A_2258, %swap3A_2259, %swap3A_2260] {strides = array<i32>} : memref<4x8x2048xf32, #tpu.memory_space<vmem>>, vector<16xf32>,
          tpu.vector_store %arg7[%swap3A_2258, %swap3A_2259, %swap3A_2260], %select_n3A_2255 {strides = array<i32>} : memref<4x8x2048xf32, #tpu.memory_space<vmem>>, vector<16xf32>,
          %select_n3A_2262 = arith.select %ne3A_2220, %gather3A_1040, %broadcast_in_dim3A_3 : vector<16xi1>, vector<16xf32>
          %swap3A_2263 = arith.constant 0 : i32
          %swap3A_2264 = arith.constant 6 : i32
          %swap3A_2265 = arith.index_cast %swap3A_2263 : i32 to index
          %swap3A_2266 = arith.index_cast %swap3A_2264 : i32 to index
          %swap3A_2267 = arith.index_cast %mul3A_2214 : i32 to index
          %swap3A_2268 = tpu.vector_load %arg7[%swap3A_2265, %swap3A_2266, %swap3A_2267] {strides = array<i32>} : memref<4x8x2048xf32, #tpu.memory_space<vmem>>, vector<16xf32>,
          tpu.vector_store %arg7[%swap3A_2265, %swap3A_2266, %swap3A_2267], %select_n3A_2262 {strides = array<i32>} : memref<4x8x2048xf32, #tpu.memory_space<vmem>>, vector<16xf32>,
          %select_n3A_2269 = arith.select %ne3A_2220, %gather3A_1045, %broadcast_in_dim3A_3 : vector<16xi1>, vector<16xf32>
          %swap3A_2270 = arith.constant 0 : i32
          %swap3A_2271 = arith.constant 7 : i32
          %swap3A_2272 = arith.index_cast %swap3A_2270 : i32 to index
          %swap3A_2273 = arith.index_cast %swap3A_2271 : i32 to index
          %swap3A_2274 = arith.index_cast %mul3A_2214 : i32 to index
          %swap3A_2275 = tpu.vector_load %arg7[%swap3A_2272, %swap3A_2273, %swap3A_2274] {strides = array<i32>} : memref<4x8x2048xf32, #tpu.memory_space<vmem>>, vector<16xf32>,
          tpu.vector_store %arg7[%swap3A_2272, %swap3A_2273, %swap3A_2274], %select_n3A_2269 {strides = array<i32>} : memref<4x8x2048xf32, #tpu.memory_space<vmem>>, vector<16xf32>,
        }
        %scan3A_2211 = arith.constant 128 : i32
      } else {
      }
      %jit3A_1068 = arith.constant 16 : i32
      %div3A_1069 = arith.divsi %add3A_822, %jit3A_1068 : i32
      %sign3A_1070 = arith.constant 0 : i32
      %sign3A_1071 = arith.cmpi sgt, %add3A_822, %sign3A_1070 : i32
      %sign3A_1072 = arith.extui %sign3A_1071 : i1 to i32
      %sign3A_1073 = arith.constant 0 : i32
      %sign3A_1074 = arith.cmpi slt, %add3A_822, %sign3A_1073 : i32
      %sign3A_1075 = arith.extui %sign3A_1074 : i1 to i32
      %sign3A_1076 = arith.subi %sign3A_1072, %sign3A_1075 : i32
      %sign3A_1077 = arith.constant 0 : i32
      %sign3A_1078 = arith.cmpi sgt, %jit3A_1068, %sign3A_1077 : i32
      %sign3A_1079 = arith.extui %sign3A_1078 : i1 to i32
      %sign3A_1080 = arith.constant 0 : i32
      %sign3A_1081 = arith.cmpi slt, %jit3A_1068, %sign3A_1080 : i32
      %sign3A_1082 = arith.extui %sign3A_1081 : i1 to i32
      %sign3A_1083 = arith.subi %sign3A_1079, %sign3A_1082 : i32
      %ne3A_1084 = arith.cmpi ne, %sign3A_1076, %sign3A_1083 : i32
      %rem3A_1085 = arith.remsi %add3A_822, %jit3A_1068 : i32
      %ne3A_1086 = arith.constant 0 : i32
      %ne3A_1087 = arith.cmpi ne, %rem3A_1085, %ne3A_1086 : i32
      %and3A_1088 = arith.andi %ne3A_1084, %ne3A_1087 : i1
      %sub3A_1089 = arith.constant 1 : i32
      %sub3A_1090 = arith.subi %div3A_1069, %sub3A_1089 : i32
      %select_n3A_1091 = arith.select %and3A_1088, %sub3A_1090, %div3A_1069 : i32
      %jit3A_1092 = arith.constant 16 : i32
      %eq3A_1093 = arith.constant 0 : i32
      %eq3A_1094 = arith.cmpi eq, %jit3A_1092, %eq3A_1093 : i32
      %jit3A_1095 = arith.constant 1 : i32
      %select_n3A_1096 = arith.select %eq3A_1094, %jit3A_1095, %jit3A_1092 : i32
      %rem3A_1097 = arith.remsi %add3A_822, %select_n3A_1096 : i32
      %ne3A_1098 = arith.constant 0 : i32
      %ne3A_1099 = arith.cmpi ne, %rem3A_1097, %ne3A_1098 : i32
      %lt3A_1100 = arith.constant 0 : i32
      %lt3A_1101 = arith.cmpi slt, %rem3A_1097, %lt3A_1100 : i32
      %lt3A_1102 = arith.constant 0 : i32
      %lt3A_1103 = arith.cmpi slt, %select_n3A_1096, %lt3A_1102 : i32
      %ne3A_1104 = arith.xori %lt3A_1101, %lt3A_1103 : i1
      %and3A_1105 = arith.andi %ne3A_1104, %ne3A_1099 : i1
      %add3A_1106 = arith.addi %rem3A_1097, %select_n3A_1096 : i32
      %select_n3A_1107 = arith.select %and3A_1105, %add3A_1106, %rem3A_1097 : i32
      %jit3A_1108 = arith.constant 2 : i32
      %div3A_1109 = arith.divsi %select_n3A_1107, %jit3A_1108 : i32
      %sign3A_1110 = arith.constant 0 : i32
      %sign3A_1111 = arith.cmpi sgt, %select_n3A_1107, %sign3A_1110 : i32
      %sign3A_1112 = arith.extui %sign3A_1111 : i1 to i32
      %sign3A_1113 = arith.constant 0 : i32
      %sign3A_1114 = arith.cmpi slt, %select_n3A_1107, %sign3A_1113 : i32
      %sign3A_1115 = arith.extui %sign3A_1114 : i1 to i32
      %sign3A_1116 = arith.subi %sign3A_1112, %sign3A_1115 : i32
      %sign3A_1117 = arith.constant 0 : i32
      %sign3A_1118 = arith.cmpi sgt, %jit3A_1108, %sign3A_1117 : i32
      %sign3A_1119 = arith.extui %sign3A_1118 : i1 to i32
      %sign3A_1120 = arith.constant 0 : i32
      %sign3A_1121 = arith.cmpi slt, %jit3A_1108, %sign3A_1120 : i32
      %sign3A_1122 = arith.extui %sign3A_1121 : i1 to i32
      %sign3A_1123 = arith.subi %sign3A_1119, %sign3A_1122 : i32
      %ne3A_1124 = arith.cmpi ne, %sign3A_1116, %sign3A_1123 : i32
      %rem3A_1125 = arith.remsi %select_n3A_1107, %jit3A_1108 : i32
      %ne3A_1126 = arith.constant 0 : i32
      %ne3A_1127 = arith.cmpi ne, %rem3A_1125, %ne3A_1126 : i32
      %and3A_1128 = arith.andi %ne3A_1124, %ne3A_1127 : i1
      %sub3A_1129 = arith.constant 1 : i32
      %sub3A_1130 = arith.subi %div3A_1109, %sub3A_1129 : i32
      %select_n3A_1131 = arith.select %and3A_1128, %sub3A_1130, %div3A_1109 : i32
      %mul3A_1132 = arith.constant 8 : i32
      %mul3A_1133 = arith.muli %select_n3A_1131, %mul3A_1132 : i32
      %jit3A_1134 = arith.constant 2 : i32
      %eq3A_1135 = arith.constant 0 : i32
      %eq3A_1136 = arith.cmpi eq, %jit3A_1134, %eq3A_1135 : i32
      %jit3A_1137 = arith.constant 1 : i32
      %select_n3A_1138 = arith.select %eq3A_1136, %jit3A_1137, %jit3A_1134 : i32
      %rem3A_1139 = arith.remsi %select_n3A_1107, %select_n3A_1138 : i32
      %ne3A_1140 = arith.constant 0 : i32
      %ne3A_1141 = arith.cmpi ne, %rem3A_1139, %ne3A_1140 : i32
      %lt3A_1142 = arith.constant 0 : i32
      %lt3A_1143 = arith.cmpi slt, %rem3A_1139, %lt3A_1142 : i32
      %lt3A_1144 = arith.constant 0 : i32
      %lt3A_1145 = arith.cmpi slt, %select_n3A_1138, %lt3A_1144 : i32
      %ne3A_1146 = arith.xori %lt3A_1143, %lt3A_1145 : i1
      %and3A_1147 = arith.andi %ne3A_1146, %ne3A_1141 : i1
      %add3A_1148 = arith.addi %rem3A_1139, %select_n3A_1138 : i32
      %select_n3A_1149 = arith.select %and3A_1147, %add3A_1148, %rem3A_1139 : i32
      %mul3A_1150 = arith.constant 2048 : i32
      %mul3A_1151 = arith.muli %select_n3A_1149, %mul3A_1150 : i32
      %dma_start3A_1152 = arith.constant 0 : i32
      %dma_start3A_1153 = arith.constant 0 : i32
      %dma_start3A_1154 = arith.constant 0 : i32
      %dma_start3A_1155 = tpu.memref_slice %arg7[%dma_start3A_1152, %dma_start3A_1153, %dma_start3A_1154] : memref<4x8x2048xf32, #tpu.memory_space<vmem>> -> memref<1x8x2048xf32, #tpu.memory_space<vmem>>
      %dma_start3A_1156 = tpu.memref_squeeze %dma_start3A_1155 : memref<1x8x2048xf32, #tpu.memory_space<vmem>> -> memref<8x2048xf32, #tpu.memory_space<vmem>>
      %dma_start3A_1157 = tpu.memref_slice %arg4[%select_n3A_1091, %mul3A_1133, %mul3A_1151] : memref<200x64x4096xf32, #tpu.memory_space<hbm>> -> memref<1x8x2048xf32, #tpu.memory_space<hbm>>
      %dma_start3A_1158 = tpu.memref_squeeze %dma_start3A_1157 : memref<1x8x2048xf32, #tpu.memory_space<hbm>> -> memref<8x2048xf32, #tpu.memory_space<hbm>>
      %dma_start3A_1159 = tpu.memref_slice %arg4[%select_n3A_1091, %mul3A_1133, %mul3A_1151] : memref<200x64x4096xf32, #tpu.memory_space<hbm>> -> memref<1x8x2048xf32, #tpu.memory_space<hbm>>
      %dma_start3A_1160 = tpu.memref_squeeze %dma_start3A_1159 : memref<1x8x2048xf32, #tpu.memory_space<hbm>> -> memref<8x2048xf32, #tpu.memory_space<hbm>>
      %dma_start3A_1161 = arith.constant 0 : i32
      %dma_start3A_1162 = arith.constant 0 : i32
      %dma_start3A_1163 = tpu.memref_slice %arg7[%dma_start3A_1152, %dma_start3A_1161, %dma_start3A_1162] : memref<4x8x2048xf32, #tpu.memory_space<vmem>> -> memref<1x8x2048xf32, #tpu.memory_space<vmem>>
      %dma_start3A_1164 = tpu.memref_squeeze %dma_start3A_1163 : memref<1x8x2048xf32, #tpu.memory_space<vmem>> -> memref<8x2048xf32, #tpu.memory_space<vmem>>
      tpu.enqueue_dma source(%dma_start3A_1164 : memref<8x2048xf32, #tpu.memory_space<vmem>>) target(%dma_start3A_1160 : memref<8x2048xf32, #tpu.memory_space<hbm>>) target_semaphore(%arg12 : memref<!tpu.dma_semaphore, #tpu.memory_space<semaphore_mem>>)
      %add3A_1165 = arith.constant 1 : i32
      %add3A_1166 = arith.addi %add3A_416, %add3A_1165 : i32
      %jit3A_1167 = arith.constant 16 : i32
      %div3A_1168 = arith.divsi %add3A_1166, %jit3A_1167 : i32
      %sign3A_1169 = arith.constant 0 : i32
      %sign3A_1170 = arith.cmpi sgt, %add3A_1166, %sign3A_1169 : i32
      %sign3A_1171 = arith.extui %sign3A_1170 : i1 to i32
      %sign3A_1172 = arith.constant 0 : i32
      %sign3A_1173 = arith.cmpi slt, %add3A_1166, %sign3A_1172 : i32
      %sign3A_1174 = arith.extui %sign3A_1173 : i1 to i32
      %sign3A_1175 = arith.subi %sign3A_1171, %sign3A_1174 : i32
      %sign3A_1176 = arith.constant 0 : i32
      %sign3A_1177 = arith.cmpi sgt, %jit3A_1167, %sign3A_1176 : i32
      %sign3A_1178 = arith.extui %sign3A_1177 : i1 to i32
      %sign3A_1179 = arith.constant 0 : i32
      %sign3A_1180 = arith.cmpi slt, %jit3A_1167, %sign3A_1179 : i32
      %sign3A_1181 = arith.extui %sign3A_1180 : i1 to i32
      %sign3A_1182 = arith.subi %sign3A_1178, %sign3A_1181 : i32
      %ne3A_1183 = arith.cmpi ne, %sign3A_1175, %sign3A_1182 : i32
      %rem3A_1184 = arith.remsi %add3A_1166, %jit3A_1167 : i32
      %ne3A_1185 = arith.constant 0 : i32
      %ne3A_1186 = arith.cmpi ne, %rem3A_1184, %ne3A_1185 : i32
      %and3A_1187 = arith.andi %ne3A_1183, %ne3A_1186 : i1
      %sub3A_1188 = arith.constant 1 : i32
      %sub3A_1189 = arith.subi %div3A_1168, %sub3A_1188 : i32
      %select_n3A_1190 = arith.select %and3A_1187, %sub3A_1189, %div3A_1168 : i32
      %jit3A_1191 = arith.constant 16 : i32
      %eq3A_1192 = arith.constant 0 : i32
      %eq3A_1193 = arith.cmpi eq, %jit3A_1191, %eq3A_1192 : i32
      %jit3A_1194 = arith.constant 1 : i32
      %select_n3A_1195 = arith.select %eq3A_1193, %jit3A_1194, %jit3A_1191 : i32
      %rem3A_1196 = arith.remsi %add3A_1166, %select_n3A_1195 : i32
      %ne3A_1197 = arith.constant 0 : i32
      %ne3A_1198 = arith.cmpi ne, %rem3A_1196, %ne3A_1197 : i32
      %lt3A_1199 = arith.constant 0 : i32
      %lt3A_1200 = arith.cmpi slt, %rem3A_1196, %lt3A_1199 : i32
      %lt3A_1201 = arith.constant 0 : i32
      %lt3A_1202 = arith.cmpi slt, %select_n3A_1195, %lt3A_1201 : i32
      %ne3A_1203 = arith.xori %lt3A_1200, %lt3A_1202 : i1
      %and3A_1204 = arith.andi %ne3A_1203, %ne3A_1198 : i1
      %add3A_1205 = arith.addi %rem3A_1196, %select_n3A_1195 : i32
      %select_n3A_1206 = arith.select %and3A_1204, %add3A_1205, %rem3A_1196 : i32
      %jit3A_1207 = arith.constant 2 : i32
      %div3A_1208 = arith.divsi %select_n3A_1206, %jit3A_1207 : i32
      %sign3A_1209 = arith.constant 0 : i32
      %sign3A_1210 = arith.cmpi sgt, %select_n3A_1206, %sign3A_1209 : i32
      %sign3A_1211 = arith.extui %sign3A_1210 : i1 to i32
      %sign3A_1212 = arith.constant 0 : i32
      %sign3A_1213 = arith.cmpi slt, %select_n3A_1206, %sign3A_1212 : i32
      %sign3A_1214 = arith.extui %sign3A_1213 : i1 to i32
      %sign3A_1215 = arith.subi %sign3A_1211, %sign3A_1214 : i32
      %sign3A_1216 = arith.constant 0 : i32
      %sign3A_1217 = arith.cmpi sgt, %jit3A_1207, %sign3A_1216 : i32
      %sign3A_1218 = arith.extui %sign3A_1217 : i1 to i32
      %sign3A_1219 = arith.constant 0 : i32
      %sign3A_1220 = arith.cmpi slt, %jit3A_1207, %sign3A_1219 : i32
      %sign3A_1221 = arith.extui %sign3A_1220 : i1 to i32
      %sign3A_1222 = arith.subi %sign3A_1218, %sign3A_1221 : i32
      %ne3A_1223 = arith.cmpi ne, %sign3A_1215, %sign3A_1222 : i32
      %rem3A_1224 = arith.remsi %select_n3A_1206, %jit3A_1207 : i32
      %ne3A_1225 = arith.constant 0 : i32
      %ne3A_1226 = arith.cmpi ne, %rem3A_1224, %ne3A_1225 : i32
      %and3A_1227 = arith.andi %ne3A_1223, %ne3A_1226 : i1
      %sub3A_1228 = arith.constant 1 : i32
      %sub3A_1229 = arith.subi %div3A_1208, %sub3A_1228 : i32
      %select_n3A_1230 = arith.select %and3A_1227, %sub3A_1229, %div3A_1208 : i32
      %mul3A_1231 = arith.constant 8 : i32
      %mul3A_1232 = arith.muli %select_n3A_1230, %mul3A_1231 : i32
      %jit3A_1233 = arith.constant 2 : i32
      %eq3A_1234 = arith.constant 0 : i32
      %eq3A_1235 = arith.cmpi eq, %jit3A_1233, %eq3A_1234 : i32
      %jit3A_1236 = arith.constant 1 : i32
      %select_n3A_1237 = arith.select %eq3A_1235, %jit3A_1236, %jit3A_1233 : i32
      %rem3A_1238 = arith.remsi %select_n3A_1206, %select_n3A_1237 : i32
      %ne3A_1239 = arith.constant 0 : i32
      %ne3A_1240 = arith.cmpi ne, %rem3A_1238, %ne3A_1239 : i32
      %lt3A_1241 = arith.constant 0 : i32
      %lt3A_1242 = arith.cmpi slt, %rem3A_1238, %lt3A_1241 : i32
      %lt3A_1243 = arith.constant 0 : i32
      %lt3A_1244 = arith.cmpi slt, %select_n3A_1237, %lt3A_1243 : i32
      %ne3A_1245 = arith.xori %lt3A_1242, %lt3A_1244 : i1
      %and3A_1246 = arith.andi %ne3A_1245, %ne3A_1240 : i1
      %add3A_1247 = arith.addi %rem3A_1238, %select_n3A_1237 : i32
      %select_n3A_1248 = arith.select %and3A_1246, %add3A_1247, %rem3A_1238 : i32
      %mul3A_1249 = arith.constant 2048 : i32
      %mul3A_1250 = arith.muli %select_n3A_1248, %mul3A_1249 : i32
      %dma_wait3A_1251 = arith.constant 1 : i32
      %dma_wait3A_1252 = arith.constant 0 : i32
      %dma_wait3A_1253 = tpu.memref_slice %arg6[%dma_wait3A_1251, %dma_wait3A_1252] : memref<4x2048xi32, #tpu.memory_space<vmem>> -> memref<1x2048xi32, #tpu.memory_space<vmem>>
      %dma_wait3A_1254 = tpu.memref_squeeze %dma_wait3A_1253 : memref<1x2048xi32, #tpu.memory_space<vmem>> -> memref<2048xi32, #tpu.memory_space<vmem>>
      %dma_wait3A_1255 = tpu.memref_slice %arg2[%select_n3A_1190, %mul3A_1250] : memref<200x4096xi32, #tpu.memory_space<hbm>> -> memref<1x2048xi32, #tpu.memory_space<hbm>>
      %dma_wait3A_1256 = tpu.memref_squeeze %dma_wait3A_1255 : memref<1x2048xi32, #tpu.memory_space<hbm>> -> memref<2048xi32, #tpu.memory_space<hbm>>
      %dma_wait3A_1257 = arith.constant 0 : i32
      %dma_wait3A_1258 = tpu.memref_slice %arg6[%dma_wait3A_1251, %dma_wait3A_1257] : memref<4x2048xi32, #tpu.memory_space<vmem>> -> memref<1x2048xi32, #tpu.memory_space<vmem>>
      %dma_wait3A_1259 = tpu.memref_squeeze %dma_wait3A_1258 : memref<1x2048xi32, #tpu.memory_space<vmem>> -> memref<2048xi32, #tpu.memory_space<vmem>>
      %dma_wait3A_1260 = tpu.memref_slice %arg2[%select_n3A_1190, %mul3A_1250] : memref<200x4096xi32, #tpu.memory_space<hbm>> -> memref<1x2048xi32, #tpu.memory_space<hbm>>
      %dma_wait3A_1261 = tpu.memref_squeeze %dma_wait3A_1260 : memref<1x2048xi32, #tpu.memory_space<hbm>> -> memref<2048xi32, #tpu.memory_space<hbm>>
      tpu.wait_dma2 semaphore(%arg9 : memref<!tpu.dma_semaphore, #tpu.memory_space<semaphore_mem>>) src(%dma_wait3A_1261 : memref<2048xi32, #tpu.memory_space<hbm>>) dst(%dma_wait3A_1259 : memref<2048xi32, #tpu.memory_space<vmem>>)
      %jit3A_1262 = arith.constant 16 : i32
      %div3A_1263 = arith.divsi %add3A_1166, %jit3A_1262 : i32
      %sign3A_1264 = arith.constant 0 : i32
      %sign3A_1265 = arith.cmpi sgt, %add3A_1166, %sign3A_1264 : i32
      %sign3A_1266 = arith.extui %sign3A_1265 : i1 to i32
      %sign3A_1267 = arith.constant 0 : i32
      %sign3A_1268 = arith.cmpi slt, %add3A_1166, %sign3A_1267 : i32
      %sign3A_1269 = arith.extui %sign3A_1268 : i1 to i32
      %sign3A_1270 = arith.subi %sign3A_1266, %sign3A_1269 : i32
      %sign3A_1271 = arith.constant 0 : i32
      %sign3A_1272 = arith.cmpi sgt, %jit3A_1262, %sign3A_1271 : i32
      %sign3A_1273 = arith.extui %sign3A_1272 : i1 to i32
      %sign3A_1274 = arith.constant 0 : i32
      %sign3A_1275 = arith.cmpi slt, %jit3A_1262, %sign3A_1274 : i32
      %sign3A_1276 = arith.extui %sign3A_1275 : i1 to i32
      %sign3A_1277 = arith.subi %sign3A_1273, %sign3A_1276 : i32
      %ne3A_1278 = arith.cmpi ne, %sign3A_1270, %sign3A_1277 : i32
      %rem3A_1279 = arith.remsi %add3A_1166, %jit3A_1262 : i32
      %ne3A_1280 = arith.constant 0 : i32
      %ne3A_1281 = arith.cmpi ne, %rem3A_1279, %ne3A_1280 : i32
      %and3A_1282 = arith.andi %ne3A_1278, %ne3A_1281 : i1
      %sub3A_1283 = arith.constant 1 : i32
      %sub3A_1284 = arith.subi %div3A_1263, %sub3A_1283 : i32
      %select_n3A_1285 = arith.select %and3A_1282, %sub3A_1284, %div3A_1263 : i32
      %jit3A_1286 = arith.constant 16 : i32
      %eq3A_1287 = arith.constant 0 : i32
      %eq3A_1288 = arith.cmpi eq, %jit3A_1286, %eq3A_1287 : i32
      %jit3A_1289 = arith.constant 1 : i32
      %select_n3A_1290 = arith.select %eq3A_1288, %jit3A_1289, %jit3A_1286 : i32
      %rem3A_1291 = arith.remsi %add3A_1166, %select_n3A_1290 : i32
      %ne3A_1292 = arith.constant 0 : i32
      %ne3A_1293 = arith.cmpi ne, %rem3A_1291, %ne3A_1292 : i32
      %lt3A_1294 = arith.constant 0 : i32
      %lt3A_1295 = arith.cmpi slt, %rem3A_1291, %lt3A_1294 : i32
      %lt3A_1296 = arith.constant 0 : i32
      %lt3A_1297 = arith.cmpi slt, %select_n3A_1290, %lt3A_1296 : i32
      %ne3A_1298 = arith.xori %lt3A_1295, %lt3A_1297 : i1
      %and3A_1299 = arith.andi %ne3A_1298, %ne3A_1293 : i1
      %add3A_1300 = arith.addi %rem3A_1291, %select_n3A_1290 : i32
      %select_n3A_1301 = arith.select %and3A_1299, %add3A_1300, %rem3A_1291 : i32
      %jit3A_1302 = arith.constant 2 : i32
      %div3A_1303 = arith.divsi %select_n3A_1301, %jit3A_1302 : i32
      %sign3A_1304 = arith.constant 0 : i32
      %sign3A_1305 = arith.cmpi sgt, %select_n3A_1301, %sign3A_1304 : i32
      %sign3A_1306 = arith.extui %sign3A_1305 : i1 to i32
      %sign3A_1307 = arith.constant 0 : i32
      %sign3A_1308 = arith.cmpi slt, %select_n3A_1301, %sign3A_1307 : i32
      %sign3A_1309 = arith.extui %sign3A_1308 : i1 to i32
      %sign3A_1310 = arith.subi %sign3A_1306, %sign3A_1309 : i32
      %sign3A_1311 = arith.constant 0 : i32
      %sign3A_1312 = arith.cmpi sgt, %jit3A_1302, %sign3A_1311 : i32
      %sign3A_1313 = arith.extui %sign3A_1312 : i1 to i32
      %sign3A_1314 = arith.constant 0 : i32
      %sign3A_1315 = arith.cmpi slt, %jit3A_1302, %sign3A_1314 : i32
      %sign3A_1316 = arith.extui %sign3A_1315 : i1 to i32
      %sign3A_1317 = arith.subi %sign3A_1313, %sign3A_1316 : i32
      %ne3A_1318 = arith.cmpi ne, %sign3A_1310, %sign3A_1317 : i32
      %rem3A_1319 = arith.remsi %select_n3A_1301, %jit3A_1302 : i32
      %ne3A_1320 = arith.constant 0 : i32
      %ne3A_1321 = arith.cmpi ne, %rem3A_1319, %ne3A_1320 : i32
      %and3A_1322 = arith.andi %ne3A_1318, %ne3A_1321 : i1
      %sub3A_1323 = arith.constant 1 : i32
      %sub3A_1324 = arith.subi %div3A_1303, %sub3A_1323 : i32
      %select_n3A_1325 = arith.select %and3A_1322, %sub3A_1324, %div3A_1303 : i32
      %mul3A_1326 = arith.constant 8 : i32
      %mul3A_1327 = arith.muli %select_n3A_1325, %mul3A_1326 : i32
      %jit3A_1328 = arith.constant 2 : i32
      %eq3A_1329 = arith.constant 0 : i32
      %eq3A_1330 = arith.cmpi eq, %jit3A_1328, %eq3A_1329 : i32
      %jit3A_1331 = arith.constant 1 : i32
      %select_n3A_1332 = arith.select %eq3A_1330, %jit3A_1331, %jit3A_1328 : i32
      %rem3A_1333 = arith.remsi %select_n3A_1301, %select_n3A_1332 : i32
      %ne3A_1334 = arith.constant 0 : i32
      %ne3A_1335 = arith.cmpi ne, %rem3A_1333, %ne3A_1334 : i32
      %lt3A_1336 = arith.constant 0 : i32
      %lt3A_1337 = arith.cmpi slt, %rem3A_1333, %lt3A_1336 : i32
      %lt3A_1338 = arith.constant 0 : i32
      %lt3A_1339 = arith.cmpi slt, %select_n3A_1332, %lt3A_1338 : i32
      %ne3A_1340 = arith.xori %lt3A_1337, %lt3A_1339 : i1
      %and3A_1341 = arith.andi %ne3A_1340, %ne3A_1335 : i1
      %add3A_1342 = arith.addi %rem3A_1333, %select_n3A_1332 : i32
      %select_n3A_1343 = arith.select %and3A_1341, %add3A_1342, %rem3A_1333 : i32
      %mul3A_1344 = arith.constant 2048 : i32
      %mul3A_1345 = arith.muli %select_n3A_1343, %mul3A_1344 : i32
      %add3A_1346 = arith.constant 1 : i32
      %add3A_1347 = arith.addi %select_n3A_1285, %add3A_1346 : i32
      %mul3A_1348 = arith.constant 64 : i32
      %mul3A_1349 = arith.muli %add3A_1347, %mul3A_1348 : i32
      %add3A_1350 = arith.addi %mul3A_1349, %mul3A_1327 : i32
      %add3A_1351 = arith.constant 0 : i32
      %add3A_1352 = arith.addi %add3A_1350, %add3A_1351 : i32
      %add3A_1353 = vector.broadcast %add3A_1352 : i32 to vector<16xi32>
      %add3A_1354 = arith.addi %add3A_1353, %mul3A_6 : vector<16xi32>
      %gather3A_1355 = tpu.vector_load_idx %arg5[%add3A_1354] : memref<12864xf32, #tpu.memory_space<vmem>>[vector<16xi32>], vector<16xf32>,
      %add3A_1356 = arith.constant 1 : i32
      %add3A_1357 = arith.addi %add3A_1350, %add3A_1356 : i32
      %add3A_1358 = vector.broadcast %add3A_1357 : i32 to vector<16xi32>
      %add3A_1359 = arith.addi %add3A_1358, %mul3A_6 : vector<16xi32>
      %gather3A_1360 = tpu.vector_load_idx %arg5[%add3A_1359] : memref<12864xf32, #tpu.memory_space<vmem>>[vector<16xi32>], vector<16xf32>,
      %add3A_1361 = arith.constant 2 : i32
      %add3A_1362 = arith.addi %add3A_1350, %add3A_1361 : i32
      %add3A_1363 = vector.broadcast %add3A_1362 : i32 to vector<16xi32>
      %add3A_1364 = arith.addi %add3A_1363, %mul3A_6 : vector<16xi32>
      %gather3A_1365 = tpu.vector_load_idx %arg5[%add3A_1364] : memref<12864xf32, #tpu.memory_space<vmem>>[vector<16xi32>], vector<16xf32>,
      %add3A_1366 = arith.constant 3 : i32
      %add3A_1367 = arith.addi %add3A_1350, %add3A_1366 : i32
      %add3A_1368 = vector.broadcast %add3A_1367 : i32 to vector<16xi32>
      %add3A_1369 = arith.addi %add3A_1368, %mul3A_6 : vector<16xi32>
      %gather3A_1370 = tpu.vector_load_idx %arg5[%add3A_1369] : memref<12864xf32, #tpu.memory_space<vmem>>[vector<16xi32>], vector<16xf32>,
      %add3A_1371 = arith.constant 4 : i32
      %add3A_1372 = arith.addi %add3A_1350, %add3A_1371 : i32
      %add3A_1373 = vector.broadcast %add3A_1372 : i32 to vector<16xi32>
      %add3A_1374 = arith.addi %add3A_1373, %mul3A_6 : vector<16xi32>
      %gather3A_1375 = tpu.vector_load_idx %arg5[%add3A_1374] : memref<12864xf32, #tpu.memory_space<vmem>>[vector<16xi32>], vector<16xf32>,
      %add3A_1376 = arith.constant 5 : i32
      %add3A_1377 = arith.addi %add3A_1350, %add3A_1376 : i32
      %add3A_1378 = vector.broadcast %add3A_1377 : i32 to vector<16xi32>
      %add3A_1379 = arith.addi %add3A_1378, %mul3A_6 : vector<16xi32>
      %gather3A_1380 = tpu.vector_load_idx %arg5[%add3A_1379] : memref<12864xf32, #tpu.memory_space<vmem>>[vector<16xi32>], vector<16xf32>,
      %add3A_1381 = arith.constant 6 : i32
      %add3A_1382 = arith.addi %add3A_1350, %add3A_1381 : i32
      %add3A_1383 = vector.broadcast %add3A_1382 : i32 to vector<16xi32>
      %add3A_1384 = arith.addi %add3A_1383, %mul3A_6 : vector<16xi32>
      %gather3A_1385 = tpu.vector_load_idx %arg5[%add3A_1384] : memref<12864xf32, #tpu.memory_space<vmem>>[vector<16xi32>], vector<16xf32>,
      %add3A_1386 = arith.constant 7 : i32
      %add3A_1387 = arith.addi %add3A_1350, %add3A_1386 : i32
      %add3A_1388 = vector.broadcast %add3A_1387 : i32 to vector<16xi32>
      %add3A_1389 = arith.addi %add3A_1388, %mul3A_6 : vector<16xi32>
      %gather3A_1390 = tpu.vector_load_idx %arg5[%add3A_1389] : memref<12864xf32, #tpu.memory_space<vmem>>[vector<16xi32>], vector<16xf32>,
      %broadcast_in_dim3A_1391 = arith.constant 2147483647 : i32
      %broadcast_in_dim3A_1392 = vector.broadcast %broadcast_in_dim3A_1391 : i32 to vector<16xi32>
      %scan3A_1393 = arith.constant 0 : i32
      %scan3A_1394 = arith.constant 16 : i32
      %scan3A_1395 = arith.addi %scan3A_1393, %scan3A_1394 : i32
      %scan3A_1396 = arith.constant 1 : i32
      %scan3A_1397:4 = scf.for %scan3A_2206 = %scan3A_1393 to %scan3A_1395 step %scan3A_1396 iter_args(%scan3A_2207 = %broadcast_in_dim3A_1392, %scan3A_2208 = %broadcast_in_dim3A_1392, %scan3A_2209 = %broadcast_in_dim3A_1392, %scan3A_2210 = %broadcast_in_dim3A_1392) -> (vector<16xi32>, vector<16xi32>, vector<16xi32>, vector<16xi32>)  : i32 {
        %mul3A_2211 = arith.constant 8 : i32
        %mul3A_2212 = arith.muli %scan3A_2206, %mul3A_2211 : i32
        %add3A_2213 = arith.constant 0 : i32
        %add3A_2214 = arith.addi %mul3A_2212, %add3A_2213 : i32
        %mul3A_2215 = arith.constant 16 : i32
        %mul3A_2216 = arith.muli %add3A_2214, %mul3A_2215 : i32
        %get3A = arith.constant 1 : i32
        %get3A_2217 = arith.index_cast %get3A : i32 to index
        %get3A_2218 = arith.index_cast %mul3A_2216 : i32 to index
        %get3A_2219 = tpu.vector_load %arg6[%get3A_2217, %get3A_2218] {strides = array<i32>} : memref<4x2048xi32, #tpu.memory_space<vmem>>, vector<16xi32>,
        %min3A_2220 = arith.minsi %scan3A_2207, %get3A_2219 : vector<16xi32>
        %swap3A = arith.constant 1 : i32
        %swap3A_2221 = arith.constant 0 : i32
        %swap3A_2222 = arith.index_cast %swap3A : i32 to index
        %swap3A_2223 = arith.index_cast %swap3A_2221 : i32 to index
        %swap3A_2224 = arith.index_cast %mul3A_2216 : i32 to index
        %swap3A_2225 = tpu.vector_load %arg7[%swap3A_2222, %swap3A_2223, %swap3A_2224] {strides = array<i32>} : memref<4x8x2048xf32, #tpu.memory_space<vmem>>, vector<16xf32>,
        tpu.vector_store %arg7[%swap3A_2222, %swap3A_2223, %swap3A_2224], %gather3A_1355 {strides = array<i32>} : memref<4x8x2048xf32, #tpu.memory_space<vmem>>, vector<16xf32>,
        %swap3A_2226 = arith.constant 1 : i32
        %swap3A_2227 = arith.constant 1 : i32
        %swap3A_2228 = arith.index_cast %swap3A_2226 : i32 to index
        %swap3A_2229 = arith.index_cast %swap3A_2227 : i32 to index
        %swap3A_2230 = arith.index_cast %mul3A_2216 : i32 to index
        %swap3A_2231 = tpu.vector_load %arg7[%swap3A_2228, %swap3A_2229, %swap3A_2230] {strides = array<i32>} : memref<4x8x2048xf32, #tpu.memory_space<vmem>>, vector<16xf32>,
        tpu.vector_store %arg7[%swap3A_2228, %swap3A_2229, %swap3A_2230], %gather3A_1360 {strides = array<i32>} : memref<4x8x2048xf32, #tpu.memory_space<vmem>>, vector<16xf32>,
        %swap3A_2232 = arith.constant 1 : i32
        %swap3A_2233 = arith.constant 2 : i32
        %swap3A_2234 = arith.index_cast %swap3A_2232 : i32 to index
        %swap3A_2235 = arith.index_cast %swap3A_2233 : i32 to index
        %swap3A_2236 = arith.index_cast %mul3A_2216 : i32 to index
        %swap3A_2237 = tpu.vector_load %arg7[%swap3A_2234, %swap3A_2235, %swap3A_2236] {strides = array<i32>} : memref<4x8x2048xf32, #tpu.memory_space<vmem>>, vector<16xf32>,
        tpu.vector_store %arg7[%swap3A_2234, %swap3A_2235, %swap3A_2236], %gather3A_1365 {strides = array<i32>} : memref<4x8x2048xf32, #tpu.memory_space<vmem>>, vector<16xf32>,
        %swap3A_2238 = arith.constant 1 : i32
        %swap3A_2239 = arith.constant 3 : i32
        %swap3A_2240 = arith.index_cast %swap3A_2238 : i32 to index
        %swap3A_2241 = arith.index_cast %swap3A_2239 : i32 to index
        %swap3A_2242 = arith.index_cast %mul3A_2216 : i32 to index
        %swap3A_2243 = tpu.vector_load %arg7[%swap3A_2240, %swap3A_2241, %swap3A_2242] {strides = array<i32>} : memref<4x8x2048xf32, #tpu.memory_space<vmem>>, vector<16xf32>,
        tpu.vector_store %arg7[%swap3A_2240, %swap3A_2241, %swap3A_2242], %gather3A_1370 {strides = array<i32>} : memref<4x8x2048xf32, #tpu.memory_space<vmem>>, vector<16xf32>,
        %swap3A_2244 = arith.constant 1 : i32
        %swap3A_2245 = arith.constant 4 : i32
        %swap3A_2246 = arith.index_cast %swap3A_2244 : i32 to index
        %swap3A_2247 = arith.index_cast %swap3A_2245 : i32 to index
        %swap3A_2248 = arith.index_cast %mul3A_2216 : i32 to index
        %swap3A_2249 = tpu.vector_load %arg7[%swap3A_2246, %swap3A_2247, %swap3A_2248] {strides = array<i32>} : memref<4x8x2048xf32, #tpu.memory_space<vmem>>, vector<16xf32>,
        tpu.vector_store %arg7[%swap3A_2246, %swap3A_2247, %swap3A_2248], %gather3A_1375 {strides = array<i32>} : memref<4x8x2048xf32, #tpu.memory_space<vmem>>, vector<16xf32>,
        %swap3A_2250 = arith.constant 1 : i32
        %swap3A_2251 = arith.constant 5 : i32
        %swap3A_2252 = arith.index_cast %swap3A_2250 : i32 to index
        %swap3A_2253 = arith.index_cast %swap3A_2251 : i32 to index
        %swap3A_2254 = arith.index_cast %mul3A_2216 : i32 to index
        %swap3A_2255 = tpu.vector_load %arg7[%swap3A_2252, %swap3A_2253, %swap3A_2254] {strides = array<i32>} : memref<4x8x2048xf32, #tpu.memory_space<vmem>>, vector<16xf32>,
        tpu.vector_store %arg7[%swap3A_2252, %swap3A_2253, %swap3A_2254], %gather3A_1380 {strides = array<i32>} : memref<4x8x2048xf32, #tpu.memory_space<vmem>>, vector<16xf32>,
        %swap3A_2256 = arith.constant 1 : i32
        %swap3A_2257 = arith.constant 6 : i32
        %swap3A_2258 = arith.index_cast %swap3A_2256 : i32 to index
        %swap3A_2259 = arith.index_cast %swap3A_2257 : i32 to index
        %swap3A_2260 = arith.index_cast %mul3A_2216 : i32 to index
        %swap3A_2261 = tpu.vector_load %arg7[%swap3A_2258, %swap3A_2259, %swap3A_2260] {strides = array<i32>} : memref<4x8x2048xf32, #tpu.memory_space<vmem>>, vector<16xf32>,
        tpu.vector_store %arg7[%swap3A_2258, %swap3A_2259, %swap3A_2260], %gather3A_1385 {strides = array<i32>} : memref<4x8x2048xf32, #tpu.memory_space<vmem>>, vector<16xf32>,
        %swap3A_2262 = arith.constant 1 : i32
        %swap3A_2263 = arith.constant 7 : i32
        %swap3A_2264 = arith.index_cast %swap3A_2262 : i32 to index
        %swap3A_2265 = arith.index_cast %swap3A_2263 : i32 to index
        %swap3A_2266 = arith.index_cast %mul3A_2216 : i32 to index
        %swap3A_2267 = tpu.vector_load %arg7[%swap3A_2264, %swap3A_2265, %swap3A_2266] {strides = array<i32>} : memref<4x8x2048xf32, #tpu.memory_space<vmem>>, vector<16xf32>,
        tpu.vector_store %arg7[%swap3A_2264, %swap3A_2265, %swap3A_2266], %gather3A_1390 {strides = array<i32>} : memref<4x8x2048xf32, #tpu.memory_space<vmem>>, vector<16xf32>,
        %mul3A_2268 = arith.constant 8 : i32
        %mul3A_2269 = arith.muli %scan3A_2206, %mul3A_2268 : i32
        %add3A_2270 = arith.constant 1 : i32
        %add3A_2271 = arith.addi %mul3A_2269, %add3A_2270 : i32
        %mul3A_2272 = arith.constant 16 : i32
        %mul3A_2273 = arith.muli %add3A_2271, %mul3A_2272 : i32
        %get3A_2274 = arith.constant 1 : i32
        %get3A_2275 = arith.index_cast %get3A_2274 : i32 to index
        %get3A_2276 = arith.index_cast %mul3A_2273 : i32 to index
        %get3A_2277 = tpu.vector_load %arg6[%get3A_2275, %get3A_2276] {strides = array<i32>} : memref<4x2048xi32, #tpu.memory_space<vmem>>, vector<16xi32>,
        %min3A_2278 = arith.minsi %scan3A_2208, %get3A_2277 : vector<16xi32>
        %swap3A_2279 = arith.constant 1 : i32
        %swap3A_2280 = arith.constant 0 : i32
        %swap3A_2281 = arith.index_cast %swap3A_2279 : i32 to index
        %swap3A_2282 = arith.index_cast %swap3A_2280 : i32 to index
        %swap3A_2283 = arith.index_cast %mul3A_2273 : i32 to index
        %swap3A_2284 = tpu.vector_load %arg7[%swap3A_2281, %swap3A_2282, %swap3A_2283] {strides = array<i32>} : memref<4x8x2048xf32, #tpu.memory_space<vmem>>, vector<16xf32>,
        tpu.vector_store %arg7[%swap3A_2281, %swap3A_2282, %swap3A_2283], %gather3A_1355 {strides = array<i32>} : memref<4x8x2048xf32, #tpu.memory_space<vmem>>, vector<16xf32>,
        %swap3A_2285 = arith.constant 1 : i32
        %swap3A_2286 = arith.constant 1 : i32
        %swap3A_2287 = arith.index_cast %swap3A_2285 : i32 to index
        %swap3A_2288 = arith.index_cast %swap3A_2286 : i32 to index
        %swap3A_2289 = arith.index_cast %mul3A_2273 : i32 to index
        %swap3A_2290 = tpu.vector_load %arg7[%swap3A_2287, %swap3A_2288, %swap3A_2289] {strides = array<i32>} : memref<4x8x2048xf32, #tpu.memory_space<vmem>>, vector<16xf32>,
        tpu.vector_store %arg7[%swap3A_2287, %swap3A_2288, %swap3A_2289], %gather3A_1360 {strides = array<i32>} : memref<4x8x2048xf32, #tpu.memory_space<vmem>>, vector<16xf32>,
        %swap3A_2291 = arith.constant 1 : i32
        %swap3A_2292 = arith.constant 2 : i32
        %swap3A_2293 = arith.index_cast %swap3A_2291 : i32 to index
        %swap3A_2294 = arith.index_cast %swap3A_2292 : i32 to index
        %swap3A_2295 = arith.index_cast %mul3A_2273 : i32 to index
        %swap3A_2296 = tpu.vector_load %arg7[%swap3A_2293, %swap3A_2294, %swap3A_2295] {strides = array<i32>} : memref<4x8x2048xf32, #tpu.memory_space<vmem>>, vector<16xf32>,
        tpu.vector_store %arg7[%swap3A_2293, %swap3A_2294, %swap3A_2295], %gather3A_1365 {strides = array<i32>} : memref<4x8x2048xf32, #tpu.memory_space<vmem>>, vector<16xf32>,
        %swap3A_2297 = arith.constant 1 : i32
        %swap3A_2298 = arith.constant 3 : i32
        %swap3A_2299 = arith.index_cast %swap3A_2297 : i32 to index
        %swap3A_2300 = arith.index_cast %swap3A_2298 : i32 to index
        %swap3A_2301 = arith.index_cast %mul3A_2273 : i32 to index
        %swap3A_2302 = tpu.vector_load %arg7[%swap3A_2299, %swap3A_2300, %swap3A_2301] {strides = array<i32>} : memref<4x8x2048xf32, #tpu.memory_space<vmem>>, vector<16xf32>,
        tpu.vector_store %arg7[%swap3A_2299, %swap3A_2300, %swap3A_2301], %gather3A_1370 {strides = array<i32>} : memref<4x8x2048xf32, #tpu.memory_space<vmem>>, vector<16xf32>,
        %swap3A_2303 = arith.constant 1 : i32
        %swap3A_2304 = arith.constant 4 : i32
        %swap3A_2305 = arith.index_cast %swap3A_2303 : i32 to index
        %swap3A_2306 = arith.index_cast %swap3A_2304 : i32 to index
        %swap3A_2307 = arith.index_cast %mul3A_2273 : i32 to index
        %swap3A_2308 = tpu.vector_load %arg7[%swap3A_2305, %swap3A_2306, %swap3A_2307] {strides = array<i32>} : memref<4x8x2048xf32, #tpu.memory_space<vmem>>, vector<16xf32>,
        tpu.vector_store %arg7[%swap3A_2305, %swap3A_2306, %swap3A_2307], %gather3A_1375 {strides = array<i32>} : memref<4x8x2048xf32, #tpu.memory_space<vmem>>, vector<16xf32>,
        %swap3A_2309 = arith.constant 1 : i32
        %swap3A_2310 = arith.constant 5 : i32
        %swap3A_2311 = arith.index_cast %swap3A_2309 : i32 to index
        %swap3A_2312 = arith.index_cast %swap3A_2310 : i32 to index
        %swap3A_2313 = arith.index_cast %mul3A_2273 : i32 to index
        %swap3A_2314 = tpu.vector_load %arg7[%swap3A_2311, %swap3A_2312, %swap3A_2313] {strides = array<i32>} : memref<4x8x2048xf32, #tpu.memory_space<vmem>>, vector<16xf32>,
        tpu.vector_store %arg7[%swap3A_2311, %swap3A_2312, %swap3A_2313], %gather3A_1380 {strides = array<i32>} : memref<4x8x2048xf32, #tpu.memory_space<vmem>>, vector<16xf32>,
        %swap3A_2315 = arith.constant 1 : i32
        %swap3A_2316 = arith.constant 6 : i32
        %swap3A_2317 = arith.index_cast %swap3A_2315 : i32 to index
        %swap3A_2318 = arith.index_cast %swap3A_2316 : i32 to index
        %swap3A_2319 = arith.index_cast %mul3A_2273 : i32 to index
        %swap3A_2320 = tpu.vector_load %arg7[%swap3A_2317, %swap3A_2318, %swap3A_2319] {strides = array<i32>} : memref<4x8x2048xf32, #tpu.memory_space<vmem>>, vector<16xf32>,
        tpu.vector_store %arg7[%swap3A_2317, %swap3A_2318, %swap3A_2319], %gather3A_1385 {strides = array<i32>} : memref<4x8x2048xf32, #tpu.memory_space<vmem>>, vector<16xf32>,
        %swap3A_2321 = arith.constant 1 : i32
        %swap3A_2322 = arith.constant 7 : i32
        %swap3A_2323 = arith.index_cast %swap3A_2321 : i32 to index
        %swap3A_2324 = arith.index_cast %swap3A_2322 : i32 to index
        %swap3A_2325 = arith.index_cast %mul3A_2273 : i32 to index
        %swap3A_2326 = tpu.vector_load %arg7[%swap3A_2323, %swap3A_2324, %swap3A_2325] {strides = array<i32>} : memref<4x8x2048xf32, #tpu.memory_space<vmem>>, vector<16xf32>,
        tpu.vector_store %arg7[%swap3A_2323, %swap3A_2324, %swap3A_2325], %gather3A_1390 {strides = array<i32>} : memref<4x8x2048xf32, #tpu.memory_space<vmem>>, vector<16xf32>,
        %mul3A_2327 = arith.constant 8 : i32
        %mul3A_2328 = arith.muli %scan3A_2206, %mul3A_2327 : i32
        %add3A_2329 = arith.constant 2 : i32
        %add3A_2330 = arith.addi %mul3A_2328, %add3A_2329 : i32
        %mul3A_2331 = arith.constant 16 : i32
        %mul3A_2332 = arith.muli %add3A_2330, %mul3A_2331 : i32
        %get3A_2333 = arith.constant 1 : i32
        %get3A_2334 = arith.index_cast %get3A_2333 : i32 to index
        %get3A_2335 = arith.index_cast %mul3A_2332 : i32 to index
        %get3A_2336 = tpu.vector_load %arg6[%get3A_2334, %get3A_2335] {strides = array<i32>} : memref<4x2048xi32, #tpu.memory_space<vmem>>, vector<16xi32>,
        %min3A_2337 = arith.minsi %scan3A_2209, %get3A_2336 : vector<16xi32>
        %swap3A_2338 = arith.constant 1 : i32
        %swap3A_2339 = arith.constant 0 : i32
        %swap3A_2340 = arith.index_cast %swap3A_2338 : i32 to index
        %swap3A_2341 = arith.index_cast %swap3A_2339 : i32 to index
        %swap3A_2342 = arith.index_cast %mul3A_2332 : i32 to index
        %swap3A_2343 = tpu.vector_load %arg7[%swap3A_2340, %swap3A_2341, %swap3A_2342] {strides = array<i32>} : memref<4x8x2048xf32, #tpu.memory_space<vmem>>, vector<16xf32>,
        tpu.vector_store %arg7[%swap3A_2340, %swap3A_2341, %swap3A_2342], %gather3A_1355 {strides = array<i32>} : memref<4x8x2048xf32, #tpu.memory_space<vmem>>, vector<16xf32>,
        %swap3A_2344 = arith.constant 1 : i32
        %swap3A_2345 = arith.constant 1 : i32
        %swap3A_2346 = arith.index_cast %swap3A_2344 : i32 to index
        %swap3A_2347 = arith.index_cast %swap3A_2345 : i32 to index
        %swap3A_2348 = arith.index_cast %mul3A_2332 : i32 to index
        %swap3A_2349 = tpu.vector_load %arg7[%swap3A_2346, %swap3A_2347, %swap3A_2348] {strides = array<i32>} : memref<4x8x2048xf32, #tpu.memory_space<vmem>>, vector<16xf32>,
        tpu.vector_store %arg7[%swap3A_2346, %swap3A_2347, %swap3A_2348], %gather3A_1360 {strides = array<i32>} : memref<4x8x2048xf32, #tpu.memory_space<vmem>>, vector<16xf32>,
        %swap3A_2350 = arith.constant 1 : i32
        %swap3A_2351 = arith.constant 2 : i32
        %swap3A_2352 = arith.index_cast %swap3A_2350 : i32 to index
        %swap3A_2353 = arith.index_cast %swap3A_2351 : i32 to index
        %swap3A_2354 = arith.index_cast %mul3A_2332 : i32 to index
        %swap3A_2355 = tpu.vector_load %arg7[%swap3A_2352, %swap3A_2353, %swap3A_2354] {strides = array<i32>} : memref<4x8x2048xf32, #tpu.memory_space<vmem>>, vector<16xf32>,
        tpu.vector_store %arg7[%swap3A_2352, %swap3A_2353, %swap3A_2354], %gather3A_1365 {strides = array<i32>} : memref<4x8x2048xf32, #tpu.memory_space<vmem>>, vector<16xf32>,
        %swap3A_2356 = arith.constant 1 : i32
        %swap3A_2357 = arith.constant 3 : i32
        %swap3A_2358 = arith.index_cast %swap3A_2356 : i32 to index
        %swap3A_2359 = arith.index_cast %swap3A_2357 : i32 to index
        %swap3A_2360 = arith.index_cast %mul3A_2332 : i32 to index
        %swap3A_2361 = tpu.vector_load %arg7[%swap3A_2358, %swap3A_2359, %swap3A_2360] {strides = array<i32>} : memref<4x8x2048xf32, #tpu.memory_space<vmem>>, vector<16xf32>,
        tpu.vector_store %arg7[%swap3A_2358, %swap3A_2359, %swap3A_2360], %gather3A_1370 {strides = array<i32>} : memref<4x8x2048xf32, #tpu.memory_space<vmem>>, vector<16xf32>,
        %swap3A_2362 = arith.constant 1 : i32
        %swap3A_2363 = arith.constant 4 : i32
        %swap3A_2364 = arith.index_cast %swap3A_2362 : i32 to index
        %swap3A_2365 = arith.index_cast %swap3A_2363 : i32 to index
        %swap3A_2366 = arith.index_cast %mul3A_2332 : i32 to index
        %swap3A_2367 = tpu.vector_load %arg7[%swap3A_2364, %swap3A_2365, %swap3A_2366] {strides = array<i32>} : memref<4x8x2048xf32, #tpu.memory_space<vmem>>, vector<16xf32>,
        tpu.vector_store %arg7[%swap3A_2364, %swap3A_2365, %swap3A_2366], %gather3A_1375 {strides = array<i32>} : memref<4x8x2048xf32, #tpu.memory_space<vmem>>, vector<16xf32>,
        %swap3A_2368 = arith.constant 1 : i32
        %swap3A_2369 = arith.constant 5 : i32
        %swap3A_2370 = arith.index_cast %swap3A_2368 : i32 to index
        %swap3A_2371 = arith.index_cast %swap3A_2369 : i32 to index
        %swap3A_2372 = arith.index_cast %mul3A_2332 : i32 to index
        %swap3A_2373 = tpu.vector_load %arg7[%swap3A_2370, %swap3A_2371, %swap3A_2372] {strides = array<i32>} : memref<4x8x2048xf32, #tpu.memory_space<vmem>>, vector<16xf32>,
        tpu.vector_store %arg7[%swap3A_2370, %swap3A_2371, %swap3A_2372], %gather3A_1380 {strides = array<i32>} : memref<4x8x2048xf32, #tpu.memory_space<vmem>>, vector<16xf32>,
        %swap3A_2374 = arith.constant 1 : i32
        %swap3A_2375 = arith.constant 6 : i32
        %swap3A_2376 = arith.index_cast %swap3A_2374 : i32 to index
        %swap3A_2377 = arith.index_cast %swap3A_2375 : i32 to index
        %swap3A_2378 = arith.index_cast %mul3A_2332 : i32 to index
        %swap3A_2379 = tpu.vector_load %arg7[%swap3A_2376, %swap3A_2377, %swap3A_2378] {strides = array<i32>} : memref<4x8x2048xf32, #tpu.memory_space<vmem>>, vector<16xf32>,
        tpu.vector_store %arg7[%swap3A_2376, %swap3A_2377, %swap3A_2378], %gather3A_1385 {strides = array<i32>} : memref<4x8x2048xf32, #tpu.memory_space<vmem>>, vector<16xf32>,
        %swap3A_2380 = arith.constant 1 : i32
        %swap3A_2381 = arith.constant 7 : i32
        %swap3A_2382 = arith.index_cast %swap3A_2380 : i32 to index
        %swap3A_2383 = arith.index_cast %swap3A_2381 : i32 to index
        %swap3A_2384 = arith.index_cast %mul3A_2332 : i32 to index
        %swap3A_2385 = tpu.vector_load %arg7[%swap3A_2382, %swap3A_2383, %swap3A_2384] {strides = array<i32>} : memref<4x8x2048xf32, #tpu.memory_space<vmem>>, vector<16xf32>,
        tpu.vector_store %arg7[%swap3A_2382, %swap3A_2383, %swap3A_2384], %gather3A_1390 {strides = array<i32>} : memref<4x8x2048xf32, #tpu.memory_space<vmem>>, vector<16xf32>,
        %mul3A_2386 = arith.constant 8 : i32
        %mul3A_2387 = arith.muli %scan3A_2206, %mul3A_2386 : i32
        %add3A_2388 = arith.constant 3 : i32
        %add3A_2389 = arith.addi %mul3A_2387, %add3A_2388 : i32
        %mul3A_2390 = arith.constant 16 : i32
        %mul3A_2391 = arith.muli %add3A_2389, %mul3A_2390 : i32
        %get3A_2392 = arith.constant 1 : i32
        %get3A_2393 = arith.index_cast %get3A_2392 : i32 to index
        %get3A_2394 = arith.index_cast %mul3A_2391 : i32 to index
        %get3A_2395 = tpu.vector_load %arg6[%get3A_2393, %get3A_2394] {strides = array<i32>} : memref<4x2048xi32, #tpu.memory_space<vmem>>, vector<16xi32>,
        %min3A_2396 = arith.minsi %scan3A_2210, %get3A_2395 : vector<16xi32>
        %swap3A_2397 = arith.constant 1 : i32
        %swap3A_2398 = arith.constant 0 : i32
        %swap3A_2399 = arith.index_cast %swap3A_2397 : i32 to index
        %swap3A_2400 = arith.index_cast %swap3A_2398 : i32 to index
        %swap3A_2401 = arith.index_cast %mul3A_2391 : i32 to index
        %swap3A_2402 = tpu.vector_load %arg7[%swap3A_2399, %swap3A_2400, %swap3A_2401] {strides = array<i32>} : memref<4x8x2048xf32, #tpu.memory_space<vmem>>, vector<16xf32>,
        tpu.vector_store %arg7[%swap3A_2399, %swap3A_2400, %swap3A_2401], %gather3A_1355 {strides = array<i32>} : memref<4x8x2048xf32, #tpu.memory_space<vmem>>, vector<16xf32>,
        %swap3A_2403 = arith.constant 1 : i32
        %swap3A_2404 = arith.constant 1 : i32
        %swap3A_2405 = arith.index_cast %swap3A_2403 : i32 to index
        %swap3A_2406 = arith.index_cast %swap3A_2404 : i32 to index
        %swap3A_2407 = arith.index_cast %mul3A_2391 : i32 to index
        %swap3A_2408 = tpu.vector_load %arg7[%swap3A_2405, %swap3A_2406, %swap3A_2407] {strides = array<i32>} : memref<4x8x2048xf32, #tpu.memory_space<vmem>>, vector<16xf32>,
        tpu.vector_store %arg7[%swap3A_2405, %swap3A_2406, %swap3A_2407], %gather3A_1360 {strides = array<i32>} : memref<4x8x2048xf32, #tpu.memory_space<vmem>>, vector<16xf32>,
        %swap3A_2409 = arith.constant 1 : i32
        %swap3A_2410 = arith.constant 2 : i32
        %swap3A_2411 = arith.index_cast %swap3A_2409 : i32 to index
        %swap3A_2412 = arith.index_cast %swap3A_2410 : i32 to index
        %swap3A_2413 = arith.index_cast %mul3A_2391 : i32 to index
        %swap3A_2414 = tpu.vector_load %arg7[%swap3A_2411, %swap3A_2412, %swap3A_2413] {strides = array<i32>} : memref<4x8x2048xf32, #tpu.memory_space<vmem>>, vector<16xf32>,
        tpu.vector_store %arg7[%swap3A_2411, %swap3A_2412, %swap3A_2413], %gather3A_1365 {strides = array<i32>} : memref<4x8x2048xf32, #tpu.memory_space<vmem>>, vector<16xf32>,
        %swap3A_2415 = arith.constant 1 : i32
        %swap3A_2416 = arith.constant 3 : i32
        %swap3A_2417 = arith.index_cast %swap3A_2415 : i32 to index
        %swap3A_2418 = arith.index_cast %swap3A_2416 : i32 to index
        %swap3A_2419 = arith.index_cast %mul3A_2391 : i32 to index
        %swap3A_2420 = tpu.vector_load %arg7[%swap3A_2417, %swap3A_2418, %swap3A_2419] {strides = array<i32>} : memref<4x8x2048xf32, #tpu.memory_space<vmem>>, vector<16xf32>,
        tpu.vector_store %arg7[%swap3A_2417, %swap3A_2418, %swap3A_2419], %gather3A_1370 {strides = array<i32>} : memref<4x8x2048xf32, #tpu.memory_space<vmem>>, vector<16xf32>,
        %swap3A_2421 = arith.constant 1 : i32
        %swap3A_2422 = arith.constant 4 : i32
        %swap3A_2423 = arith.index_cast %swap3A_2421 : i32 to index
        %swap3A_2424 = arith.index_cast %swap3A_2422 : i32 to index
        %swap3A_2425 = arith.index_cast %mul3A_2391 : i32 to index
        %swap3A_2426 = tpu.vector_load %arg7[%swap3A_2423, %swap3A_2424, %swap3A_2425] {strides = array<i32>} : memref<4x8x2048xf32, #tpu.memory_space<vmem>>, vector<16xf32>,
        tpu.vector_store %arg7[%swap3A_2423, %swap3A_2424, %swap3A_2425], %gather3A_1375 {strides = array<i32>} : memref<4x8x2048xf32, #tpu.memory_space<vmem>>, vector<16xf32>,
        %swap3A_2427 = arith.constant 1 : i32
        %swap3A_2428 = arith.constant 5 : i32
        %swap3A_2429 = arith.index_cast %swap3A_2427 : i32 to index
        %swap3A_2430 = arith.index_cast %swap3A_2428 : i32 to index
        %swap3A_2431 = arith.index_cast %mul3A_2391 : i32 to index
        %swap3A_2432 = tpu.vector_load %arg7[%swap3A_2429, %swap3A_2430, %swap3A_2431] {strides = array<i32>} : memref<4x8x2048xf32, #tpu.memory_space<vmem>>, vector<16xf32>,
        tpu.vector_store %arg7[%swap3A_2429, %swap3A_2430, %swap3A_2431], %gather3A_1380 {strides = array<i32>} : memref<4x8x2048xf32, #tpu.memory_space<vmem>>, vector<16xf32>,
        %swap3A_2433 = arith.constant 1 : i32
        %swap3A_2434 = arith.constant 6 : i32
        %swap3A_2435 = arith.index_cast %swap3A_2433 : i32 to index
        %swap3A_2436 = arith.index_cast %swap3A_2434 : i32 to index
        %swap3A_2437 = arith.index_cast %mul3A_2391 : i32 to index
        %swap3A_2438 = tpu.vector_load %arg7[%swap3A_2435, %swap3A_2436, %swap3A_2437] {strides = array<i32>} : memref<4x8x2048xf32, #tpu.memory_space<vmem>>, vector<16xf32>,
        tpu.vector_store %arg7[%swap3A_2435, %swap3A_2436, %swap3A_2437], %gather3A_1385 {strides = array<i32>} : memref<4x8x2048xf32, #tpu.memory_space<vmem>>, vector<16xf32>,
        %swap3A_2439 = arith.constant 1 : i32
        %swap3A_2440 = arith.constant 7 : i32
        %swap3A_2441 = arith.index_cast %swap3A_2439 : i32 to index
        %swap3A_2442 = arith.index_cast %swap3A_2440 : i32 to index
        %swap3A_2443 = arith.index_cast %mul3A_2391 : i32 to index
        %swap3A_2444 = tpu.vector_load %arg7[%swap3A_2441, %swap3A_2442, %swap3A_2443] {strides = array<i32>} : memref<4x8x2048xf32, #tpu.memory_space<vmem>>, vector<16xf32>,
        tpu.vector_store %arg7[%swap3A_2441, %swap3A_2442, %swap3A_2443], %gather3A_1390 {strides = array<i32>} : memref<4x8x2048xf32, #tpu.memory_space<vmem>>, vector<16xf32>,
        %mul3A_2445 = arith.constant 8 : i32
        %mul3A_2446 = arith.muli %scan3A_2206, %mul3A_2445 : i32
        %add3A_2447 = arith.constant 4 : i32
        %add3A_2448 = arith.addi %mul3A_2446, %add3A_2447 : i32
        %mul3A_2449 = arith.constant 16 : i32
        %mul3A_2450 = arith.muli %add3A_2448, %mul3A_2449 : i32
        %get3A_2451 = arith.constant 1 : i32
        %get3A_2452 = arith.index_cast %get3A_2451 : i32 to index
        %get3A_2453 = arith.index_cast %mul3A_2450 : i32 to index
        %get3A_2454 = tpu.vector_load %arg6[%get3A_2452, %get3A_2453] {strides = array<i32>} : memref<4x2048xi32, #tpu.memory_space<vmem>>, vector<16xi32>,
        %min3A_2455 = arith.minsi %min3A_2220, %get3A_2454 : vector<16xi32>
        %swap3A_2456 = arith.constant 1 : i32
        %swap3A_2457 = arith.constant 0 : i32
        %swap3A_2458 = arith.index_cast %swap3A_2456 : i32 to index
        %swap3A_2459 = arith.index_cast %swap3A_2457 : i32 to index
        %swap3A_2460 = arith.index_cast %mul3A_2450 : i32 to index
        %swap3A_2461 = tpu.vector_load %arg7[%swap3A_2458, %swap3A_2459, %swap3A_2460] {strides = array<i32>} : memref<4x8x2048xf32, #tpu.memory_space<vmem>>, vector<16xf32>,
        tpu.vector_store %arg7[%swap3A_2458, %swap3A_2459, %swap3A_2460], %gather3A_1355 {strides = array<i32>} : memref<4x8x2048xf32, #tpu.memory_space<vmem>>, vector<16xf32>,
        %swap3A_2462 = arith.constant 1 : i32
        %swap3A_2463 = arith.constant 1 : i32
        %swap3A_2464 = arith.index_cast %swap3A_2462 : i32 to index
        %swap3A_2465 = arith.index_cast %swap3A_2463 : i32 to index
        %swap3A_2466 = arith.index_cast %mul3A_2450 : i32 to index
        %swap3A_2467 = tpu.vector_load %arg7[%swap3A_2464, %swap3A_2465, %swap3A_2466] {strides = array<i32>} : memref<4x8x2048xf32, #tpu.memory_space<vmem>>, vector<16xf32>,
        tpu.vector_store %arg7[%swap3A_2464, %swap3A_2465, %swap3A_2466], %gather3A_1360 {strides = array<i32>} : memref<4x8x2048xf32, #tpu.memory_space<vmem>>, vector<16xf32>,
        %swap3A_2468 = arith.constant 1 : i32
        %swap3A_2469 = arith.constant 2 : i32
        %swap3A_2470 = arith.index_cast %swap3A_2468 : i32 to index
        %swap3A_2471 = arith.index_cast %swap3A_2469 : i32 to index
        %swap3A_2472 = arith.index_cast %mul3A_2450 : i32 to index
        %swap3A_2473 = tpu.vector_load %arg7[%swap3A_2470, %swap3A_2471, %swap3A_2472] {strides = array<i32>} : memref<4x8x2048xf32, #tpu.memory_space<vmem>>, vector<16xf32>,
        tpu.vector_store %arg7[%swap3A_2470, %swap3A_2471, %swap3A_2472], %gather3A_1365 {strides = array<i32>} : memref<4x8x2048xf32, #tpu.memory_space<vmem>>, vector<16xf32>,
        %swap3A_2474 = arith.constant 1 : i32
        %swap3A_2475 = arith.constant 3 : i32
        %swap3A_2476 = arith.index_cast %swap3A_2474 : i32 to index
        %swap3A_2477 = arith.index_cast %swap3A_2475 : i32 to index
        %swap3A_2478 = arith.index_cast %mul3A_2450 : i32 to index
        %swap3A_2479 = tpu.vector_load %arg7[%swap3A_2476, %swap3A_2477, %swap3A_2478] {strides = array<i32>} : memref<4x8x2048xf32, #tpu.memory_space<vmem>>, vector<16xf32>,
        tpu.vector_store %arg7[%swap3A_2476, %swap3A_2477, %swap3A_2478], %gather3A_1370 {strides = array<i32>} : memref<4x8x2048xf32, #tpu.memory_space<vmem>>, vector<16xf32>,
        %swap3A_2480 = arith.constant 1 : i32
        %swap3A_2481 = arith.constant 4 : i32
        %swap3A_2482 = arith.index_cast %swap3A_2480 : i32 to index
        %swap3A_2483 = arith.index_cast %swap3A_2481 : i32 to index
        %swap3A_2484 = arith.index_cast %mul3A_2450 : i32 to index
        %swap3A_2485 = tpu.vector_load %arg7[%swap3A_2482, %swap3A_2483, %swap3A_2484] {strides = array<i32>} : memref<4x8x2048xf32, #tpu.memory_space<vmem>>, vector<16xf32>,
        tpu.vector_store %arg7[%swap3A_2482, %swap3A_2483, %swap3A_2484], %gather3A_1375 {strides = array<i32>} : memref<4x8x2048xf32, #tpu.memory_space<vmem>>, vector<16xf32>,
        %swap3A_2486 = arith.constant 1 : i32
        %swap3A_2487 = arith.constant 5 : i32
        %swap3A_2488 = arith.index_cast %swap3A_2486 : i32 to index
        %swap3A_2489 = arith.index_cast %swap3A_2487 : i32 to index
        %swap3A_2490 = arith.index_cast %mul3A_2450 : i32 to index
        %swap3A_2491 = tpu.vector_load %arg7[%swap3A_2488, %swap3A_2489, %swap3A_2490] {strides = array<i32>} : memref<4x8x2048xf32, #tpu.memory_space<vmem>>, vector<16xf32>,
        tpu.vector_store %arg7[%swap3A_2488, %swap3A_2489, %swap3A_2490], %gather3A_1380 {strides = array<i32>} : memref<4x8x2048xf32, #tpu.memory_space<vmem>>, vector<16xf32>,
        %swap3A_2492 = arith.constant 1 : i32
        %swap3A_2493 = arith.constant 6 : i32
        %swap3A_2494 = arith.index_cast %swap3A_2492 : i32 to index
        %swap3A_2495 = arith.index_cast %swap3A_2493 : i32 to index
        %swap3A_2496 = arith.index_cast %mul3A_2450 : i32 to index
        %swap3A_2497 = tpu.vector_load %arg7[%swap3A_2494, %swap3A_2495, %swap3A_2496] {strides = array<i32>} : memref<4x8x2048xf32, #tpu.memory_space<vmem>>, vector<16xf32>,
        tpu.vector_store %arg7[%swap3A_2494, %swap3A_2495, %swap3A_2496], %gather3A_1385 {strides = array<i32>} : memref<4x8x2048xf32, #tpu.memory_space<vmem>>, vector<16xf32>,
        %swap3A_2498 = arith.constant 1 : i32
        %swap3A_2499 = arith.constant 7 : i32
        %swap3A_2500 = arith.index_cast %swap3A_2498 : i32 to index
        %swap3A_2501 = arith.index_cast %swap3A_2499 : i32 to index
        %swap3A_2502 = arith.index_cast %mul3A_2450 : i32 to index
        %swap3A_2503 = tpu.vector_load %arg7[%swap3A_2500, %swap3A_2501, %swap3A_2502] {strides = array<i32>} : memref<4x8x2048xf32, #tpu.memory_space<vmem>>, vector<16xf32>,
        tpu.vector_store %arg7[%swap3A_2500, %swap3A_2501, %swap3A_2502], %gather3A_1390 {strides = array<i32>} : memref<4x8x2048xf32, #tpu.memory_space<vmem>>, vector<16xf32>,
        %mul3A_2504 = arith.constant 8 : i32
        %mul3A_2505 = arith.muli %scan3A_2206, %mul3A_2504 : i32
        %add3A_2506 = arith.constant 5 : i32
        %add3A_2507 = arith.addi %mul3A_2505, %add3A_2506 : i32
        %mul3A_2508 = arith.constant 16 : i32
        %mul3A_2509 = arith.muli %add3A_2507, %mul3A_2508 : i32
        %get3A_2510 = arith.constant 1 : i32
        %get3A_2511 = arith.index_cast %get3A_2510 : i32 to index
        %get3A_2512 = arith.index_cast %mul3A_2509 : i32 to index
        %get3A_2513 = tpu.vector_load %arg6[%get3A_2511, %get3A_2512] {strides = array<i32>} : memref<4x2048xi32, #tpu.memory_space<vmem>>, vector<16xi32>,
        %min3A_2514 = arith.minsi %min3A_2278, %get3A_2513 : vector<16xi32>
        %swap3A_2515 = arith.constant 1 : i32
        %swap3A_2516 = arith.constant 0 : i32
        %swap3A_2517 = arith.index_cast %swap3A_2515 : i32 to index
        %swap3A_2518 = arith.index_cast %swap3A_2516 : i32 to index
        %swap3A_2519 = arith.index_cast %mul3A_2509 : i32 to index
        %swap3A_2520 = tpu.vector_load %arg7[%swap3A_2517, %swap3A_2518, %swap3A_2519] {strides = array<i32>} : memref<4x8x2048xf32, #tpu.memory_space<vmem>>, vector<16xf32>,
        tpu.vector_store %arg7[%swap3A_2517, %swap3A_2518, %swap3A_2519], %gather3A_1355 {strides = array<i32>} : memref<4x8x2048xf32, #tpu.memory_space<vmem>>, vector<16xf32>,
        %swap3A_2521 = arith.constant 1 : i32
        %swap3A_2522 = arith.constant 1 : i32
        %swap3A_2523 = arith.index_cast %swap3A_2521 : i32 to index
        %swap3A_2524 = arith.index_cast %swap3A_2522 : i32 to index
        %swap3A_2525 = arith.index_cast %mul3A_2509 : i32 to index
        %swap3A_2526 = tpu.vector_load %arg7[%swap3A_2523, %swap3A_2524, %swap3A_2525] {strides = array<i32>} : memref<4x8x2048xf32, #tpu.memory_space<vmem>>, vector<16xf32>,
        tpu.vector_store %arg7[%swap3A_2523, %swap3A_2524, %swap3A_2525], %gather3A_1360 {strides = array<i32>} : memref<4x8x2048xf32, #tpu.memory_space<vmem>>, vector<16xf32>,
        %swap3A_2527 = arith.constant 1 : i32
        %swap3A_2528 = arith.constant 2 : i32
        %swap3A_2529 = arith.index_cast %swap3A_2527 : i32 to index
        %swap3A_2530 = arith.index_cast %swap3A_2528 : i32 to index
        %swap3A_2531 = arith.index_cast %mul3A_2509 : i32 to index
        %swap3A_2532 = tpu.vector_load %arg7[%swap3A_2529, %swap3A_2530, %swap3A_2531] {strides = array<i32>} : memref<4x8x2048xf32, #tpu.memory_space<vmem>>, vector<16xf32>,
        tpu.vector_store %arg7[%swap3A_2529, %swap3A_2530, %swap3A_2531], %gather3A_1365 {strides = array<i32>} : memref<4x8x2048xf32, #tpu.memory_space<vmem>>, vector<16xf32>,
        %swap3A_2533 = arith.constant 1 : i32
        %swap3A_2534 = arith.constant 3 : i32
        %swap3A_2535 = arith.index_cast %swap3A_2533 : i32 to index
        %swap3A_2536 = arith.index_cast %swap3A_2534 : i32 to index
        %swap3A_2537 = arith.index_cast %mul3A_2509 : i32 to index
        %swap3A_2538 = tpu.vector_load %arg7[%swap3A_2535, %swap3A_2536, %swap3A_2537] {strides = array<i32>} : memref<4x8x2048xf32, #tpu.memory_space<vmem>>, vector<16xf32>,
        tpu.vector_store %arg7[%swap3A_2535, %swap3A_2536, %swap3A_2537], %gather3A_1370 {strides = array<i32>} : memref<4x8x2048xf32, #tpu.memory_space<vmem>>, vector<16xf32>,
        %swap3A_2539 = arith.constant 1 : i32
        %swap3A_2540 = arith.constant 4 : i32
        %swap3A_2541 = arith.index_cast %swap3A_2539 : i32 to index
        %swap3A_2542 = arith.index_cast %swap3A_2540 : i32 to index
        %swap3A_2543 = arith.index_cast %mul3A_2509 : i32 to index
        %swap3A_2544 = tpu.vector_load %arg7[%swap3A_2541, %swap3A_2542, %swap3A_2543] {strides = array<i32>} : memref<4x8x2048xf32, #tpu.memory_space<vmem>>, vector<16xf32>,
        tpu.vector_store %arg7[%swap3A_2541, %swap3A_2542, %swap3A_2543], %gather3A_1375 {strides = array<i32>} : memref<4x8x2048xf32, #tpu.memory_space<vmem>>, vector<16xf32>,
        %swap3A_2545 = arith.constant 1 : i32
        %swap3A_2546 = arith.constant 5 : i32
        %swap3A_2547 = arith.index_cast %swap3A_2545 : i32 to index
        %swap3A_2548 = arith.index_cast %swap3A_2546 : i32 to index
        %swap3A_2549 = arith.index_cast %mul3A_2509 : i32 to index
        %swap3A_2550 = tpu.vector_load %arg7[%swap3A_2547, %swap3A_2548, %swap3A_2549] {strides = array<i32>} : memref<4x8x2048xf32, #tpu.memory_space<vmem>>, vector<16xf32>,
        tpu.vector_store %arg7[%swap3A_2547, %swap3A_2548, %swap3A_2549], %gather3A_1380 {strides = array<i32>} : memref<4x8x2048xf32, #tpu.memory_space<vmem>>, vector<16xf32>,
        %swap3A_2551 = arith.constant 1 : i32
        %swap3A_2552 = arith.constant 6 : i32
        %swap3A_2553 = arith.index_cast %swap3A_2551 : i32 to index
        %swap3A_2554 = arith.index_cast %swap3A_2552 : i32 to index
        %swap3A_2555 = arith.index_cast %mul3A_2509 : i32 to index
        %swap3A_2556 = tpu.vector_load %arg7[%swap3A_2553, %swap3A_2554, %swap3A_2555] {strides = array<i32>} : memref<4x8x2048xf32, #tpu.memory_space<vmem>>, vector<16xf32>,
        tpu.vector_store %arg7[%swap3A_2553, %swap3A_2554, %swap3A_2555], %gather3A_1385 {strides = array<i32>} : memref<4x8x2048xf32, #tpu.memory_space<vmem>>, vector<16xf32>,
        %swap3A_2557 = arith.constant 1 : i32
        %swap3A_2558 = arith.constant 7 : i32
        %swap3A_2559 = arith.index_cast %swap3A_2557 : i32 to index
        %swap3A_2560 = arith.index_cast %swap3A_2558 : i32 to index
        %swap3A_2561 = arith.index_cast %mul3A_2509 : i32 to index
        %swap3A_2562 = tpu.vector_load %arg7[%swap3A_2559, %swap3A_2560, %swap3A_2561] {strides = array<i32>} : memref<4x8x2048xf32, #tpu.memory_space<vmem>>, vector<16xf32>,
        tpu.vector_store %arg7[%swap3A_2559, %swap3A_2560, %swap3A_2561], %gather3A_1390 {strides = array<i32>} : memref<4x8x2048xf32, #tpu.memory_space<vmem>>, vector<16xf32>,
        %mul3A_2563 = arith.constant 8 : i32
        %mul3A_2564 = arith.muli %scan3A_2206, %mul3A_2563 : i32
        %add3A_2565 = arith.constant 6 : i32
        %add3A_2566 = arith.addi %mul3A_2564, %add3A_2565 : i32
        %mul3A_2567 = arith.constant 16 : i32
        %mul3A_2568 = arith.muli %add3A_2566, %mul3A_2567 : i32
        %get3A_2569 = arith.constant 1 : i32
        %get3A_2570 = arith.index_cast %get3A_2569 : i32 to index
        %get3A_2571 = arith.index_cast %mul3A_2568 : i32 to index
        %get3A_2572 = tpu.vector_load %arg6[%get3A_2570, %get3A_2571] {strides = array<i32>} : memref<4x2048xi32, #tpu.memory_space<vmem>>, vector<16xi32>,
        %min3A_2573 = arith.minsi %min3A_2337, %get3A_2572 : vector<16xi32>
        %swap3A_2574 = arith.constant 1 : i32
        %swap3A_2575 = arith.constant 0 : i32
        %swap3A_2576 = arith.index_cast %swap3A_2574 : i32 to index
        %swap3A_2577 = arith.index_cast %swap3A_2575 : i32 to index
        %swap3A_2578 = arith.index_cast %mul3A_2568 : i32 to index
        %swap3A_2579 = tpu.vector_load %arg7[%swap3A_2576, %swap3A_2577, %swap3A_2578] {strides = array<i32>} : memref<4x8x2048xf32, #tpu.memory_space<vmem>>, vector<16xf32>,
        tpu.vector_store %arg7[%swap3A_2576, %swap3A_2577, %swap3A_2578], %gather3A_1355 {strides = array<i32>} : memref<4x8x2048xf32, #tpu.memory_space<vmem>>, vector<16xf32>,
        %swap3A_2580 = arith.constant 1 : i32
        %swap3A_2581 = arith.constant 1 : i32
        %swap3A_2582 = arith.index_cast %swap3A_2580 : i32 to index
        %swap3A_2583 = arith.index_cast %swap3A_2581 : i32 to index
        %swap3A_2584 = arith.index_cast %mul3A_2568 : i32 to index
        %swap3A_2585 = tpu.vector_load %arg7[%swap3A_2582, %swap3A_2583, %swap3A_2584] {strides = array<i32>} : memref<4x8x2048xf32, #tpu.memory_space<vmem>>, vector<16xf32>,
        tpu.vector_store %arg7[%swap3A_2582, %swap3A_2583, %swap3A_2584], %gather3A_1360 {strides = array<i32>} : memref<4x8x2048xf32, #tpu.memory_space<vmem>>, vector<16xf32>,
        %swap3A_2586 = arith.constant 1 : i32
        %swap3A_2587 = arith.constant 2 : i32
        %swap3A_2588 = arith.index_cast %swap3A_2586 : i32 to index
        %swap3A_2589 = arith.index_cast %swap3A_2587 : i32 to index
        %swap3A_2590 = arith.index_cast %mul3A_2568 : i32 to index
        %swap3A_2591 = tpu.vector_load %arg7[%swap3A_2588, %swap3A_2589, %swap3A_2590] {strides = array<i32>} : memref<4x8x2048xf32, #tpu.memory_space<vmem>>, vector<16xf32>,
        tpu.vector_store %arg7[%swap3A_2588, %swap3A_2589, %swap3A_2590], %gather3A_1365 {strides = array<i32>} : memref<4x8x2048xf32, #tpu.memory_space<vmem>>, vector<16xf32>,
        %swap3A_2592 = arith.constant 1 : i32
        %swap3A_2593 = arith.constant 3 : i32
        %swap3A_2594 = arith.index_cast %swap3A_2592 : i32 to index
        %swap3A_2595 = arith.index_cast %swap3A_2593 : i32 to index
        %swap3A_2596 = arith.index_cast %mul3A_2568 : i32 to index
        %swap3A_2597 = tpu.vector_load %arg7[%swap3A_2594, %swap3A_2595, %swap3A_2596] {strides = array<i32>} : memref<4x8x2048xf32, #tpu.memory_space<vmem>>, vector<16xf32>,
        tpu.vector_store %arg7[%swap3A_2594, %swap3A_2595, %swap3A_2596], %gather3A_1370 {strides = array<i32>} : memref<4x8x2048xf32, #tpu.memory_space<vmem>>, vector<16xf32>,
        %swap3A_2598 = arith.constant 1 : i32
        %swap3A_2599 = arith.constant 4 : i32
        %swap3A_2600 = arith.index_cast %swap3A_2598 : i32 to index
        %swap3A_2601 = arith.index_cast %swap3A_2599 : i32 to index
        %swap3A_2602 = arith.index_cast %mul3A_2568 : i32 to index
        %swap3A_2603 = tpu.vector_load %arg7[%swap3A_2600, %swap3A_2601, %swap3A_2602] {strides = array<i32>} : memref<4x8x2048xf32, #tpu.memory_space<vmem>>, vector<16xf32>,
        tpu.vector_store %arg7[%swap3A_2600, %swap3A_2601, %swap3A_2602], %gather3A_1375 {strides = array<i32>} : memref<4x8x2048xf32, #tpu.memory_space<vmem>>, vector<16xf32>,
        %swap3A_2604 = arith.constant 1 : i32
        %swap3A_2605 = arith.constant 5 : i32
        %swap3A_2606 = arith.index_cast %swap3A_2604 : i32 to index
        %swap3A_2607 = arith.index_cast %swap3A_2605 : i32 to index
        %swap3A_2608 = arith.index_cast %mul3A_2568 : i32 to index
        %swap3A_2609 = tpu.vector_load %arg7[%swap3A_2606, %swap3A_2607, %swap3A_2608] {strides = array<i32>} : memref<4x8x2048xf32, #tpu.memory_space<vmem>>, vector<16xf32>,
        tpu.vector_store %arg7[%swap3A_2606, %swap3A_2607, %swap3A_2608], %gather3A_1380 {strides = array<i32>} : memref<4x8x2048xf32, #tpu.memory_space<vmem>>, vector<16xf32>,
        %swap3A_2610 = arith.constant 1 : i32
        %swap3A_2611 = arith.constant 6 : i32
        %swap3A_2612 = arith.index_cast %swap3A_2610 : i32 to index
        %swap3A_2613 = arith.index_cast %swap3A_2611 : i32 to index
        %swap3A_2614 = arith.index_cast %mul3A_2568 : i32 to index
        %swap3A_2615 = tpu.vector_load %arg7[%swap3A_2612, %swap3A_2613, %swap3A_2614] {strides = array<i32>} : memref<4x8x2048xf32, #tpu.memory_space<vmem>>, vector<16xf32>,
        tpu.vector_store %arg7[%swap3A_2612, %swap3A_2613, %swap3A_2614], %gather3A_1385 {strides = array<i32>} : memref<4x8x2048xf32, #tpu.memory_space<vmem>>, vector<16xf32>,
        %swap3A_2616 = arith.constant 1 : i32
        %swap3A_2617 = arith.constant 7 : i32
        %swap3A_2618 = arith.index_cast %swap3A_2616 : i32 to index
        %swap3A_2619 = arith.index_cast %swap3A_2617 : i32 to index
        %swap3A_2620 = arith.index_cast %mul3A_2568 : i32 to index
        %swap3A_2621 = tpu.vector_load %arg7[%swap3A_2618, %swap3A_2619, %swap3A_2620] {strides = array<i32>} : memref<4x8x2048xf32, #tpu.memory_space<vmem>>, vector<16xf32>,
        tpu.vector_store %arg7[%swap3A_2618, %swap3A_2619, %swap3A_2620], %gather3A_1390 {strides = array<i32>} : memref<4x8x2048xf32, #tpu.memory_space<vmem>>, vector<16xf32>,
        %mul3A_2622 = arith.constant 8 : i32
        %mul3A_2623 = arith.muli %scan3A_2206, %mul3A_2622 : i32
        %add3A_2624 = arith.constant 7 : i32
        %add3A_2625 = arith.addi %mul3A_2623, %add3A_2624 : i32
        %mul3A_2626 = arith.constant 16 : i32
        %mul3A_2627 = arith.muli %add3A_2625, %mul3A_2626 : i32
        %get3A_2628 = arith.constant 1 : i32
        %get3A_2629 = arith.index_cast %get3A_2628 : i32 to index
        %get3A_2630 = arith.index_cast %mul3A_2627 : i32 to index
        %get3A_2631 = tpu.vector_load %arg6[%get3A_2629, %get3A_2630] {strides = array<i32>} : memref<4x2048xi32, #tpu.memory_space<vmem>>, vector<16xi32>,
        %min3A_2632 = arith.minsi %min3A_2396, %get3A_2631 : vector<16xi32>
        %swap3A_2633 = arith.constant 1 : i32
        %swap3A_2634 = arith.constant 0 : i32
        %swap3A_2635 = arith.index_cast %swap3A_2633 : i32 to index
        %swap3A_2636 = arith.index_cast %swap3A_2634 : i32 to index
        %swap3A_2637 = arith.index_cast %mul3A_2627 : i32 to index
        %swap3A_2638 = tpu.vector_load %arg7[%swap3A_2635, %swap3A_2636, %swap3A_2637] {strides = array<i32>} : memref<4x8x2048xf32, #tpu.memory_space<vmem>>, vector<16xf32>,
        tpu.vector_store %arg7[%swap3A_2635, %swap3A_2636, %swap3A_2637], %gather3A_1355 {strides = array<i32>} : memref<4x8x2048xf32, #tpu.memory_space<vmem>>, vector<16xf32>,
        %swap3A_2639 = arith.constant 1 : i32
        %swap3A_2640 = arith.constant 1 : i32
        %swap3A_2641 = arith.index_cast %swap3A_2639 : i32 to index
        %swap3A_2642 = arith.index_cast %swap3A_2640 : i32 to index
        %swap3A_2643 = arith.index_cast %mul3A_2627 : i32 to index
        %swap3A_2644 = tpu.vector_load %arg7[%swap3A_2641, %swap3A_2642, %swap3A_2643] {strides = array<i32>} : memref<4x8x2048xf32, #tpu.memory_space<vmem>>, vector<16xf32>,
        tpu.vector_store %arg7[%swap3A_2641, %swap3A_2642, %swap3A_2643], %gather3A_1360 {strides = array<i32>} : memref<4x8x2048xf32, #tpu.memory_space<vmem>>, vector<16xf32>,
        %swap3A_2645 = arith.constant 1 : i32
        %swap3A_2646 = arith.constant 2 : i32
        %swap3A_2647 = arith.index_cast %swap3A_2645 : i32 to index
        %swap3A_2648 = arith.index_cast %swap3A_2646 : i32 to index
        %swap3A_2649 = arith.index_cast %mul3A_2627 : i32 to index
        %swap3A_2650 = tpu.vector_load %arg7[%swap3A_2647, %swap3A_2648, %swap3A_2649] {strides = array<i32>} : memref<4x8x2048xf32, #tpu.memory_space<vmem>>, vector<16xf32>,
        tpu.vector_store %arg7[%swap3A_2647, %swap3A_2648, %swap3A_2649], %gather3A_1365 {strides = array<i32>} : memref<4x8x2048xf32, #tpu.memory_space<vmem>>, vector<16xf32>,
        %swap3A_2651 = arith.constant 1 : i32
        %swap3A_2652 = arith.constant 3 : i32
        %swap3A_2653 = arith.index_cast %swap3A_2651 : i32 to index
        %swap3A_2654 = arith.index_cast %swap3A_2652 : i32 to index
        %swap3A_2655 = arith.index_cast %mul3A_2627 : i32 to index
        %swap3A_2656 = tpu.vector_load %arg7[%swap3A_2653, %swap3A_2654, %swap3A_2655] {strides = array<i32>} : memref<4x8x2048xf32, #tpu.memory_space<vmem>>, vector<16xf32>,
        tpu.vector_store %arg7[%swap3A_2653, %swap3A_2654, %swap3A_2655], %gather3A_1370 {strides = array<i32>} : memref<4x8x2048xf32, #tpu.memory_space<vmem>>, vector<16xf32>,
        %swap3A_2657 = arith.constant 1 : i32
        %swap3A_2658 = arith.constant 4 : i32
        %swap3A_2659 = arith.index_cast %swap3A_2657 : i32 to index
        %swap3A_2660 = arith.index_cast %swap3A_2658 : i32 to index
        %swap3A_2661 = arith.index_cast %mul3A_2627 : i32 to index
        %swap3A_2662 = tpu.vector_load %arg7[%swap3A_2659, %swap3A_2660, %swap3A_2661] {strides = array<i32>} : memref<4x8x2048xf32, #tpu.memory_space<vmem>>, vector<16xf32>,
        tpu.vector_store %arg7[%swap3A_2659, %swap3A_2660, %swap3A_2661], %gather3A_1375 {strides = array<i32>} : memref<4x8x2048xf32, #tpu.memory_space<vmem>>, vector<16xf32>,
        %swap3A_2663 = arith.constant 1 : i32
        %swap3A_2664 = arith.constant 5 : i32
        %swap3A_2665 = arith.index_cast %swap3A_2663 : i32 to index
        %swap3A_2666 = arith.index_cast %swap3A_2664 : i32 to index
        %swap3A_2667 = arith.index_cast %mul3A_2627 : i32 to index
        %swap3A_2668 = tpu.vector_load %arg7[%swap3A_2665, %swap3A_2666, %swap3A_2667] {strides = array<i32>} : memref<4x8x2048xf32, #tpu.memory_space<vmem>>, vector<16xf32>,
        tpu.vector_store %arg7[%swap3A_2665, %swap3A_2666, %swap3A_2667], %gather3A_1380 {strides = array<i32>} : memref<4x8x2048xf32, #tpu.memory_space<vmem>>, vector<16xf32>,
        %swap3A_2669 = arith.constant 1 : i32
        %swap3A_2670 = arith.constant 6 : i32
        %swap3A_2671 = arith.index_cast %swap3A_2669 : i32 to index
        %swap3A_2672 = arith.index_cast %swap3A_2670 : i32 to index
        %swap3A_2673 = arith.index_cast %mul3A_2627 : i32 to index
        %swap3A_2674 = tpu.vector_load %arg7[%swap3A_2671, %swap3A_2672, %swap3A_2673] {strides = array<i32>} : memref<4x8x2048xf32, #tpu.memory_space<vmem>>, vector<16xf32>,
        tpu.vector_store %arg7[%swap3A_2671, %swap3A_2672, %swap3A_2673], %gather3A_1385 {strides = array<i32>} : memref<4x8x2048xf32, #tpu.memory_space<vmem>>, vector<16xf32>,
        %swap3A_2675 = arith.constant 1 : i32
        %swap3A_2676 = arith.constant 7 : i32
        %swap3A_2677 = arith.index_cast %swap3A_2675 : i32 to index
        %swap3A_2678 = arith.index_cast %swap3A_2676 : i32 to index
        %swap3A_2679 = arith.index_cast %mul3A_2627 : i32 to index
        %swap3A_2680 = tpu.vector_load %arg7[%swap3A_2677, %swap3A_2678, %swap3A_2679] {strides = array<i32>} : memref<4x8x2048xf32, #tpu.memory_space<vmem>>, vector<16xf32>,
        tpu.vector_store %arg7[%swap3A_2677, %swap3A_2678, %swap3A_2679], %gather3A_1390 {strides = array<i32>} : memref<4x8x2048xf32, #tpu.memory_space<vmem>>, vector<16xf32>,
        scf.yield %min3A_2455, %min3A_2514, %min3A_2573, %min3A_2632 : vector<16xi32>, vector<16xi32>, vector<16xi32>, vector<16xi32>
      }
      %scan3A_1398 = arith.constant 16 : i32
      %min3A_1399 = arith.minsi %scan3A_1397#0, %scan3A_1397#1 : vector<16xi32>
      %min3A_1400 = arith.minsi %scan3A_1397#2, %scan3A_1397#3 : vector<16xi32>
      %min3A_1401 = arith.minsi %min3A_1399, %min3A_1400 : vector<16xi32>
      %reduce_min3A_1402 = arith.constant true
      %reduce_min3A_1403 = vector.broadcast %reduce_min3A_1402 : i1 to vector<16xi1>
      %reduce_min3A_1404 = arith.constant -2147483648 : i32
      %reduce_min3A_1405 = vector.broadcast %reduce_min3A_1404 : i32 to vector<16xi32>
      %reduce_min3A_1406 = arith.xori %min3A_1401, %reduce_min3A_1405 : vector<16xi32>
      %reduce_min3A_1407 = tpu.scan <min>, %reduce_min3A_1406 masked %reduce_min3A_1403 : vector<16xi32>, vector<16xi1> -> vector<16xi32>
      %reduce_min3A_1408 = arith.xori %reduce_min3A_1407, %reduce_min3A_1405 : vector<16xi32>
      %reduce_min3A_1409 = vector.extract %reduce_min3A_1408[15] : i32 from vector<16xi32>
      %eq3A_1410 = arith.constant 0 : i32
      %eq3A_1411 = arith.cmpi eq, %reduce_min3A_1409, %eq3A_1410 : i32
      %convert_element_type3A_1412 = arith.extui %eq3A_1411 : i1 to i32
      %cond3A_1413 = arith.constant 0 : i32
      %cond3A_1414 = arith.cmpi ne, %convert_element_type3A_1412, %cond3A_1413 : i32
      scf.if %cond3A_1414 {
        %scan3A_2206 = arith.constant 0 : i32
        %scan3A_2207 = arith.constant 0 : i32
        %scan3A_2208 = arith.constant 128 : i32
        %scan3A_2209 = arith.addi %scan3A_2207, %scan3A_2208 : i32
        %scan3A_2210 = arith.constant 1 : i32
        scf.for %scan3A_2212 = %scan3A_2207 to %scan3A_2209 step %scan3A_2210  : i32 {
          %mul3A_2213 = arith.constant 16 : i32
          %mul3A_2214 = arith.muli %scan3A_2212, %mul3A_2213 : i32
          %get3A = arith.constant 1 : i32
          %get3A_2215 = arith.index_cast %get3A : i32 to index
          %get3A_2216 = arith.index_cast %mul3A_2214 : i32 to index
          %get3A_2217 = tpu.vector_load %arg6[%get3A_2215, %get3A_2216] {strides = array<i32>} : memref<4x2048xi32, #tpu.memory_space<vmem>>, vector<16xi32>,
          %ne3A_2218 = arith.constant 0 : i32
          %ne3A_2219 = vector.broadcast %ne3A_2218 : i32 to vector<16xi32>
          %ne3A_2220 = arith.cmpi ne, %get3A_2217, %ne3A_2219 : vector<16xi32>
          %select_n3A_2221 = arith.select %ne3A_2220, %gather3A_1355, %broadcast_in_dim3A_3 : vector<16xi1>, vector<16xf32>
          %swap3A = arith.constant 1 : i32
          %swap3A_2222 = arith.constant 0 : i32
          %swap3A_2223 = arith.index_cast %swap3A : i32 to index
          %swap3A_2224 = arith.index_cast %swap3A_2222 : i32 to index
          %swap3A_2225 = arith.index_cast %mul3A_2214 : i32 to index
          %swap3A_2226 = tpu.vector_load %arg7[%swap3A_2223, %swap3A_2224, %swap3A_2225] {strides = array<i32>} : memref<4x8x2048xf32, #tpu.memory_space<vmem>>, vector<16xf32>,
          tpu.vector_store %arg7[%swap3A_2223, %swap3A_2224, %swap3A_2225], %select_n3A_2221 {strides = array<i32>} : memref<4x8x2048xf32, #tpu.memory_space<vmem>>, vector<16xf32>,
          %select_n3A_2227 = arith.select %ne3A_2220, %gather3A_1360, %broadcast_in_dim3A_3 : vector<16xi1>, vector<16xf32>
          %swap3A_2228 = arith.constant 1 : i32
          %swap3A_2229 = arith.constant 1 : i32
          %swap3A_2230 = arith.index_cast %swap3A_2228 : i32 to index
          %swap3A_2231 = arith.index_cast %swap3A_2229 : i32 to index
          %swap3A_2232 = arith.index_cast %mul3A_2214 : i32 to index
          %swap3A_2233 = tpu.vector_load %arg7[%swap3A_2230, %swap3A_2231, %swap3A_2232] {strides = array<i32>} : memref<4x8x2048xf32, #tpu.memory_space<vmem>>, vector<16xf32>,
          tpu.vector_store %arg7[%swap3A_2230, %swap3A_2231, %swap3A_2232], %select_n3A_2227 {strides = array<i32>} : memref<4x8x2048xf32, #tpu.memory_space<vmem>>, vector<16xf32>,
          %select_n3A_2234 = arith.select %ne3A_2220, %gather3A_1365, %broadcast_in_dim3A_3 : vector<16xi1>, vector<16xf32>
          %swap3A_2235 = arith.constant 1 : i32
          %swap3A_2236 = arith.constant 2 : i32
          %swap3A_2237 = arith.index_cast %swap3A_2235 : i32 to index
          %swap3A_2238 = arith.index_cast %swap3A_2236 : i32 to index
          %swap3A_2239 = arith.index_cast %mul3A_2214 : i32 to index
          %swap3A_2240 = tpu.vector_load %arg7[%swap3A_2237, %swap3A_2238, %swap3A_2239] {strides = array<i32>} : memref<4x8x2048xf32, #tpu.memory_space<vmem>>, vector<16xf32>,
          tpu.vector_store %arg7[%swap3A_2237, %swap3A_2238, %swap3A_2239], %select_n3A_2234 {strides = array<i32>} : memref<4x8x2048xf32, #tpu.memory_space<vmem>>, vector<16xf32>,
          %select_n3A_2241 = arith.select %ne3A_2220, %gather3A_1370, %broadcast_in_dim3A_3 : vector<16xi1>, vector<16xf32>
          %swap3A_2242 = arith.constant 1 : i32
          %swap3A_2243 = arith.constant 3 : i32
          %swap3A_2244 = arith.index_cast %swap3A_2242 : i32 to index
          %swap3A_2245 = arith.index_cast %swap3A_2243 : i32 to index
          %swap3A_2246 = arith.index_cast %mul3A_2214 : i32 to index
          %swap3A_2247 = tpu.vector_load %arg7[%swap3A_2244, %swap3A_2245, %swap3A_2246] {strides = array<i32>} : memref<4x8x2048xf32, #tpu.memory_space<vmem>>, vector<16xf32>,
          tpu.vector_store %arg7[%swap3A_2244, %swap3A_2245, %swap3A_2246], %select_n3A_2241 {strides = array<i32>} : memref<4x8x2048xf32, #tpu.memory_space<vmem>>, vector<16xf32>,
          %select_n3A_2248 = arith.select %ne3A_2220, %gather3A_1375, %broadcast_in_dim3A_3 : vector<16xi1>, vector<16xf32>
          %swap3A_2249 = arith.constant 1 : i32
          %swap3A_2250 = arith.constant 4 : i32
          %swap3A_2251 = arith.index_cast %swap3A_2249 : i32 to index
          %swap3A_2252 = arith.index_cast %swap3A_2250 : i32 to index
          %swap3A_2253 = arith.index_cast %mul3A_2214 : i32 to index
          %swap3A_2254 = tpu.vector_load %arg7[%swap3A_2251, %swap3A_2252, %swap3A_2253] {strides = array<i32>} : memref<4x8x2048xf32, #tpu.memory_space<vmem>>, vector<16xf32>,
          tpu.vector_store %arg7[%swap3A_2251, %swap3A_2252, %swap3A_2253], %select_n3A_2248 {strides = array<i32>} : memref<4x8x2048xf32, #tpu.memory_space<vmem>>, vector<16xf32>,
          %select_n3A_2255 = arith.select %ne3A_2220, %gather3A_1380, %broadcast_in_dim3A_3 : vector<16xi1>, vector<16xf32>
          %swap3A_2256 = arith.constant 1 : i32
          %swap3A_2257 = arith.constant 5 : i32
          %swap3A_2258 = arith.index_cast %swap3A_2256 : i32 to index
          %swap3A_2259 = arith.index_cast %swap3A_2257 : i32 to index
          %swap3A_2260 = arith.index_cast %mul3A_2214 : i32 to index
          %swap3A_2261 = tpu.vector_load %arg7[%swap3A_2258, %swap3A_2259, %swap3A_2260] {strides = array<i32>} : memref<4x8x2048xf32, #tpu.memory_space<vmem>>, vector<16xf32>,
          tpu.vector_store %arg7[%swap3A_2258, %swap3A_2259, %swap3A_2260], %select_n3A_2255 {strides = array<i32>} : memref<4x8x2048xf32, #tpu.memory_space<vmem>>, vector<16xf32>,
          %select_n3A_2262 = arith.select %ne3A_2220, %gather3A_1385, %broadcast_in_dim3A_3 : vector<16xi1>, vector<16xf32>
          %swap3A_2263 = arith.constant 1 : i32
          %swap3A_2264 = arith.constant 6 : i32
          %swap3A_2265 = arith.index_cast %swap3A_2263 : i32 to index
          %swap3A_2266 = arith.index_cast %swap3A_2264 : i32 to index
          %swap3A_2267 = arith.index_cast %mul3A_2214 : i32 to index
          %swap3A_2268 = tpu.vector_load %arg7[%swap3A_2265, %swap3A_2266, %swap3A_2267] {strides = array<i32>} : memref<4x8x2048xf32, #tpu.memory_space<vmem>>, vector<16xf32>,
          tpu.vector_store %arg7[%swap3A_2265, %swap3A_2266, %swap3A_2267], %select_n3A_2262 {strides = array<i32>} : memref<4x8x2048xf32, #tpu.memory_space<vmem>>, vector<16xf32>,
          %select_n3A_2269 = arith.select %ne3A_2220, %gather3A_1390, %broadcast_in_dim3A_3 : vector<16xi1>, vector<16xf32>
          %swap3A_2270 = arith.constant 1 : i32
          %swap3A_2271 = arith.constant 7 : i32
          %swap3A_2272 = arith.index_cast %swap3A_2270 : i32 to index
          %swap3A_2273 = arith.index_cast %swap3A_2271 : i32 to index
          %swap3A_2274 = arith.index_cast %mul3A_2214 : i32 to index
          %swap3A_2275 = tpu.vector_load %arg7[%swap3A_2272, %swap3A_2273, %swap3A_2274] {strides = array<i32>} : memref<4x8x2048xf32, #tpu.memory_space<vmem>>, vector<16xf32>,
          tpu.vector_store %arg7[%swap3A_2272, %swap3A_2273, %swap3A_2274], %select_n3A_2269 {strides = array<i32>} : memref<4x8x2048xf32, #tpu.memory_space<vmem>>, vector<16xf32>,
        }
        %scan3A_2211 = arith.constant 128 : i32
      } else {
      }
      %jit3A_1415 = arith.constant 16 : i32
      %div3A_1416 = arith.divsi %add3A_1166, %jit3A_1415 : i32
      %sign3A_1417 = arith.constant 0 : i32
      %sign3A_1418 = arith.cmpi sgt, %add3A_1166, %sign3A_1417 : i32
      %sign3A_1419 = arith.extui %sign3A_1418 : i1 to i32
      %sign3A_1420 = arith.constant 0 : i32
      %sign3A_1421 = arith.cmpi slt, %add3A_1166, %sign3A_1420 : i32
      %sign3A_1422 = arith.extui %sign3A_1421 : i1 to i32
      %sign3A_1423 = arith.subi %sign3A_1419, %sign3A_1422 : i32
      %sign3A_1424 = arith.constant 0 : i32
      %sign3A_1425 = arith.cmpi sgt, %jit3A_1415, %sign3A_1424 : i32
      %sign3A_1426 = arith.extui %sign3A_1425 : i1 to i32
      %sign3A_1427 = arith.constant 0 : i32
      %sign3A_1428 = arith.cmpi slt, %jit3A_1415, %sign3A_1427 : i32
      %sign3A_1429 = arith.extui %sign3A_1428 : i1 to i32
      %sign3A_1430 = arith.subi %sign3A_1426, %sign3A_1429 : i32
      %ne3A_1431 = arith.cmpi ne, %sign3A_1423, %sign3A_1430 : i32
      %rem3A_1432 = arith.remsi %add3A_1166, %jit3A_1415 : i32
      %ne3A_1433 = arith.constant 0 : i32
      %ne3A_1434 = arith.cmpi ne, %rem3A_1432, %ne3A_1433 : i32
      %and3A_1435 = arith.andi %ne3A_1431, %ne3A_1434 : i1
      %sub3A_1436 = arith.constant 1 : i32
      %sub3A_1437 = arith.subi %div3A_1416, %sub3A_1436 : i32
      %select_n3A_1438 = arith.select %and3A_1435, %sub3A_1437, %div3A_1416 : i32
      %jit3A_1439 = arith.constant 16 : i32
      %eq3A_1440 = arith.constant 0 : i32
      %eq3A_1441 = arith.cmpi eq, %jit3A_1439, %eq3A_1440 : i32
      %jit3A_1442 = arith.constant 1 : i32
      %select_n3A_1443 = arith.select %eq3A_1441, %jit3A_1442, %jit3A_1439 : i32
      %rem3A_1444 = arith.remsi %add3A_1166, %select_n3A_1443 : i32
      %ne3A_1445 = arith.constant 0 : i32
      %ne3A_1446 = arith.cmpi ne, %rem3A_1444, %ne3A_1445 : i32
      %lt3A_1447 = arith.constant 0 : i32
      %lt3A_1448 = arith.cmpi slt, %rem3A_1444, %lt3A_1447 : i32
      %lt3A_1449 = arith.constant 0 : i32
      %lt3A_1450 = arith.cmpi slt, %select_n3A_1443, %lt3A_1449 : i32
      %ne3A_1451 = arith.xori %lt3A_1448, %lt3A_1450 : i1
      %and3A_1452 = arith.andi %ne3A_1451, %ne3A_1446 : i1
      %add3A_1453 = arith.addi %rem3A_1444, %select_n3A_1443 : i32
      %select_n3A_1454 = arith.select %and3A_1452, %add3A_1453, %rem3A_1444 : i32
      %jit3A_1455 = arith.constant 2 : i32
      %div3A_1456 = arith.divsi %select_n3A_1454, %jit3A_1455 : i32
      %sign3A_1457 = arith.constant 0 : i32
      %sign3A_1458 = arith.cmpi sgt, %select_n3A_1454, %sign3A_1457 : i32
      %sign3A_1459 = arith.extui %sign3A_1458 : i1 to i32
      %sign3A_1460 = arith.constant 0 : i32
      %sign3A_1461 = arith.cmpi slt, %select_n3A_1454, %sign3A_1460 : i32
      %sign3A_1462 = arith.extui %sign3A_1461 : i1 to i32
      %sign3A_1463 = arith.subi %sign3A_1459, %sign3A_1462 : i32
      %sign3A_1464 = arith.constant 0 : i32
      %sign3A_1465 = arith.cmpi sgt, %jit3A_1455, %sign3A_1464 : i32
      %sign3A_1466 = arith.extui %sign3A_1465 : i1 to i32
      %sign3A_1467 = arith.constant 0 : i32
      %sign3A_1468 = arith.cmpi slt, %jit3A_1455, %sign3A_1467 : i32
      %sign3A_1469 = arith.extui %sign3A_1468 : i1 to i32
      %sign3A_1470 = arith.subi %sign3A_1466, %sign3A_1469 : i32
      %ne3A_1471 = arith.cmpi ne, %sign3A_1463, %sign3A_1470 : i32
      %rem3A_1472 = arith.remsi %select_n3A_1454, %jit3A_1455 : i32
      %ne3A_1473 = arith.constant 0 : i32
      %ne3A_1474 = arith.cmpi ne, %rem3A_1472, %ne3A_1473 : i32
      %and3A_1475 = arith.andi %ne3A_1471, %ne3A_1474 : i1
      %sub3A_1476 = arith.constant 1 : i32
      %sub3A_1477 = arith.subi %div3A_1456, %sub3A_1476 : i32
      %select_n3A_1478 = arith.select %and3A_1475, %sub3A_1477, %div3A_1456 : i32
      %mul3A_1479 = arith.constant 8 : i32
      %mul3A_1480 = arith.muli %select_n3A_1478, %mul3A_1479 : i32
      %jit3A_1481 = arith.constant 2 : i32
      %eq3A_1482 = arith.constant 0 : i32
      %eq3A_1483 = arith.cmpi eq, %jit3A_1481, %eq3A_1482 : i32
      %jit3A_1484 = arith.constant 1 : i32
      %select_n3A_1485 = arith.select %eq3A_1483, %jit3A_1484, %jit3A_1481 : i32
      %rem3A_1486 = arith.remsi %select_n3A_1454, %select_n3A_1485 : i32
      %ne3A_1487 = arith.constant 0 : i32
      %ne3A_1488 = arith.cmpi ne, %rem3A_1486, %ne3A_1487 : i32
      %lt3A_1489 = arith.constant 0 : i32
      %lt3A_1490 = arith.cmpi slt, %rem3A_1486, %lt3A_1489 : i32
      %lt3A_1491 = arith.constant 0 : i32
      %lt3A_1492 = arith.cmpi slt, %select_n3A_1485, %lt3A_1491 : i32
      %ne3A_1493 = arith.xori %lt3A_1490, %lt3A_1492 : i1
      %and3A_1494 = arith.andi %ne3A_1493, %ne3A_1488 : i1
      %add3A_1495 = arith.addi %rem3A_1486, %select_n3A_1485 : i32
      %select_n3A_1496 = arith.select %and3A_1494, %add3A_1495, %rem3A_1486 : i32
      %mul3A_1497 = arith.constant 2048 : i32
      %mul3A_1498 = arith.muli %select_n3A_1496, %mul3A_1497 : i32
      %dma_start3A_1499 = arith.constant 1 : i32
      %dma_start3A_1500 = arith.constant 0 : i32
      %dma_start3A_1501 = arith.constant 0 : i32
      %dma_start3A_1502 = tpu.memref_slice %arg7[%dma_start3A_1499, %dma_start3A_1500, %dma_start3A_1501] : memref<4x8x2048xf32, #tpu.memory_space<vmem>> -> memref<1x8x2048xf32, #tpu.memory_space<vmem>>
      %dma_start3A_1503 = tpu.memref_squeeze %dma_start3A_1502 : memref<1x8x2048xf32, #tpu.memory_space<vmem>> -> memref<8x2048xf32, #tpu.memory_space<vmem>>
      %dma_start3A_1504 = tpu.memref_slice %arg4[%select_n3A_1438, %mul3A_1480, %mul3A_1498] : memref<200x64x4096xf32, #tpu.memory_space<hbm>> -> memref<1x8x2048xf32, #tpu.memory_space<hbm>>
      %dma_start3A_1505 = tpu.memref_squeeze %dma_start3A_1504 : memref<1x8x2048xf32, #tpu.memory_space<hbm>> -> memref<8x2048xf32, #tpu.memory_space<hbm>>
      %dma_start3A_1506 = tpu.memref_slice %arg4[%select_n3A_1438, %mul3A_1480, %mul3A_1498] : memref<200x64x4096xf32, #tpu.memory_space<hbm>> -> memref<1x8x2048xf32, #tpu.memory_space<hbm>>
      %dma_start3A_1507 = tpu.memref_squeeze %dma_start3A_1506 : memref<1x8x2048xf32, #tpu.memory_space<hbm>> -> memref<8x2048xf32, #tpu.memory_space<hbm>>
      %dma_start3A_1508 = arith.constant 0 : i32
      %dma_start3A_1509 = arith.constant 0 : i32
      %dma_start3A_1510 = tpu.memref_slice %arg7[%dma_start3A_1499, %dma_start3A_1508, %dma_start3A_1509] : memref<4x8x2048xf32, #tpu.memory_space<vmem>> -> memref<1x8x2048xf32, #tpu.memory_space<vmem>>
      %dma_start3A_1511 = tpu.memref_squeeze %dma_start3A_1510 : memref<1x8x2048xf32, #tpu.memory_space<vmem>> -> memref<8x2048xf32, #tpu.memory_space<vmem>>
      tpu.enqueue_dma source(%dma_start3A_1511 : memref<8x2048xf32, #tpu.memory_space<vmem>>) target(%dma_start3A_1507 : memref<8x2048xf32, #tpu.memory_space<hbm>>) target_semaphore(%arg13 : memref<!tpu.dma_semaphore, #tpu.memory_space<semaphore_mem>>)
      %add3A_1512 = arith.constant 2 : i32
      %add3A_1513 = arith.addi %add3A_416, %add3A_1512 : i32
      %jit3A_1514 = arith.constant 16 : i32
      %div3A_1515 = arith.divsi %add3A_1513, %jit3A_1514 : i32
      %sign3A_1516 = arith.constant 0 : i32
      %sign3A_1517 = arith.cmpi sgt, %add3A_1513, %sign3A_1516 : i32
      %sign3A_1518 = arith.extui %sign3A_1517 : i1 to i32
      %sign3A_1519 = arith.constant 0 : i32
      %sign3A_1520 = arith.cmpi slt, %add3A_1513, %sign3A_1519 : i32
      %sign3A_1521 = arith.extui %sign3A_1520 : i1 to i32
      %sign3A_1522 = arith.subi %sign3A_1518, %sign3A_1521 : i32
      %sign3A_1523 = arith.constant 0 : i32
      %sign3A_1524 = arith.cmpi sgt, %jit3A_1514, %sign3A_1523 : i32
      %sign3A_1525 = arith.extui %sign3A_1524 : i1 to i32
      %sign3A_1526 = arith.constant 0 : i32
      %sign3A_1527 = arith.cmpi slt, %jit3A_1514, %sign3A_1526 : i32
      %sign3A_1528 = arith.extui %sign3A_1527 : i1 to i32
      %sign3A_1529 = arith.subi %sign3A_1525, %sign3A_1528 : i32
      %ne3A_1530 = arith.cmpi ne, %sign3A_1522, %sign3A_1529 : i32
      %rem3A_1531 = arith.remsi %add3A_1513, %jit3A_1514 : i32
      %ne3A_1532 = arith.constant 0 : i32
      %ne3A_1533 = arith.cmpi ne, %rem3A_1531, %ne3A_1532 : i32
      %and3A_1534 = arith.andi %ne3A_1530, %ne3A_1533 : i1
      %sub3A_1535 = arith.constant 1 : i32
      %sub3A_1536 = arith.subi %div3A_1515, %sub3A_1535 : i32
      %select_n3A_1537 = arith.select %and3A_1534, %sub3A_1536, %div3A_1515 : i32
      %jit3A_1538 = arith.constant 16 : i32
      %eq3A_1539 = arith.constant 0 : i32
      %eq3A_1540 = arith.cmpi eq, %jit3A_1538, %eq3A_1539 : i32
      %jit3A_1541 = arith.constant 1 : i32
      %select_n3A_1542 = arith.select %eq3A_1540, %jit3A_1541, %jit3A_1538 : i32
      %rem3A_1543 = arith.remsi %add3A_1513, %select_n3A_1542 : i32
      %ne3A_1544 = arith.constant 0 : i32
      %ne3A_1545 = arith.cmpi ne, %rem3A_1543, %ne3A_1544 : i32
      %lt3A_1546 = arith.constant 0 : i32
      %lt3A_1547 = arith.cmpi slt, %rem3A_1543, %lt3A_1546 : i32
      %lt3A_1548 = arith.constant 0 : i32
      %lt3A_1549 = arith.cmpi slt, %select_n3A_1542, %lt3A_1548 : i32
      %ne3A_1550 = arith.xori %lt3A_1547, %lt3A_1549 : i1
      %and3A_1551 = arith.andi %ne3A_1550, %ne3A_1545 : i1
      %add3A_1552 = arith.addi %rem3A_1543, %select_n3A_1542 : i32
      %select_n3A_1553 = arith.select %and3A_1551, %add3A_1552, %rem3A_1543 : i32
      %jit3A_1554 = arith.constant 2 : i32
      %div3A_1555 = arith.divsi %select_n3A_1553, %jit3A_1554 : i32
      %sign3A_1556 = arith.constant 0 : i32
      %sign3A_1557 = arith.cmpi sgt, %select_n3A_1553, %sign3A_1556 : i32
      %sign3A_1558 = arith.extui %sign3A_1557 : i1 to i32
      %sign3A_1559 = arith.constant 0 : i32
      %sign3A_1560 = arith.cmpi slt, %select_n3A_1553, %sign3A_1559 : i32
      %sign3A_1561 = arith.extui %sign3A_1560 : i1 to i32
      %sign3A_1562 = arith.subi %sign3A_1558, %sign3A_1561 : i32
      %sign3A_1563 = arith.constant 0 : i32
      %sign3A_1564 = arith.cmpi sgt, %jit3A_1554, %sign3A_1563 : i32
      %sign3A_1565 = arith.extui %sign3A_1564 : i1 to i32
      %sign3A_1566 = arith.constant 0 : i32
      %sign3A_1567 = arith.cmpi slt, %jit3A_1554, %sign3A_1566 : i32
      %sign3A_1568 = arith.extui %sign3A_1567 : i1 to i32
      %sign3A_1569 = arith.subi %sign3A_1565, %sign3A_1568 : i32
      %ne3A_1570 = arith.cmpi ne, %sign3A_1562, %sign3A_1569 : i32
      %rem3A_1571 = arith.remsi %select_n3A_1553, %jit3A_1554 : i32
      %ne3A_1572 = arith.constant 0 : i32
      %ne3A_1573 = arith.cmpi ne, %rem3A_1571, %ne3A_1572 : i32
      %and3A_1574 = arith.andi %ne3A_1570, %ne3A_1573 : i1
      %sub3A_1575 = arith.constant 1 : i32
      %sub3A_1576 = arith.subi %div3A_1555, %sub3A_1575 : i32
      %select_n3A_1577 = arith.select %and3A_1574, %sub3A_1576, %div3A_1555 : i32
      %mul3A_1578 = arith.constant 8 : i32
      %mul3A_1579 = arith.muli %select_n3A_1577, %mul3A_1578 : i32
      %jit3A_1580 = arith.constant 2 : i32
      %eq3A_1581 = arith.constant 0 : i32
      %eq3A_1582 = arith.cmpi eq, %jit3A_1580, %eq3A_1581 : i32
      %jit3A_1583 = arith.constant 1 : i32
      %select_n3A_1584 = arith.select %eq3A_1582, %jit3A_1583, %jit3A_1580 : i32
      %rem3A_1585 = arith.remsi %select_n3A_1553, %select_n3A_1584 : i32
      %ne3A_1586 = arith.constant 0 : i32
      %ne3A_1587 = arith.cmpi ne, %rem3A_1585, %ne3A_1586 : i32
      %lt3A_1588 = arith.constant 0 : i32
      %lt3A_1589 = arith.cmpi slt, %rem3A_1585, %lt3A_1588 : i32
      %lt3A_1590 = arith.constant 0 : i32
      %lt3A_1591 = arith.cmpi slt, %select_n3A_1584, %lt3A_1590 : i32
      %ne3A_1592 = arith.xori %lt3A_1589, %lt3A_1591 : i1
      %and3A_1593 = arith.andi %ne3A_1592, %ne3A_1587 : i1
      %add3A_1594 = arith.addi %rem3A_1585, %select_n3A_1584 : i32
      %select_n3A_1595 = arith.select %and3A_1593, %add3A_1594, %rem3A_1585 : i32
      %mul3A_1596 = arith.constant 2048 : i32
      %mul3A_1597 = arith.muli %select_n3A_1595, %mul3A_1596 : i32
      %dma_wait3A_1598 = arith.constant 2 : i32
      %dma_wait3A_1599 = arith.constant 0 : i32
      %dma_wait3A_1600 = tpu.memref_slice %arg6[%dma_wait3A_1598, %dma_wait3A_1599] : memref<4x2048xi32, #tpu.memory_space<vmem>> -> memref<1x2048xi32, #tpu.memory_space<vmem>>
      %dma_wait3A_1601 = tpu.memref_squeeze %dma_wait3A_1600 : memref<1x2048xi32, #tpu.memory_space<vmem>> -> memref<2048xi32, #tpu.memory_space<vmem>>
      %dma_wait3A_1602 = tpu.memref_slice %arg2[%select_n3A_1537, %mul3A_1597] : memref<200x4096xi32, #tpu.memory_space<hbm>> -> memref<1x2048xi32, #tpu.memory_space<hbm>>
      %dma_wait3A_1603 = tpu.memref_squeeze %dma_wait3A_1602 : memref<1x2048xi32, #tpu.memory_space<hbm>> -> memref<2048xi32, #tpu.memory_space<hbm>>
      %dma_wait3A_1604 = arith.constant 0 : i32
      %dma_wait3A_1605 = tpu.memref_slice %arg6[%dma_wait3A_1598, %dma_wait3A_1604] : memref<4x2048xi32, #tpu.memory_space<vmem>> -> memref<1x2048xi32, #tpu.memory_space<vmem>>
      %dma_wait3A_1606 = tpu.memref_squeeze %dma_wait3A_1605 : memref<1x2048xi32, #tpu.memory_space<vmem>> -> memref<2048xi32, #tpu.memory_space<vmem>>
      %dma_wait3A_1607 = tpu.memref_slice %arg2[%select_n3A_1537, %mul3A_1597] : memref<200x4096xi32, #tpu.memory_space<hbm>> -> memref<1x2048xi32, #tpu.memory_space<hbm>>
      %dma_wait3A_1608 = tpu.memref_squeeze %dma_wait3A_1607 : memref<1x2048xi32, #tpu.memory_space<hbm>> -> memref<2048xi32, #tpu.memory_space<hbm>>
      tpu.wait_dma2 semaphore(%arg10 : memref<!tpu.dma_semaphore, #tpu.memory_space<semaphore_mem>>) src(%dma_wait3A_1608 : memref<2048xi32, #tpu.memory_space<hbm>>) dst(%dma_wait3A_1606 : memref<2048xi32, #tpu.memory_space<vmem>>)
      %jit3A_1609 = arith.constant 16 : i32
      %div3A_1610 = arith.divsi %add3A_1513, %jit3A_1609 : i32
      %sign3A_1611 = arith.constant 0 : i32
      %sign3A_1612 = arith.cmpi sgt, %add3A_1513, %sign3A_1611 : i32
      %sign3A_1613 = arith.extui %sign3A_1612 : i1 to i32
      %sign3A_1614 = arith.constant 0 : i32
      %sign3A_1615 = arith.cmpi slt, %add3A_1513, %sign3A_1614 : i32
      %sign3A_1616 = arith.extui %sign3A_1615 : i1 to i32
      %sign3A_1617 = arith.subi %sign3A_1613, %sign3A_1616 : i32
      %sign3A_1618 = arith.constant 0 : i32
      %sign3A_1619 = arith.cmpi sgt, %jit3A_1609, %sign3A_1618 : i32
      %sign3A_1620 = arith.extui %sign3A_1619 : i1 to i32
      %sign3A_1621 = arith.constant 0 : i32
      %sign3A_1622 = arith.cmpi slt, %jit3A_1609, %sign3A_1621 : i32
      %sign3A_1623 = arith.extui %sign3A_1622 : i1 to i32
      %sign3A_1624 = arith.subi %sign3A_1620, %sign3A_1623 : i32
      %ne3A_1625 = arith.cmpi ne, %sign3A_1617, %sign3A_1624 : i32
      %rem3A_1626 = arith.remsi %add3A_1513, %jit3A_1609 : i32
      %ne3A_1627 = arith.constant 0 : i32
      %ne3A_1628 = arith.cmpi ne, %rem3A_1626, %ne3A_1627 : i32
      %and3A_1629 = arith.andi %ne3A_1625, %ne3A_1628 : i1
      %sub3A_1630 = arith.constant 1 : i32
      %sub3A_1631 = arith.subi %div3A_1610, %sub3A_1630 : i32
      %select_n3A_1632 = arith.select %and3A_1629, %sub3A_1631, %div3A_1610 : i32
      %jit3A_1633 = arith.constant 16 : i32
      %eq3A_1634 = arith.constant 0 : i32
      %eq3A_1635 = arith.cmpi eq, %jit3A_1633, %eq3A_1634 : i32
      %jit3A_1636 = arith.constant 1 : i32
      %select_n3A_1637 = arith.select %eq3A_1635, %jit3A_1636, %jit3A_1633 : i32
      %rem3A_1638 = arith.remsi %add3A_1513, %select_n3A_1637 : i32
      %ne3A_1639 = arith.constant 0 : i32
      %ne3A_1640 = arith.cmpi ne, %rem3A_1638, %ne3A_1639 : i32
      %lt3A_1641 = arith.constant 0 : i32
      %lt3A_1642 = arith.cmpi slt, %rem3A_1638, %lt3A_1641 : i32
      %lt3A_1643 = arith.constant 0 : i32
      %lt3A_1644 = arith.cmpi slt, %select_n3A_1637, %lt3A_1643 : i32
      %ne3A_1645 = arith.xori %lt3A_1642, %lt3A_1644 : i1
      %and3A_1646 = arith.andi %ne3A_1645, %ne3A_1640 : i1
      %add3A_1647 = arith.addi %rem3A_1638, %select_n3A_1637 : i32
      %select_n3A_1648 = arith.select %and3A_1646, %add3A_1647, %rem3A_1638 : i32
      %jit3A_1649 = arith.constant 2 : i32
      %div3A_1650 = arith.divsi %select_n3A_1648, %jit3A_1649 : i32
      %sign3A_1651 = arith.constant 0 : i32
      %sign3A_1652 = arith.cmpi sgt, %select_n3A_1648, %sign3A_1651 : i32
      %sign3A_1653 = arith.extui %sign3A_1652 : i1 to i32
      %sign3A_1654 = arith.constant 0 : i32
      %sign3A_1655 = arith.cmpi slt, %select_n3A_1648, %sign3A_1654 : i32
      %sign3A_1656 = arith.extui %sign3A_1655 : i1 to i32
      %sign3A_1657 = arith.subi %sign3A_1653, %sign3A_1656 : i32
      %sign3A_1658 = arith.constant 0 : i32
      %sign3A_1659 = arith.cmpi sgt, %jit3A_1649, %sign3A_1658 : i32
      %sign3A_1660 = arith.extui %sign3A_1659 : i1 to i32
      %sign3A_1661 = arith.constant 0 : i32
      %sign3A_1662 = arith.cmpi slt, %jit3A_1649, %sign3A_1661 : i32
      %sign3A_1663 = arith.extui %sign3A_1662 : i1 to i32
      %sign3A_1664 = arith.subi %sign3A_1660, %sign3A_1663 : i32
      %ne3A_1665 = arith.cmpi ne, %sign3A_1657, %sign3A_1664 : i32
      %rem3A_1666 = arith.remsi %select_n3A_1648, %jit3A_1649 : i32
      %ne3A_1667 = arith.constant 0 : i32
      %ne3A_1668 = arith.cmpi ne, %rem3A_1666, %ne3A_1667 : i32
      %and3A_1669 = arith.andi %ne3A_1665, %ne3A_1668 : i1
      %sub3A_1670 = arith.constant 1 : i32
      %sub3A_1671 = arith.subi %div3A_1650, %sub3A_1670 : i32
      %select_n3A_1672 = arith.select %and3A_1669, %sub3A_1671, %div3A_1650 : i32
      %mul3A_1673 = arith.constant 8 : i32
      %mul3A_1674 = arith.muli %select_n3A_1672, %mul3A_1673 : i32
      %jit3A_1675 = arith.constant 2 : i32
      %eq3A_1676 = arith.constant 0 : i32
      %eq3A_1677 = arith.cmpi eq, %jit3A_1675, %eq3A_1676 : i32
      %jit3A_1678 = arith.constant 1 : i32
      %select_n3A_1679 = arith.select %eq3A_1677, %jit3A_1678, %jit3A_1675 : i32
      %rem3A_1680 = arith.remsi %select_n3A_1648, %select_n3A_1679 : i32
      %ne3A_1681 = arith.constant 0 : i32
      %ne3A_1682 = arith.cmpi ne, %rem3A_1680, %ne3A_1681 : i32
      %lt3A_1683 = arith.constant 0 : i32
      %lt3A_1684 = arith.cmpi slt, %rem3A_1680, %lt3A_1683 : i32
      %lt3A_1685 = arith.constant 0 : i32
      %lt3A_1686 = arith.cmpi slt, %select_n3A_1679, %lt3A_1685 : i32
      %ne3A_1687 = arith.xori %lt3A_1684, %lt3A_1686 : i1
      %and3A_1688 = arith.andi %ne3A_1687, %ne3A_1682 : i1
      %add3A_1689 = arith.addi %rem3A_1680, %select_n3A_1679 : i32
      %select_n3A_1690 = arith.select %and3A_1688, %add3A_1689, %rem3A_1680 : i32
      %mul3A_1691 = arith.constant 2048 : i32
      %mul3A_1692 = arith.muli %select_n3A_1690, %mul3A_1691 : i32
      %add3A_1693 = arith.constant 1 : i32
      %add3A_1694 = arith.addi %select_n3A_1632, %add3A_1693 : i32
      %mul3A_1695 = arith.constant 64 : i32
      %mul3A_1696 = arith.muli %add3A_1694, %mul3A_1695 : i32
      %add3A_1697 = arith.addi %mul3A_1696, %mul3A_1674 : i32
      %add3A_1698 = arith.constant 0 : i32
      %add3A_1699 = arith.addi %add3A_1697, %add3A_1698 : i32
      %add3A_1700 = vector.broadcast %add3A_1699 : i32 to vector<16xi32>
      %add3A_1701 = arith.addi %add3A_1700, %mul3A_6 : vector<16xi32>
      %gather3A_1702 = tpu.vector_load_idx %arg5[%add3A_1701] : memref<12864xf32, #tpu.memory_space<vmem>>[vector<16xi32>], vector<16xf32>,
      %add3A_1703 = arith.constant 1 : i32
      %add3A_1704 = arith.addi %add3A_1697, %add3A_1703 : i32
      %add3A_1705 = vector.broadcast %add3A_1704 : i32 to vector<16xi32>
      %add3A_1706 = arith.addi %add3A_1705, %mul3A_6 : vector<16xi32>
      %gather3A_1707 = tpu.vector_load_idx %arg5[%add3A_1706] : memref<12864xf32, #tpu.memory_space<vmem>>[vector<16xi32>], vector<16xf32>,
      %add3A_1708 = arith.constant 2 : i32
      %add3A_1709 = arith.addi %add3A_1697, %add3A_1708 : i32
      %add3A_1710 = vector.broadcast %add3A_1709 : i32 to vector<16xi32>
      %add3A_1711 = arith.addi %add3A_1710, %mul3A_6 : vector<16xi32>
      %gather3A_1712 = tpu.vector_load_idx %arg5[%add3A_1711] : memref<12864xf32, #tpu.memory_space<vmem>>[vector<16xi32>], vector<16xf32>,
      %add3A_1713 = arith.constant 3 : i32
      %add3A_1714 = arith.addi %add3A_1697, %add3A_1713 : i32
      %add3A_1715 = vector.broadcast %add3A_1714 : i32 to vector<16xi32>
      %add3A_1716 = arith.addi %add3A_1715, %mul3A_6 : vector<16xi32>
      %gather3A_1717 = tpu.vector_load_idx %arg5[%add3A_1716] : memref<12864xf32, #tpu.memory_space<vmem>>[vector<16xi32>], vector<16xf32>,
      %add3A_1718 = arith.constant 4 : i32
      %add3A_1719 = arith.addi %add3A_1697, %add3A_1718 : i32
      %add3A_1720 = vector.broadcast %add3A_1719 : i32 to vector<16xi32>
      %add3A_1721 = arith.addi %add3A_1720, %mul3A_6 : vector<16xi32>
      %gather3A_1722 = tpu.vector_load_idx %arg5[%add3A_1721] : memref<12864xf32, #tpu.memory_space<vmem>>[vector<16xi32>], vector<16xf32>,
      %add3A_1723 = arith.constant 5 : i32
      %add3A_1724 = arith.addi %add3A_1697, %add3A_1723 : i32
      %add3A_1725 = vector.broadcast %add3A_1724 : i32 to vector<16xi32>
      %add3A_1726 = arith.addi %add3A_1725, %mul3A_6 : vector<16xi32>
      %gather3A_1727 = tpu.vector_load_idx %arg5[%add3A_1726] : memref<12864xf32, #tpu.memory_space<vmem>>[vector<16xi32>], vector<16xf32>,
      %add3A_1728 = arith.constant 6 : i32
      %add3A_1729 = arith.addi %add3A_1697, %add3A_1728 : i32
      %add3A_1730 = vector.broadcast %add3A_1729 : i32 to vector<16xi32>
      %add3A_1731 = arith.addi %add3A_1730, %mul3A_6 : vector<16xi32>
      %gather3A_1732 = tpu.vector_load_idx %arg5[%add3A_1731] : memref<12864xf32, #tpu.memory_space<vmem>>[vector<16xi32>], vector<16xf32>,
      %add3A_1733 = arith.constant 7 : i32
      %add3A_1734 = arith.addi %add3A_1697, %add3A_1733 : i32
      %add3A_1735 = vector.broadcast %add3A_1734 : i32 to vector<16xi32>
      %add3A_1736 = arith.addi %add3A_1735, %mul3A_6 : vector<16xi32>
      %gather3A_1737 = tpu.vector_load_idx %arg5[%add3A_1736] : memref<12864xf32, #tpu.memory_space<vmem>>[vector<16xi32>], vector<16xf32>,
      %broadcast_in_dim3A_1738 = arith.constant 2147483647 : i32
      %broadcast_in_dim3A_1739 = vector.broadcast %broadcast_in_dim3A_1738 : i32 to vector<16xi32>
      %scan3A_1740 = arith.constant 0 : i32
      %scan3A_1741 = arith.constant 16 : i32
      %scan3A_1742 = arith.addi %scan3A_1740, %scan3A_1741 : i32
      %scan3A_1743 = arith.constant 1 : i32
      %scan3A_1744:4 = scf.for %scan3A_2206 = %scan3A_1740 to %scan3A_1742 step %scan3A_1743 iter_args(%scan3A_2207 = %broadcast_in_dim3A_1739, %scan3A_2208 = %broadcast_in_dim3A_1739, %scan3A_2209 = %broadcast_in_dim3A_1739, %scan3A_2210 = %broadcast_in_dim3A_1739) -> (vector<16xi32>, vector<16xi32>, vector<16xi32>, vector<16xi32>)  : i32 {
        %mul3A_2211 = arith.constant 8 : i32
        %mul3A_2212 = arith.muli %scan3A_2206, %mul3A_2211 : i32
        %add3A_2213 = arith.constant 0 : i32
        %add3A_2214 = arith.addi %mul3A_2212, %add3A_2213 : i32
        %mul3A_2215 = arith.constant 16 : i32
        %mul3A_2216 = arith.muli %add3A_2214, %mul3A_2215 : i32
        %get3A = arith.constant 2 : i32
        %get3A_2217 = arith.index_cast %get3A : i32 to index
        %get3A_2218 = arith.index_cast %mul3A_2216 : i32 to index
        %get3A_2219 = tpu.vector_load %arg6[%get3A_2217, %get3A_2218] {strides = array<i32>} : memref<4x2048xi32, #tpu.memory_space<vmem>>, vector<16xi32>,
        %min3A_2220 = arith.minsi %scan3A_2207, %get3A_2219 : vector<16xi32>
        %swap3A = arith.constant 2 : i32
        %swap3A_2221 = arith.constant 0 : i32
        %swap3A_2222 = arith.index_cast %swap3A : i32 to index
        %swap3A_2223 = arith.index_cast %swap3A_2221 : i32 to index
        %swap3A_2224 = arith.index_cast %mul3A_2216 : i32 to index
        %swap3A_2225 = tpu.vector_load %arg7[%swap3A_2222, %swap3A_2223, %swap3A_2224] {strides = array<i32>} : memref<4x8x2048xf32, #tpu.memory_space<vmem>>, vector<16xf32>,
        tpu.vector_store %arg7[%swap3A_2222, %swap3A_2223, %swap3A_2224], %gather3A_1702 {strides = array<i32>} : memref<4x8x2048xf32, #tpu.memory_space<vmem>>, vector<16xf32>,
        %swap3A_2226 = arith.constant 2 : i32
        %swap3A_2227 = arith.constant 1 : i32
        %swap3A_2228 = arith.index_cast %swap3A_2226 : i32 to index
        %swap3A_2229 = arith.index_cast %swap3A_2227 : i32 to index
        %swap3A_2230 = arith.index_cast %mul3A_2216 : i32 to index
        %swap3A_2231 = tpu.vector_load %arg7[%swap3A_2228, %swap3A_2229, %swap3A_2230] {strides = array<i32>} : memref<4x8x2048xf32, #tpu.memory_space<vmem>>, vector<16xf32>,
        tpu.vector_store %arg7[%swap3A_2228, %swap3A_2229, %swap3A_2230], %gather3A_1707 {strides = array<i32>} : memref<4x8x2048xf32, #tpu.memory_space<vmem>>, vector<16xf32>,
        %swap3A_2232 = arith.constant 2 : i32
        %swap3A_2233 = arith.constant 2 : i32
        %swap3A_2234 = arith.index_cast %swap3A_2232 : i32 to index
        %swap3A_2235 = arith.index_cast %swap3A_2233 : i32 to index
        %swap3A_2236 = arith.index_cast %mul3A_2216 : i32 to index
        %swap3A_2237 = tpu.vector_load %arg7[%swap3A_2234, %swap3A_2235, %swap3A_2236] {strides = array<i32>} : memref<4x8x2048xf32, #tpu.memory_space<vmem>>, vector<16xf32>,
        tpu.vector_store %arg7[%swap3A_2234, %swap3A_2235, %swap3A_2236], %gather3A_1712 {strides = array<i32>} : memref<4x8x2048xf32, #tpu.memory_space<vmem>>, vector<16xf32>,
        %swap3A_2238 = arith.constant 2 : i32
        %swap3A_2239 = arith.constant 3 : i32
        %swap3A_2240 = arith.index_cast %swap3A_2238 : i32 to index
        %swap3A_2241 = arith.index_cast %swap3A_2239 : i32 to index
        %swap3A_2242 = arith.index_cast %mul3A_2216 : i32 to index
        %swap3A_2243 = tpu.vector_load %arg7[%swap3A_2240, %swap3A_2241, %swap3A_2242] {strides = array<i32>} : memref<4x8x2048xf32, #tpu.memory_space<vmem>>, vector<16xf32>,
        tpu.vector_store %arg7[%swap3A_2240, %swap3A_2241, %swap3A_2242], %gather3A_1717 {strides = array<i32>} : memref<4x8x2048xf32, #tpu.memory_space<vmem>>, vector<16xf32>,
        %swap3A_2244 = arith.constant 2 : i32
        %swap3A_2245 = arith.constant 4 : i32
        %swap3A_2246 = arith.index_cast %swap3A_2244 : i32 to index
        %swap3A_2247 = arith.index_cast %swap3A_2245 : i32 to index
        %swap3A_2248 = arith.index_cast %mul3A_2216 : i32 to index
        %swap3A_2249 = tpu.vector_load %arg7[%swap3A_2246, %swap3A_2247, %swap3A_2248] {strides = array<i32>} : memref<4x8x2048xf32, #tpu.memory_space<vmem>>, vector<16xf32>,
        tpu.vector_store %arg7[%swap3A_2246, %swap3A_2247, %swap3A_2248], %gather3A_1722 {strides = array<i32>} : memref<4x8x2048xf32, #tpu.memory_space<vmem>>, vector<16xf32>,
        %swap3A_2250 = arith.constant 2 : i32
        %swap3A_2251 = arith.constant 5 : i32
        %swap3A_2252 = arith.index_cast %swap3A_2250 : i32 to index
        %swap3A_2253 = arith.index_cast %swap3A_2251 : i32 to index
        %swap3A_2254 = arith.index_cast %mul3A_2216 : i32 to index
        %swap3A_2255 = tpu.vector_load %arg7[%swap3A_2252, %swap3A_2253, %swap3A_2254] {strides = array<i32>} : memref<4x8x2048xf32, #tpu.memory_space<vmem>>, vector<16xf32>,
        tpu.vector_store %arg7[%swap3A_2252, %swap3A_2253, %swap3A_2254], %gather3A_1727 {strides = array<i32>} : memref<4x8x2048xf32, #tpu.memory_space<vmem>>, vector<16xf32>,
        %swap3A_2256 = arith.constant 2 : i32
        %swap3A_2257 = arith.constant 6 : i32
        %swap3A_2258 = arith.index_cast %swap3A_2256 : i32 to index
        %swap3A_2259 = arith.index_cast %swap3A_2257 : i32 to index
        %swap3A_2260 = arith.index_cast %mul3A_2216 : i32 to index
        %swap3A_2261 = tpu.vector_load %arg7[%swap3A_2258, %swap3A_2259, %swap3A_2260] {strides = array<i32>} : memref<4x8x2048xf32, #tpu.memory_space<vmem>>, vector<16xf32>,
        tpu.vector_store %arg7[%swap3A_2258, %swap3A_2259, %swap3A_2260], %gather3A_1732 {strides = array<i32>} : memref<4x8x2048xf32, #tpu.memory_space<vmem>>, vector<16xf32>,
        %swap3A_2262 = arith.constant 2 : i32
        %swap3A_2263 = arith.constant 7 : i32
        %swap3A_2264 = arith.index_cast %swap3A_2262 : i32 to index
        %swap3A_2265 = arith.index_cast %swap3A_2263 : i32 to index
        %swap3A_2266 = arith.index_cast %mul3A_2216 : i32 to index
        %swap3A_2267 = tpu.vector_load %arg7[%swap3A_2264, %swap3A_2265, %swap3A_2266] {strides = array<i32>} : memref<4x8x2048xf32, #tpu.memory_space<vmem>>, vector<16xf32>,
        tpu.vector_store %arg7[%swap3A_2264, %swap3A_2265, %swap3A_2266], %gather3A_1737 {strides = array<i32>} : memref<4x8x2048xf32, #tpu.memory_space<vmem>>, vector<16xf32>,
        %mul3A_2268 = arith.constant 8 : i32
        %mul3A_2269 = arith.muli %scan3A_2206, %mul3A_2268 : i32
        %add3A_2270 = arith.constant 1 : i32
        %add3A_2271 = arith.addi %mul3A_2269, %add3A_2270 : i32
        %mul3A_2272 = arith.constant 16 : i32
        %mul3A_2273 = arith.muli %add3A_2271, %mul3A_2272 : i32
        %get3A_2274 = arith.constant 2 : i32
        %get3A_2275 = arith.index_cast %get3A_2274 : i32 to index
        %get3A_2276 = arith.index_cast %mul3A_2273 : i32 to index
        %get3A_2277 = tpu.vector_load %arg6[%get3A_2275, %get3A_2276] {strides = array<i32>} : memref<4x2048xi32, #tpu.memory_space<vmem>>, vector<16xi32>,
        %min3A_2278 = arith.minsi %scan3A_2208, %get3A_2277 : vector<16xi32>
        %swap3A_2279 = arith.constant 2 : i32
        %swap3A_2280 = arith.constant 0 : i32
        %swap3A_2281 = arith.index_cast %swap3A_2279 : i32 to index
        %swap3A_2282 = arith.index_cast %swap3A_2280 : i32 to index
        %swap3A_2283 = arith.index_cast %mul3A_2273 : i32 to index
        %swap3A_2284 = tpu.vector_load %arg7[%swap3A_2281, %swap3A_2282, %swap3A_2283] {strides = array<i32>} : memref<4x8x2048xf32, #tpu.memory_space<vmem>>, vector<16xf32>,
        tpu.vector_store %arg7[%swap3A_2281, %swap3A_2282, %swap3A_2283], %gather3A_1702 {strides = array<i32>} : memref<4x8x2048xf32, #tpu.memory_space<vmem>>, vector<16xf32>,
        %swap3A_2285 = arith.constant 2 : i32
        %swap3A_2286 = arith.constant 1 : i32
        %swap3A_2287 = arith.index_cast %swap3A_2285 : i32 to index
        %swap3A_2288 = arith.index_cast %swap3A_2286 : i32 to index
        %swap3A_2289 = arith.index_cast %mul3A_2273 : i32 to index
        %swap3A_2290 = tpu.vector_load %arg7[%swap3A_2287, %swap3A_2288, %swap3A_2289] {strides = array<i32>} : memref<4x8x2048xf32, #tpu.memory_space<vmem>>, vector<16xf32>,
        tpu.vector_store %arg7[%swap3A_2287, %swap3A_2288, %swap3A_2289], %gather3A_1707 {strides = array<i32>} : memref<4x8x2048xf32, #tpu.memory_space<vmem>>, vector<16xf32>,
        %swap3A_2291 = arith.constant 2 : i32
        %swap3A_2292 = arith.constant 2 : i32
        %swap3A_2293 = arith.index_cast %swap3A_2291 : i32 to index
        %swap3A_2294 = arith.index_cast %swap3A_2292 : i32 to index
        %swap3A_2295 = arith.index_cast %mul3A_2273 : i32 to index
        %swap3A_2296 = tpu.vector_load %arg7[%swap3A_2293, %swap3A_2294, %swap3A_2295] {strides = array<i32>} : memref<4x8x2048xf32, #tpu.memory_space<vmem>>, vector<16xf32>,
        tpu.vector_store %arg7[%swap3A_2293, %swap3A_2294, %swap3A_2295], %gather3A_1712 {strides = array<i32>} : memref<4x8x2048xf32, #tpu.memory_space<vmem>>, vector<16xf32>,
        %swap3A_2297 = arith.constant 2 : i32
        %swap3A_2298 = arith.constant 3 : i32
        %swap3A_2299 = arith.index_cast %swap3A_2297 : i32 to index
        %swap3A_2300 = arith.index_cast %swap3A_2298 : i32 to index
        %swap3A_2301 = arith.index_cast %mul3A_2273 : i32 to index
        %swap3A_2302 = tpu.vector_load %arg7[%swap3A_2299, %swap3A_2300, %swap3A_2301] {strides = array<i32>} : memref<4x8x2048xf32, #tpu.memory_space<vmem>>, vector<16xf32>,
        tpu.vector_store %arg7[%swap3A_2299, %swap3A_2300, %swap3A_2301], %gather3A_1717 {strides = array<i32>} : memref<4x8x2048xf32, #tpu.memory_space<vmem>>, vector<16xf32>,
        %swap3A_2303 = arith.constant 2 : i32
        %swap3A_2304 = arith.constant 4 : i32
        %swap3A_2305 = arith.index_cast %swap3A_2303 : i32 to index
        %swap3A_2306 = arith.index_cast %swap3A_2304 : i32 to index
        %swap3A_2307 = arith.index_cast %mul3A_2273 : i32 to index
        %swap3A_2308 = tpu.vector_load %arg7[%swap3A_2305, %swap3A_2306, %swap3A_2307] {strides = array<i32>} : memref<4x8x2048xf32, #tpu.memory_space<vmem>>, vector<16xf32>,
        tpu.vector_store %arg7[%swap3A_2305, %swap3A_2306, %swap3A_2307], %gather3A_1722 {strides = array<i32>} : memref<4x8x2048xf32, #tpu.memory_space<vmem>>, vector<16xf32>,
        %swap3A_2309 = arith.constant 2 : i32
        %swap3A_2310 = arith.constant 5 : i32
        %swap3A_2311 = arith.index_cast %swap3A_2309 : i32 to index
        %swap3A_2312 = arith.index_cast %swap3A_2310 : i32 to index
        %swap3A_2313 = arith.index_cast %mul3A_2273 : i32 to index
        %swap3A_2314 = tpu.vector_load %arg7[%swap3A_2311, %swap3A_2312, %swap3A_2313] {strides = array<i32>} : memref<4x8x2048xf32, #tpu.memory_space<vmem>>, vector<16xf32>,
        tpu.vector_store %arg7[%swap3A_2311, %swap3A_2312, %swap3A_2313], %gather3A_1727 {strides = array<i32>} : memref<4x8x2048xf32, #tpu.memory_space<vmem>>, vector<16xf32>,
        %swap3A_2315 = arith.constant 2 : i32
        %swap3A_2316 = arith.constant 6 : i32
        %swap3A_2317 = arith.index_cast %swap3A_2315 : i32 to index
        %swap3A_2318 = arith.index_cast %swap3A_2316 : i32 to index
        %swap3A_2319 = arith.index_cast %mul3A_2273 : i32 to index
        %swap3A_2320 = tpu.vector_load %arg7[%swap3A_2317, %swap3A_2318, %swap3A_2319] {strides = array<i32>} : memref<4x8x2048xf32, #tpu.memory_space<vmem>>, vector<16xf32>,
        tpu.vector_store %arg7[%swap3A_2317, %swap3A_2318, %swap3A_2319], %gather3A_1732 {strides = array<i32>} : memref<4x8x2048xf32, #tpu.memory_space<vmem>>, vector<16xf32>,
        %swap3A_2321 = arith.constant 2 : i32
        %swap3A_2322 = arith.constant 7 : i32
        %swap3A_2323 = arith.index_cast %swap3A_2321 : i32 to index
        %swap3A_2324 = arith.index_cast %swap3A_2322 : i32 to index
        %swap3A_2325 = arith.index_cast %mul3A_2273 : i32 to index
        %swap3A_2326 = tpu.vector_load %arg7[%swap3A_2323, %swap3A_2324, %swap3A_2325] {strides = array<i32>} : memref<4x8x2048xf32, #tpu.memory_space<vmem>>, vector<16xf32>,
        tpu.vector_store %arg7[%swap3A_2323, %swap3A_2324, %swap3A_2325], %gather3A_1737 {strides = array<i32>} : memref<4x8x2048xf32, #tpu.memory_space<vmem>>, vector<16xf32>,
        %mul3A_2327 = arith.constant 8 : i32
        %mul3A_2328 = arith.muli %scan3A_2206, %mul3A_2327 : i32
        %add3A_2329 = arith.constant 2 : i32
        %add3A_2330 = arith.addi %mul3A_2328, %add3A_2329 : i32
        %mul3A_2331 = arith.constant 16 : i32
        %mul3A_2332 = arith.muli %add3A_2330, %mul3A_2331 : i32
        %get3A_2333 = arith.constant 2 : i32
        %get3A_2334 = arith.index_cast %get3A_2333 : i32 to index
        %get3A_2335 = arith.index_cast %mul3A_2332 : i32 to index
        %get3A_2336 = tpu.vector_load %arg6[%get3A_2334, %get3A_2335] {strides = array<i32>} : memref<4x2048xi32, #tpu.memory_space<vmem>>, vector<16xi32>,
        %min3A_2337 = arith.minsi %scan3A_2209, %get3A_2336 : vector<16xi32>
        %swap3A_2338 = arith.constant 2 : i32
        %swap3A_2339 = arith.constant 0 : i32
        %swap3A_2340 = arith.index_cast %swap3A_2338 : i32 to index
        %swap3A_2341 = arith.index_cast %swap3A_2339 : i32 to index
        %swap3A_2342 = arith.index_cast %mul3A_2332 : i32 to index
        %swap3A_2343 = tpu.vector_load %arg7[%swap3A_2340, %swap3A_2341, %swap3A_2342] {strides = array<i32>} : memref<4x8x2048xf32, #tpu.memory_space<vmem>>, vector<16xf32>,
        tpu.vector_store %arg7[%swap3A_2340, %swap3A_2341, %swap3A_2342], %gather3A_1702 {strides = array<i32>} : memref<4x8x2048xf32, #tpu.memory_space<vmem>>, vector<16xf32>,
        %swap3A_2344 = arith.constant 2 : i32
        %swap3A_2345 = arith.constant 1 : i32
        %swap3A_2346 = arith.index_cast %swap3A_2344 : i32 to index
        %swap3A_2347 = arith.index_cast %swap3A_2345 : i32 to index
        %swap3A_2348 = arith.index_cast %mul3A_2332 : i32 to index
        %swap3A_2349 = tpu.vector_load %arg7[%swap3A_2346, %swap3A_2347, %swap3A_2348] {strides = array<i32>} : memref<4x8x2048xf32, #tpu.memory_space<vmem>>, vector<16xf32>,
        tpu.vector_store %arg7[%swap3A_2346, %swap3A_2347, %swap3A_2348], %gather3A_1707 {strides = array<i32>} : memref<4x8x2048xf32, #tpu.memory_space<vmem>>, vector<16xf32>,
        %swap3A_2350 = arith.constant 2 : i32
        %swap3A_2351 = arith.constant 2 : i32
        %swap3A_2352 = arith.index_cast %swap3A_2350 : i32 to index
        %swap3A_2353 = arith.index_cast %swap3A_2351 : i32 to index
        %swap3A_2354 = arith.index_cast %mul3A_2332 : i32 to index
        %swap3A_2355 = tpu.vector_load %arg7[%swap3A_2352, %swap3A_2353, %swap3A_2354] {strides = array<i32>} : memref<4x8x2048xf32, #tpu.memory_space<vmem>>, vector<16xf32>,
        tpu.vector_store %arg7[%swap3A_2352, %swap3A_2353, %swap3A_2354], %gather3A_1712 {strides = array<i32>} : memref<4x8x2048xf32, #tpu.memory_space<vmem>>, vector<16xf32>,
        %swap3A_2356 = arith.constant 2 : i32
        %swap3A_2357 = arith.constant 3 : i32
        %swap3A_2358 = arith.index_cast %swap3A_2356 : i32 to index
        %swap3A_2359 = arith.index_cast %swap3A_2357 : i32 to index
        %swap3A_2360 = arith.index_cast %mul3A_2332 : i32 to index
        %swap3A_2361 = tpu.vector_load %arg7[%swap3A_2358, %swap3A_2359, %swap3A_2360] {strides = array<i32>} : memref<4x8x2048xf32, #tpu.memory_space<vmem>>, vector<16xf32>,
        tpu.vector_store %arg7[%swap3A_2358, %swap3A_2359, %swap3A_2360], %gather3A_1717 {strides = array<i32>} : memref<4x8x2048xf32, #tpu.memory_space<vmem>>, vector<16xf32>,
        %swap3A_2362 = arith.constant 2 : i32
        %swap3A_2363 = arith.constant 4 : i32
        %swap3A_2364 = arith.index_cast %swap3A_2362 : i32 to index
        %swap3A_2365 = arith.index_cast %swap3A_2363 : i32 to index
        %swap3A_2366 = arith.index_cast %mul3A_2332 : i32 to index
        %swap3A_2367 = tpu.vector_load %arg7[%swap3A_2364, %swap3A_2365, %swap3A_2366] {strides = array<i32>} : memref<4x8x2048xf32, #tpu.memory_space<vmem>>, vector<16xf32>,
        tpu.vector_store %arg7[%swap3A_2364, %swap3A_2365, %swap3A_2366], %gather3A_1722 {strides = array<i32>} : memref<4x8x2048xf32, #tpu.memory_space<vmem>>, vector<16xf32>,
        %swap3A_2368 = arith.constant 2 : i32
        %swap3A_2369 = arith.constant 5 : i32
        %swap3A_2370 = arith.index_cast %swap3A_2368 : i32 to index
        %swap3A_2371 = arith.index_cast %swap3A_2369 : i32 to index
        %swap3A_2372 = arith.index_cast %mul3A_2332 : i32 to index
        %swap3A_2373 = tpu.vector_load %arg7[%swap3A_2370, %swap3A_2371, %swap3A_2372] {strides = array<i32>} : memref<4x8x2048xf32, #tpu.memory_space<vmem>>, vector<16xf32>,
        tpu.vector_store %arg7[%swap3A_2370, %swap3A_2371, %swap3A_2372], %gather3A_1727 {strides = array<i32>} : memref<4x8x2048xf32, #tpu.memory_space<vmem>>, vector<16xf32>,
        %swap3A_2374 = arith.constant 2 : i32
        %swap3A_2375 = arith.constant 6 : i32
        %swap3A_2376 = arith.index_cast %swap3A_2374 : i32 to index
        %swap3A_2377 = arith.index_cast %swap3A_2375 : i32 to index
        %swap3A_2378 = arith.index_cast %mul3A_2332 : i32 to index
        %swap3A_2379 = tpu.vector_load %arg7[%swap3A_2376, %swap3A_2377, %swap3A_2378] {strides = array<i32>} : memref<4x8x2048xf32, #tpu.memory_space<vmem>>, vector<16xf32>,
        tpu.vector_store %arg7[%swap3A_2376, %swap3A_2377, %swap3A_2378], %gather3A_1732 {strides = array<i32>} : memref<4x8x2048xf32, #tpu.memory_space<vmem>>, vector<16xf32>,
        %swap3A_2380 = arith.constant 2 : i32
        %swap3A_2381 = arith.constant 7 : i32
        %swap3A_2382 = arith.index_cast %swap3A_2380 : i32 to index
        %swap3A_2383 = arith.index_cast %swap3A_2381 : i32 to index
        %swap3A_2384 = arith.index_cast %mul3A_2332 : i32 to index
        %swap3A_2385 = tpu.vector_load %arg7[%swap3A_2382, %swap3A_2383, %swap3A_2384] {strides = array<i32>} : memref<4x8x2048xf32, #tpu.memory_space<vmem>>, vector<16xf32>,
        tpu.vector_store %arg7[%swap3A_2382, %swap3A_2383, %swap3A_2384], %gather3A_1737 {strides = array<i32>} : memref<4x8x2048xf32, #tpu.memory_space<vmem>>, vector<16xf32>,
        %mul3A_2386 = arith.constant 8 : i32
        %mul3A_2387 = arith.muli %scan3A_2206, %mul3A_2386 : i32
        %add3A_2388 = arith.constant 3 : i32
        %add3A_2389 = arith.addi %mul3A_2387, %add3A_2388 : i32
        %mul3A_2390 = arith.constant 16 : i32
        %mul3A_2391 = arith.muli %add3A_2389, %mul3A_2390 : i32
        %get3A_2392 = arith.constant 2 : i32
        %get3A_2393 = arith.index_cast %get3A_2392 : i32 to index
        %get3A_2394 = arith.index_cast %mul3A_2391 : i32 to index
        %get3A_2395 = tpu.vector_load %arg6[%get3A_2393, %get3A_2394] {strides = array<i32>} : memref<4x2048xi32, #tpu.memory_space<vmem>>, vector<16xi32>,
        %min3A_2396 = arith.minsi %scan3A_2210, %get3A_2395 : vector<16xi32>
        %swap3A_2397 = arith.constant 2 : i32
        %swap3A_2398 = arith.constant 0 : i32
        %swap3A_2399 = arith.index_cast %swap3A_2397 : i32 to index
        %swap3A_2400 = arith.index_cast %swap3A_2398 : i32 to index
        %swap3A_2401 = arith.index_cast %mul3A_2391 : i32 to index
        %swap3A_2402 = tpu.vector_load %arg7[%swap3A_2399, %swap3A_2400, %swap3A_2401] {strides = array<i32>} : memref<4x8x2048xf32, #tpu.memory_space<vmem>>, vector<16xf32>,
        tpu.vector_store %arg7[%swap3A_2399, %swap3A_2400, %swap3A_2401], %gather3A_1702 {strides = array<i32>} : memref<4x8x2048xf32, #tpu.memory_space<vmem>>, vector<16xf32>,
        %swap3A_2403 = arith.constant 2 : i32
        %swap3A_2404 = arith.constant 1 : i32
        %swap3A_2405 = arith.index_cast %swap3A_2403 : i32 to index
        %swap3A_2406 = arith.index_cast %swap3A_2404 : i32 to index
        %swap3A_2407 = arith.index_cast %mul3A_2391 : i32 to index
        %swap3A_2408 = tpu.vector_load %arg7[%swap3A_2405, %swap3A_2406, %swap3A_2407] {strides = array<i32>} : memref<4x8x2048xf32, #tpu.memory_space<vmem>>, vector<16xf32>,
        tpu.vector_store %arg7[%swap3A_2405, %swap3A_2406, %swap3A_2407], %gather3A_1707 {strides = array<i32>} : memref<4x8x2048xf32, #tpu.memory_space<vmem>>, vector<16xf32>,
        %swap3A_2409 = arith.constant 2 : i32
        %swap3A_2410 = arith.constant 2 : i32
        %swap3A_2411 = arith.index_cast %swap3A_2409 : i32 to index
        %swap3A_2412 = arith.index_cast %swap3A_2410 : i32 to index
        %swap3A_2413 = arith.index_cast %mul3A_2391 : i32 to index
        %swap3A_2414 = tpu.vector_load %arg7[%swap3A_2411, %swap3A_2412, %swap3A_2413] {strides = array<i32>} : memref<4x8x2048xf32, #tpu.memory_space<vmem>>, vector<16xf32>,
        tpu.vector_store %arg7[%swap3A_2411, %swap3A_2412, %swap3A_2413], %gather3A_1712 {strides = array<i32>} : memref<4x8x2048xf32, #tpu.memory_space<vmem>>, vector<16xf32>,
        %swap3A_2415 = arith.constant 2 : i32
        %swap3A_2416 = arith.constant 3 : i32
        %swap3A_2417 = arith.index_cast %swap3A_2415 : i32 to index
        %swap3A_2418 = arith.index_cast %swap3A_2416 : i32 to index
        %swap3A_2419 = arith.index_cast %mul3A_2391 : i32 to index
        %swap3A_2420 = tpu.vector_load %arg7[%swap3A_2417, %swap3A_2418, %swap3A_2419] {strides = array<i32>} : memref<4x8x2048xf32, #tpu.memory_space<vmem>>, vector<16xf32>,
        tpu.vector_store %arg7[%swap3A_2417, %swap3A_2418, %swap3A_2419], %gather3A_1717 {strides = array<i32>} : memref<4x8x2048xf32, #tpu.memory_space<vmem>>, vector<16xf32>,
        %swap3A_2421 = arith.constant 2 : i32
        %swap3A_2422 = arith.constant 4 : i32
        %swap3A_2423 = arith.index_cast %swap3A_2421 : i32 to index
        %swap3A_2424 = arith.index_cast %swap3A_2422 : i32 to index
        %swap3A_2425 = arith.index_cast %mul3A_2391 : i32 to index
        %swap3A_2426 = tpu.vector_load %arg7[%swap3A_2423, %swap3A_2424, %swap3A_2425] {strides = array<i32>} : memref<4x8x2048xf32, #tpu.memory_space<vmem>>, vector<16xf32>,
        tpu.vector_store %arg7[%swap3A_2423, %swap3A_2424, %swap3A_2425], %gather3A_1722 {strides = array<i32>} : memref<4x8x2048xf32, #tpu.memory_space<vmem>>, vector<16xf32>,
        %swap3A_2427 = arith.constant 2 : i32
        %swap3A_2428 = arith.constant 5 : i32
        %swap3A_2429 = arith.index_cast %swap3A_2427 : i32 to index
        %swap3A_2430 = arith.index_cast %swap3A_2428 : i32 to index
        %swap3A_2431 = arith.index_cast %mul3A_2391 : i32 to index
        %swap3A_2432 = tpu.vector_load %arg7[%swap3A_2429, %swap3A_2430, %swap3A_2431] {strides = array<i32>} : memref<4x8x2048xf32, #tpu.memory_space<vmem>>, vector<16xf32>,
        tpu.vector_store %arg7[%swap3A_2429, %swap3A_2430, %swap3A_2431], %gather3A_1727 {strides = array<i32>} : memref<4x8x2048xf32, #tpu.memory_space<vmem>>, vector<16xf32>,
        %swap3A_2433 = arith.constant 2 : i32
        %swap3A_2434 = arith.constant 6 : i32
        %swap3A_2435 = arith.index_cast %swap3A_2433 : i32 to index
        %swap3A_2436 = arith.index_cast %swap3A_2434 : i32 to index
        %swap3A_2437 = arith.index_cast %mul3A_2391 : i32 to index
        %swap3A_2438 = tpu.vector_load %arg7[%swap3A_2435, %swap3A_2436, %swap3A_2437] {strides = array<i32>} : memref<4x8x2048xf32, #tpu.memory_space<vmem>>, vector<16xf32>,
        tpu.vector_store %arg7[%swap3A_2435, %swap3A_2436, %swap3A_2437], %gather3A_1732 {strides = array<i32>} : memref<4x8x2048xf32, #tpu.memory_space<vmem>>, vector<16xf32>,
        %swap3A_2439 = arith.constant 2 : i32
        %swap3A_2440 = arith.constant 7 : i32
        %swap3A_2441 = arith.index_cast %swap3A_2439 : i32 to index
        %swap3A_2442 = arith.index_cast %swap3A_2440 : i32 to index
        %swap3A_2443 = arith.index_cast %mul3A_2391 : i32 to index
        %swap3A_2444 = tpu.vector_load %arg7[%swap3A_2441, %swap3A_2442, %swap3A_2443] {strides = array<i32>} : memref<4x8x2048xf32, #tpu.memory_space<vmem>>, vector<16xf32>,
        tpu.vector_store %arg7[%swap3A_2441, %swap3A_2442, %swap3A_2443], %gather3A_1737 {strides = array<i32>} : memref<4x8x2048xf32, #tpu.memory_space<vmem>>, vector<16xf32>,
        %mul3A_2445 = arith.constant 8 : i32
        %mul3A_2446 = arith.muli %scan3A_2206, %mul3A_2445 : i32
        %add3A_2447 = arith.constant 4 : i32
        %add3A_2448 = arith.addi %mul3A_2446, %add3A_2447 : i32
        %mul3A_2449 = arith.constant 16 : i32
        %mul3A_2450 = arith.muli %add3A_2448, %mul3A_2449 : i32
        %get3A_2451 = arith.constant 2 : i32
        %get3A_2452 = arith.index_cast %get3A_2451 : i32 to index
        %get3A_2453 = arith.index_cast %mul3A_2450 : i32 to index
        %get3A_2454 = tpu.vector_load %arg6[%get3A_2452, %get3A_2453] {strides = array<i32>} : memref<4x2048xi32, #tpu.memory_space<vmem>>, vector<16xi32>,
        %min3A_2455 = arith.minsi %min3A_2220, %get3A_2454 : vector<16xi32>
        %swap3A_2456 = arith.constant 2 : i32
        %swap3A_2457 = arith.constant 0 : i32
        %swap3A_2458 = arith.index_cast %swap3A_2456 : i32 to index
        %swap3A_2459 = arith.index_cast %swap3A_2457 : i32 to index
        %swap3A_2460 = arith.index_cast %mul3A_2450 : i32 to index
        %swap3A_2461 = tpu.vector_load %arg7[%swap3A_2458, %swap3A_2459, %swap3A_2460] {strides = array<i32>} : memref<4x8x2048xf32, #tpu.memory_space<vmem>>, vector<16xf32>,
        tpu.vector_store %arg7[%swap3A_2458, %swap3A_2459, %swap3A_2460], %gather3A_1702 {strides = array<i32>} : memref<4x8x2048xf32, #tpu.memory_space<vmem>>, vector<16xf32>,
        %swap3A_2462 = arith.constant 2 : i32
        %swap3A_2463 = arith.constant 1 : i32
        %swap3A_2464 = arith.index_cast %swap3A_2462 : i32 to index
        %swap3A_2465 = arith.index_cast %swap3A_2463 : i32 to index
        %swap3A_2466 = arith.index_cast %mul3A_2450 : i32 to index
        %swap3A_2467 = tpu.vector_load %arg7[%swap3A_2464, %swap3A_2465, %swap3A_2466] {strides = array<i32>} : memref<4x8x2048xf32, #tpu.memory_space<vmem>>, vector<16xf32>,
        tpu.vector_store %arg7[%swap3A_2464, %swap3A_2465, %swap3A_2466], %gather3A_1707 {strides = array<i32>} : memref<4x8x2048xf32, #tpu.memory_space<vmem>>, vector<16xf32>,
        %swap3A_2468 = arith.constant 2 : i32
        %swap3A_2469 = arith.constant 2 : i32
        %swap3A_2470 = arith.index_cast %swap3A_2468 : i32 to index
        %swap3A_2471 = arith.index_cast %swap3A_2469 : i32 to index
        %swap3A_2472 = arith.index_cast %mul3A_2450 : i32 to index
        %swap3A_2473 = tpu.vector_load %arg7[%swap3A_2470, %swap3A_2471, %swap3A_2472] {strides = array<i32>} : memref<4x8x2048xf32, #tpu.memory_space<vmem>>, vector<16xf32>,
        tpu.vector_store %arg7[%swap3A_2470, %swap3A_2471, %swap3A_2472], %gather3A_1712 {strides = array<i32>} : memref<4x8x2048xf32, #tpu.memory_space<vmem>>, vector<16xf32>,
        %swap3A_2474 = arith.constant 2 : i32
        %swap3A_2475 = arith.constant 3 : i32
        %swap3A_2476 = arith.index_cast %swap3A_2474 : i32 to index
        %swap3A_2477 = arith.index_cast %swap3A_2475 : i32 to index
        %swap3A_2478 = arith.index_cast %mul3A_2450 : i32 to index
        %swap3A_2479 = tpu.vector_load %arg7[%swap3A_2476, %swap3A_2477, %swap3A_2478] {strides = array<i32>} : memref<4x8x2048xf32, #tpu.memory_space<vmem>>, vector<16xf32>,
        tpu.vector_store %arg7[%swap3A_2476, %swap3A_2477, %swap3A_2478], %gather3A_1717 {strides = array<i32>} : memref<4x8x2048xf32, #tpu.memory_space<vmem>>, vector<16xf32>,
        %swap3A_2480 = arith.constant 2 : i32
        %swap3A_2481 = arith.constant 4 : i32
        %swap3A_2482 = arith.index_cast %swap3A_2480 : i32 to index
        %swap3A_2483 = arith.index_cast %swap3A_2481 : i32 to index
        %swap3A_2484 = arith.index_cast %mul3A_2450 : i32 to index
        %swap3A_2485 = tpu.vector_load %arg7[%swap3A_2482, %swap3A_2483, %swap3A_2484] {strides = array<i32>} : memref<4x8x2048xf32, #tpu.memory_space<vmem>>, vector<16xf32>,
        tpu.vector_store %arg7[%swap3A_2482, %swap3A_2483, %swap3A_2484], %gather3A_1722 {strides = array<i32>} : memref<4x8x2048xf32, #tpu.memory_space<vmem>>, vector<16xf32>,
        %swap3A_2486 = arith.constant 2 : i32
        %swap3A_2487 = arith.constant 5 : i32
        %swap3A_2488 = arith.index_cast %swap3A_2486 : i32 to index
        %swap3A_2489 = arith.index_cast %swap3A_2487 : i32 to index
        %swap3A_2490 = arith.index_cast %mul3A_2450 : i32 to index
        %swap3A_2491 = tpu.vector_load %arg7[%swap3A_2488, %swap3A_2489, %swap3A_2490] {strides = array<i32>} : memref<4x8x2048xf32, #tpu.memory_space<vmem>>, vector<16xf32>,
        tpu.vector_store %arg7[%swap3A_2488, %swap3A_2489, %swap3A_2490], %gather3A_1727 {strides = array<i32>} : memref<4x8x2048xf32, #tpu.memory_space<vmem>>, vector<16xf32>,
        %swap3A_2492 = arith.constant 2 : i32
        %swap3A_2493 = arith.constant 6 : i32
        %swap3A_2494 = arith.index_cast %swap3A_2492 : i32 to index
        %swap3A_2495 = arith.index_cast %swap3A_2493 : i32 to index
        %swap3A_2496 = arith.index_cast %mul3A_2450 : i32 to index
        %swap3A_2497 = tpu.vector_load %arg7[%swap3A_2494, %swap3A_2495, %swap3A_2496] {strides = array<i32>} : memref<4x8x2048xf32, #tpu.memory_space<vmem>>, vector<16xf32>,
        tpu.vector_store %arg7[%swap3A_2494, %swap3A_2495, %swap3A_2496], %gather3A_1732 {strides = array<i32>} : memref<4x8x2048xf32, #tpu.memory_space<vmem>>, vector<16xf32>,
        %swap3A_2498 = arith.constant 2 : i32
        %swap3A_2499 = arith.constant 7 : i32
        %swap3A_2500 = arith.index_cast %swap3A_2498 : i32 to index
        %swap3A_2501 = arith.index_cast %swap3A_2499 : i32 to index
        %swap3A_2502 = arith.index_cast %mul3A_2450 : i32 to index
        %swap3A_2503 = tpu.vector_load %arg7[%swap3A_2500, %swap3A_2501, %swap3A_2502] {strides = array<i32>} : memref<4x8x2048xf32, #tpu.memory_space<vmem>>, vector<16xf32>,
        tpu.vector_store %arg7[%swap3A_2500, %swap3A_2501, %swap3A_2502], %gather3A_1737 {strides = array<i32>} : memref<4x8x2048xf32, #tpu.memory_space<vmem>>, vector<16xf32>,
        %mul3A_2504 = arith.constant 8 : i32
        %mul3A_2505 = arith.muli %scan3A_2206, %mul3A_2504 : i32
        %add3A_2506 = arith.constant 5 : i32
        %add3A_2507 = arith.addi %mul3A_2505, %add3A_2506 : i32
        %mul3A_2508 = arith.constant 16 : i32
        %mul3A_2509 = arith.muli %add3A_2507, %mul3A_2508 : i32
        %get3A_2510 = arith.constant 2 : i32
        %get3A_2511 = arith.index_cast %get3A_2510 : i32 to index
        %get3A_2512 = arith.index_cast %mul3A_2509 : i32 to index
        %get3A_2513 = tpu.vector_load %arg6[%get3A_2511, %get3A_2512] {strides = array<i32>} : memref<4x2048xi32, #tpu.memory_space<vmem>>, vector<16xi32>,
        %min3A_2514 = arith.minsi %min3A_2278, %get3A_2513 : vector<16xi32>
        %swap3A_2515 = arith.constant 2 : i32
        %swap3A_2516 = arith.constant 0 : i32
        %swap3A_2517 = arith.index_cast %swap3A_2515 : i32 to index
        %swap3A_2518 = arith.index_cast %swap3A_2516 : i32 to index
        %swap3A_2519 = arith.index_cast %mul3A_2509 : i32 to index
        %swap3A_2520 = tpu.vector_load %arg7[%swap3A_2517, %swap3A_2518, %swap3A_2519] {strides = array<i32>} : memref<4x8x2048xf32, #tpu.memory_space<vmem>>, vector<16xf32>,
        tpu.vector_store %arg7[%swap3A_2517, %swap3A_2518, %swap3A_2519], %gather3A_1702 {strides = array<i32>} : memref<4x8x2048xf32, #tpu.memory_space<vmem>>, vector<16xf32>,
        %swap3A_2521 = arith.constant 2 : i32
        %swap3A_2522 = arith.constant 1 : i32
        %swap3A_2523 = arith.index_cast %swap3A_2521 : i32 to index
        %swap3A_2524 = arith.index_cast %swap3A_2522 : i32 to index
        %swap3A_2525 = arith.index_cast %mul3A_2509 : i32 to index
        %swap3A_2526 = tpu.vector_load %arg7[%swap3A_2523, %swap3A_2524, %swap3A_2525] {strides = array<i32>} : memref<4x8x2048xf32, #tpu.memory_space<vmem>>, vector<16xf32>,
        tpu.vector_store %arg7[%swap3A_2523, %swap3A_2524, %swap3A_2525], %gather3A_1707 {strides = array<i32>} : memref<4x8x2048xf32, #tpu.memory_space<vmem>>, vector<16xf32>,
        %swap3A_2527 = arith.constant 2 : i32
        %swap3A_2528 = arith.constant 2 : i32
        %swap3A_2529 = arith.index_cast %swap3A_2527 : i32 to index
        %swap3A_2530 = arith.index_cast %swap3A_2528 : i32 to index
        %swap3A_2531 = arith.index_cast %mul3A_2509 : i32 to index
        %swap3A_2532 = tpu.vector_load %arg7[%swap3A_2529, %swap3A_2530, %swap3A_2531] {strides = array<i32>} : memref<4x8x2048xf32, #tpu.memory_space<vmem>>, vector<16xf32>,
        tpu.vector_store %arg7[%swap3A_2529, %swap3A_2530, %swap3A_2531], %gather3A_1712 {strides = array<i32>} : memref<4x8x2048xf32, #tpu.memory_space<vmem>>, vector<16xf32>,
        %swap3A_2533 = arith.constant 2 : i32
        %swap3A_2534 = arith.constant 3 : i32
        %swap3A_2535 = arith.index_cast %swap3A_2533 : i32 to index
        %swap3A_2536 = arith.index_cast %swap3A_2534 : i32 to index
        %swap3A_2537 = arith.index_cast %mul3A_2509 : i32 to index
        %swap3A_2538 = tpu.vector_load %arg7[%swap3A_2535, %swap3A_2536, %swap3A_2537] {strides = array<i32>} : memref<4x8x2048xf32, #tpu.memory_space<vmem>>, vector<16xf32>,
        tpu.vector_store %arg7[%swap3A_2535, %swap3A_2536, %swap3A_2537], %gather3A_1717 {strides = array<i32>} : memref<4x8x2048xf32, #tpu.memory_space<vmem>>, vector<16xf32>,
        %swap3A_2539 = arith.constant 2 : i32
        %swap3A_2540 = arith.constant 4 : i32
        %swap3A_2541 = arith.index_cast %swap3A_2539 : i32 to index
        %swap3A_2542 = arith.index_cast %swap3A_2540 : i32 to index
        %swap3A_2543 = arith.index_cast %mul3A_2509 : i32 to index
        %swap3A_2544 = tpu.vector_load %arg7[%swap3A_2541, %swap3A_2542, %swap3A_2543] {strides = array<i32>} : memref<4x8x2048xf32, #tpu.memory_space<vmem>>, vector<16xf32>,
        tpu.vector_store %arg7[%swap3A_2541, %swap3A_2542, %swap3A_2543], %gather3A_1722 {strides = array<i32>} : memref<4x8x2048xf32, #tpu.memory_space<vmem>>, vector<16xf32>,
        %swap3A_2545 = arith.constant 2 : i32
        %swap3A_2546 = arith.constant 5 : i32
        %swap3A_2547 = arith.index_cast %swap3A_2545 : i32 to index
        %swap3A_2548 = arith.index_cast %swap3A_2546 : i32 to index
        %swap3A_2549 = arith.index_cast %mul3A_2509 : i32 to index
        %swap3A_2550 = tpu.vector_load %arg7[%swap3A_2547, %swap3A_2548, %swap3A_2549] {strides = array<i32>} : memref<4x8x2048xf32, #tpu.memory_space<vmem>>, vector<16xf32>,
        tpu.vector_store %arg7[%swap3A_2547, %swap3A_2548, %swap3A_2549], %gather3A_1727 {strides = array<i32>} : memref<4x8x2048xf32, #tpu.memory_space<vmem>>, vector<16xf32>,
        %swap3A_2551 = arith.constant 2 : i32
        %swap3A_2552 = arith.constant 6 : i32
        %swap3A_2553 = arith.index_cast %swap3A_2551 : i32 to index
        %swap3A_2554 = arith.index_cast %swap3A_2552 : i32 to index
        %swap3A_2555 = arith.index_cast %mul3A_2509 : i32 to index
        %swap3A_2556 = tpu.vector_load %arg7[%swap3A_2553, %swap3A_2554, %swap3A_2555] {strides = array<i32>} : memref<4x8x2048xf32, #tpu.memory_space<vmem>>, vector<16xf32>,
        tpu.vector_store %arg7[%swap3A_2553, %swap3A_2554, %swap3A_2555], %gather3A_1732 {strides = array<i32>} : memref<4x8x2048xf32, #tpu.memory_space<vmem>>, vector<16xf32>,
        %swap3A_2557 = arith.constant 2 : i32
        %swap3A_2558 = arith.constant 7 : i32
        %swap3A_2559 = arith.index_cast %swap3A_2557 : i32 to index
        %swap3A_2560 = arith.index_cast %swap3A_2558 : i32 to index
        %swap3A_2561 = arith.index_cast %mul3A_2509 : i32 to index
        %swap3A_2562 = tpu.vector_load %arg7[%swap3A_2559, %swap3A_2560, %swap3A_2561] {strides = array<i32>} : memref<4x8x2048xf32, #tpu.memory_space<vmem>>, vector<16xf32>,
        tpu.vector_store %arg7[%swap3A_2559, %swap3A_2560, %swap3A_2561], %gather3A_1737 {strides = array<i32>} : memref<4x8x2048xf32, #tpu.memory_space<vmem>>, vector<16xf32>,
        %mul3A_2563 = arith.constant 8 : i32
        %mul3A_2564 = arith.muli %scan3A_2206, %mul3A_2563 : i32
        %add3A_2565 = arith.constant 6 : i32
        %add3A_2566 = arith.addi %mul3A_2564, %add3A_2565 : i32
        %mul3A_2567 = arith.constant 16 : i32
        %mul3A_2568 = arith.muli %add3A_2566, %mul3A_2567 : i32
        %get3A_2569 = arith.constant 2 : i32
        %get3A_2570 = arith.index_cast %get3A_2569 : i32 to index
        %get3A_2571 = arith.index_cast %mul3A_2568 : i32 to index
        %get3A_2572 = tpu.vector_load %arg6[%get3A_2570, %get3A_2571] {strides = array<i32>} : memref<4x2048xi32, #tpu.memory_space<vmem>>, vector<16xi32>,
        %min3A_2573 = arith.minsi %min3A_2337, %get3A_2572 : vector<16xi32>
        %swap3A_2574 = arith.constant 2 : i32
        %swap3A_2575 = arith.constant 0 : i32
        %swap3A_2576 = arith.index_cast %swap3A_2574 : i32 to index
        %swap3A_2577 = arith.index_cast %swap3A_2575 : i32 to index
        %swap3A_2578 = arith.index_cast %mul3A_2568 : i32 to index
        %swap3A_2579 = tpu.vector_load %arg7[%swap3A_2576, %swap3A_2577, %swap3A_2578] {strides = array<i32>} : memref<4x8x2048xf32, #tpu.memory_space<vmem>>, vector<16xf32>,
        tpu.vector_store %arg7[%swap3A_2576, %swap3A_2577, %swap3A_2578], %gather3A_1702 {strides = array<i32>} : memref<4x8x2048xf32, #tpu.memory_space<vmem>>, vector<16xf32>,
        %swap3A_2580 = arith.constant 2 : i32
        %swap3A_2581 = arith.constant 1 : i32
        %swap3A_2582 = arith.index_cast %swap3A_2580 : i32 to index
        %swap3A_2583 = arith.index_cast %swap3A_2581 : i32 to index
        %swap3A_2584 = arith.index_cast %mul3A_2568 : i32 to index
        %swap3A_2585 = tpu.vector_load %arg7[%swap3A_2582, %swap3A_2583, %swap3A_2584] {strides = array<i32>} : memref<4x8x2048xf32, #tpu.memory_space<vmem>>, vector<16xf32>,
        tpu.vector_store %arg7[%swap3A_2582, %swap3A_2583, %swap3A_2584], %gather3A_1707 {strides = array<i32>} : memref<4x8x2048xf32, #tpu.memory_space<vmem>>, vector<16xf32>,
        %swap3A_2586 = arith.constant 2 : i32
        %swap3A_2587 = arith.constant 2 : i32
        %swap3A_2588 = arith.index_cast %swap3A_2586 : i32 to index
        %swap3A_2589 = arith.index_cast %swap3A_2587 : i32 to index
        %swap3A_2590 = arith.index_cast %mul3A_2568 : i32 to index
        %swap3A_2591 = tpu.vector_load %arg7[%swap3A_2588, %swap3A_2589, %swap3A_2590] {strides = array<i32>} : memref<4x8x2048xf32, #tpu.memory_space<vmem>>, vector<16xf32>,
        tpu.vector_store %arg7[%swap3A_2588, %swap3A_2589, %swap3A_2590], %gather3A_1712 {strides = array<i32>} : memref<4x8x2048xf32, #tpu.memory_space<vmem>>, vector<16xf32>,
        %swap3A_2592 = arith.constant 2 : i32
        %swap3A_2593 = arith.constant 3 : i32
        %swap3A_2594 = arith.index_cast %swap3A_2592 : i32 to index
        %swap3A_2595 = arith.index_cast %swap3A_2593 : i32 to index
        %swap3A_2596 = arith.index_cast %mul3A_2568 : i32 to index
        %swap3A_2597 = tpu.vector_load %arg7[%swap3A_2594, %swap3A_2595, %swap3A_2596] {strides = array<i32>} : memref<4x8x2048xf32, #tpu.memory_space<vmem>>, vector<16xf32>,
        tpu.vector_store %arg7[%swap3A_2594, %swap3A_2595, %swap3A_2596], %gather3A_1717 {strides = array<i32>} : memref<4x8x2048xf32, #tpu.memory_space<vmem>>, vector<16xf32>,
        %swap3A_2598 = arith.constant 2 : i32
        %swap3A_2599 = arith.constant 4 : i32
        %swap3A_2600 = arith.index_cast %swap3A_2598 : i32 to index
        %swap3A_2601 = arith.index_cast %swap3A_2599 : i32 to index
        %swap3A_2602 = arith.index_cast %mul3A_2568 : i32 to index
        %swap3A_2603 = tpu.vector_load %arg7[%swap3A_2600, %swap3A_2601, %swap3A_2602] {strides = array<i32>} : memref<4x8x2048xf32, #tpu.memory_space<vmem>>, vector<16xf32>,
        tpu.vector_store %arg7[%swap3A_2600, %swap3A_2601, %swap3A_2602], %gather3A_1722 {strides = array<i32>} : memref<4x8x2048xf32, #tpu.memory_space<vmem>>, vector<16xf32>,
        %swap3A_2604 = arith.constant 2 : i32
        %swap3A_2605 = arith.constant 5 : i32
        %swap3A_2606 = arith.index_cast %swap3A_2604 : i32 to index
        %swap3A_2607 = arith.index_cast %swap3A_2605 : i32 to index
        %swap3A_2608 = arith.index_cast %mul3A_2568 : i32 to index
        %swap3A_2609 = tpu.vector_load %arg7[%swap3A_2606, %swap3A_2607, %swap3A_2608] {strides = array<i32>} : memref<4x8x2048xf32, #tpu.memory_space<vmem>>, vector<16xf32>,
        tpu.vector_store %arg7[%swap3A_2606, %swap3A_2607, %swap3A_2608], %gather3A_1727 {strides = array<i32>} : memref<4x8x2048xf32, #tpu.memory_space<vmem>>, vector<16xf32>,
        %swap3A_2610 = arith.constant 2 : i32
        %swap3A_2611 = arith.constant 6 : i32
        %swap3A_2612 = arith.index_cast %swap3A_2610 : i32 to index
        %swap3A_2613 = arith.index_cast %swap3A_2611 : i32 to index
        %swap3A_2614 = arith.index_cast %mul3A_2568 : i32 to index
        %swap3A_2615 = tpu.vector_load %arg7[%swap3A_2612, %swap3A_2613, %swap3A_2614] {strides = array<i32>} : memref<4x8x2048xf32, #tpu.memory_space<vmem>>, vector<16xf32>,
        tpu.vector_store %arg7[%swap3A_2612, %swap3A_2613, %swap3A_2614], %gather3A_1732 {strides = array<i32>} : memref<4x8x2048xf32, #tpu.memory_space<vmem>>, vector<16xf32>,
        %swap3A_2616 = arith.constant 2 : i32
        %swap3A_2617 = arith.constant 7 : i32
        %swap3A_2618 = arith.index_cast %swap3A_2616 : i32 to index
        %swap3A_2619 = arith.index_cast %swap3A_2617 : i32 to index
        %swap3A_2620 = arith.index_cast %mul3A_2568 : i32 to index
        %swap3A_2621 = tpu.vector_load %arg7[%swap3A_2618, %swap3A_2619, %swap3A_2620] {strides = array<i32>} : memref<4x8x2048xf32, #tpu.memory_space<vmem>>, vector<16xf32>,
        tpu.vector_store %arg7[%swap3A_2618, %swap3A_2619, %swap3A_2620], %gather3A_1737 {strides = array<i32>} : memref<4x8x2048xf32, #tpu.memory_space<vmem>>, vector<16xf32>,
        %mul3A_2622 = arith.constant 8 : i32
        %mul3A_2623 = arith.muli %scan3A_2206, %mul3A_2622 : i32
        %add3A_2624 = arith.constant 7 : i32
        %add3A_2625 = arith.addi %mul3A_2623, %add3A_2624 : i32
        %mul3A_2626 = arith.constant 16 : i32
        %mul3A_2627 = arith.muli %add3A_2625, %mul3A_2626 : i32
        %get3A_2628 = arith.constant 2 : i32
        %get3A_2629 = arith.index_cast %get3A_2628 : i32 to index
        %get3A_2630 = arith.index_cast %mul3A_2627 : i32 to index
        %get3A_2631 = tpu.vector_load %arg6[%get3A_2629, %get3A_2630] {strides = array<i32>} : memref<4x2048xi32, #tpu.memory_space<vmem>>, vector<16xi32>,
        %min3A_2632 = arith.minsi %min3A_2396, %get3A_2631 : vector<16xi32>
        %swap3A_2633 = arith.constant 2 : i32
        %swap3A_2634 = arith.constant 0 : i32
        %swap3A_2635 = arith.index_cast %swap3A_2633 : i32 to index
        %swap3A_2636 = arith.index_cast %swap3A_2634 : i32 to index
        %swap3A_2637 = arith.index_cast %mul3A_2627 : i32 to index
        %swap3A_2638 = tpu.vector_load %arg7[%swap3A_2635, %swap3A_2636, %swap3A_2637] {strides = array<i32>} : memref<4x8x2048xf32, #tpu.memory_space<vmem>>, vector<16xf32>,
        tpu.vector_store %arg7[%swap3A_2635, %swap3A_2636, %swap3A_2637], %gather3A_1702 {strides = array<i32>} : memref<4x8x2048xf32, #tpu.memory_space<vmem>>, vector<16xf32>,
        %swap3A_2639 = arith.constant 2 : i32
        %swap3A_2640 = arith.constant 1 : i32
        %swap3A_2641 = arith.index_cast %swap3A_2639 : i32 to index
        %swap3A_2642 = arith.index_cast %swap3A_2640 : i32 to index
        %swap3A_2643 = arith.index_cast %mul3A_2627 : i32 to index
        %swap3A_2644 = tpu.vector_load %arg7[%swap3A_2641, %swap3A_2642, %swap3A_2643] {strides = array<i32>} : memref<4x8x2048xf32, #tpu.memory_space<vmem>>, vector<16xf32>,
        tpu.vector_store %arg7[%swap3A_2641, %swap3A_2642, %swap3A_2643], %gather3A_1707 {strides = array<i32>} : memref<4x8x2048xf32, #tpu.memory_space<vmem>>, vector<16xf32>,
        %swap3A_2645 = arith.constant 2 : i32
        %swap3A_2646 = arith.constant 2 : i32
        %swap3A_2647 = arith.index_cast %swap3A_2645 : i32 to index
        %swap3A_2648 = arith.index_cast %swap3A_2646 : i32 to index
        %swap3A_2649 = arith.index_cast %mul3A_2627 : i32 to index
        %swap3A_2650 = tpu.vector_load %arg7[%swap3A_2647, %swap3A_2648, %swap3A_2649] {strides = array<i32>} : memref<4x8x2048xf32, #tpu.memory_space<vmem>>, vector<16xf32>,
        tpu.vector_store %arg7[%swap3A_2647, %swap3A_2648, %swap3A_2649], %gather3A_1712 {strides = array<i32>} : memref<4x8x2048xf32, #tpu.memory_space<vmem>>, vector<16xf32>,
        %swap3A_2651 = arith.constant 2 : i32
        %swap3A_2652 = arith.constant 3 : i32
        %swap3A_2653 = arith.index_cast %swap3A_2651 : i32 to index
        %swap3A_2654 = arith.index_cast %swap3A_2652 : i32 to index
        %swap3A_2655 = arith.index_cast %mul3A_2627 : i32 to index
        %swap3A_2656 = tpu.vector_load %arg7[%swap3A_2653, %swap3A_2654, %swap3A_2655] {strides = array<i32>} : memref<4x8x2048xf32, #tpu.memory_space<vmem>>, vector<16xf32>,
        tpu.vector_store %arg7[%swap3A_2653, %swap3A_2654, %swap3A_2655], %gather3A_1717 {strides = array<i32>} : memref<4x8x2048xf32, #tpu.memory_space<vmem>>, vector<16xf32>,
        %swap3A_2657 = arith.constant 2 : i32
        %swap3A_2658 = arith.constant 4 : i32
        %swap3A_2659 = arith.index_cast %swap3A_2657 : i32 to index
        %swap3A_2660 = arith.index_cast %swap3A_2658 : i32 to index
        %swap3A_2661 = arith.index_cast %mul3A_2627 : i32 to index
        %swap3A_2662 = tpu.vector_load %arg7[%swap3A_2659, %swap3A_2660, %swap3A_2661] {strides = array<i32>} : memref<4x8x2048xf32, #tpu.memory_space<vmem>>, vector<16xf32>,
        tpu.vector_store %arg7[%swap3A_2659, %swap3A_2660, %swap3A_2661], %gather3A_1722 {strides = array<i32>} : memref<4x8x2048xf32, #tpu.memory_space<vmem>>, vector<16xf32>,
        %swap3A_2663 = arith.constant 2 : i32
        %swap3A_2664 = arith.constant 5 : i32
        %swap3A_2665 = arith.index_cast %swap3A_2663 : i32 to index
        %swap3A_2666 = arith.index_cast %swap3A_2664 : i32 to index
        %swap3A_2667 = arith.index_cast %mul3A_2627 : i32 to index
        %swap3A_2668 = tpu.vector_load %arg7[%swap3A_2665, %swap3A_2666, %swap3A_2667] {strides = array<i32>} : memref<4x8x2048xf32, #tpu.memory_space<vmem>>, vector<16xf32>,
        tpu.vector_store %arg7[%swap3A_2665, %swap3A_2666, %swap3A_2667], %gather3A_1727 {strides = array<i32>} : memref<4x8x2048xf32, #tpu.memory_space<vmem>>, vector<16xf32>,
        %swap3A_2669 = arith.constant 2 : i32
        %swap3A_2670 = arith.constant 6 : i32
        %swap3A_2671 = arith.index_cast %swap3A_2669 : i32 to index
        %swap3A_2672 = arith.index_cast %swap3A_2670 : i32 to index
        %swap3A_2673 = arith.index_cast %mul3A_2627 : i32 to index
        %swap3A_2674 = tpu.vector_load %arg7[%swap3A_2671, %swap3A_2672, %swap3A_2673] {strides = array<i32>} : memref<4x8x2048xf32, #tpu.memory_space<vmem>>, vector<16xf32>,
        tpu.vector_store %arg7[%swap3A_2671, %swap3A_2672, %swap3A_2673], %gather3A_1732 {strides = array<i32>} : memref<4x8x2048xf32, #tpu.memory_space<vmem>>, vector<16xf32>,
        %swap3A_2675 = arith.constant 2 : i32
        %swap3A_2676 = arith.constant 7 : i32
        %swap3A_2677 = arith.index_cast %swap3A_2675 : i32 to index
        %swap3A_2678 = arith.index_cast %swap3A_2676 : i32 to index
        %swap3A_2679 = arith.index_cast %mul3A_2627 : i32 to index
        %swap3A_2680 = tpu.vector_load %arg7[%swap3A_2677, %swap3A_2678, %swap3A_2679] {strides = array<i32>} : memref<4x8x2048xf32, #tpu.memory_space<vmem>>, vector<16xf32>,
        tpu.vector_store %arg7[%swap3A_2677, %swap3A_2678, %swap3A_2679], %gather3A_1737 {strides = array<i32>} : memref<4x8x2048xf32, #tpu.memory_space<vmem>>, vector<16xf32>,
        scf.yield %min3A_2455, %min3A_2514, %min3A_2573, %min3A_2632 : vector<16xi32>, vector<16xi32>, vector<16xi32>, vector<16xi32>
      }
      %scan3A_1745 = arith.constant 16 : i32
      %min3A_1746 = arith.minsi %scan3A_1744#0, %scan3A_1744#1 : vector<16xi32>
      %min3A_1747 = arith.minsi %scan3A_1744#2, %scan3A_1744#3 : vector<16xi32>
      %min3A_1748 = arith.minsi %min3A_1746, %min3A_1747 : vector<16xi32>
      %reduce_min3A_1749 = arith.constant true
      %reduce_min3A_1750 = vector.broadcast %reduce_min3A_1749 : i1 to vector<16xi1>
      %reduce_min3A_1751 = arith.constant -2147483648 : i32
      %reduce_min3A_1752 = vector.broadcast %reduce_min3A_1751 : i32 to vector<16xi32>
      %reduce_min3A_1753 = arith.xori %min3A_1748, %reduce_min3A_1752 : vector<16xi32>
      %reduce_min3A_1754 = tpu.scan <min>, %reduce_min3A_1753 masked %reduce_min3A_1750 : vector<16xi32>, vector<16xi1> -> vector<16xi32>
      %reduce_min3A_1755 = arith.xori %reduce_min3A_1754, %reduce_min3A_1752 : vector<16xi32>
      %reduce_min3A_1756 = vector.extract %reduce_min3A_1755[15] : i32 from vector<16xi32>
      %eq3A_1757 = arith.constant 0 : i32
      %eq3A_1758 = arith.cmpi eq, %reduce_min3A_1756, %eq3A_1757 : i32
      %convert_element_type3A_1759 = arith.extui %eq3A_1758 : i1 to i32
      %cond3A_1760 = arith.constant 0 : i32
      %cond3A_1761 = arith.cmpi ne, %convert_element_type3A_1759, %cond3A_1760 : i32
      scf.if %cond3A_1761 {
        %scan3A_2206 = arith.constant 0 : i32
        %scan3A_2207 = arith.constant 0 : i32
        %scan3A_2208 = arith.constant 128 : i32
        %scan3A_2209 = arith.addi %scan3A_2207, %scan3A_2208 : i32
        %scan3A_2210 = arith.constant 1 : i32
        scf.for %scan3A_2212 = %scan3A_2207 to %scan3A_2209 step %scan3A_2210  : i32 {
          %mul3A_2213 = arith.constant 16 : i32
          %mul3A_2214 = arith.muli %scan3A_2212, %mul3A_2213 : i32
          %get3A = arith.constant 2 : i32
          %get3A_2215 = arith.index_cast %get3A : i32 to index
          %get3A_2216 = arith.index_cast %mul3A_2214 : i32 to index
          %get3A_2217 = tpu.vector_load %arg6[%get3A_2215, %get3A_2216] {strides = array<i32>} : memref<4x2048xi32, #tpu.memory_space<vmem>>, vector<16xi32>,
          %ne3A_2218 = arith.constant 0 : i32
          %ne3A_2219 = vector.broadcast %ne3A_2218 : i32 to vector<16xi32>
          %ne3A_2220 = arith.cmpi ne, %get3A_2217, %ne3A_2219 : vector<16xi32>
          %select_n3A_2221 = arith.select %ne3A_2220, %gather3A_1702, %broadcast_in_dim3A_3 : vector<16xi1>, vector<16xf32>
          %swap3A = arith.constant 2 : i32
          %swap3A_2222 = arith.constant 0 : i32
          %swap3A_2223 = arith.index_cast %swap3A : i32 to index
          %swap3A_2224 = arith.index_cast %swap3A_2222 : i32 to index
          %swap3A_2225 = arith.index_cast %mul3A_2214 : i32 to index
          %swap3A_2226 = tpu.vector_load %arg7[%swap3A_2223, %swap3A_2224, %swap3A_2225] {strides = array<i32>} : memref<4x8x2048xf32, #tpu.memory_space<vmem>>, vector<16xf32>,
          tpu.vector_store %arg7[%swap3A_2223, %swap3A_2224, %swap3A_2225], %select_n3A_2221 {strides = array<i32>} : memref<4x8x2048xf32, #tpu.memory_space<vmem>>, vector<16xf32>,
          %select_n3A_2227 = arith.select %ne3A_2220, %gather3A_1707, %broadcast_in_dim3A_3 : vector<16xi1>, vector<16xf32>
          %swap3A_2228 = arith.constant 2 : i32
          %swap3A_2229 = arith.constant 1 : i32
          %swap3A_2230 = arith.index_cast %swap3A_2228 : i32 to index
          %swap3A_2231 = arith.index_cast %swap3A_2229 : i32 to index
          %swap3A_2232 = arith.index_cast %mul3A_2214 : i32 to index
          %swap3A_2233 = tpu.vector_load %arg7[%swap3A_2230, %swap3A_2231, %swap3A_2232] {strides = array<i32>} : memref<4x8x2048xf32, #tpu.memory_space<vmem>>, vector<16xf32>,
          tpu.vector_store %arg7[%swap3A_2230, %swap3A_2231, %swap3A_2232], %select_n3A_2227 {strides = array<i32>} : memref<4x8x2048xf32, #tpu.memory_space<vmem>>, vector<16xf32>,
          %select_n3A_2234 = arith.select %ne3A_2220, %gather3A_1712, %broadcast_in_dim3A_3 : vector<16xi1>, vector<16xf32>
          %swap3A_2235 = arith.constant 2 : i32
          %swap3A_2236 = arith.constant 2 : i32
          %swap3A_2237 = arith.index_cast %swap3A_2235 : i32 to index
          %swap3A_2238 = arith.index_cast %swap3A_2236 : i32 to index
          %swap3A_2239 = arith.index_cast %mul3A_2214 : i32 to index
          %swap3A_2240 = tpu.vector_load %arg7[%swap3A_2237, %swap3A_2238, %swap3A_2239] {strides = array<i32>} : memref<4x8x2048xf32, #tpu.memory_space<vmem>>, vector<16xf32>,
          tpu.vector_store %arg7[%swap3A_2237, %swap3A_2238, %swap3A_2239], %select_n3A_2234 {strides = array<i32>} : memref<4x8x2048xf32, #tpu.memory_space<vmem>>, vector<16xf32>,
          %select_n3A_2241 = arith.select %ne3A_2220, %gather3A_1717, %broadcast_in_dim3A_3 : vector<16xi1>, vector<16xf32>
          %swap3A_2242 = arith.constant 2 : i32
          %swap3A_2243 = arith.constant 3 : i32
          %swap3A_2244 = arith.index_cast %swap3A_2242 : i32 to index
          %swap3A_2245 = arith.index_cast %swap3A_2243 : i32 to index
          %swap3A_2246 = arith.index_cast %mul3A_2214 : i32 to index
          %swap3A_2247 = tpu.vector_load %arg7[%swap3A_2244, %swap3A_2245, %swap3A_2246] {strides = array<i32>} : memref<4x8x2048xf32, #tpu.memory_space<vmem>>, vector<16xf32>,
          tpu.vector_store %arg7[%swap3A_2244, %swap3A_2245, %swap3A_2246], %select_n3A_2241 {strides = array<i32>} : memref<4x8x2048xf32, #tpu.memory_space<vmem>>, vector<16xf32>,
          %select_n3A_2248 = arith.select %ne3A_2220, %gather3A_1722, %broadcast_in_dim3A_3 : vector<16xi1>, vector<16xf32>
          %swap3A_2249 = arith.constant 2 : i32
          %swap3A_2250 = arith.constant 4 : i32
          %swap3A_2251 = arith.index_cast %swap3A_2249 : i32 to index
          %swap3A_2252 = arith.index_cast %swap3A_2250 : i32 to index
          %swap3A_2253 = arith.index_cast %mul3A_2214 : i32 to index
          %swap3A_2254 = tpu.vector_load %arg7[%swap3A_2251, %swap3A_2252, %swap3A_2253] {strides = array<i32>} : memref<4x8x2048xf32, #tpu.memory_space<vmem>>, vector<16xf32>,
          tpu.vector_store %arg7[%swap3A_2251, %swap3A_2252, %swap3A_2253], %select_n3A_2248 {strides = array<i32>} : memref<4x8x2048xf32, #tpu.memory_space<vmem>>, vector<16xf32>,
          %select_n3A_2255 = arith.select %ne3A_2220, %gather3A_1727, %broadcast_in_dim3A_3 : vector<16xi1>, vector<16xf32>
          %swap3A_2256 = arith.constant 2 : i32
          %swap3A_2257 = arith.constant 5 : i32
          %swap3A_2258 = arith.index_cast %swap3A_2256 : i32 to index
          %swap3A_2259 = arith.index_cast %swap3A_2257 : i32 to index
          %swap3A_2260 = arith.index_cast %mul3A_2214 : i32 to index
          %swap3A_2261 = tpu.vector_load %arg7[%swap3A_2258, %swap3A_2259, %swap3A_2260] {strides = array<i32>} : memref<4x8x2048xf32, #tpu.memory_space<vmem>>, vector<16xf32>,
          tpu.vector_store %arg7[%swap3A_2258, %swap3A_2259, %swap3A_2260], %select_n3A_2255 {strides = array<i32>} : memref<4x8x2048xf32, #tpu.memory_space<vmem>>, vector<16xf32>,
          %select_n3A_2262 = arith.select %ne3A_2220, %gather3A_1732, %broadcast_in_dim3A_3 : vector<16xi1>, vector<16xf32>
          %swap3A_2263 = arith.constant 2 : i32
          %swap3A_2264 = arith.constant 6 : i32
          %swap3A_2265 = arith.index_cast %swap3A_2263 : i32 to index
          %swap3A_2266 = arith.index_cast %swap3A_2264 : i32 to index
          %swap3A_2267 = arith.index_cast %mul3A_2214 : i32 to index
          %swap3A_2268 = tpu.vector_load %arg7[%swap3A_2265, %swap3A_2266, %swap3A_2267] {strides = array<i32>} : memref<4x8x2048xf32, #tpu.memory_space<vmem>>, vector<16xf32>,
          tpu.vector_store %arg7[%swap3A_2265, %swap3A_2266, %swap3A_2267], %select_n3A_2262 {strides = array<i32>} : memref<4x8x2048xf32, #tpu.memory_space<vmem>>, vector<16xf32>,
          %select_n3A_2269 = arith.select %ne3A_2220, %gather3A_1737, %broadcast_in_dim3A_3 : vector<16xi1>, vector<16xf32>
          %swap3A_2270 = arith.constant 2 : i32
          %swap3A_2271 = arith.constant 7 : i32
          %swap3A_2272 = arith.index_cast %swap3A_2270 : i32 to index
          %swap3A_2273 = arith.index_cast %swap3A_2271 : i32 to index
          %swap3A_2274 = arith.index_cast %mul3A_2214 : i32 to index
          %swap3A_2275 = tpu.vector_load %arg7[%swap3A_2272, %swap3A_2273, %swap3A_2274] {strides = array<i32>} : memref<4x8x2048xf32, #tpu.memory_space<vmem>>, vector<16xf32>,
          tpu.vector_store %arg7[%swap3A_2272, %swap3A_2273, %swap3A_2274], %select_n3A_2269 {strides = array<i32>} : memref<4x8x2048xf32, #tpu.memory_space<vmem>>, vector<16xf32>,
        }
        %scan3A_2211 = arith.constant 128 : i32
      } else {
      }
      %jit3A_1762 = arith.constant 16 : i32
      %div3A_1763 = arith.divsi %add3A_1513, %jit3A_1762 : i32
      %sign3A_1764 = arith.constant 0 : i32
      %sign3A_1765 = arith.cmpi sgt, %add3A_1513, %sign3A_1764 : i32
      %sign3A_1766 = arith.extui %sign3A_1765 : i1 to i32
      %sign3A_1767 = arith.constant 0 : i32
      %sign3A_1768 = arith.cmpi slt, %add3A_1513, %sign3A_1767 : i32
      %sign3A_1769 = arith.extui %sign3A_1768 : i1 to i32
      %sign3A_1770 = arith.subi %sign3A_1766, %sign3A_1769 : i32
      %sign3A_1771 = arith.constant 0 : i32
      %sign3A_1772 = arith.cmpi sgt, %jit3A_1762, %sign3A_1771 : i32
      %sign3A_1773 = arith.extui %sign3A_1772 : i1 to i32
      %sign3A_1774 = arith.constant 0 : i32
      %sign3A_1775 = arith.cmpi slt, %jit3A_1762, %sign3A_1774 : i32
      %sign3A_1776 = arith.extui %sign3A_1775 : i1 to i32
      %sign3A_1777 = arith.subi %sign3A_1773, %sign3A_1776 : i32
      %ne3A_1778 = arith.cmpi ne, %sign3A_1770, %sign3A_1777 : i32
      %rem3A_1779 = arith.remsi %add3A_1513, %jit3A_1762 : i32
      %ne3A_1780 = arith.constant 0 : i32
      %ne3A_1781 = arith.cmpi ne, %rem3A_1779, %ne3A_1780 : i32
      %and3A_1782 = arith.andi %ne3A_1778, %ne3A_1781 : i1
      %sub3A_1783 = arith.constant 1 : i32
      %sub3A_1784 = arith.subi %div3A_1763, %sub3A_1783 : i32
      %select_n3A_1785 = arith.select %and3A_1782, %sub3A_1784, %div3A_1763 : i32
      %jit3A_1786 = arith.constant 16 : i32
      %eq3A_1787 = arith.constant 0 : i32
      %eq3A_1788 = arith.cmpi eq, %jit3A_1786, %eq3A_1787 : i32
      %jit3A_1789 = arith.constant 1 : i32
      %select_n3A_1790 = arith.select %eq3A_1788, %jit3A_1789, %jit3A_1786 : i32
      %rem3A_1791 = arith.remsi %add3A_1513, %select_n3A_1790 : i32
      %ne3A_1792 = arith.constant 0 : i32
      %ne3A_1793 = arith.cmpi ne, %rem3A_1791, %ne3A_1792 : i32
      %lt3A_1794 = arith.constant 0 : i32
      %lt3A_1795 = arith.cmpi slt, %rem3A_1791, %lt3A_1794 : i32
      %lt3A_1796 = arith.constant 0 : i32
      %lt3A_1797 = arith.cmpi slt, %select_n3A_1790, %lt3A_1796 : i32
      %ne3A_1798 = arith.xori %lt3A_1795, %lt3A_1797 : i1
      %and3A_1799 = arith.andi %ne3A_1798, %ne3A_1793 : i1
      %add3A_1800 = arith.addi %rem3A_1791, %select_n3A_1790 : i32
      %select_n3A_1801 = arith.select %and3A_1799, %add3A_1800, %rem3A_1791 : i32
      %jit3A_1802 = arith.constant 2 : i32
      %div3A_1803 = arith.divsi %select_n3A_1801, %jit3A_1802 : i32
      %sign3A_1804 = arith.constant 0 : i32
      %sign3A_1805 = arith.cmpi sgt, %select_n3A_1801, %sign3A_1804 : i32
      %sign3A_1806 = arith.extui %sign3A_1805 : i1 to i32
      %sign3A_1807 = arith.constant 0 : i32
      %sign3A_1808 = arith.cmpi slt, %select_n3A_1801, %sign3A_1807 : i32
      %sign3A_1809 = arith.extui %sign3A_1808 : i1 to i32
      %sign3A_1810 = arith.subi %sign3A_1806, %sign3A_1809 : i32
      %sign3A_1811 = arith.constant 0 : i32
      %sign3A_1812 = arith.cmpi sgt, %jit3A_1802, %sign3A_1811 : i32
      %sign3A_1813 = arith.extui %sign3A_1812 : i1 to i32
      %sign3A_1814 = arith.constant 0 : i32
      %sign3A_1815 = arith.cmpi slt, %jit3A_1802, %sign3A_1814 : i32
      %sign3A_1816 = arith.extui %sign3A_1815 : i1 to i32
      %sign3A_1817 = arith.subi %sign3A_1813, %sign3A_1816 : i32
      %ne3A_1818 = arith.cmpi ne, %sign3A_1810, %sign3A_1817 : i32
      %rem3A_1819 = arith.remsi %select_n3A_1801, %jit3A_1802 : i32
      %ne3A_1820 = arith.constant 0 : i32
      %ne3A_1821 = arith.cmpi ne, %rem3A_1819, %ne3A_1820 : i32
      %and3A_1822 = arith.andi %ne3A_1818, %ne3A_1821 : i1
      %sub3A_1823 = arith.constant 1 : i32
      %sub3A_1824 = arith.subi %div3A_1803, %sub3A_1823 : i32
      %select_n3A_1825 = arith.select %and3A_1822, %sub3A_1824, %div3A_1803 : i32
      %mul3A_1826 = arith.constant 8 : i32
      %mul3A_1827 = arith.muli %select_n3A_1825, %mul3A_1826 : i32
      %jit3A_1828 = arith.constant 2 : i32
      %eq3A_1829 = arith.constant 0 : i32
      %eq3A_1830 = arith.cmpi eq, %jit3A_1828, %eq3A_1829 : i32
      %jit3A_1831 = arith.constant 1 : i32
      %select_n3A_1832 = arith.select %eq3A_1830, %jit3A_1831, %jit3A_1828 : i32
      %rem3A_1833 = arith.remsi %select_n3A_1801, %select_n3A_1832 : i32
      %ne3A_1834 = arith.constant 0 : i32
      %ne3A_1835 = arith.cmpi ne, %rem3A_1833, %ne3A_1834 : i32
      %lt3A_1836 = arith.constant 0 : i32
      %lt3A_1837 = arith.cmpi slt, %rem3A_1833, %lt3A_1836 : i32
      %lt3A_1838 = arith.constant 0 : i32
      %lt3A_1839 = arith.cmpi slt, %select_n3A_1832, %lt3A_1838 : i32
      %ne3A_1840 = arith.xori %lt3A_1837, %lt3A_1839 : i1
      %and3A_1841 = arith.andi %ne3A_1840, %ne3A_1835 : i1
      %add3A_1842 = arith.addi %rem3A_1833, %select_n3A_1832 : i32
      %select_n3A_1843 = arith.select %and3A_1841, %add3A_1842, %rem3A_1833 : i32
      %mul3A_1844 = arith.constant 2048 : i32
      %mul3A_1845 = arith.muli %select_n3A_1843, %mul3A_1844 : i32
      %dma_start3A_1846 = arith.constant 2 : i32
      %dma_start3A_1847 = arith.constant 0 : i32
      %dma_start3A_1848 = arith.constant 0 : i32
      %dma_start3A_1849 = tpu.memref_slice %arg7[%dma_start3A_1846, %dma_start3A_1847, %dma_start3A_1848] : memref<4x8x2048xf32, #tpu.memory_space<vmem>> -> memref<1x8x2048xf32, #tpu.memory_space<vmem>>
      %dma_start3A_1850 = tpu.memref_squeeze %dma_start3A_1849 : memref<1x8x2048xf32, #tpu.memory_space<vmem>> -> memref<8x2048xf32, #tpu.memory_space<vmem>>
      %dma_start3A_1851 = tpu.memref_slice %arg4[%select_n3A_1785, %mul3A_1827, %mul3A_1845] : memref<200x64x4096xf32, #tpu.memory_space<hbm>> -> memref<1x8x2048xf32, #tpu.memory_space<hbm>>
      %dma_start3A_1852 = tpu.memref_squeeze %dma_start3A_1851 : memref<1x8x2048xf32, #tpu.memory_space<hbm>> -> memref<8x2048xf32, #tpu.memory_space<hbm>>
      %dma_start3A_1853 = tpu.memref_slice %arg4[%select_n3A_1785, %mul3A_1827, %mul3A_1845] : memref<200x64x4096xf32, #tpu.memory_space<hbm>> -> memref<1x8x2048xf32, #tpu.memory_space<hbm>>
      %dma_start3A_1854 = tpu.memref_squeeze %dma_start3A_1853 : memref<1x8x2048xf32, #tpu.memory_space<hbm>> -> memref<8x2048xf32, #tpu.memory_space<hbm>>
      %dma_start3A_1855 = arith.constant 0 : i32
      %dma_start3A_1856 = arith.constant 0 : i32
      %dma_start3A_1857 = tpu.memref_slice %arg7[%dma_start3A_1846, %dma_start3A_1855, %dma_start3A_1856] : memref<4x8x2048xf32, #tpu.memory_space<vmem>> -> memref<1x8x2048xf32, #tpu.memory_space<vmem>>
      %dma_start3A_1858 = tpu.memref_squeeze %dma_start3A_1857 : memref<1x8x2048xf32, #tpu.memory_space<vmem>> -> memref<8x2048xf32, #tpu.memory_space<vmem>>
      tpu.enqueue_dma source(%dma_start3A_1858 : memref<8x2048xf32, #tpu.memory_space<vmem>>) target(%dma_start3A_1854 : memref<8x2048xf32, #tpu.memory_space<hbm>>) target_semaphore(%arg14 : memref<!tpu.dma_semaphore, #tpu.memory_space<semaphore_mem>>)
      %add3A_1859 = arith.constant 3 : i32
      %add3A_1860 = arith.addi %add3A_416, %add3A_1859 : i32
      %jit3A_1861 = arith.constant 16 : i32
      %div3A_1862 = arith.divsi %add3A_1860, %jit3A_1861 : i32
      %sign3A_1863 = arith.constant 0 : i32
      %sign3A_1864 = arith.cmpi sgt, %add3A_1860, %sign3A_1863 : i32
      %sign3A_1865 = arith.extui %sign3A_1864 : i1 to i32
      %sign3A_1866 = arith.constant 0 : i32
      %sign3A_1867 = arith.cmpi slt, %add3A_1860, %sign3A_1866 : i32
      %sign3A_1868 = arith.extui %sign3A_1867 : i1 to i32
      %sign3A_1869 = arith.subi %sign3A_1865, %sign3A_1868 : i32
      %sign3A_1870 = arith.constant 0 : i32
      %sign3A_1871 = arith.cmpi sgt, %jit3A_1861, %sign3A_1870 : i32
      %sign3A_1872 = arith.extui %sign3A_1871 : i1 to i32
      %sign3A_1873 = arith.constant 0 : i32
      %sign3A_1874 = arith.cmpi slt, %jit3A_1861, %sign3A_1873 : i32
      %sign3A_1875 = arith.extui %sign3A_1874 : i1 to i32
      %sign3A_1876 = arith.subi %sign3A_1872, %sign3A_1875 : i32
      %ne3A_1877 = arith.cmpi ne, %sign3A_1869, %sign3A_1876 : i32
      %rem3A_1878 = arith.remsi %add3A_1860, %jit3A_1861 : i32
      %ne3A_1879 = arith.constant 0 : i32
      %ne3A_1880 = arith.cmpi ne, %rem3A_1878, %ne3A_1879 : i32
      %and3A_1881 = arith.andi %ne3A_1877, %ne3A_1880 : i1
      %sub3A_1882 = arith.constant 1 : i32
      %sub3A_1883 = arith.subi %div3A_1862, %sub3A_1882 : i32
      %select_n3A_1884 = arith.select %and3A_1881, %sub3A_1883, %div3A_1862 : i32
      %jit3A_1885 = arith.constant 16 : i32
      %eq3A_1886 = arith.constant 0 : i32
      %eq3A_1887 = arith.cmpi eq, %jit3A_1885, %eq3A_1886 : i32
      %jit3A_1888 = arith.constant 1 : i32
      %select_n3A_1889 = arith.select %eq3A_1887, %jit3A_1888, %jit3A_1885 : i32
      %rem3A_1890 = arith.remsi %add3A_1860, %select_n3A_1889 : i32
      %ne3A_1891 = arith.constant 0 : i32
      %ne3A_1892 = arith.cmpi ne, %rem3A_1890, %ne3A_1891 : i32
      %lt3A_1893 = arith.constant 0 : i32
      %lt3A_1894 = arith.cmpi slt, %rem3A_1890, %lt3A_1893 : i32
      %lt3A_1895 = arith.constant 0 : i32
      %lt3A_1896 = arith.cmpi slt, %select_n3A_1889, %lt3A_1895 : i32
      %ne3A_1897 = arith.xori %lt3A_1894, %lt3A_1896 : i1
      %and3A_1898 = arith.andi %ne3A_1897, %ne3A_1892 : i1
      %add3A_1899 = arith.addi %rem3A_1890, %select_n3A_1889 : i32
      %select_n3A_1900 = arith.select %and3A_1898, %add3A_1899, %rem3A_1890 : i32
      %jit3A_1901 = arith.constant 2 : i32
      %div3A_1902 = arith.divsi %select_n3A_1900, %jit3A_1901 : i32
      %sign3A_1903 = arith.constant 0 : i32
      %sign3A_1904 = arith.cmpi sgt, %select_n3A_1900, %sign3A_1903 : i32
      %sign3A_1905 = arith.extui %sign3A_1904 : i1 to i32
      %sign3A_1906 = arith.constant 0 : i32
      %sign3A_1907 = arith.cmpi slt, %select_n3A_1900, %sign3A_1906 : i32
      %sign3A_1908 = arith.extui %sign3A_1907 : i1 to i32
      %sign3A_1909 = arith.subi %sign3A_1905, %sign3A_1908 : i32
      %sign3A_1910 = arith.constant 0 : i32
      %sign3A_1911 = arith.cmpi sgt, %jit3A_1901, %sign3A_1910 : i32
      %sign3A_1912 = arith.extui %sign3A_1911 : i1 to i32
      %sign3A_1913 = arith.constant 0 : i32
      %sign3A_1914 = arith.cmpi slt, %jit3A_1901, %sign3A_1913 : i32
      %sign3A_1915 = arith.extui %sign3A_1914 : i1 to i32
      %sign3A_1916 = arith.subi %sign3A_1912, %sign3A_1915 : i32
      %ne3A_1917 = arith.cmpi ne, %sign3A_1909, %sign3A_1916 : i32
      %rem3A_1918 = arith.remsi %select_n3A_1900, %jit3A_1901 : i32
      %ne3A_1919 = arith.constant 0 : i32
      %ne3A_1920 = arith.cmpi ne, %rem3A_1918, %ne3A_1919 : i32
      %and3A_1921 = arith.andi %ne3A_1917, %ne3A_1920 : i1
      %sub3A_1922 = arith.constant 1 : i32
      %sub3A_1923 = arith.subi %div3A_1902, %sub3A_1922 : i32
      %select_n3A_1924 = arith.select %and3A_1921, %sub3A_1923, %div3A_1902 : i32
      %mul3A_1925 = arith.constant 8 : i32
      %mul3A_1926 = arith.muli %select_n3A_1924, %mul3A_1925 : i32
      %jit3A_1927 = arith.constant 2 : i32
      %eq3A_1928 = arith.constant 0 : i32
      %eq3A_1929 = arith.cmpi eq, %jit3A_1927, %eq3A_1928 : i32
      %jit3A_1930 = arith.constant 1 : i32
      %select_n3A_1931 = arith.select %eq3A_1929, %jit3A_1930, %jit3A_1927 : i32
      %rem3A_1932 = arith.remsi %select_n3A_1900, %select_n3A_1931 : i32
      %ne3A_1933 = arith.constant 0 : i32
      %ne3A_1934 = arith.cmpi ne, %rem3A_1932, %ne3A_1933 : i32
      %lt3A_1935 = arith.constant 0 : i32
      %lt3A_1936 = arith.cmpi slt, %rem3A_1932, %lt3A_1935 : i32
      %lt3A_1937 = arith.constant 0 : i32
      %lt3A_1938 = arith.cmpi slt, %select_n3A_1931, %lt3A_1937 : i32
      %ne3A_1939 = arith.xori %lt3A_1936, %lt3A_1938 : i1
      %and3A_1940 = arith.andi %ne3A_1939, %ne3A_1934 : i1
      %add3A_1941 = arith.addi %rem3A_1932, %select_n3A_1931 : i32
      %select_n3A_1942 = arith.select %and3A_1940, %add3A_1941, %rem3A_1932 : i32
      %mul3A_1943 = arith.constant 2048 : i32
      %mul3A_1944 = arith.muli %select_n3A_1942, %mul3A_1943 : i32
      %dma_wait3A_1945 = arith.constant 3 : i32
      %dma_wait3A_1946 = arith.constant 0 : i32
      %dma_wait3A_1947 = tpu.memref_slice %arg6[%dma_wait3A_1945, %dma_wait3A_1946] : memref<4x2048xi32, #tpu.memory_space<vmem>> -> memref<1x2048xi32, #tpu.memory_space<vmem>>
      %dma_wait3A_1948 = tpu.memref_squeeze %dma_wait3A_1947 : memref<1x2048xi32, #tpu.memory_space<vmem>> -> memref<2048xi32, #tpu.memory_space<vmem>>
      %dma_wait3A_1949 = tpu.memref_slice %arg2[%select_n3A_1884, %mul3A_1944] : memref<200x4096xi32, #tpu.memory_space<hbm>> -> memref<1x2048xi32, #tpu.memory_space<hbm>>
      %dma_wait3A_1950 = tpu.memref_squeeze %dma_wait3A_1949 : memref<1x2048xi32, #tpu.memory_space<hbm>> -> memref<2048xi32, #tpu.memory_space<hbm>>
      %dma_wait3A_1951 = arith.constant 0 : i32
      %dma_wait3A_1952 = tpu.memref_slice %arg6[%dma_wait3A_1945, %dma_wait3A_1951] : memref<4x2048xi32, #tpu.memory_space<vmem>> -> memref<1x2048xi32, #tpu.memory_space<vmem>>
      %dma_wait3A_1953 = tpu.memref_squeeze %dma_wait3A_1952 : memref<1x2048xi32, #tpu.memory_space<vmem>> -> memref<2048xi32, #tpu.memory_space<vmem>>
      %dma_wait3A_1954 = tpu.memref_slice %arg2[%select_n3A_1884, %mul3A_1944] : memref<200x4096xi32, #tpu.memory_space<hbm>> -> memref<1x2048xi32, #tpu.memory_space<hbm>>
      %dma_wait3A_1955 = tpu.memref_squeeze %dma_wait3A_1954 : memref<1x2048xi32, #tpu.memory_space<hbm>> -> memref<2048xi32, #tpu.memory_space<hbm>>
      tpu.wait_dma2 semaphore(%arg11 : memref<!tpu.dma_semaphore, #tpu.memory_space<semaphore_mem>>) src(%dma_wait3A_1955 : memref<2048xi32, #tpu.memory_space<hbm>>) dst(%dma_wait3A_1953 : memref<2048xi32, #tpu.memory_space<vmem>>)
      %jit3A_1956 = arith.constant 16 : i32
      %div3A_1957 = arith.divsi %add3A_1860, %jit3A_1956 : i32
      %sign3A_1958 = arith.constant 0 : i32
      %sign3A_1959 = arith.cmpi sgt, %add3A_1860, %sign3A_1958 : i32
      %sign3A_1960 = arith.extui %sign3A_1959 : i1 to i32
      %sign3A_1961 = arith.constant 0 : i32
      %sign3A_1962 = arith.cmpi slt, %add3A_1860, %sign3A_1961 : i32
      %sign3A_1963 = arith.extui %sign3A_1962 : i1 to i32
      %sign3A_1964 = arith.subi %sign3A_1960, %sign3A_1963 : i32
      %sign3A_1965 = arith.constant 0 : i32
      %sign3A_1966 = arith.cmpi sgt, %jit3A_1956, %sign3A_1965 : i32
      %sign3A_1967 = arith.extui %sign3A_1966 : i1 to i32
      %sign3A_1968 = arith.constant 0 : i32
      %sign3A_1969 = arith.cmpi slt, %jit3A_1956, %sign3A_1968 : i32
      %sign3A_1970 = arith.extui %sign3A_1969 : i1 to i32
      %sign3A_1971 = arith.subi %sign3A_1967, %sign3A_1970 : i32
      %ne3A_1972 = arith.cmpi ne, %sign3A_1964, %sign3A_1971 : i32
      %rem3A_1973 = arith.remsi %add3A_1860, %jit3A_1956 : i32
      %ne3A_1974 = arith.constant 0 : i32
      %ne3A_1975 = arith.cmpi ne, %rem3A_1973, %ne3A_1974 : i32
      %and3A_1976 = arith.andi %ne3A_1972, %ne3A_1975 : i1
      %sub3A_1977 = arith.constant 1 : i32
      %sub3A_1978 = arith.subi %div3A_1957, %sub3A_1977 : i32
      %select_n3A_1979 = arith.select %and3A_1976, %sub3A_1978, %div3A_1957 : i32
      %jit3A_1980 = arith.constant 16 : i32
      %eq3A_1981 = arith.constant 0 : i32
      %eq3A_1982 = arith.cmpi eq, %jit3A_1980, %eq3A_1981 : i32
      %jit3A_1983 = arith.constant 1 : i32
      %select_n3A_1984 = arith.select %eq3A_1982, %jit3A_1983, %jit3A_1980 : i32
      %rem3A_1985 = arith.remsi %add3A_1860, %select_n3A_1984 : i32
      %ne3A_1986 = arith.constant 0 : i32
      %ne3A_1987 = arith.cmpi ne, %rem3A_1985, %ne3A_1986 : i32
      %lt3A_1988 = arith.constant 0 : i32
      %lt3A_1989 = arith.cmpi slt, %rem3A_1985, %lt3A_1988 : i32
      %lt3A_1990 = arith.constant 0 : i32
      %lt3A_1991 = arith.cmpi slt, %select_n3A_1984, %lt3A_1990 : i32
      %ne3A_1992 = arith.xori %lt3A_1989, %lt3A_1991 : i1
      %and3A_1993 = arith.andi %ne3A_1992, %ne3A_1987 : i1
      %add3A_1994 = arith.addi %rem3A_1985, %select_n3A_1984 : i32
      %select_n3A_1995 = arith.select %and3A_1993, %add3A_1994, %rem3A_1985 : i32
      %jit3A_1996 = arith.constant 2 : i32
      %div3A_1997 = arith.divsi %select_n3A_1995, %jit3A_1996 : i32
      %sign3A_1998 = arith.constant 0 : i32
      %sign3A_1999 = arith.cmpi sgt, %select_n3A_1995, %sign3A_1998 : i32
      %sign3A_2000 = arith.extui %sign3A_1999 : i1 to i32
      %sign3A_2001 = arith.constant 0 : i32
      %sign3A_2002 = arith.cmpi slt, %select_n3A_1995, %sign3A_2001 : i32
      %sign3A_2003 = arith.extui %sign3A_2002 : i1 to i32
      %sign3A_2004 = arith.subi %sign3A_2000, %sign3A_2003 : i32
      %sign3A_2005 = arith.constant 0 : i32
      %sign3A_2006 = arith.cmpi sgt, %jit3A_1996, %sign3A_2005 : i32
      %sign3A_2007 = arith.extui %sign3A_2006 : i1 to i32
      %sign3A_2008 = arith.constant 0 : i32
      %sign3A_2009 = arith.cmpi slt, %jit3A_1996, %sign3A_2008 : i32
      %sign3A_2010 = arith.extui %sign3A_2009 : i1 to i32
      %sign3A_2011 = arith.subi %sign3A_2007, %sign3A_2010 : i32
      %ne3A_2012 = arith.cmpi ne, %sign3A_2004, %sign3A_2011 : i32
      %rem3A_2013 = arith.remsi %select_n3A_1995, %jit3A_1996 : i32
      %ne3A_2014 = arith.constant 0 : i32
      %ne3A_2015 = arith.cmpi ne, %rem3A_2013, %ne3A_2014 : i32
      %and3A_2016 = arith.andi %ne3A_2012, %ne3A_2015 : i1
      %sub3A_2017 = arith.constant 1 : i32
      %sub3A_2018 = arith.subi %div3A_1997, %sub3A_2017 : i32
      %select_n3A_2019 = arith.select %and3A_2016, %sub3A_2018, %div3A_1997 : i32
      %mul3A_2020 = arith.constant 8 : i32
      %mul3A_2021 = arith.muli %select_n3A_2019, %mul3A_2020 : i32
      %jit3A_2022 = arith.constant 2 : i32
      %eq3A_2023 = arith.constant 0 : i32
      %eq3A_2024 = arith.cmpi eq, %jit3A_2022, %eq3A_2023 : i32
      %jit3A_2025 = arith.constant 1 : i32
      %select_n3A_2026 = arith.select %eq3A_2024, %jit3A_2025, %jit3A_2022 : i32
      %rem3A_2027 = arith.remsi %select_n3A_1995, %select_n3A_2026 : i32
      %ne3A_2028 = arith.constant 0 : i32
      %ne3A_2029 = arith.cmpi ne, %rem3A_2027, %ne3A_2028 : i32
      %lt3A_2030 = arith.constant 0 : i32
      %lt3A_2031 = arith.cmpi slt, %rem3A_2027, %lt3A_2030 : i32
      %lt3A_2032 = arith.constant 0 : i32
      %lt3A_2033 = arith.cmpi slt, %select_n3A_2026, %lt3A_2032 : i32
      %ne3A_2034 = arith.xori %lt3A_2031, %lt3A_2033 : i1
      %and3A_2035 = arith.andi %ne3A_2034, %ne3A_2029 : i1
      %add3A_2036 = arith.addi %rem3A_2027, %select_n3A_2026 : i32
      %select_n3A_2037 = arith.select %and3A_2035, %add3A_2036, %rem3A_2027 : i32
      %mul3A_2038 = arith.constant 2048 : i32
      %mul3A_2039 = arith.muli %select_n3A_2037, %mul3A_2038 : i32
      %add3A_2040 = arith.constant 1 : i32
      %add3A_2041 = arith.addi %select_n3A_1979, %add3A_2040 : i32
      %mul3A_2042 = arith.constant 64 : i32
      %mul3A_2043 = arith.muli %add3A_2041, %mul3A_2042 : i32
      %add3A_2044 = arith.addi %mul3A_2043, %mul3A_2021 : i32
      %add3A_2045 = arith.constant 0 : i32
      %add3A_2046 = arith.addi %add3A_2044, %add3A_2045 : i32
      %add3A_2047 = vector.broadcast %add3A_2046 : i32 to vector<16xi32>
      %add3A_2048 = arith.addi %add3A_2047, %mul3A_6 : vector<16xi32>
      %gather3A_2049 = tpu.vector_load_idx %arg5[%add3A_2048] : memref<12864xf32, #tpu.memory_space<vmem>>[vector<16xi32>], vector<16xf32>,
      %add3A_2050 = arith.constant 1 : i32
      %add3A_2051 = arith.addi %add3A_2044, %add3A_2050 : i32
      %add3A_2052 = vector.broadcast %add3A_2051 : i32 to vector<16xi32>
      %add3A_2053 = arith.addi %add3A_2052, %mul3A_6 : vector<16xi32>
      %gather3A_2054 = tpu.vector_load_idx %arg5[%add3A_2053] : memref<12864xf32, #tpu.memory_space<vmem>>[vector<16xi32>], vector<16xf32>,
      %add3A_2055 = arith.constant 2 : i32
      %add3A_2056 = arith.addi %add3A_2044, %add3A_2055 : i32
      %add3A_2057 = vector.broadcast %add3A_2056 : i32 to vector<16xi32>
      %add3A_2058 = arith.addi %add3A_2057, %mul3A_6 : vector<16xi32>
      %gather3A_2059 = tpu.vector_load_idx %arg5[%add3A_2058] : memref<12864xf32, #tpu.memory_space<vmem>>[vector<16xi32>], vector<16xf32>,
      %add3A_2060 = arith.constant 3 : i32
      %add3A_2061 = arith.addi %add3A_2044, %add3A_2060 : i32
      %add3A_2062 = vector.broadcast %add3A_2061 : i32 to vector<16xi32>
      %add3A_2063 = arith.addi %add3A_2062, %mul3A_6 : vector<16xi32>
      %gather3A_2064 = tpu.vector_load_idx %arg5[%add3A_2063] : memref<12864xf32, #tpu.memory_space<vmem>>[vector<16xi32>], vector<16xf32>,
      %add3A_2065 = arith.constant 4 : i32
      %add3A_2066 = arith.addi %add3A_2044, %add3A_2065 : i32
      %add3A_2067 = vector.broadcast %add3A_2066 : i32 to vector<16xi32>
      %add3A_2068 = arith.addi %add3A_2067, %mul3A_6 : vector<16xi32>
      %gather3A_2069 = tpu.vector_load_idx %arg5[%add3A_2068] : memref<12864xf32, #tpu.memory_space<vmem>>[vector<16xi32>], vector<16xf32>,
      %add3A_2070 = arith.constant 5 : i32
      %add3A_2071 = arith.addi %add3A_2044, %add3A_2070 : i32
      %add3A_2072 = vector.broadcast %add3A_2071 : i32 to vector<16xi32>
      %add3A_2073 = arith.addi %add3A_2072, %mul3A_6 : vector<16xi32>
      %gather3A_2074 = tpu.vector_load_idx %arg5[%add3A_2073] : memref<12864xf32, #tpu.memory_space<vmem>>[vector<16xi32>], vector<16xf32>,
      %add3A_2075 = arith.constant 6 : i32
      %add3A_2076 = arith.addi %add3A_2044, %add3A_2075 : i32
      %add3A_2077 = vector.broadcast %add3A_2076 : i32 to vector<16xi32>
      %add3A_2078 = arith.addi %add3A_2077, %mul3A_6 : vector<16xi32>
      %gather3A_2079 = tpu.vector_load_idx %arg5[%add3A_2078] : memref<12864xf32, #tpu.memory_space<vmem>>[vector<16xi32>], vector<16xf32>,
      %add3A_2080 = arith.constant 7 : i32
      %add3A_2081 = arith.addi %add3A_2044, %add3A_2080 : i32
      %add3A_2082 = vector.broadcast %add3A_2081 : i32 to vector<16xi32>
      %add3A_2083 = arith.addi %add3A_2082, %mul3A_6 : vector<16xi32>
      %gather3A_2084 = tpu.vector_load_idx %arg5[%add3A_2083] : memref<12864xf32, #tpu.memory_space<vmem>>[vector<16xi32>], vector<16xf32>,
      %broadcast_in_dim3A_2085 = arith.constant 2147483647 : i32
      %broadcast_in_dim3A_2086 = vector.broadcast %broadcast_in_dim3A_2085 : i32 to vector<16xi32>
      %scan3A_2087 = arith.constant 0 : i32
      %scan3A_2088 = arith.constant 16 : i32
      %scan3A_2089 = arith.addi %scan3A_2087, %scan3A_2088 : i32
      %scan3A_2090 = arith.constant 1 : i32
      %scan3A_2091:4 = scf.for %scan3A_2206 = %scan3A_2087 to %scan3A_2089 step %scan3A_2090 iter_args(%scan3A_2207 = %broadcast_in_dim3A_2086, %scan3A_2208 = %broadcast_in_dim3A_2086, %scan3A_2209 = %broadcast_in_dim3A_2086, %scan3A_2210 = %broadcast_in_dim3A_2086) -> (vector<16xi32>, vector<16xi32>, vector<16xi32>, vector<16xi32>)  : i32 {
        %mul3A_2211 = arith.constant 8 : i32
        %mul3A_2212 = arith.muli %scan3A_2206, %mul3A_2211 : i32
        %add3A_2213 = arith.constant 0 : i32
        %add3A_2214 = arith.addi %mul3A_2212, %add3A_2213 : i32
        %mul3A_2215 = arith.constant 16 : i32
        %mul3A_2216 = arith.muli %add3A_2214, %mul3A_2215 : i32
        %get3A = arith.constant 3 : i32
        %get3A_2217 = arith.index_cast %get3A : i32 to index
        %get3A_2218 = arith.index_cast %mul3A_2216 : i32 to index
        %get3A_2219 = tpu.vector_load %arg6[%get3A_2217, %get3A_2218] {strides = array<i32>} : memref<4x2048xi32, #tpu.memory_space<vmem>>, vector<16xi32>,
        %min3A_2220 = arith.minsi %scan3A_2207, %get3A_2219 : vector<16xi32>
        %swap3A = arith.constant 3 : i32
        %swap3A_2221 = arith.constant 0 : i32
        %swap3A_2222 = arith.index_cast %swap3A : i32 to index
        %swap3A_2223 = arith.index_cast %swap3A_2221 : i32 to index
        %swap3A_2224 = arith.index_cast %mul3A_2216 : i32 to index
        %swap3A_2225 = tpu.vector_load %arg7[%swap3A_2222, %swap3A_2223, %swap3A_2224] {strides = array<i32>} : memref<4x8x2048xf32, #tpu.memory_space<vmem>>, vector<16xf32>,
        tpu.vector_store %arg7[%swap3A_2222, %swap3A_2223, %swap3A_2224], %gather3A_2049 {strides = array<i32>} : memref<4x8x2048xf32, #tpu.memory_space<vmem>>, vector<16xf32>,
        %swap3A_2226 = arith.constant 3 : i32
        %swap3A_2227 = arith.constant 1 : i32
        %swap3A_2228 = arith.index_cast %swap3A_2226 : i32 to index
        %swap3A_2229 = arith.index_cast %swap3A_2227 : i32 to index
        %swap3A_2230 = arith.index_cast %mul3A_2216 : i32 to index
        %swap3A_2231 = tpu.vector_load %arg7[%swap3A_2228, %swap3A_2229, %swap3A_2230] {strides = array<i32>} : memref<4x8x2048xf32, #tpu.memory_space<vmem>>, vector<16xf32>,
        tpu.vector_store %arg7[%swap3A_2228, %swap3A_2229, %swap3A_2230], %gather3A_2054 {strides = array<i32>} : memref<4x8x2048xf32, #tpu.memory_space<vmem>>, vector<16xf32>,
        %swap3A_2232 = arith.constant 3 : i32
        %swap3A_2233 = arith.constant 2 : i32
        %swap3A_2234 = arith.index_cast %swap3A_2232 : i32 to index
        %swap3A_2235 = arith.index_cast %swap3A_2233 : i32 to index
        %swap3A_2236 = arith.index_cast %mul3A_2216 : i32 to index
        %swap3A_2237 = tpu.vector_load %arg7[%swap3A_2234, %swap3A_2235, %swap3A_2236] {strides = array<i32>} : memref<4x8x2048xf32, #tpu.memory_space<vmem>>, vector<16xf32>,
        tpu.vector_store %arg7[%swap3A_2234, %swap3A_2235, %swap3A_2236], %gather3A_2059 {strides = array<i32>} : memref<4x8x2048xf32, #tpu.memory_space<vmem>>, vector<16xf32>,
        %swap3A_2238 = arith.constant 3 : i32
        %swap3A_2239 = arith.constant 3 : i32
        %swap3A_2240 = arith.index_cast %swap3A_2238 : i32 to index
        %swap3A_2241 = arith.index_cast %swap3A_2239 : i32 to index
        %swap3A_2242 = arith.index_cast %mul3A_2216 : i32 to index
        %swap3A_2243 = tpu.vector_load %arg7[%swap3A_2240, %swap3A_2241, %swap3A_2242] {strides = array<i32>} : memref<4x8x2048xf32, #tpu.memory_space<vmem>>, vector<16xf32>,
        tpu.vector_store %arg7[%swap3A_2240, %swap3A_2241, %swap3A_2242], %gather3A_2064 {strides = array<i32>} : memref<4x8x2048xf32, #tpu.memory_space<vmem>>, vector<16xf32>,
        %swap3A_2244 = arith.constant 3 : i32
        %swap3A_2245 = arith.constant 4 : i32
        %swap3A_2246 = arith.index_cast %swap3A_2244 : i32 to index
        %swap3A_2247 = arith.index_cast %swap3A_2245 : i32 to index
        %swap3A_2248 = arith.index_cast %mul3A_2216 : i32 to index
        %swap3A_2249 = tpu.vector_load %arg7[%swap3A_2246, %swap3A_2247, %swap3A_2248] {strides = array<i32>} : memref<4x8x2048xf32, #tpu.memory_space<vmem>>, vector<16xf32>,
        tpu.vector_store %arg7[%swap3A_2246, %swap3A_2247, %swap3A_2248], %gather3A_2069 {strides = array<i32>} : memref<4x8x2048xf32, #tpu.memory_space<vmem>>, vector<16xf32>,
        %swap3A_2250 = arith.constant 3 : i32
        %swap3A_2251 = arith.constant 5 : i32
        %swap3A_2252 = arith.index_cast %swap3A_2250 : i32 to index
        %swap3A_2253 = arith.index_cast %swap3A_2251 : i32 to index
        %swap3A_2254 = arith.index_cast %mul3A_2216 : i32 to index
        %swap3A_2255 = tpu.vector_load %arg7[%swap3A_2252, %swap3A_2253, %swap3A_2254] {strides = array<i32>} : memref<4x8x2048xf32, #tpu.memory_space<vmem>>, vector<16xf32>,
        tpu.vector_store %arg7[%swap3A_2252, %swap3A_2253, %swap3A_2254], %gather3A_2074 {strides = array<i32>} : memref<4x8x2048xf32, #tpu.memory_space<vmem>>, vector<16xf32>,
        %swap3A_2256 = arith.constant 3 : i32
        %swap3A_2257 = arith.constant 6 : i32
        %swap3A_2258 = arith.index_cast %swap3A_2256 : i32 to index
        %swap3A_2259 = arith.index_cast %swap3A_2257 : i32 to index
        %swap3A_2260 = arith.index_cast %mul3A_2216 : i32 to index
        %swap3A_2261 = tpu.vector_load %arg7[%swap3A_2258, %swap3A_2259, %swap3A_2260] {strides = array<i32>} : memref<4x8x2048xf32, #tpu.memory_space<vmem>>, vector<16xf32>,
        tpu.vector_store %arg7[%swap3A_2258, %swap3A_2259, %swap3A_2260], %gather3A_2079 {strides = array<i32>} : memref<4x8x2048xf32, #tpu.memory_space<vmem>>, vector<16xf32>,
        %swap3A_2262 = arith.constant 3 : i32
        %swap3A_2263 = arith.constant 7 : i32
        %swap3A_2264 = arith.index_cast %swap3A_2262 : i32 to index
        %swap3A_2265 = arith.index_cast %swap3A_2263 : i32 to index
        %swap3A_2266 = arith.index_cast %mul3A_2216 : i32 to index
        %swap3A_2267 = tpu.vector_load %arg7[%swap3A_2264, %swap3A_2265, %swap3A_2266] {strides = array<i32>} : memref<4x8x2048xf32, #tpu.memory_space<vmem>>, vector<16xf32>,
        tpu.vector_store %arg7[%swap3A_2264, %swap3A_2265, %swap3A_2266], %gather3A_2084 {strides = array<i32>} : memref<4x8x2048xf32, #tpu.memory_space<vmem>>, vector<16xf32>,
        %mul3A_2268 = arith.constant 8 : i32
        %mul3A_2269 = arith.muli %scan3A_2206, %mul3A_2268 : i32
        %add3A_2270 = arith.constant 1 : i32
        %add3A_2271 = arith.addi %mul3A_2269, %add3A_2270 : i32
        %mul3A_2272 = arith.constant 16 : i32
        %mul3A_2273 = arith.muli %add3A_2271, %mul3A_2272 : i32
        %get3A_2274 = arith.constant 3 : i32
        %get3A_2275 = arith.index_cast %get3A_2274 : i32 to index
        %get3A_2276 = arith.index_cast %mul3A_2273 : i32 to index
        %get3A_2277 = tpu.vector_load %arg6[%get3A_2275, %get3A_2276] {strides = array<i32>} : memref<4x2048xi32, #tpu.memory_space<vmem>>, vector<16xi32>,
        %min3A_2278 = arith.minsi %scan3A_2208, %get3A_2277 : vector<16xi32>
        %swap3A_2279 = arith.constant 3 : i32
        %swap3A_2280 = arith.constant 0 : i32
        %swap3A_2281 = arith.index_cast %swap3A_2279 : i32 to index
        %swap3A_2282 = arith.index_cast %swap3A_2280 : i32 to index
        %swap3A_2283 = arith.index_cast %mul3A_2273 : i32 to index
        %swap3A_2284 = tpu.vector_load %arg7[%swap3A_2281, %swap3A_2282, %swap3A_2283] {strides = array<i32>} : memref<4x8x2048xf32, #tpu.memory_space<vmem>>, vector<16xf32>,
        tpu.vector_store %arg7[%swap3A_2281, %swap3A_2282, %swap3A_2283], %gather3A_2049 {strides = array<i32>} : memref<4x8x2048xf32, #tpu.memory_space<vmem>>, vector<16xf32>,
        %swap3A_2285 = arith.constant 3 : i32
        %swap3A_2286 = arith.constant 1 : i32
        %swap3A_2287 = arith.index_cast %swap3A_2285 : i32 to index
        %swap3A_2288 = arith.index_cast %swap3A_2286 : i32 to index
        %swap3A_2289 = arith.index_cast %mul3A_2273 : i32 to index
        %swap3A_2290 = tpu.vector_load %arg7[%swap3A_2287, %swap3A_2288, %swap3A_2289] {strides = array<i32>} : memref<4x8x2048xf32, #tpu.memory_space<vmem>>, vector<16xf32>,
        tpu.vector_store %arg7[%swap3A_2287, %swap3A_2288, %swap3A_2289], %gather3A_2054 {strides = array<i32>} : memref<4x8x2048xf32, #tpu.memory_space<vmem>>, vector<16xf32>,
        %swap3A_2291 = arith.constant 3 : i32
        %swap3A_2292 = arith.constant 2 : i32
        %swap3A_2293 = arith.index_cast %swap3A_2291 : i32 to index
        %swap3A_2294 = arith.index_cast %swap3A_2292 : i32 to index
        %swap3A_2295 = arith.index_cast %mul3A_2273 : i32 to index
        %swap3A_2296 = tpu.vector_load %arg7[%swap3A_2293, %swap3A_2294, %swap3A_2295] {strides = array<i32>} : memref<4x8x2048xf32, #tpu.memory_space<vmem>>, vector<16xf32>,
        tpu.vector_store %arg7[%swap3A_2293, %swap3A_2294, %swap3A_2295], %gather3A_2059 {strides = array<i32>} : memref<4x8x2048xf32, #tpu.memory_space<vmem>>, vector<16xf32>,
        %swap3A_2297 = arith.constant 3 : i32
        %swap3A_2298 = arith.constant 3 : i32
        %swap3A_2299 = arith.index_cast %swap3A_2297 : i32 to index
        %swap3A_2300 = arith.index_cast %swap3A_2298 : i32 to index
        %swap3A_2301 = arith.index_cast %mul3A_2273 : i32 to index
        %swap3A_2302 = tpu.vector_load %arg7[%swap3A_2299, %swap3A_2300, %swap3A_2301] {strides = array<i32>} : memref<4x8x2048xf32, #tpu.memory_space<vmem>>, vector<16xf32>,
        tpu.vector_store %arg7[%swap3A_2299, %swap3A_2300, %swap3A_2301], %gather3A_2064 {strides = array<i32>} : memref<4x8x2048xf32, #tpu.memory_space<vmem>>, vector<16xf32>,
        %swap3A_2303 = arith.constant 3 : i32
        %swap3A_2304 = arith.constant 4 : i32
        %swap3A_2305 = arith.index_cast %swap3A_2303 : i32 to index
        %swap3A_2306 = arith.index_cast %swap3A_2304 : i32 to index
        %swap3A_2307 = arith.index_cast %mul3A_2273 : i32 to index
        %swap3A_2308 = tpu.vector_load %arg7[%swap3A_2305, %swap3A_2306, %swap3A_2307] {strides = array<i32>} : memref<4x8x2048xf32, #tpu.memory_space<vmem>>, vector<16xf32>,
        tpu.vector_store %arg7[%swap3A_2305, %swap3A_2306, %swap3A_2307], %gather3A_2069 {strides = array<i32>} : memref<4x8x2048xf32, #tpu.memory_space<vmem>>, vector<16xf32>,
        %swap3A_2309 = arith.constant 3 : i32
        %swap3A_2310 = arith.constant 5 : i32
        %swap3A_2311 = arith.index_cast %swap3A_2309 : i32 to index
        %swap3A_2312 = arith.index_cast %swap3A_2310 : i32 to index
        %swap3A_2313 = arith.index_cast %mul3A_2273 : i32 to index
        %swap3A_2314 = tpu.vector_load %arg7[%swap3A_2311, %swap3A_2312, %swap3A_2313] {strides = array<i32>} : memref<4x8x2048xf32, #tpu.memory_space<vmem>>, vector<16xf32>,
        tpu.vector_store %arg7[%swap3A_2311, %swap3A_2312, %swap3A_2313], %gather3A_2074 {strides = array<i32>} : memref<4x8x2048xf32, #tpu.memory_space<vmem>>, vector<16xf32>,
        %swap3A_2315 = arith.constant 3 : i32
        %swap3A_2316 = arith.constant 6 : i32
        %swap3A_2317 = arith.index_cast %swap3A_2315 : i32 to index
        %swap3A_2318 = arith.index_cast %swap3A_2316 : i32 to index
        %swap3A_2319 = arith.index_cast %mul3A_2273 : i32 to index
        %swap3A_2320 = tpu.vector_load %arg7[%swap3A_2317, %swap3A_2318, %swap3A_2319] {strides = array<i32>} : memref<4x8x2048xf32, #tpu.memory_space<vmem>>, vector<16xf32>,
        tpu.vector_store %arg7[%swap3A_2317, %swap3A_2318, %swap3A_2319], %gather3A_2079 {strides = array<i32>} : memref<4x8x2048xf32, #tpu.memory_space<vmem>>, vector<16xf32>,
        %swap3A_2321 = arith.constant 3 : i32
        %swap3A_2322 = arith.constant 7 : i32
        %swap3A_2323 = arith.index_cast %swap3A_2321 : i32 to index
        %swap3A_2324 = arith.index_cast %swap3A_2322 : i32 to index
        %swap3A_2325 = arith.index_cast %mul3A_2273 : i32 to index
        %swap3A_2326 = tpu.vector_load %arg7[%swap3A_2323, %swap3A_2324, %swap3A_2325] {strides = array<i32>} : memref<4x8x2048xf32, #tpu.memory_space<vmem>>, vector<16xf32>,
        tpu.vector_store %arg7[%swap3A_2323, %swap3A_2324, %swap3A_2325], %gather3A_2084 {strides = array<i32>} : memref<4x8x2048xf32, #tpu.memory_space<vmem>>, vector<16xf32>,
        %mul3A_2327 = arith.constant 8 : i32
        %mul3A_2328 = arith.muli %scan3A_2206, %mul3A_2327 : i32
        %add3A_2329 = arith.constant 2 : i32
        %add3A_2330 = arith.addi %mul3A_2328, %add3A_2329 : i32
        %mul3A_2331 = arith.constant 16 : i32
        %mul3A_2332 = arith.muli %add3A_2330, %mul3A_2331 : i32
        %get3A_2333 = arith.constant 3 : i32
        %get3A_2334 = arith.index_cast %get3A_2333 : i32 to index
        %get3A_2335 = arith.index_cast %mul3A_2332 : i32 to index
        %get3A_2336 = tpu.vector_load %arg6[%get3A_2334, %get3A_2335] {strides = array<i32>} : memref<4x2048xi32, #tpu.memory_space<vmem>>, vector<16xi32>,
        %min3A_2337 = arith.minsi %scan3A_2209, %get3A_2336 : vector<16xi32>
        %swap3A_2338 = arith.constant 3 : i32
        %swap3A_2339 = arith.constant 0 : i32
        %swap3A_2340 = arith.index_cast %swap3A_2338 : i32 to index
        %swap3A_2341 = arith.index_cast %swap3A_2339 : i32 to index
        %swap3A_2342 = arith.index_cast %mul3A_2332 : i32 to index
        %swap3A_2343 = tpu.vector_load %arg7[%swap3A_2340, %swap3A_2341, %swap3A_2342] {strides = array<i32>} : memref<4x8x2048xf32, #tpu.memory_space<vmem>>, vector<16xf32>,
        tpu.vector_store %arg7[%swap3A_2340, %swap3A_2341, %swap3A_2342], %gather3A_2049 {strides = array<i32>} : memref<4x8x2048xf32, #tpu.memory_space<vmem>>, vector<16xf32>,
        %swap3A_2344 = arith.constant 3 : i32
        %swap3A_2345 = arith.constant 1 : i32
        %swap3A_2346 = arith.index_cast %swap3A_2344 : i32 to index
        %swap3A_2347 = arith.index_cast %swap3A_2345 : i32 to index
        %swap3A_2348 = arith.index_cast %mul3A_2332 : i32 to index
        %swap3A_2349 = tpu.vector_load %arg7[%swap3A_2346, %swap3A_2347, %swap3A_2348] {strides = array<i32>} : memref<4x8x2048xf32, #tpu.memory_space<vmem>>, vector<16xf32>,
        tpu.vector_store %arg7[%swap3A_2346, %swap3A_2347, %swap3A_2348], %gather3A_2054 {strides = array<i32>} : memref<4x8x2048xf32, #tpu.memory_space<vmem>>, vector<16xf32>,
        %swap3A_2350 = arith.constant 3 : i32
        %swap3A_2351 = arith.constant 2 : i32
        %swap3A_2352 = arith.index_cast %swap3A_2350 : i32 to index
        %swap3A_2353 = arith.index_cast %swap3A_2351 : i32 to index
        %swap3A_2354 = arith.index_cast %mul3A_2332 : i32 to index
        %swap3A_2355 = tpu.vector_load %arg7[%swap3A_2352, %swap3A_2353, %swap3A_2354] {strides = array<i32>} : memref<4x8x2048xf32, #tpu.memory_space<vmem>>, vector<16xf32>,
        tpu.vector_store %arg7[%swap3A_2352, %swap3A_2353, %swap3A_2354], %gather3A_2059 {strides = array<i32>} : memref<4x8x2048xf32, #tpu.memory_space<vmem>>, vector<16xf32>,
        %swap3A_2356 = arith.constant 3 : i32
        %swap3A_2357 = arith.constant 3 : i32
        %swap3A_2358 = arith.index_cast %swap3A_2356 : i32 to index
        %swap3A_2359 = arith.index_cast %swap3A_2357 : i32 to index
        %swap3A_2360 = arith.index_cast %mul3A_2332 : i32 to index
        %swap3A_2361 = tpu.vector_load %arg7[%swap3A_2358, %swap3A_2359, %swap3A_2360] {strides = array<i32>} : memref<4x8x2048xf32, #tpu.memory_space<vmem>>, vector<16xf32>,
        tpu.vector_store %arg7[%swap3A_2358, %swap3A_2359, %swap3A_2360], %gather3A_2064 {strides = array<i32>} : memref<4x8x2048xf32, #tpu.memory_space<vmem>>, vector<16xf32>,
        %swap3A_2362 = arith.constant 3 : i32
        %swap3A_2363 = arith.constant 4 : i32
        %swap3A_2364 = arith.index_cast %swap3A_2362 : i32 to index
        %swap3A_2365 = arith.index_cast %swap3A_2363 : i32 to index
        %swap3A_2366 = arith.index_cast %mul3A_2332 : i32 to index
        %swap3A_2367 = tpu.vector_load %arg7[%swap3A_2364, %swap3A_2365, %swap3A_2366] {strides = array<i32>} : memref<4x8x2048xf32, #tpu.memory_space<vmem>>, vector<16xf32>,
        tpu.vector_store %arg7[%swap3A_2364, %swap3A_2365, %swap3A_2366], %gather3A_2069 {strides = array<i32>} : memref<4x8x2048xf32, #tpu.memory_space<vmem>>, vector<16xf32>,
        %swap3A_2368 = arith.constant 3 : i32
        %swap3A_2369 = arith.constant 5 : i32
        %swap3A_2370 = arith.index_cast %swap3A_2368 : i32 to index
        %swap3A_2371 = arith.index_cast %swap3A_2369 : i32 to index
        %swap3A_2372 = arith.index_cast %mul3A_2332 : i32 to index
        %swap3A_2373 = tpu.vector_load %arg7[%swap3A_2370, %swap3A_2371, %swap3A_2372] {strides = array<i32>} : memref<4x8x2048xf32, #tpu.memory_space<vmem>>, vector<16xf32>,
        tpu.vector_store %arg7[%swap3A_2370, %swap3A_2371, %swap3A_2372], %gather3A_2074 {strides = array<i32>} : memref<4x8x2048xf32, #tpu.memory_space<vmem>>, vector<16xf32>,
        %swap3A_2374 = arith.constant 3 : i32
        %swap3A_2375 = arith.constant 6 : i32
        %swap3A_2376 = arith.index_cast %swap3A_2374 : i32 to index
        %swap3A_2377 = arith.index_cast %swap3A_2375 : i32 to index
        %swap3A_2378 = arith.index_cast %mul3A_2332 : i32 to index
        %swap3A_2379 = tpu.vector_load %arg7[%swap3A_2376, %swap3A_2377, %swap3A_2378] {strides = array<i32>} : memref<4x8x2048xf32, #tpu.memory_space<vmem>>, vector<16xf32>,
        tpu.vector_store %arg7[%swap3A_2376, %swap3A_2377, %swap3A_2378], %gather3A_2079 {strides = array<i32>} : memref<4x8x2048xf32, #tpu.memory_space<vmem>>, vector<16xf32>,
        %swap3A_2380 = arith.constant 3 : i32
        %swap3A_2381 = arith.constant 7 : i32
        %swap3A_2382 = arith.index_cast %swap3A_2380 : i32 to index
        %swap3A_2383 = arith.index_cast %swap3A_2381 : i32 to index
        %swap3A_2384 = arith.index_cast %mul3A_2332 : i32 to index
        %swap3A_2385 = tpu.vector_load %arg7[%swap3A_2382, %swap3A_2383, %swap3A_2384] {strides = array<i32>} : memref<4x8x2048xf32, #tpu.memory_space<vmem>>, vector<16xf32>,
        tpu.vector_store %arg7[%swap3A_2382, %swap3A_2383, %swap3A_2384], %gather3A_2084 {strides = array<i32>} : memref<4x8x2048xf32, #tpu.memory_space<vmem>>, vector<16xf32>,
        %mul3A_2386 = arith.constant 8 : i32
        %mul3A_2387 = arith.muli %scan3A_2206, %mul3A_2386 : i32
        %add3A_2388 = arith.constant 3 : i32
        %add3A_2389 = arith.addi %mul3A_2387, %add3A_2388 : i32
        %mul3A_2390 = arith.constant 16 : i32
        %mul3A_2391 = arith.muli %add3A_2389, %mul3A_2390 : i32
        %get3A_2392 = arith.constant 3 : i32
        %get3A_2393 = arith.index_cast %get3A_2392 : i32 to index
        %get3A_2394 = arith.index_cast %mul3A_2391 : i32 to index
        %get3A_2395 = tpu.vector_load %arg6[%get3A_2393, %get3A_2394] {strides = array<i32>} : memref<4x2048xi32, #tpu.memory_space<vmem>>, vector<16xi32>,
        %min3A_2396 = arith.minsi %scan3A_2210, %get3A_2395 : vector<16xi32>
        %swap3A_2397 = arith.constant 3 : i32
        %swap3A_2398 = arith.constant 0 : i32
        %swap3A_2399 = arith.index_cast %swap3A_2397 : i32 to index
        %swap3A_2400 = arith.index_cast %swap3A_2398 : i32 to index
        %swap3A_2401 = arith.index_cast %mul3A_2391 : i32 to index
        %swap3A_2402 = tpu.vector_load %arg7[%swap3A_2399, %swap3A_2400, %swap3A_2401] {strides = array<i32>} : memref<4x8x2048xf32, #tpu.memory_space<vmem>>, vector<16xf32>,
        tpu.vector_store %arg7[%swap3A_2399, %swap3A_2400, %swap3A_2401], %gather3A_2049 {strides = array<i32>} : memref<4x8x2048xf32, #tpu.memory_space<vmem>>, vector<16xf32>,
        %swap3A_2403 = arith.constant 3 : i32
        %swap3A_2404 = arith.constant 1 : i32
        %swap3A_2405 = arith.index_cast %swap3A_2403 : i32 to index
        %swap3A_2406 = arith.index_cast %swap3A_2404 : i32 to index
        %swap3A_2407 = arith.index_cast %mul3A_2391 : i32 to index
        %swap3A_2408 = tpu.vector_load %arg7[%swap3A_2405, %swap3A_2406, %swap3A_2407] {strides = array<i32>} : memref<4x8x2048xf32, #tpu.memory_space<vmem>>, vector<16xf32>,
        tpu.vector_store %arg7[%swap3A_2405, %swap3A_2406, %swap3A_2407], %gather3A_2054 {strides = array<i32>} : memref<4x8x2048xf32, #tpu.memory_space<vmem>>, vector<16xf32>,
        %swap3A_2409 = arith.constant 3 : i32
        %swap3A_2410 = arith.constant 2 : i32
        %swap3A_2411 = arith.index_cast %swap3A_2409 : i32 to index
        %swap3A_2412 = arith.index_cast %swap3A_2410 : i32 to index
        %swap3A_2413 = arith.index_cast %mul3A_2391 : i32 to index
        %swap3A_2414 = tpu.vector_load %arg7[%swap3A_2411, %swap3A_2412, %swap3A_2413] {strides = array<i32>} : memref<4x8x2048xf32, #tpu.memory_space<vmem>>, vector<16xf32>,
        tpu.vector_store %arg7[%swap3A_2411, %swap3A_2412, %swap3A_2413], %gather3A_2059 {strides = array<i32>} : memref<4x8x2048xf32, #tpu.memory_space<vmem>>, vector<16xf32>,
        %swap3A_2415 = arith.constant 3 : i32
        %swap3A_2416 = arith.constant 3 : i32
        %swap3A_2417 = arith.index_cast %swap3A_2415 : i32 to index
        %swap3A_2418 = arith.index_cast %swap3A_2416 : i32 to index
        %swap3A_2419 = arith.index_cast %mul3A_2391 : i32 to index
        %swap3A_2420 = tpu.vector_load %arg7[%swap3A_2417, %swap3A_2418, %swap3A_2419] {strides = array<i32>} : memref<4x8x2048xf32, #tpu.memory_space<vmem>>, vector<16xf32>,
        tpu.vector_store %arg7[%swap3A_2417, %swap3A_2418, %swap3A_2419], %gather3A_2064 {strides = array<i32>} : memref<4x8x2048xf32, #tpu.memory_space<vmem>>, vector<16xf32>,
        %swap3A_2421 = arith.constant 3 : i32
        %swap3A_2422 = arith.constant 4 : i32
        %swap3A_2423 = arith.index_cast %swap3A_2421 : i32 to index
        %swap3A_2424 = arith.index_cast %swap3A_2422 : i32 to index
        %swap3A_2425 = arith.index_cast %mul3A_2391 : i32 to index
        %swap3A_2426 = tpu.vector_load %arg7[%swap3A_2423, %swap3A_2424, %swap3A_2425] {strides = array<i32>} : memref<4x8x2048xf32, #tpu.memory_space<vmem>>, vector<16xf32>,
        tpu.vector_store %arg7[%swap3A_2423, %swap3A_2424, %swap3A_2425], %gather3A_2069 {strides = array<i32>} : memref<4x8x2048xf32, #tpu.memory_space<vmem>>, vector<16xf32>,
        %swap3A_2427 = arith.constant 3 : i32
        %swap3A_2428 = arith.constant 5 : i32
        %swap3A_2429 = arith.index_cast %swap3A_2427 : i32 to index
        %swap3A_2430 = arith.index_cast %swap3A_2428 : i32 to index
        %swap3A_2431 = arith.index_cast %mul3A_2391 : i32 to index
        %swap3A_2432 = tpu.vector_load %arg7[%swap3A_2429, %swap3A_2430, %swap3A_2431] {strides = array<i32>} : memref<4x8x2048xf32, #tpu.memory_space<vmem>>, vector<16xf32>,
        tpu.vector_store %arg7[%swap3A_2429, %swap3A_2430, %swap3A_2431], %gather3A_2074 {strides = array<i32>} : memref<4x8x2048xf32, #tpu.memory_space<vmem>>, vector<16xf32>,
        %swap3A_2433 = arith.constant 3 : i32
        %swap3A_2434 = arith.constant 6 : i32
        %swap3A_2435 = arith.index_cast %swap3A_2433 : i32 to index
        %swap3A_2436 = arith.index_cast %swap3A_2434 : i32 to index
        %swap3A_2437 = arith.index_cast %mul3A_2391 : i32 to index
        %swap3A_2438 = tpu.vector_load %arg7[%swap3A_2435, %swap3A_2436, %swap3A_2437] {strides = array<i32>} : memref<4x8x2048xf32, #tpu.memory_space<vmem>>, vector<16xf32>,
        tpu.vector_store %arg7[%swap3A_2435, %swap3A_2436, %swap3A_2437], %gather3A_2079 {strides = array<i32>} : memref<4x8x2048xf32, #tpu.memory_space<vmem>>, vector<16xf32>,
        %swap3A_2439 = arith.constant 3 : i32
        %swap3A_2440 = arith.constant 7 : i32
        %swap3A_2441 = arith.index_cast %swap3A_2439 : i32 to index
        %swap3A_2442 = arith.index_cast %swap3A_2440 : i32 to index
        %swap3A_2443 = arith.index_cast %mul3A_2391 : i32 to index
        %swap3A_2444 = tpu.vector_load %arg7[%swap3A_2441, %swap3A_2442, %swap3A_2443] {strides = array<i32>} : memref<4x8x2048xf32, #tpu.memory_space<vmem>>, vector<16xf32>,
        tpu.vector_store %arg7[%swap3A_2441, %swap3A_2442, %swap3A_2443], %gather3A_2084 {strides = array<i32>} : memref<4x8x2048xf32, #tpu.memory_space<vmem>>, vector<16xf32>,
        %mul3A_2445 = arith.constant 8 : i32
        %mul3A_2446 = arith.muli %scan3A_2206, %mul3A_2445 : i32
        %add3A_2447 = arith.constant 4 : i32
        %add3A_2448 = arith.addi %mul3A_2446, %add3A_2447 : i32
        %mul3A_2449 = arith.constant 16 : i32
        %mul3A_2450 = arith.muli %add3A_2448, %mul3A_2449 : i32
        %get3A_2451 = arith.constant 3 : i32
        %get3A_2452 = arith.index_cast %get3A_2451 : i32 to index
        %get3A_2453 = arith.index_cast %mul3A_2450 : i32 to index
        %get3A_2454 = tpu.vector_load %arg6[%get3A_2452, %get3A_2453] {strides = array<i32>} : memref<4x2048xi32, #tpu.memory_space<vmem>>, vector<16xi32>,
        %min3A_2455 = arith.minsi %min3A_2220, %get3A_2454 : vector<16xi32>
        %swap3A_2456 = arith.constant 3 : i32
        %swap3A_2457 = arith.constant 0 : i32
        %swap3A_2458 = arith.index_cast %swap3A_2456 : i32 to index
        %swap3A_2459 = arith.index_cast %swap3A_2457 : i32 to index
        %swap3A_2460 = arith.index_cast %mul3A_2450 : i32 to index
        %swap3A_2461 = tpu.vector_load %arg7[%swap3A_2458, %swap3A_2459, %swap3A_2460] {strides = array<i32>} : memref<4x8x2048xf32, #tpu.memory_space<vmem>>, vector<16xf32>,
        tpu.vector_store %arg7[%swap3A_2458, %swap3A_2459, %swap3A_2460], %gather3A_2049 {strides = array<i32>} : memref<4x8x2048xf32, #tpu.memory_space<vmem>>, vector<16xf32>,
        %swap3A_2462 = arith.constant 3 : i32
        %swap3A_2463 = arith.constant 1 : i32
        %swap3A_2464 = arith.index_cast %swap3A_2462 : i32 to index
        %swap3A_2465 = arith.index_cast %swap3A_2463 : i32 to index
        %swap3A_2466 = arith.index_cast %mul3A_2450 : i32 to index
        %swap3A_2467 = tpu.vector_load %arg7[%swap3A_2464, %swap3A_2465, %swap3A_2466] {strides = array<i32>} : memref<4x8x2048xf32, #tpu.memory_space<vmem>>, vector<16xf32>,
        tpu.vector_store %arg7[%swap3A_2464, %swap3A_2465, %swap3A_2466], %gather3A_2054 {strides = array<i32>} : memref<4x8x2048xf32, #tpu.memory_space<vmem>>, vector<16xf32>,
        %swap3A_2468 = arith.constant 3 : i32
        %swap3A_2469 = arith.constant 2 : i32
        %swap3A_2470 = arith.index_cast %swap3A_2468 : i32 to index
        %swap3A_2471 = arith.index_cast %swap3A_2469 : i32 to index
        %swap3A_2472 = arith.index_cast %mul3A_2450 : i32 to index
        %swap3A_2473 = tpu.vector_load %arg7[%swap3A_2470, %swap3A_2471, %swap3A_2472] {strides = array<i32>} : memref<4x8x2048xf32, #tpu.memory_space<vmem>>, vector<16xf32>,
        tpu.vector_store %arg7[%swap3A_2470, %swap3A_2471, %swap3A_2472], %gather3A_2059 {strides = array<i32>} : memref<4x8x2048xf32, #tpu.memory_space<vmem>>, vector<16xf32>,
        %swap3A_2474 = arith.constant 3 : i32
        %swap3A_2475 = arith.constant 3 : i32
        %swap3A_2476 = arith.index_cast %swap3A_2474 : i32 to index
        %swap3A_2477 = arith.index_cast %swap3A_2475 : i32 to index
        %swap3A_2478 = arith.index_cast %mul3A_2450 : i32 to index
        %swap3A_2479 = tpu.vector_load %arg7[%swap3A_2476, %swap3A_2477, %swap3A_2478] {strides = array<i32>} : memref<4x8x2048xf32, #tpu.memory_space<vmem>>, vector<16xf32>,
        tpu.vector_store %arg7[%swap3A_2476, %swap3A_2477, %swap3A_2478], %gather3A_2064 {strides = array<i32>} : memref<4x8x2048xf32, #tpu.memory_space<vmem>>, vector<16xf32>,
        %swap3A_2480 = arith.constant 3 : i32
        %swap3A_2481 = arith.constant 4 : i32
        %swap3A_2482 = arith.index_cast %swap3A_2480 : i32 to index
        %swap3A_2483 = arith.index_cast %swap3A_2481 : i32 to index
        %swap3A_2484 = arith.index_cast %mul3A_2450 : i32 to index
        %swap3A_2485 = tpu.vector_load %arg7[%swap3A_2482, %swap3A_2483, %swap3A_2484] {strides = array<i32>} : memref<4x8x2048xf32, #tpu.memory_space<vmem>>, vector<16xf32>,
        tpu.vector_store %arg7[%swap3A_2482, %swap3A_2483, %swap3A_2484], %gather3A_2069 {strides = array<i32>} : memref<4x8x2048xf32, #tpu.memory_space<vmem>>, vector<16xf32>,
        %swap3A_2486 = arith.constant 3 : i32
        %swap3A_2487 = arith.constant 5 : i32
        %swap3A_2488 = arith.index_cast %swap3A_2486 : i32 to index
        %swap3A_2489 = arith.index_cast %swap3A_2487 : i32 to index
        %swap3A_2490 = arith.index_cast %mul3A_2450 : i32 to index
        %swap3A_2491 = tpu.vector_load %arg7[%swap3A_2488, %swap3A_2489, %swap3A_2490] {strides = array<i32>} : memref<4x8x2048xf32, #tpu.memory_space<vmem>>, vector<16xf32>,
        tpu.vector_store %arg7[%swap3A_2488, %swap3A_2489, %swap3A_2490], %gather3A_2074 {strides = array<i32>} : memref<4x8x2048xf32, #tpu.memory_space<vmem>>, vector<16xf32>,
        %swap3A_2492 = arith.constant 3 : i32
        %swap3A_2493 = arith.constant 6 : i32
        %swap3A_2494 = arith.index_cast %swap3A_2492 : i32 to index
        %swap3A_2495 = arith.index_cast %swap3A_2493 : i32 to index
        %swap3A_2496 = arith.index_cast %mul3A_2450 : i32 to index
        %swap3A_2497 = tpu.vector_load %arg7[%swap3A_2494, %swap3A_2495, %swap3A_2496] {strides = array<i32>} : memref<4x8x2048xf32, #tpu.memory_space<vmem>>, vector<16xf32>,
        tpu.vector_store %arg7[%swap3A_2494, %swap3A_2495, %swap3A_2496], %gather3A_2079 {strides = array<i32>} : memref<4x8x2048xf32, #tpu.memory_space<vmem>>, vector<16xf32>,
        %swap3A_2498 = arith.constant 3 : i32
        %swap3A_2499 = arith.constant 7 : i32
        %swap3A_2500 = arith.index_cast %swap3A_2498 : i32 to index
        %swap3A_2501 = arith.index_cast %swap3A_2499 : i32 to index
        %swap3A_2502 = arith.index_cast %mul3A_2450 : i32 to index
        %swap3A_2503 = tpu.vector_load %arg7[%swap3A_2500, %swap3A_2501, %swap3A_2502] {strides = array<i32>} : memref<4x8x2048xf32, #tpu.memory_space<vmem>>, vector<16xf32>,
        tpu.vector_store %arg7[%swap3A_2500, %swap3A_2501, %swap3A_2502], %gather3A_2084 {strides = array<i32>} : memref<4x8x2048xf32, #tpu.memory_space<vmem>>, vector<16xf32>,
        %mul3A_2504 = arith.constant 8 : i32
        %mul3A_2505 = arith.muli %scan3A_2206, %mul3A_2504 : i32
        %add3A_2506 = arith.constant 5 : i32
        %add3A_2507 = arith.addi %mul3A_2505, %add3A_2506 : i32
        %mul3A_2508 = arith.constant 16 : i32
        %mul3A_2509 = arith.muli %add3A_2507, %mul3A_2508 : i32
        %get3A_2510 = arith.constant 3 : i32
        %get3A_2511 = arith.index_cast %get3A_2510 : i32 to index
        %get3A_2512 = arith.index_cast %mul3A_2509 : i32 to index
        %get3A_2513 = tpu.vector_load %arg6[%get3A_2511, %get3A_2512] {strides = array<i32>} : memref<4x2048xi32, #tpu.memory_space<vmem>>, vector<16xi32>,
        %min3A_2514 = arith.minsi %min3A_2278, %get3A_2513 : vector<16xi32>
        %swap3A_2515 = arith.constant 3 : i32
        %swap3A_2516 = arith.constant 0 : i32
        %swap3A_2517 = arith.index_cast %swap3A_2515 : i32 to index
        %swap3A_2518 = arith.index_cast %swap3A_2516 : i32 to index
        %swap3A_2519 = arith.index_cast %mul3A_2509 : i32 to index
        %swap3A_2520 = tpu.vector_load %arg7[%swap3A_2517, %swap3A_2518, %swap3A_2519] {strides = array<i32>} : memref<4x8x2048xf32, #tpu.memory_space<vmem>>, vector<16xf32>,
        tpu.vector_store %arg7[%swap3A_2517, %swap3A_2518, %swap3A_2519], %gather3A_2049 {strides = array<i32>} : memref<4x8x2048xf32, #tpu.memory_space<vmem>>, vector<16xf32>,
        %swap3A_2521 = arith.constant 3 : i32
        %swap3A_2522 = arith.constant 1 : i32
        %swap3A_2523 = arith.index_cast %swap3A_2521 : i32 to index
        %swap3A_2524 = arith.index_cast %swap3A_2522 : i32 to index
        %swap3A_2525 = arith.index_cast %mul3A_2509 : i32 to index
        %swap3A_2526 = tpu.vector_load %arg7[%swap3A_2523, %swap3A_2524, %swap3A_2525] {strides = array<i32>} : memref<4x8x2048xf32, #tpu.memory_space<vmem>>, vector<16xf32>,
        tpu.vector_store %arg7[%swap3A_2523, %swap3A_2524, %swap3A_2525], %gather3A_2054 {strides = array<i32>} : memref<4x8x2048xf32, #tpu.memory_space<vmem>>, vector<16xf32>,
        %swap3A_2527 = arith.constant 3 : i32
        %swap3A_2528 = arith.constant 2 : i32
        %swap3A_2529 = arith.index_cast %swap3A_2527 : i32 to index
        %swap3A_2530 = arith.index_cast %swap3A_2528 : i32 to index
        %swap3A_2531 = arith.index_cast %mul3A_2509 : i32 to index
        %swap3A_2532 = tpu.vector_load %arg7[%swap3A_2529, %swap3A_2530, %swap3A_2531] {strides = array<i32>} : memref<4x8x2048xf32, #tpu.memory_space<vmem>>, vector<16xf32>,
        tpu.vector_store %arg7[%swap3A_2529, %swap3A_2530, %swap3A_2531], %gather3A_2059 {strides = array<i32>} : memref<4x8x2048xf32, #tpu.memory_space<vmem>>, vector<16xf32>,
        %swap3A_2533 = arith.constant 3 : i32
        %swap3A_2534 = arith.constant 3 : i32
        %swap3A_2535 = arith.index_cast %swap3A_2533 : i32 to index
        %swap3A_2536 = arith.index_cast %swap3A_2534 : i32 to index
        %swap3A_2537 = arith.index_cast %mul3A_2509 : i32 to index
        %swap3A_2538 = tpu.vector_load %arg7[%swap3A_2535, %swap3A_2536, %swap3A_2537] {strides = array<i32>} : memref<4x8x2048xf32, #tpu.memory_space<vmem>>, vector<16xf32>,
        tpu.vector_store %arg7[%swap3A_2535, %swap3A_2536, %swap3A_2537], %gather3A_2064 {strides = array<i32>} : memref<4x8x2048xf32, #tpu.memory_space<vmem>>, vector<16xf32>,
        %swap3A_2539 = arith.constant 3 : i32
        %swap3A_2540 = arith.constant 4 : i32
        %swap3A_2541 = arith.index_cast %swap3A_2539 : i32 to index
        %swap3A_2542 = arith.index_cast %swap3A_2540 : i32 to index
        %swap3A_2543 = arith.index_cast %mul3A_2509 : i32 to index
        %swap3A_2544 = tpu.vector_load %arg7[%swap3A_2541, %swap3A_2542, %swap3A_2543] {strides = array<i32>} : memref<4x8x2048xf32, #tpu.memory_space<vmem>>, vector<16xf32>,
        tpu.vector_store %arg7[%swap3A_2541, %swap3A_2542, %swap3A_2543], %gather3A_2069 {strides = array<i32>} : memref<4x8x2048xf32, #tpu.memory_space<vmem>>, vector<16xf32>,
        %swap3A_2545 = arith.constant 3 : i32
        %swap3A_2546 = arith.constant 5 : i32
        %swap3A_2547 = arith.index_cast %swap3A_2545 : i32 to index
        %swap3A_2548 = arith.index_cast %swap3A_2546 : i32 to index
        %swap3A_2549 = arith.index_cast %mul3A_2509 : i32 to index
        %swap3A_2550 = tpu.vector_load %arg7[%swap3A_2547, %swap3A_2548, %swap3A_2549] {strides = array<i32>} : memref<4x8x2048xf32, #tpu.memory_space<vmem>>, vector<16xf32>,
        tpu.vector_store %arg7[%swap3A_2547, %swap3A_2548, %swap3A_2549], %gather3A_2074 {strides = array<i32>} : memref<4x8x2048xf32, #tpu.memory_space<vmem>>, vector<16xf32>,
        %swap3A_2551 = arith.constant 3 : i32
        %swap3A_2552 = arith.constant 6 : i32
        %swap3A_2553 = arith.index_cast %swap3A_2551 : i32 to index
        %swap3A_2554 = arith.index_cast %swap3A_2552 : i32 to index
        %swap3A_2555 = arith.index_cast %mul3A_2509 : i32 to index
        %swap3A_2556 = tpu.vector_load %arg7[%swap3A_2553, %swap3A_2554, %swap3A_2555] {strides = array<i32>} : memref<4x8x2048xf32, #tpu.memory_space<vmem>>, vector<16xf32>,
        tpu.vector_store %arg7[%swap3A_2553, %swap3A_2554, %swap3A_2555], %gather3A_2079 {strides = array<i32>} : memref<4x8x2048xf32, #tpu.memory_space<vmem>>, vector<16xf32>,
        %swap3A_2557 = arith.constant 3 : i32
        %swap3A_2558 = arith.constant 7 : i32
        %swap3A_2559 = arith.index_cast %swap3A_2557 : i32 to index
        %swap3A_2560 = arith.index_cast %swap3A_2558 : i32 to index
        %swap3A_2561 = arith.index_cast %mul3A_2509 : i32 to index
        %swap3A_2562 = tpu.vector_load %arg7[%swap3A_2559, %swap3A_2560, %swap3A_2561] {strides = array<i32>} : memref<4x8x2048xf32, #tpu.memory_space<vmem>>, vector<16xf32>,
        tpu.vector_store %arg7[%swap3A_2559, %swap3A_2560, %swap3A_2561], %gather3A_2084 {strides = array<i32>} : memref<4x8x2048xf32, #tpu.memory_space<vmem>>, vector<16xf32>,
        %mul3A_2563 = arith.constant 8 : i32
        %mul3A_2564 = arith.muli %scan3A_2206, %mul3A_2563 : i32
        %add3A_2565 = arith.constant 6 : i32
        %add3A_2566 = arith.addi %mul3A_2564, %add3A_2565 : i32
        %mul3A_2567 = arith.constant 16 : i32
        %mul3A_2568 = arith.muli %add3A_2566, %mul3A_2567 : i32
        %get3A_2569 = arith.constant 3 : i32
        %get3A_2570 = arith.index_cast %get3A_2569 : i32 to index
        %get3A_2571 = arith.index_cast %mul3A_2568 : i32 to index
        %get3A_2572 = tpu.vector_load %arg6[%get3A_2570, %get3A_2571] {strides = array<i32>} : memref<4x2048xi32, #tpu.memory_space<vmem>>, vector<16xi32>,
        %min3A_2573 = arith.minsi %min3A_2337, %get3A_2572 : vector<16xi32>
        %swap3A_2574 = arith.constant 3 : i32
        %swap3A_2575 = arith.constant 0 : i32
        %swap3A_2576 = arith.index_cast %swap3A_2574 : i32 to index
        %swap3A_2577 = arith.index_cast %swap3A_2575 : i32 to index
        %swap3A_2578 = arith.index_cast %mul3A_2568 : i32 to index
        %swap3A_2579 = tpu.vector_load %arg7[%swap3A_2576, %swap3A_2577, %swap3A_2578] {strides = array<i32>} : memref<4x8x2048xf32, #tpu.memory_space<vmem>>, vector<16xf32>,
        tpu.vector_store %arg7[%swap3A_2576, %swap3A_2577, %swap3A_2578], %gather3A_2049 {strides = array<i32>} : memref<4x8x2048xf32, #tpu.memory_space<vmem>>, vector<16xf32>,
        %swap3A_2580 = arith.constant 3 : i32
        %swap3A_2581 = arith.constant 1 : i32
        %swap3A_2582 = arith.index_cast %swap3A_2580 : i32 to index
        %swap3A_2583 = arith.index_cast %swap3A_2581 : i32 to index
        %swap3A_2584 = arith.index_cast %mul3A_2568 : i32 to index
        %swap3A_2585 = tpu.vector_load %arg7[%swap3A_2582, %swap3A_2583, %swap3A_2584] {strides = array<i32>} : memref<4x8x2048xf32, #tpu.memory_space<vmem>>, vector<16xf32>,
        tpu.vector_store %arg7[%swap3A_2582, %swap3A_2583, %swap3A_2584], %gather3A_2054 {strides = array<i32>} : memref<4x8x2048xf32, #tpu.memory_space<vmem>>, vector<16xf32>,
        %swap3A_2586 = arith.constant 3 : i32
        %swap3A_2587 = arith.constant 2 : i32
        %swap3A_2588 = arith.index_cast %swap3A_2586 : i32 to index
        %swap3A_2589 = arith.index_cast %swap3A_2587 : i32 to index
        %swap3A_2590 = arith.index_cast %mul3A_2568 : i32 to index
        %swap3A_2591 = tpu.vector_load %arg7[%swap3A_2588, %swap3A_2589, %swap3A_2590] {strides = array<i32>} : memref<4x8x2048xf32, #tpu.memory_space<vmem>>, vector<16xf32>,
        tpu.vector_store %arg7[%swap3A_2588, %swap3A_2589, %swap3A_2590], %gather3A_2059 {strides = array<i32>} : memref<4x8x2048xf32, #tpu.memory_space<vmem>>, vector<16xf32>,
        %swap3A_2592 = arith.constant 3 : i32
        %swap3A_2593 = arith.constant 3 : i32
        %swap3A_2594 = arith.index_cast %swap3A_2592 : i32 to index
        %swap3A_2595 = arith.index_cast %swap3A_2593 : i32 to index
        %swap3A_2596 = arith.index_cast %mul3A_2568 : i32 to index
        %swap3A_2597 = tpu.vector_load %arg7[%swap3A_2594, %swap3A_2595, %swap3A_2596] {strides = array<i32>} : memref<4x8x2048xf32, #tpu.memory_space<vmem>>, vector<16xf32>,
        tpu.vector_store %arg7[%swap3A_2594, %swap3A_2595, %swap3A_2596], %gather3A_2064 {strides = array<i32>} : memref<4x8x2048xf32, #tpu.memory_space<vmem>>, vector<16xf32>,
        %swap3A_2598 = arith.constant 3 : i32
        %swap3A_2599 = arith.constant 4 : i32
        %swap3A_2600 = arith.index_cast %swap3A_2598 : i32 to index
        %swap3A_2601 = arith.index_cast %swap3A_2599 : i32 to index
        %swap3A_2602 = arith.index_cast %mul3A_2568 : i32 to index
        %swap3A_2603 = tpu.vector_load %arg7[%swap3A_2600, %swap3A_2601, %swap3A_2602] {strides = array<i32>} : memref<4x8x2048xf32, #tpu.memory_space<vmem>>, vector<16xf32>,
        tpu.vector_store %arg7[%swap3A_2600, %swap3A_2601, %swap3A_2602], %gather3A_2069 {strides = array<i32>} : memref<4x8x2048xf32, #tpu.memory_space<vmem>>, vector<16xf32>,
        %swap3A_2604 = arith.constant 3 : i32
        %swap3A_2605 = arith.constant 5 : i32
        %swap3A_2606 = arith.index_cast %swap3A_2604 : i32 to index
        %swap3A_2607 = arith.index_cast %swap3A_2605 : i32 to index
        %swap3A_2608 = arith.index_cast %mul3A_2568 : i32 to index
        %swap3A_2609 = tpu.vector_load %arg7[%swap3A_2606, %swap3A_2607, %swap3A_2608] {strides = array<i32>} : memref<4x8x2048xf32, #tpu.memory_space<vmem>>, vector<16xf32>,
        tpu.vector_store %arg7[%swap3A_2606, %swap3A_2607, %swap3A_2608], %gather3A_2074 {strides = array<i32>} : memref<4x8x2048xf32, #tpu.memory_space<vmem>>, vector<16xf32>,
        %swap3A_2610 = arith.constant 3 : i32
        %swap3A_2611 = arith.constant 6 : i32
        %swap3A_2612 = arith.index_cast %swap3A_2610 : i32 to index
        %swap3A_2613 = arith.index_cast %swap3A_2611 : i32 to index
        %swap3A_2614 = arith.index_cast %mul3A_2568 : i32 to index
        %swap3A_2615 = tpu.vector_load %arg7[%swap3A_2612, %swap3A_2613, %swap3A_2614] {strides = array<i32>} : memref<4x8x2048xf32, #tpu.memory_space<vmem>>, vector<16xf32>,
        tpu.vector_store %arg7[%swap3A_2612, %swap3A_2613, %swap3A_2614], %gather3A_2079 {strides = array<i32>} : memref<4x8x2048xf32, #tpu.memory_space<vmem>>, vector<16xf32>,
        %swap3A_2616 = arith.constant 3 : i32
        %swap3A_2617 = arith.constant 7 : i32
        %swap3A_2618 = arith.index_cast %swap3A_2616 : i32 to index
        %swap3A_2619 = arith.index_cast %swap3A_2617 : i32 to index
        %swap3A_2620 = arith.index_cast %mul3A_2568 : i32 to index
        %swap3A_2621 = tpu.vector_load %arg7[%swap3A_2618, %swap3A_2619, %swap3A_2620] {strides = array<i32>} : memref<4x8x2048xf32, #tpu.memory_space<vmem>>, vector<16xf32>,
        tpu.vector_store %arg7[%swap3A_2618, %swap3A_2619, %swap3A_2620], %gather3A_2084 {strides = array<i32>} : memref<4x8x2048xf32, #tpu.memory_space<vmem>>, vector<16xf32>,
        %mul3A_2622 = arith.constant 8 : i32
        %mul3A_2623 = arith.muli %scan3A_2206, %mul3A_2622 : i32
        %add3A_2624 = arith.constant 7 : i32
        %add3A_2625 = arith.addi %mul3A_2623, %add3A_2624 : i32
        %mul3A_2626 = arith.constant 16 : i32
        %mul3A_2627 = arith.muli %add3A_2625, %mul3A_2626 : i32
        %get3A_2628 = arith.constant 3 : i32
        %get3A_2629 = arith.index_cast %get3A_2628 : i32 to index
        %get3A_2630 = arith.index_cast %mul3A_2627 : i32 to index
        %get3A_2631 = tpu.vector_load %arg6[%get3A_2629, %get3A_2630] {strides = array<i32>} : memref<4x2048xi32, #tpu.memory_space<vmem>>, vector<16xi32>,
        %min3A_2632 = arith.minsi %min3A_2396, %get3A_2631 : vector<16xi32>
        %swap3A_2633 = arith.constant 3 : i32
        %swap3A_2634 = arith.constant 0 : i32
        %swap3A_2635 = arith.index_cast %swap3A_2633 : i32 to index
        %swap3A_2636 = arith.index_cast %swap3A_2634 : i32 to index
        %swap3A_2637 = arith.index_cast %mul3A_2627 : i32 to index
        %swap3A_2638 = tpu.vector_load %arg7[%swap3A_2635, %swap3A_2636, %swap3A_2637] {strides = array<i32>} : memref<4x8x2048xf32, #tpu.memory_space<vmem>>, vector<16xf32>,
        tpu.vector_store %arg7[%swap3A_2635, %swap3A_2636, %swap3A_2637], %gather3A_2049 {strides = array<i32>} : memref<4x8x2048xf32, #tpu.memory_space<vmem>>, vector<16xf32>,
        %swap3A_2639 = arith.constant 3 : i32
        %swap3A_2640 = arith.constant 1 : i32
        %swap3A_2641 = arith.index_cast %swap3A_2639 : i32 to index
        %swap3A_2642 = arith.index_cast %swap3A_2640 : i32 to index
        %swap3A_2643 = arith.index_cast %mul3A_2627 : i32 to index
        %swap3A_2644 = tpu.vector_load %arg7[%swap3A_2641, %swap3A_2642, %swap3A_2643] {strides = array<i32>} : memref<4x8x2048xf32, #tpu.memory_space<vmem>>, vector<16xf32>,
        tpu.vector_store %arg7[%swap3A_2641, %swap3A_2642, %swap3A_2643], %gather3A_2054 {strides = array<i32>} : memref<4x8x2048xf32, #tpu.memory_space<vmem>>, vector<16xf32>,
        %swap3A_2645 = arith.constant 3 : i32
        %swap3A_2646 = arith.constant 2 : i32
        %swap3A_2647 = arith.index_cast %swap3A_2645 : i32 to index
        %swap3A_2648 = arith.index_cast %swap3A_2646 : i32 to index
        %swap3A_2649 = arith.index_cast %mul3A_2627 : i32 to index
        %swap3A_2650 = tpu.vector_load %arg7[%swap3A_2647, %swap3A_2648, %swap3A_2649] {strides = array<i32>} : memref<4x8x2048xf32, #tpu.memory_space<vmem>>, vector<16xf32>,
        tpu.vector_store %arg7[%swap3A_2647, %swap3A_2648, %swap3A_2649], %gather3A_2059 {strides = array<i32>} : memref<4x8x2048xf32, #tpu.memory_space<vmem>>, vector<16xf32>,
        %swap3A_2651 = arith.constant 3 : i32
        %swap3A_2652 = arith.constant 3 : i32
        %swap3A_2653 = arith.index_cast %swap3A_2651 : i32 to index
        %swap3A_2654 = arith.index_cast %swap3A_2652 : i32 to index
        %swap3A_2655 = arith.index_cast %mul3A_2627 : i32 to index
        %swap3A_2656 = tpu.vector_load %arg7[%swap3A_2653, %swap3A_2654, %swap3A_2655] {strides = array<i32>} : memref<4x8x2048xf32, #tpu.memory_space<vmem>>, vector<16xf32>,
        tpu.vector_store %arg7[%swap3A_2653, %swap3A_2654, %swap3A_2655], %gather3A_2064 {strides = array<i32>} : memref<4x8x2048xf32, #tpu.memory_space<vmem>>, vector<16xf32>,
        %swap3A_2657 = arith.constant 3 : i32
        %swap3A_2658 = arith.constant 4 : i32
        %swap3A_2659 = arith.index_cast %swap3A_2657 : i32 to index
        %swap3A_2660 = arith.index_cast %swap3A_2658 : i32 to index
        %swap3A_2661 = arith.index_cast %mul3A_2627 : i32 to index
        %swap3A_2662 = tpu.vector_load %arg7[%swap3A_2659, %swap3A_2660, %swap3A_2661] {strides = array<i32>} : memref<4x8x2048xf32, #tpu.memory_space<vmem>>, vector<16xf32>,
        tpu.vector_store %arg7[%swap3A_2659, %swap3A_2660, %swap3A_2661], %gather3A_2069 {strides = array<i32>} : memref<4x8x2048xf32, #tpu.memory_space<vmem>>, vector<16xf32>,
        %swap3A_2663 = arith.constant 3 : i32
        %swap3A_2664 = arith.constant 5 : i32
        %swap3A_2665 = arith.index_cast %swap3A_2663 : i32 to index
        %swap3A_2666 = arith.index_cast %swap3A_2664 : i32 to index
        %swap3A_2667 = arith.index_cast %mul3A_2627 : i32 to index
        %swap3A_2668 = tpu.vector_load %arg7[%swap3A_2665, %swap3A_2666, %swap3A_2667] {strides = array<i32>} : memref<4x8x2048xf32, #tpu.memory_space<vmem>>, vector<16xf32>,
        tpu.vector_store %arg7[%swap3A_2665, %swap3A_2666, %swap3A_2667], %gather3A_2074 {strides = array<i32>} : memref<4x8x2048xf32, #tpu.memory_space<vmem>>, vector<16xf32>,
        %swap3A_2669 = arith.constant 3 : i32
        %swap3A_2670 = arith.constant 6 : i32
        %swap3A_2671 = arith.index_cast %swap3A_2669 : i32 to index
        %swap3A_2672 = arith.index_cast %swap3A_2670 : i32 to index
        %swap3A_2673 = arith.index_cast %mul3A_2627 : i32 to index
        %swap3A_2674 = tpu.vector_load %arg7[%swap3A_2671, %swap3A_2672, %swap3A_2673] {strides = array<i32>} : memref<4x8x2048xf32, #tpu.memory_space<vmem>>, vector<16xf32>,
        tpu.vector_store %arg7[%swap3A_2671, %swap3A_2672, %swap3A_2673], %gather3A_2079 {strides = array<i32>} : memref<4x8x2048xf32, #tpu.memory_space<vmem>>, vector<16xf32>,
        %swap3A_2675 = arith.constant 3 : i32
        %swap3A_2676 = arith.constant 7 : i32
        %swap3A_2677 = arith.index_cast %swap3A_2675 : i32 to index
        %swap3A_2678 = arith.index_cast %swap3A_2676 : i32 to index
        %swap3A_2679 = arith.index_cast %mul3A_2627 : i32 to index
        %swap3A_2680 = tpu.vector_load %arg7[%swap3A_2677, %swap3A_2678, %swap3A_2679] {strides = array<i32>} : memref<4x8x2048xf32, #tpu.memory_space<vmem>>, vector<16xf32>,
        tpu.vector_store %arg7[%swap3A_2677, %swap3A_2678, %swap3A_2679], %gather3A_2084 {strides = array<i32>} : memref<4x8x2048xf32, #tpu.memory_space<vmem>>, vector<16xf32>,
        scf.yield %min3A_2455, %min3A_2514, %min3A_2573, %min3A_2632 : vector<16xi32>, vector<16xi32>, vector<16xi32>, vector<16xi32>
      }
      %scan3A_2092 = arith.constant 16 : i32
      %min3A_2093 = arith.minsi %scan3A_2091#0, %scan3A_2091#1 : vector<16xi32>
      %min3A_2094 = arith.minsi %scan3A_2091#2, %scan3A_2091#3 : vector<16xi32>
      %min3A_2095 = arith.minsi %min3A_2093, %min3A_2094 : vector<16xi32>
      %reduce_min3A_2096 = arith.constant true
      %reduce_min3A_2097 = vector.broadcast %reduce_min3A_2096 : i1 to vector<16xi1>
      %reduce_min3A_2098 = arith.constant -2147483648 : i32
      %reduce_min3A_2099 = vector.broadcast %reduce_min3A_2098 : i32 to vector<16xi32>
      %reduce_min3A_2100 = arith.xori %min3A_2095, %reduce_min3A_2099 : vector<16xi32>
      %reduce_min3A_2101 = tpu.scan <min>, %reduce_min3A_2100 masked %reduce_min3A_2097 : vector<16xi32>, vector<16xi1> -> vector<16xi32>
      %reduce_min3A_2102 = arith.xori %reduce_min3A_2101, %reduce_min3A_2099 : vector<16xi32>
      %reduce_min3A_2103 = vector.extract %reduce_min3A_2102[15] : i32 from vector<16xi32>
      %eq3A_2104 = arith.constant 0 : i32
      %eq3A_2105 = arith.cmpi eq, %reduce_min3A_2103, %eq3A_2104 : i32
      %convert_element_type3A_2106 = arith.extui %eq3A_2105 : i1 to i32
      %cond3A_2107 = arith.constant 0 : i32
      %cond3A_2108 = arith.cmpi ne, %convert_element_type3A_2106, %cond3A_2107 : i32
      scf.if %cond3A_2108 {
        %scan3A_2206 = arith.constant 0 : i32
        %scan3A_2207 = arith.constant 0 : i32
        %scan3A_2208 = arith.constant 128 : i32
        %scan3A_2209 = arith.addi %scan3A_2207, %scan3A_2208 : i32
        %scan3A_2210 = arith.constant 1 : i32
        scf.for %scan3A_2212 = %scan3A_2207 to %scan3A_2209 step %scan3A_2210  : i32 {
          %mul3A_2213 = arith.constant 16 : i32
          %mul3A_2214 = arith.muli %scan3A_2212, %mul3A_2213 : i32
          %get3A = arith.constant 3 : i32
          %get3A_2215 = arith.index_cast %get3A : i32 to index
          %get3A_2216 = arith.index_cast %mul3A_2214 : i32 to index
          %get3A_2217 = tpu.vector_load %arg6[%get3A_2215, %get3A_2216] {strides = array<i32>} : memref<4x2048xi32, #tpu.memory_space<vmem>>, vector<16xi32>,
          %ne3A_2218 = arith.constant 0 : i32
          %ne3A_2219 = vector.broadcast %ne3A_2218 : i32 to vector<16xi32>
          %ne3A_2220 = arith.cmpi ne, %get3A_2217, %ne3A_2219 : vector<16xi32>
          %select_n3A_2221 = arith.select %ne3A_2220, %gather3A_2049, %broadcast_in_dim3A_3 : vector<16xi1>, vector<16xf32>
          %swap3A = arith.constant 3 : i32
          %swap3A_2222 = arith.constant 0 : i32
          %swap3A_2223 = arith.index_cast %swap3A : i32 to index
          %swap3A_2224 = arith.index_cast %swap3A_2222 : i32 to index
          %swap3A_2225 = arith.index_cast %mul3A_2214 : i32 to index
          %swap3A_2226 = tpu.vector_load %arg7[%swap3A_2223, %swap3A_2224, %swap3A_2225] {strides = array<i32>} : memref<4x8x2048xf32, #tpu.memory_space<vmem>>, vector<16xf32>,
          tpu.vector_store %arg7[%swap3A_2223, %swap3A_2224, %swap3A_2225], %select_n3A_2221 {strides = array<i32>} : memref<4x8x2048xf32, #tpu.memory_space<vmem>>, vector<16xf32>,
          %select_n3A_2227 = arith.select %ne3A_2220, %gather3A_2054, %broadcast_in_dim3A_3 : vector<16xi1>, vector<16xf32>
          %swap3A_2228 = arith.constant 3 : i32
          %swap3A_2229 = arith.constant 1 : i32
          %swap3A_2230 = arith.index_cast %swap3A_2228 : i32 to index
          %swap3A_2231 = arith.index_cast %swap3A_2229 : i32 to index
          %swap3A_2232 = arith.index_cast %mul3A_2214 : i32 to index
          %swap3A_2233 = tpu.vector_load %arg7[%swap3A_2230, %swap3A_2231, %swap3A_2232] {strides = array<i32>} : memref<4x8x2048xf32, #tpu.memory_space<vmem>>, vector<16xf32>,
          tpu.vector_store %arg7[%swap3A_2230, %swap3A_2231, %swap3A_2232], %select_n3A_2227 {strides = array<i32>} : memref<4x8x2048xf32, #tpu.memory_space<vmem>>, vector<16xf32>,
          %select_n3A_2234 = arith.select %ne3A_2220, %gather3A_2059, %broadcast_in_dim3A_3 : vector<16xi1>, vector<16xf32>
          %swap3A_2235 = arith.constant 3 : i32
          %swap3A_2236 = arith.constant 2 : i32
          %swap3A_2237 = arith.index_cast %swap3A_2235 : i32 to index
          %swap3A_2238 = arith.index_cast %swap3A_2236 : i32 to index
          %swap3A_2239 = arith.index_cast %mul3A_2214 : i32 to index
          %swap3A_2240 = tpu.vector_load %arg7[%swap3A_2237, %swap3A_2238, %swap3A_2239] {strides = array<i32>} : memref<4x8x2048xf32, #tpu.memory_space<vmem>>, vector<16xf32>,
          tpu.vector_store %arg7[%swap3A_2237, %swap3A_2238, %swap3A_2239], %select_n3A_2234 {strides = array<i32>} : memref<4x8x2048xf32, #tpu.memory_space<vmem>>, vector<16xf32>,
          %select_n3A_2241 = arith.select %ne3A_2220, %gather3A_2064, %broadcast_in_dim3A_3 : vector<16xi1>, vector<16xf32>
          %swap3A_2242 = arith.constant 3 : i32
          %swap3A_2243 = arith.constant 3 : i32
          %swap3A_2244 = arith.index_cast %swap3A_2242 : i32 to index
          %swap3A_2245 = arith.index_cast %swap3A_2243 : i32 to index
          %swap3A_2246 = arith.index_cast %mul3A_2214 : i32 to index
          %swap3A_2247 = tpu.vector_load %arg7[%swap3A_2244, %swap3A_2245, %swap3A_2246] {strides = array<i32>} : memref<4x8x2048xf32, #tpu.memory_space<vmem>>, vector<16xf32>,
          tpu.vector_store %arg7[%swap3A_2244, %swap3A_2245, %swap3A_2246], %select_n3A_2241 {strides = array<i32>} : memref<4x8x2048xf32, #tpu.memory_space<vmem>>, vector<16xf32>,
          %select_n3A_2248 = arith.select %ne3A_2220, %gather3A_2069, %broadcast_in_dim3A_3 : vector<16xi1>, vector<16xf32>
          %swap3A_2249 = arith.constant 3 : i32
          %swap3A_2250 = arith.constant 4 : i32
          %swap3A_2251 = arith.index_cast %swap3A_2249 : i32 to index
          %swap3A_2252 = arith.index_cast %swap3A_2250 : i32 to index
          %swap3A_2253 = arith.index_cast %mul3A_2214 : i32 to index
          %swap3A_2254 = tpu.vector_load %arg7[%swap3A_2251, %swap3A_2252, %swap3A_2253] {strides = array<i32>} : memref<4x8x2048xf32, #tpu.memory_space<vmem>>, vector<16xf32>,
          tpu.vector_store %arg7[%swap3A_2251, %swap3A_2252, %swap3A_2253], %select_n3A_2248 {strides = array<i32>} : memref<4x8x2048xf32, #tpu.memory_space<vmem>>, vector<16xf32>,
          %select_n3A_2255 = arith.select %ne3A_2220, %gather3A_2074, %broadcast_in_dim3A_3 : vector<16xi1>, vector<16xf32>
          %swap3A_2256 = arith.constant 3 : i32
          %swap3A_2257 = arith.constant 5 : i32
          %swap3A_2258 = arith.index_cast %swap3A_2256 : i32 to index
          %swap3A_2259 = arith.index_cast %swap3A_2257 : i32 to index
          %swap3A_2260 = arith.index_cast %mul3A_2214 : i32 to index
          %swap3A_2261 = tpu.vector_load %arg7[%swap3A_2258, %swap3A_2259, %swap3A_2260] {strides = array<i32>} : memref<4x8x2048xf32, #tpu.memory_space<vmem>>, vector<16xf32>,
          tpu.vector_store %arg7[%swap3A_2258, %swap3A_2259, %swap3A_2260], %select_n3A_2255 {strides = array<i32>} : memref<4x8x2048xf32, #tpu.memory_space<vmem>>, vector<16xf32>,
          %select_n3A_2262 = arith.select %ne3A_2220, %gather3A_2079, %broadcast_in_dim3A_3 : vector<16xi1>, vector<16xf32>
          %swap3A_2263 = arith.constant 3 : i32
          %swap3A_2264 = arith.constant 6 : i32
          %swap3A_2265 = arith.index_cast %swap3A_2263 : i32 to index
          %swap3A_2266 = arith.index_cast %swap3A_2264 : i32 to index
          %swap3A_2267 = arith.index_cast %mul3A_2214 : i32 to index
          %swap3A_2268 = tpu.vector_load %arg7[%swap3A_2265, %swap3A_2266, %swap3A_2267] {strides = array<i32>} : memref<4x8x2048xf32, #tpu.memory_space<vmem>>, vector<16xf32>,
          tpu.vector_store %arg7[%swap3A_2265, %swap3A_2266, %swap3A_2267], %select_n3A_2262 {strides = array<i32>} : memref<4x8x2048xf32, #tpu.memory_space<vmem>>, vector<16xf32>,
          %select_n3A_2269 = arith.select %ne3A_2220, %gather3A_2084, %broadcast_in_dim3A_3 : vector<16xi1>, vector<16xf32>
          %swap3A_2270 = arith.constant 3 : i32
          %swap3A_2271 = arith.constant 7 : i32
          %swap3A_2272 = arith.index_cast %swap3A_2270 : i32 to index
          %swap3A_2273 = arith.index_cast %swap3A_2271 : i32 to index
          %swap3A_2274 = arith.index_cast %mul3A_2214 : i32 to index
          %swap3A_2275 = tpu.vector_load %arg7[%swap3A_2272, %swap3A_2273, %swap3A_2274] {strides = array<i32>} : memref<4x8x2048xf32, #tpu.memory_space<vmem>>, vector<16xf32>,
          tpu.vector_store %arg7[%swap3A_2272, %swap3A_2273, %swap3A_2274], %select_n3A_2269 {strides = array<i32>} : memref<4x8x2048xf32, #tpu.memory_space<vmem>>, vector<16xf32>,
        }
        %scan3A_2211 = arith.constant 128 : i32
      } else {
      }
      %jit3A_2109 = arith.constant 16 : i32
      %div3A_2110 = arith.divsi %add3A_1860, %jit3A_2109 : i32
      %sign3A_2111 = arith.constant 0 : i32
      %sign3A_2112 = arith.cmpi sgt, %add3A_1860, %sign3A_2111 : i32
      %sign3A_2113 = arith.extui %sign3A_2112 : i1 to i32
      %sign3A_2114 = arith.constant 0 : i32
      %sign3A_2115 = arith.cmpi slt, %add3A_1860, %sign3A_2114 : i32
      %sign3A_2116 = arith.extui %sign3A_2115 : i1 to i32
      %sign3A_2117 = arith.subi %sign3A_2113, %sign3A_2116 : i32
      %sign3A_2118 = arith.constant 0 : i32
      %sign3A_2119 = arith.cmpi sgt, %jit3A_2109, %sign3A_2118 : i32
      %sign3A_2120 = arith.extui %sign3A_2119 : i1 to i32
      %sign3A_2121 = arith.constant 0 : i32
      %sign3A_2122 = arith.cmpi slt, %jit3A_2109, %sign3A_2121 : i32
      %sign3A_2123 = arith.extui %sign3A_2122 : i1 to i32
      %sign3A_2124 = arith.subi %sign3A_2120, %sign3A_2123 : i32
      %ne3A_2125 = arith.cmpi ne, %sign3A_2117, %sign3A_2124 : i32
      %rem3A_2126 = arith.remsi %add3A_1860, %jit3A_2109 : i32
      %ne3A_2127 = arith.constant 0 : i32
      %ne3A_2128 = arith.cmpi ne, %rem3A_2126, %ne3A_2127 : i32
      %and3A_2129 = arith.andi %ne3A_2125, %ne3A_2128 : i1
      %sub3A_2130 = arith.constant 1 : i32
      %sub3A_2131 = arith.subi %div3A_2110, %sub3A_2130 : i32
      %select_n3A_2132 = arith.select %and3A_2129, %sub3A_2131, %div3A_2110 : i32
      %jit3A_2133 = arith.constant 16 : i32
      %eq3A_2134 = arith.constant 0 : i32
      %eq3A_2135 = arith.cmpi eq, %jit3A_2133, %eq3A_2134 : i32
      %jit3A_2136 = arith.constant 1 : i32
      %select_n3A_2137 = arith.select %eq3A_2135, %jit3A_2136, %jit3A_2133 : i32
      %rem3A_2138 = arith.remsi %add3A_1860, %select_n3A_2137 : i32
      %ne3A_2139 = arith.constant 0 : i32
      %ne3A_2140 = arith.cmpi ne, %rem3A_2138, %ne3A_2139 : i32
      %lt3A_2141 = arith.constant 0 : i32
      %lt3A_2142 = arith.cmpi slt, %rem3A_2138, %lt3A_2141 : i32
      %lt3A_2143 = arith.constant 0 : i32
      %lt3A_2144 = arith.cmpi slt, %select_n3A_2137, %lt3A_2143 : i32
      %ne3A_2145 = arith.xori %lt3A_2142, %lt3A_2144 : i1
      %and3A_2146 = arith.andi %ne3A_2145, %ne3A_2140 : i1
      %add3A_2147 = arith.addi %rem3A_2138, %select_n3A_2137 : i32
      %select_n3A_2148 = arith.select %and3A_2146, %add3A_2147, %rem3A_2138 : i32
      %jit3A_2149 = arith.constant 2 : i32
      %div3A_2150 = arith.divsi %select_n3A_2148, %jit3A_2149 : i32
      %sign3A_2151 = arith.constant 0 : i32
      %sign3A_2152 = arith.cmpi sgt, %select_n3A_2148, %sign3A_2151 : i32
      %sign3A_2153 = arith.extui %sign3A_2152 : i1 to i32
      %sign3A_2154 = arith.constant 0 : i32
      %sign3A_2155 = arith.cmpi slt, %select_n3A_2148, %sign3A_2154 : i32
      %sign3A_2156 = arith.extui %sign3A_2155 : i1 to i32
      %sign3A_2157 = arith.subi %sign3A_2153, %sign3A_2156 : i32
      %sign3A_2158 = arith.constant 0 : i32
      %sign3A_2159 = arith.cmpi sgt, %jit3A_2149, %sign3A_2158 : i32
      %sign3A_2160 = arith.extui %sign3A_2159 : i1 to i32
      %sign3A_2161 = arith.constant 0 : i32
      %sign3A_2162 = arith.cmpi slt, %jit3A_2149, %sign3A_2161 : i32
      %sign3A_2163 = arith.extui %sign3A_2162 : i1 to i32
      %sign3A_2164 = arith.subi %sign3A_2160, %sign3A_2163 : i32
      %ne3A_2165 = arith.cmpi ne, %sign3A_2157, %sign3A_2164 : i32
      %rem3A_2166 = arith.remsi %select_n3A_2148, %jit3A_2149 : i32
      %ne3A_2167 = arith.constant 0 : i32
      %ne3A_2168 = arith.cmpi ne, %rem3A_2166, %ne3A_2167 : i32
      %and3A_2169 = arith.andi %ne3A_2165, %ne3A_2168 : i1
      %sub3A_2170 = arith.constant 1 : i32
      %sub3A_2171 = arith.subi %div3A_2150, %sub3A_2170 : i32
      %select_n3A_2172 = arith.select %and3A_2169, %sub3A_2171, %div3A_2150 : i32
      %mul3A_2173 = arith.constant 8 : i32
      %mul3A_2174 = arith.muli %select_n3A_2172, %mul3A_2173 : i32
      %jit3A_2175 = arith.constant 2 : i32
      %eq3A_2176 = arith.constant 0 : i32
      %eq3A_2177 = arith.cmpi eq, %jit3A_2175, %eq3A_2176 : i32
      %jit3A_2178 = arith.constant 1 : i32
      %select_n3A_2179 = arith.select %eq3A_2177, %jit3A_2178, %jit3A_2175 : i32
      %rem3A_2180 = arith.remsi %select_n3A_2148, %select_n3A_2179 : i32
      %ne3A_2181 = arith.constant 0 : i32
      %ne3A_2182 = arith.cmpi ne, %rem3A_2180, %ne3A_2181 : i32
      %lt3A_2183 = arith.constant 0 : i32
      %lt3A_2184 = arith.cmpi slt, %rem3A_2180, %lt3A_2183 : i32
      %lt3A_2185 = arith.constant 0 : i32
      %lt3A_2186 = arith.cmpi slt, %select_n3A_2179, %lt3A_2185 : i32
      %ne3A_2187 = arith.xori %lt3A_2184, %lt3A_2186 : i1
      %and3A_2188 = arith.andi %ne3A_2187, %ne3A_2182 : i1
      %add3A_2189 = arith.addi %rem3A_2180, %select_n3A_2179 : i32
      %select_n3A_2190 = arith.select %and3A_2188, %add3A_2189, %rem3A_2180 : i32
      %mul3A_2191 = arith.constant 2048 : i32
      %mul3A_2192 = arith.muli %select_n3A_2190, %mul3A_2191 : i32
      %dma_start3A_2193 = arith.constant 3 : i32
      %dma_start3A_2194 = arith.constant 0 : i32
      %dma_start3A_2195 = arith.constant 0 : i32
      %dma_start3A_2196 = tpu.memref_slice %arg7[%dma_start3A_2193, %dma_start3A_2194, %dma_start3A_2195] : memref<4x8x2048xf32, #tpu.memory_space<vmem>> -> memref<1x8x2048xf32, #tpu.memory_space<vmem>>
      %dma_start3A_2197 = tpu.memref_squeeze %dma_start3A_2196 : memref<1x8x2048xf32, #tpu.memory_space<vmem>> -> memref<8x2048xf32, #tpu.memory_space<vmem>>
      %dma_start3A_2198 = tpu.memref_slice %arg4[%select_n3A_2132, %mul3A_2174, %mul3A_2192] : memref<200x64x4096xf32, #tpu.memory_space<hbm>> -> memref<1x8x2048xf32, #tpu.memory_space<hbm>>
      %dma_start3A_2199 = tpu.memref_squeeze %dma_start3A_2198 : memref<1x8x2048xf32, #tpu.memory_space<hbm>> -> memref<8x2048xf32, #tpu.memory_space<hbm>>
      %dma_start3A_2200 = tpu.memref_slice %arg4[%select_n3A_2132, %mul3A_2174, %mul3A_2192] : memref<200x64x4096xf32, #tpu.memory_space<hbm>> -> memref<1x8x2048xf32, #tpu.memory_space<hbm>>
      %dma_start3A_2201 = tpu.memref_squeeze %dma_start3A_2200 : memref<1x8x2048xf32, #tpu.memory_space<hbm>> -> memref<8x2048xf32, #tpu.memory_space<hbm>>
      %dma_start3A_2202 = arith.constant 0 : i32
      %dma_start3A_2203 = arith.constant 0 : i32
      %dma_start3A_2204 = tpu.memref_slice %arg7[%dma_start3A_2193, %dma_start3A_2202, %dma_start3A_2203] : memref<4x8x2048xf32, #tpu.memory_space<vmem>> -> memref<1x8x2048xf32, #tpu.memory_space<vmem>>
      %dma_start3A_2205 = tpu.memref_squeeze %dma_start3A_2204 : memref<1x8x2048xf32, #tpu.memory_space<vmem>> -> memref<8x2048xf32, #tpu.memory_space<vmem>>
      tpu.enqueue_dma source(%dma_start3A_2205 : memref<8x2048xf32, #tpu.memory_space<vmem>>) target(%dma_start3A_2201 : memref<8x2048xf32, #tpu.memory_space<hbm>>) target_semaphore(%arg15 : memref<!tpu.dma_semaphore, #tpu.memory_space<semaphore_mem>>)
    }
    %scan3A_11 = arith.constant 25 : i32
    %add3A_12 = arith.constant 100 : i32
    %add3A_13 = arith.addi %mul3A_2, %add3A_12 : i32
    %sub3A = arith.constant 4 : i32
    %sub3A_14 = arith.subi %add3A_13, %sub3A : i32
    %add3A_15 = arith.constant 0 : i32
    %add3A_16 = arith.addi %sub3A_14, %add3A_15 : i32
    %jit3A = arith.constant 16 : i32
    %div3A = arith.divsi %add3A_16, %jit3A : i32
    %sign3A = arith.constant 0 : i32
    %sign3A_17 = arith.cmpi sgt, %add3A_16, %sign3A : i32
    %sign3A_18 = arith.extui %sign3A_17 : i1 to i32
    %sign3A_19 = arith.constant 0 : i32
    %sign3A_20 = arith.cmpi slt, %add3A_16, %sign3A_19 : i32
    %sign3A_21 = arith.extui %sign3A_20 : i1 to i32
    %sign3A_22 = arith.subi %sign3A_18, %sign3A_21 : i32
    %sign3A_23 = arith.constant 0 : i32
    %sign3A_24 = arith.cmpi sgt, %jit3A, %sign3A_23 : i32
    %sign3A_25 = arith.extui %sign3A_24 : i1 to i32
    %sign3A_26 = arith.constant 0 : i32
    %sign3A_27 = arith.cmpi slt, %jit3A, %sign3A_26 : i32
    %sign3A_28 = arith.extui %sign3A_27 : i1 to i32
    %sign3A_29 = arith.subi %sign3A_25, %sign3A_28 : i32
    %ne3A = arith.cmpi ne, %sign3A_22, %sign3A_29 : i32
    %rem3A = arith.remsi %add3A_16, %jit3A : i32
    %ne3A_30 = arith.constant 0 : i32
    %ne3A_31 = arith.cmpi ne, %rem3A, %ne3A_30 : i32
    %and3A = arith.andi %ne3A, %ne3A_31 : i1
    %sub3A_32 = arith.constant 1 : i32
    %sub3A_33 = arith.subi %div3A, %sub3A_32 : i32
    %select_n3A = arith.select %and3A, %sub3A_33, %div3A : i32
    %jit3A_34 = arith.constant 16 : i32
    %eq3A = arith.constant 0 : i32
    %eq3A_35 = arith.cmpi eq, %jit3A_34, %eq3A : i32
    %jit3A_36 = arith.constant 1 : i32
    %select_n3A_37 = arith.select %eq3A_35, %jit3A_36, %jit3A_34 : i32
    %rem3A_38 = arith.remsi %add3A_16, %select_n3A_37 : i32
    %ne3A_39 = arith.constant 0 : i32
    %ne3A_40 = arith.cmpi ne, %rem3A_38, %ne3A_39 : i32
    %lt3A = arith.constant 0 : i32
    %lt3A_41 = arith.cmpi slt, %rem3A_38, %lt3A : i32
    %lt3A_42 = arith.constant 0 : i32
    %lt3A_43 = arith.cmpi slt, %select_n3A_37, %lt3A_42 : i32
    %ne3A_44 = arith.xori %lt3A_41, %lt3A_43 : i1
    %and3A_45 = arith.andi %ne3A_44, %ne3A_40 : i1
    %add3A_46 = arith.addi %rem3A_38, %select_n3A_37 : i32
    %select_n3A_47 = arith.select %and3A_45, %add3A_46, %rem3A_38 : i32
    %jit3A_48 = arith.constant 2 : i32
    %div3A_49 = arith.divsi %select_n3A_47, %jit3A_48 : i32
    %sign3A_50 = arith.constant 0 : i32
    %sign3A_51 = arith.cmpi sgt, %select_n3A_47, %sign3A_50 : i32
    %sign3A_52 = arith.extui %sign3A_51 : i1 to i32
    %sign3A_53 = arith.constant 0 : i32
    %sign3A_54 = arith.cmpi slt, %select_n3A_47, %sign3A_53 : i32
    %sign3A_55 = arith.extui %sign3A_54 : i1 to i32
    %sign3A_56 = arith.subi %sign3A_52, %sign3A_55 : i32
    %sign3A_57 = arith.constant 0 : i32
    %sign3A_58 = arith.cmpi sgt, %jit3A_48, %sign3A_57 : i32
    %sign3A_59 = arith.extui %sign3A_58 : i1 to i32
    %sign3A_60 = arith.constant 0 : i32
    %sign3A_61 = arith.cmpi slt, %jit3A_48, %sign3A_60 : i32
    %sign3A_62 = arith.extui %sign3A_61 : i1 to i32
    %sign3A_63 = arith.subi %sign3A_59, %sign3A_62 : i32
    %ne3A_64 = arith.cmpi ne, %sign3A_56, %sign3A_63 : i32
    %rem3A_65 = arith.remsi %select_n3A_47, %jit3A_48 : i32
    %ne3A_66 = arith.constant 0 : i32
    %ne3A_67 = arith.cmpi ne, %rem3A_65, %ne3A_66 : i32
    %and3A_68 = arith.andi %ne3A_64, %ne3A_67 : i1
    %sub3A_69 = arith.constant 1 : i32
    %sub3A_70 = arith.subi %div3A_49, %sub3A_69 : i32
    %select_n3A_71 = arith.select %and3A_68, %sub3A_70, %div3A_49 : i32
    %mul3A_72 = arith.constant 8 : i32
    %mul3A_73 = arith.muli %select_n3A_71, %mul3A_72 : i32
    %jit3A_74 = arith.constant 2 : i32
    %eq3A_75 = arith.constant 0 : i32
    %eq3A_76 = arith.cmpi eq, %jit3A_74, %eq3A_75 : i32
    %jit3A_77 = arith.constant 1 : i32
    %select_n3A_78 = arith.select %eq3A_76, %jit3A_77, %jit3A_74 : i32
    %rem3A_79 = arith.remsi %select_n3A_47, %select_n3A_78 : i32
    %ne3A_80 = arith.constant 0 : i32
    %ne3A_81 = arith.cmpi ne, %rem3A_79, %ne3A_80 : i32
    %lt3A_82 = arith.constant 0 : i32
    %lt3A_83 = arith.cmpi slt, %rem3A_79, %lt3A_82 : i32
    %lt3A_84 = arith.constant 0 : i32
    %lt3A_85 = arith.cmpi slt, %select_n3A_78, %lt3A_84 : i32
    %ne3A_86 = arith.xori %lt3A_83, %lt3A_85 : i1
    %and3A_87 = arith.andi %ne3A_86, %ne3A_81 : i1
    %add3A_88 = arith.addi %rem3A_79, %select_n3A_78 : i32
    %select_n3A_89 = arith.select %and3A_87, %add3A_88, %rem3A_79 : i32
    %mul3A_90 = arith.constant 2048 : i32
    %mul3A_91 = arith.muli %select_n3A_89, %mul3A_90 : i32
    %dma_wait3A = arith.constant 0 : i32
    %dma_wait3A_92 = arith.constant 0 : i32
    %dma_wait3A_93 = arith.constant 0 : i32
    %dma_wait3A_94 = tpu.memref_slice %arg7[%dma_wait3A, %dma_wait3A_92, %dma_wait3A_93] : memref<4x8x2048xf32, #tpu.memory_space<vmem>> -> memref<1x8x2048xf32, #tpu.memory_space<vmem>>
    %dma_wait3A_95 = tpu.memref_squeeze %dma_wait3A_94 : memref<1x8x2048xf32, #tpu.memory_space<vmem>> -> memref<8x2048xf32, #tpu.memory_space<vmem>>
    %dma_wait3A_96 = tpu.memref_slice %arg4[%select_n3A, %mul3A_73, %mul3A_91] : memref<200x64x4096xf32, #tpu.memory_space<hbm>> -> memref<1x8x2048xf32, #tpu.memory_space<hbm>>
    %dma_wait3A_97 = tpu.memref_squeeze %dma_wait3A_96 : memref<1x8x2048xf32, #tpu.memory_space<hbm>> -> memref<8x2048xf32, #tpu.memory_space<hbm>>
    %dma_wait3A_98 = tpu.memref_slice %arg4[%select_n3A, %mul3A_73, %mul3A_91] : memref<200x64x4096xf32, #tpu.memory_space<hbm>> -> memref<1x8x2048xf32, #tpu.memory_space<hbm>>
    %dma_wait3A_99 = tpu.memref_squeeze %dma_wait3A_98 : memref<1x8x2048xf32, #tpu.memory_space<hbm>> -> memref<8x2048xf32, #tpu.memory_space<hbm>>
    %dma_wait3A_100 = arith.constant 0 : i32
    %dma_wait3A_101 = arith.constant 0 : i32
    %dma_wait3A_102 = tpu.memref_slice %arg7[%dma_wait3A, %dma_wait3A_100, %dma_wait3A_101] : memref<4x8x2048xf32, #tpu.memory_space<vmem>> -> memref<1x8x2048xf32, #tpu.memory_space<vmem>>
    %dma_wait3A_103 = tpu.memref_squeeze %dma_wait3A_102 : memref<1x8x2048xf32, #tpu.memory_space<vmem>> -> memref<8x2048xf32, #tpu.memory_space<vmem>>
    tpu.wait_dma2 semaphore(%arg12 : memref<!tpu.dma_semaphore, #tpu.memory_space<semaphore_mem>>) src(%dma_wait3A_103 : memref<8x2048xf32, #tpu.memory_space<vmem>>) dst(%dma_wait3A_99 : memref<8x2048xf32, #tpu.memory_space<hbm>>)
    %add3A_104 = arith.constant 100 : i32
    %add3A_105 = arith.addi %mul3A_2, %add3A_104 : i32
    %sub3A_106 = arith.constant 4 : i32
    %sub3A_107 = arith.subi %add3A_105, %sub3A_106 : i32
    %add3A_108 = arith.constant 1 : i32
    %add3A_109 = arith.addi %sub3A_107, %add3A_108 : i32
    %jit3A_110 = arith.constant 16 : i32
    %div3A_111 = arith.divsi %add3A_109, %jit3A_110 : i32
    %sign3A_112 = arith.constant 0 : i32
    %sign3A_113 = arith.cmpi sgt, %add3A_109, %sign3A_112 : i32
    %sign3A_114 = arith.extui %sign3A_113 : i1 to i32
    %sign3A_115 = arith.constant 0 : i32
    %sign3A_116 = arith.cmpi slt, %add3A_109, %sign3A_115 : i32
    %sign3A_117 = arith.extui %sign3A_116 : i1 to i32
    %sign3A_118 = arith.subi %sign3A_114, %sign3A_117 : i32
    %sign3A_119 = arith.constant 0 : i32
    %sign3A_120 = arith.cmpi sgt, %jit3A_110, %sign3A_119 : i32
    %sign3A_121 = arith.extui %sign3A_120 : i1 to i32
    %sign3A_122 = arith.constant 0 : i32
    %sign3A_123 = arith.cmpi slt, %jit3A_110, %sign3A_122 : i32
    %sign3A_124 = arith.extui %sign3A_123 : i1 to i32
    %sign3A_125 = arith.subi %sign3A_121, %sign3A_124 : i32
    %ne3A_126 = arith.cmpi ne, %sign3A_118, %sign3A_125 : i32
    %rem3A_127 = arith.remsi %add3A_109, %jit3A_110 : i32
    %ne3A_128 = arith.constant 0 : i32
    %ne3A_129 = arith.cmpi ne, %rem3A_127, %ne3A_128 : i32
    %and3A_130 = arith.andi %ne3A_126, %ne3A_129 : i1
    %sub3A_131 = arith.constant 1 : i32
    %sub3A_132 = arith.subi %div3A_111, %sub3A_131 : i32
    %select_n3A_133 = arith.select %and3A_130, %sub3A_132, %div3A_111 : i32
    %jit3A_134 = arith.constant 16 : i32
    %eq3A_135 = arith.constant 0 : i32
    %eq3A_136 = arith.cmpi eq, %jit3A_134, %eq3A_135 : i32
    %jit3A_137 = arith.constant 1 : i32
    %select_n3A_138 = arith.select %eq3A_136, %jit3A_137, %jit3A_134 : i32
    %rem3A_139 = arith.remsi %add3A_109, %select_n3A_138 : i32
    %ne3A_140 = arith.constant 0 : i32
    %ne3A_141 = arith.cmpi ne, %rem3A_139, %ne3A_140 : i32
    %lt3A_142 = arith.constant 0 : i32
    %lt3A_143 = arith.cmpi slt, %rem3A_139, %lt3A_142 : i32
    %lt3A_144 = arith.constant 0 : i32
    %lt3A_145 = arith.cmpi slt, %select_n3A_138, %lt3A_144 : i32
    %ne3A_146 = arith.xori %lt3A_143, %lt3A_145 : i1
    %and3A_147 = arith.andi %ne3A_146, %ne3A_141 : i1
    %add3A_148 = arith.addi %rem3A_139, %select_n3A_138 : i32
    %select_n3A_149 = arith.select %and3A_147, %add3A_148, %rem3A_139 : i32
    %jit3A_150 = arith.constant 2 : i32
    %div3A_151 = arith.divsi %select_n3A_149, %jit3A_150 : i32
    %sign3A_152 = arith.constant 0 : i32
    %sign3A_153 = arith.cmpi sgt, %select_n3A_149, %sign3A_152 : i32
    %sign3A_154 = arith.extui %sign3A_153 : i1 to i32
    %sign3A_155 = arith.constant 0 : i32
    %sign3A_156 = arith.cmpi slt, %select_n3A_149, %sign3A_155 : i32
    %sign3A_157 = arith.extui %sign3A_156 : i1 to i32
    %sign3A_158 = arith.subi %sign3A_154, %sign3A_157 : i32
    %sign3A_159 = arith.constant 0 : i32
    %sign3A_160 = arith.cmpi sgt, %jit3A_150, %sign3A_159 : i32
    %sign3A_161 = arith.extui %sign3A_160 : i1 to i32
    %sign3A_162 = arith.constant 0 : i32
    %sign3A_163 = arith.cmpi slt, %jit3A_150, %sign3A_162 : i32
    %sign3A_164 = arith.extui %sign3A_163 : i1 to i32
    %sign3A_165 = arith.subi %sign3A_161, %sign3A_164 : i32
    %ne3A_166 = arith.cmpi ne, %sign3A_158, %sign3A_165 : i32
    %rem3A_167 = arith.remsi %select_n3A_149, %jit3A_150 : i32
    %ne3A_168 = arith.constant 0 : i32
    %ne3A_169 = arith.cmpi ne, %rem3A_167, %ne3A_168 : i32
    %and3A_170 = arith.andi %ne3A_166, %ne3A_169 : i1
    %sub3A_171 = arith.constant 1 : i32
    %sub3A_172 = arith.subi %div3A_151, %sub3A_171 : i32
    %select_n3A_173 = arith.select %and3A_170, %sub3A_172, %div3A_151 : i32
    %mul3A_174 = arith.constant 8 : i32
    %mul3A_175 = arith.muli %select_n3A_173, %mul3A_174 : i32
    %jit3A_176 = arith.constant 2 : i32
    %eq3A_177 = arith.constant 0 : i32
    %eq3A_178 = arith.cmpi eq, %jit3A_176, %eq3A_177 : i32
    %jit3A_179 = arith.constant 1 : i32
    %select_n3A_180 = arith.select %eq3A_178, %jit3A_179, %jit3A_176 : i32
    %rem3A_181 = arith.remsi %select_n3A_149, %select_n3A_180 : i32
    %ne3A_182 = arith.constant 0 : i32
    %ne3A_183 = arith.cmpi ne, %rem3A_181, %ne3A_182 : i32
    %lt3A_184 = arith.constant 0 : i32
    %lt3A_185 = arith.cmpi slt, %rem3A_181, %lt3A_184 : i32
    %lt3A_186 = arith.constant 0 : i32
    %lt3A_187 = arith.cmpi slt, %select_n3A_180, %lt3A_186 : i32
    %ne3A_188 = arith.xori %lt3A_185, %lt3A_187 : i1
    %and3A_189 = arith.andi %ne3A_188, %ne3A_183 : i1
    %add3A_190 = arith.addi %rem3A_181, %select_n3A_180 : i32
    %select_n3A_191 = arith.select %and3A_189, %add3A_190, %rem3A_181 : i32
    %mul3A_192 = arith.constant 2048 : i32
    %mul3A_193 = arith.muli %select_n3A_191, %mul3A_192 : i32
    %dma_wait3A_194 = arith.constant 1 : i32
    %dma_wait3A_195 = arith.constant 0 : i32
    %dma_wait3A_196 = arith.constant 0 : i32
    %dma_wait3A_197 = tpu.memref_slice %arg7[%dma_wait3A_194, %dma_wait3A_195, %dma_wait3A_196] : memref<4x8x2048xf32, #tpu.memory_space<vmem>> -> memref<1x8x2048xf32, #tpu.memory_space<vmem>>
    %dma_wait3A_198 = tpu.memref_squeeze %dma_wait3A_197 : memref<1x8x2048xf32, #tpu.memory_space<vmem>> -> memref<8x2048xf32, #tpu.memory_space<vmem>>
    %dma_wait3A_199 = tpu.memref_slice %arg4[%select_n3A_133, %mul3A_175, %mul3A_193] : memref<200x64x4096xf32, #tpu.memory_space<hbm>> -> memref<1x8x2048xf32, #tpu.memory_space<hbm>>
    %dma_wait3A_200 = tpu.memref_squeeze %dma_wait3A_199 : memref<1x8x2048xf32, #tpu.memory_space<hbm>> -> memref<8x2048xf32, #tpu.memory_space<hbm>>
    %dma_wait3A_201 = tpu.memref_slice %arg4[%select_n3A_133, %mul3A_175, %mul3A_193] : memref<200x64x4096xf32, #tpu.memory_space<hbm>> -> memref<1x8x2048xf32, #tpu.memory_space<hbm>>
    %dma_wait3A_202 = tpu.memref_squeeze %dma_wait3A_201 : memref<1x8x2048xf32, #tpu.memory_space<hbm>> -> memref<8x2048xf32, #tpu.memory_space<hbm>>
    %dma_wait3A_203 = arith.constant 0 : i32
    %dma_wait3A_204 = arith.constant 0 : i32
    %dma_wait3A_205 = tpu.memref_slice %arg7[%dma_wait3A_194, %dma_wait3A_203, %dma_wait3A_204] : memref<4x8x2048xf32, #tpu.memory_space<vmem>> -> memref<1x8x2048xf32, #tpu.memory_space<vmem>>
    %dma_wait3A_206 = tpu.memref_squeeze %dma_wait3A_205 : memref<1x8x2048xf32, #tpu.memory_space<vmem>> -> memref<8x2048xf32, #tpu.memory_space<vmem>>
    tpu.wait_dma2 semaphore(%arg13 : memref<!tpu.dma_semaphore, #tpu.memory_space<semaphore_mem>>) src(%dma_wait3A_206 : memref<8x2048xf32, #tpu.memory_space<vmem>>) dst(%dma_wait3A_202 : memref<8x2048xf32, #tpu.memory_space<hbm>>)
    %add3A_207 = arith.constant 100 : i32
    %add3A_208 = arith.addi %mul3A_2, %add3A_207 : i32
    %sub3A_209 = arith.constant 4 : i32
    %sub3A_210 = arith.subi %add3A_208, %sub3A_209 : i32
    %add3A_211 = arith.constant 2 : i32
    %add3A_212 = arith.addi %sub3A_210, %add3A_211 : i32
    %jit3A_213 = arith.constant 16 : i32
    %div3A_214 = arith.divsi %add3A_212, %jit3A_213 : i32
    %sign3A_215 = arith.constant 0 : i32
    %sign3A_216 = arith.cmpi sgt, %add3A_212, %sign3A_215 : i32
    %sign3A_217 = arith.extui %sign3A_216 : i1 to i32
    %sign3A_218 = arith.constant 0 : i32
    %sign3A_219 = arith.cmpi slt, %add3A_212, %sign3A_218 : i32
    %sign3A_220 = arith.extui %sign3A_219 : i1 to i32
    %sign3A_221 = arith.subi %sign3A_217, %sign3A_220 : i32
    %sign3A_222 = arith.constant 0 : i32
    %sign3A_223 = arith.cmpi sgt, %jit3A_213, %sign3A_222 : i32
    %sign3A_224 = arith.extui %sign3A_223 : i1 to i32
    %sign3A_225 = arith.constant 0 : i32
    %sign3A_226 = arith.cmpi slt, %jit3A_213, %sign3A_225 : i32
    %sign3A_227 = arith.extui %sign3A_226 : i1 to i32
    %sign3A_228 = arith.subi %sign3A_224, %sign3A_227 : i32
    %ne3A_229 = arith.cmpi ne, %sign3A_221, %sign3A_228 : i32
    %rem3A_230 = arith.remsi %add3A_212, %jit3A_213 : i32
    %ne3A_231 = arith.constant 0 : i32
    %ne3A_232 = arith.cmpi ne, %rem3A_230, %ne3A_231 : i32
    %and3A_233 = arith.andi %ne3A_229, %ne3A_232 : i1
    %sub3A_234 = arith.constant 1 : i32
    %sub3A_235 = arith.subi %div3A_214, %sub3A_234 : i32
    %select_n3A_236 = arith.select %and3A_233, %sub3A_235, %div3A_214 : i32
    %jit3A_237 = arith.constant 16 : i32
    %eq3A_238 = arith.constant 0 : i32
    %eq3A_239 = arith.cmpi eq, %jit3A_237, %eq3A_238 : i32
    %jit3A_240 = arith.constant 1 : i32
    %select_n3A_241 = arith.select %eq3A_239, %jit3A_240, %jit3A_237 : i32
    %rem3A_242 = arith.remsi %add3A_212, %select_n3A_241 : i32
    %ne3A_243 = arith.constant 0 : i32
    %ne3A_244 = arith.cmpi ne, %rem3A_242, %ne3A_243 : i32
    %lt3A_245 = arith.constant 0 : i32
    %lt3A_246 = arith.cmpi slt, %rem3A_242, %lt3A_245 : i32
    %lt3A_247 = arith.constant 0 : i32
    %lt3A_248 = arith.cmpi slt, %select_n3A_241, %lt3A_247 : i32
    %ne3A_249 = arith.xori %lt3A_246, %lt3A_248 : i1
    %and3A_250 = arith.andi %ne3A_249, %ne3A_244 : i1
    %add3A_251 = arith.addi %rem3A_242, %select_n3A_241 : i32
    %select_n3A_252 = arith.select %and3A_250, %add3A_251, %rem3A_242 : i32
    %jit3A_253 = arith.constant 2 : i32
    %div3A_254 = arith.divsi %select_n3A_252, %jit3A_253 : i32
    %sign3A_255 = arith.constant 0 : i32
    %sign3A_256 = arith.cmpi sgt, %select_n3A_252, %sign3A_255 : i32
    %sign3A_257 = arith.extui %sign3A_256 : i1 to i32
    %sign3A_258 = arith.constant 0 : i32
    %sign3A_259 = arith.cmpi slt, %select_n3A_252, %sign3A_258 : i32
    %sign3A_260 = arith.extui %sign3A_259 : i1 to i32
    %sign3A_261 = arith.subi %sign3A_257, %sign3A_260 : i32
    %sign3A_262 = arith.constant 0 : i32
    %sign3A_263 = arith.cmpi sgt, %jit3A_253, %sign3A_262 : i32
    %sign3A_264 = arith.extui %sign3A_263 : i1 to i32
    %sign3A_265 = arith.constant 0 : i32
    %sign3A_266 = arith.cmpi slt, %jit3A_253, %sign3A_265 : i32
    %sign3A_267 = arith.extui %sign3A_266 : i1 to i32
    %sign3A_268 = arith.subi %sign3A_264, %sign3A_267 : i32
    %ne3A_269 = arith.cmpi ne, %sign3A_261, %sign3A_268 : i32
    %rem3A_270 = arith.remsi %select_n3A_252, %jit3A_253 : i32
    %ne3A_271 = arith.constant 0 : i32
    %ne3A_272 = arith.cmpi ne, %rem3A_270, %ne3A_271 : i32
    %and3A_273 = arith.andi %ne3A_269, %ne3A_272 : i1
    %sub3A_274 = arith.constant 1 : i32
    %sub3A_275 = arith.subi %div3A_254, %sub3A_274 : i32
    %select_n3A_276 = arith.select %and3A_273, %sub3A_275, %div3A_254 : i32
    %mul3A_277 = arith.constant 8 : i32
    %mul3A_278 = arith.muli %select_n3A_276, %mul3A_277 : i32
    %jit3A_279 = arith.constant 2 : i32
    %eq3A_280 = arith.constant 0 : i32
    %eq3A_281 = arith.cmpi eq, %jit3A_279, %eq3A_280 : i32
    %jit3A_282 = arith.constant 1 : i32
    %select_n3A_283 = arith.select %eq3A_281, %jit3A_282, %jit3A_279 : i32
    %rem3A_284 = arith.remsi %select_n3A_252, %select_n3A_283 : i32
    %ne3A_285 = arith.constant 0 : i32
    %ne3A_286 = arith.cmpi ne, %rem3A_284, %ne3A_285 : i32
    %lt3A_287 = arith.constant 0 : i32
    %lt3A_288 = arith.cmpi slt, %rem3A_284, %lt3A_287 : i32
    %lt3A_289 = arith.constant 0 : i32
    %lt3A_290 = arith.cmpi slt, %select_n3A_283, %lt3A_289 : i32
    %ne3A_291 = arith.xori %lt3A_288, %lt3A_290 : i1
    %and3A_292 = arith.andi %ne3A_291, %ne3A_286 : i1
    %add3A_293 = arith.addi %rem3A_284, %select_n3A_283 : i32
    %select_n3A_294 = arith.select %and3A_292, %add3A_293, %rem3A_284 : i32
    %mul3A_295 = arith.constant 2048 : i32
    %mul3A_296 = arith.muli %select_n3A_294, %mul3A_295 : i32
    %dma_wait3A_297 = arith.constant 2 : i32
    %dma_wait3A_298 = arith.constant 0 : i32
    %dma_wait3A_299 = arith.constant 0 : i32
    %dma_wait3A_300 = tpu.memref_slice %arg7[%dma_wait3A_297, %dma_wait3A_298, %dma_wait3A_299] : memref<4x8x2048xf32, #tpu.memory_space<vmem>> -> memref<1x8x2048xf32, #tpu.memory_space<vmem>>
    %dma_wait3A_301 = tpu.memref_squeeze %dma_wait3A_300 : memref<1x8x2048xf32, #tpu.memory_space<vmem>> -> memref<8x2048xf32, #tpu.memory_space<vmem>>
    %dma_wait3A_302 = tpu.memref_slice %arg4[%select_n3A_236, %mul3A_278, %mul3A_296] : memref<200x64x4096xf32, #tpu.memory_space<hbm>> -> memref<1x8x2048xf32, #tpu.memory_space<hbm>>
    %dma_wait3A_303 = tpu.memref_squeeze %dma_wait3A_302 : memref<1x8x2048xf32, #tpu.memory_space<hbm>> -> memref<8x2048xf32, #tpu.memory_space<hbm>>
    %dma_wait3A_304 = tpu.memref_slice %arg4[%select_n3A_236, %mul3A_278, %mul3A_296] : memref<200x64x4096xf32, #tpu.memory_space<hbm>> -> memref<1x8x2048xf32, #tpu.memory_space<hbm>>
    %dma_wait3A_305 = tpu.memref_squeeze %dma_wait3A_304 : memref<1x8x2048xf32, #tpu.memory_space<hbm>> -> memref<8x2048xf32, #tpu.memory_space<hbm>>
    %dma_wait3A_306 = arith.constant 0 : i32
    %dma_wait3A_307 = arith.constant 0 : i32
    %dma_wait3A_308 = tpu.memref_slice %arg7[%dma_wait3A_297, %dma_wait3A_306, %dma_wait3A_307] : memref<4x8x2048xf32, #tpu.memory_space<vmem>> -> memref<1x8x2048xf32, #tpu.memory_space<vmem>>
    %dma_wait3A_309 = tpu.memref_squeeze %dma_wait3A_308 : memref<1x8x2048xf32, #tpu.memory_space<vmem>> -> memref<8x2048xf32, #tpu.memory_space<vmem>>
    tpu.wait_dma2 semaphore(%arg14 : memref<!tpu.dma_semaphore, #tpu.memory_space<semaphore_mem>>) src(%dma_wait3A_309 : memref<8x2048xf32, #tpu.memory_space<vmem>>) dst(%dma_wait3A_305 : memref<8x2048xf32, #tpu.memory_space<hbm>>)
    %add3A_310 = arith.constant 100 : i32
    %add3A_311 = arith.addi %mul3A_2, %add3A_310 : i32
    %sub3A_312 = arith.constant 4 : i32
    %sub3A_313 = arith.subi %add3A_311, %sub3A_312 : i32
    %add3A_314 = arith.constant 3 : i32
    %add3A_315 = arith.addi %sub3A_313, %add3A_314 : i32
    %jit3A_316 = arith.constant 16 : i32
    %div3A_317 = arith.divsi %add3A_315, %jit3A_316 : i32
    %sign3A_318 = arith.constant 0 : i32
    %sign3A_319 = arith.cmpi sgt, %add3A_315, %sign3A_318 : i32
    %sign3A_320 = arith.extui %sign3A_319 : i1 to i32
    %sign3A_321 = arith.constant 0 : i32
    %sign3A_322 = arith.cmpi slt, %add3A_315, %sign3A_321 : i32
    %sign3A_323 = arith.extui %sign3A_322 : i1 to i32
    %sign3A_324 = arith.subi %sign3A_320, %sign3A_323 : i32
    %sign3A_325 = arith.constant 0 : i32
    %sign3A_326 = arith.cmpi sgt, %jit3A_316, %sign3A_325 : i32
    %sign3A_327 = arith.extui %sign3A_326 : i1 to i32
    %sign3A_328 = arith.constant 0 : i32
    %sign3A_329 = arith.cmpi slt, %jit3A_316, %sign3A_328 : i32
    %sign3A_330 = arith.extui %sign3A_329 : i1 to i32
    %sign3A_331 = arith.subi %sign3A_327, %sign3A_330 : i32
    %ne3A_332 = arith.cmpi ne, %sign3A_324, %sign3A_331 : i32
    %rem3A_333 = arith.remsi %add3A_315, %jit3A_316 : i32
    %ne3A_334 = arith.constant 0 : i32
    %ne3A_335 = arith.cmpi ne, %rem3A_333, %ne3A_334 : i32
    %and3A_336 = arith.andi %ne3A_332, %ne3A_335 : i1
    %sub3A_337 = arith.constant 1 : i32
    %sub3A_338 = arith.subi %div3A_317, %sub3A_337 : i32
    %select_n3A_339 = arith.select %and3A_336, %sub3A_338, %div3A_317 : i32
    %jit3A_340 = arith.constant 16 : i32
    %eq3A_341 = arith.constant 0 : i32
    %eq3A_342 = arith.cmpi eq, %jit3A_340, %eq3A_341 : i32
    %jit3A_343 = arith.constant 1 : i32
    %select_n3A_344 = arith.select %eq3A_342, %jit3A_343, %jit3A_340 : i32
    %rem3A_345 = arith.remsi %add3A_315, %select_n3A_344 : i32
    %ne3A_346 = arith.constant 0 : i32
    %ne3A_347 = arith.cmpi ne, %rem3A_345, %ne3A_346 : i32
    %lt3A_348 = arith.constant 0 : i32
    %lt3A_349 = arith.cmpi slt, %rem3A_345, %lt3A_348 : i32
    %lt3A_350 = arith.constant 0 : i32
    %lt3A_351 = arith.cmpi slt, %select_n3A_344, %lt3A_350 : i32
    %ne3A_352 = arith.xori %lt3A_349, %lt3A_351 : i1
    %and3A_353 = arith.andi %ne3A_352, %ne3A_347 : i1
    %add3A_354 = arith.addi %rem3A_345, %select_n3A_344 : i32
    %select_n3A_355 = arith.select %and3A_353, %add3A_354, %rem3A_345 : i32
    %jit3A_356 = arith.constant 2 : i32
    %div3A_357 = arith.divsi %select_n3A_355, %jit3A_356 : i32
    %sign3A_358 = arith.constant 0 : i32
    %sign3A_359 = arith.cmpi sgt, %select_n3A_355, %sign3A_358 : i32
    %sign3A_360 = arith.extui %sign3A_359 : i1 to i32
    %sign3A_361 = arith.constant 0 : i32
    %sign3A_362 = arith.cmpi slt, %select_n3A_355, %sign3A_361 : i32
    %sign3A_363 = arith.extui %sign3A_362 : i1 to i32
    %sign3A_364 = arith.subi %sign3A_360, %sign3A_363 : i32
    %sign3A_365 = arith.constant 0 : i32
    %sign3A_366 = arith.cmpi sgt, %jit3A_356, %sign3A_365 : i32
    %sign3A_367 = arith.extui %sign3A_366 : i1 to i32
    %sign3A_368 = arith.constant 0 : i32
    %sign3A_369 = arith.cmpi slt, %jit3A_356, %sign3A_368 : i32
    %sign3A_370 = arith.extui %sign3A_369 : i1 to i32
    %sign3A_371 = arith.subi %sign3A_367, %sign3A_370 : i32
    %ne3A_372 = arith.cmpi ne, %sign3A_364, %sign3A_371 : i32
    %rem3A_373 = arith.remsi %select_n3A_355, %jit3A_356 : i32
    %ne3A_374 = arith.constant 0 : i32
    %ne3A_375 = arith.cmpi ne, %rem3A_373, %ne3A_374 : i32
    %and3A_376 = arith.andi %ne3A_372, %ne3A_375 : i1
    %sub3A_377 = arith.constant 1 : i32
    %sub3A_378 = arith.subi %div3A_357, %sub3A_377 : i32
    %select_n3A_379 = arith.select %and3A_376, %sub3A_378, %div3A_357 : i32
    %mul3A_380 = arith.constant 8 : i32
    %mul3A_381 = arith.muli %select_n3A_379, %mul3A_380 : i32
    %jit3A_382 = arith.constant 2 : i32
    %eq3A_383 = arith.constant 0 : i32
    %eq3A_384 = arith.cmpi eq, %jit3A_382, %eq3A_383 : i32
    %jit3A_385 = arith.constant 1 : i32
    %select_n3A_386 = arith.select %eq3A_384, %jit3A_385, %jit3A_382 : i32
    %rem3A_387 = arith.remsi %select_n3A_355, %select_n3A_386 : i32
    %ne3A_388 = arith.constant 0 : i32
    %ne3A_389 = arith.cmpi ne, %rem3A_387, %ne3A_388 : i32
    %lt3A_390 = arith.constant 0 : i32
    %lt3A_391 = arith.cmpi slt, %rem3A_387, %lt3A_390 : i32
    %lt3A_392 = arith.constant 0 : i32
    %lt3A_393 = arith.cmpi slt, %select_n3A_386, %lt3A_392 : i32
    %ne3A_394 = arith.xori %lt3A_391, %lt3A_393 : i1
    %and3A_395 = arith.andi %ne3A_394, %ne3A_389 : i1
    %add3A_396 = arith.addi %rem3A_387, %select_n3A_386 : i32
    %select_n3A_397 = arith.select %and3A_395, %add3A_396, %rem3A_387 : i32
    %mul3A_398 = arith.constant 2048 : i32
    %mul3A_399 = arith.muli %select_n3A_397, %mul3A_398 : i32
    %dma_wait3A_400 = arith.constant 3 : i32
    %dma_wait3A_401 = arith.constant 0 : i32
    %dma_wait3A_402 = arith.constant 0 : i32
    %dma_wait3A_403 = tpu.memref_slice %arg7[%dma_wait3A_400, %dma_wait3A_401, %dma_wait3A_402] : memref<4x8x2048xf32, #tpu.memory_space<vmem>> -> memref<1x8x2048xf32, #tpu.memory_space<vmem>>
    %dma_wait3A_404 = tpu.memref_squeeze %dma_wait3A_403 : memref<1x8x2048xf32, #tpu.memory_space<vmem>> -> memref<8x2048xf32, #tpu.memory_space<vmem>>
    %dma_wait3A_405 = tpu.memref_slice %arg4[%select_n3A_339, %mul3A_381, %mul3A_399] : memref<200x64x4096xf32, #tpu.memory_space<hbm>> -> memref<1x8x2048xf32, #tpu.memory_space<hbm>>
    %dma_wait3A_406 = tpu.memref_squeeze %dma_wait3A_405 : memref<1x8x2048xf32, #tpu.memory_space<hbm>> -> memref<8x2048xf32, #tpu.memory_space<hbm>>
    %dma_wait3A_407 = tpu.memref_slice %arg4[%select_n3A_339, %mul3A_381, %mul3A_399] : memref<200x64x4096xf32, #tpu.memory_space<hbm>> -> memref<1x8x2048xf32, #tpu.memory_space<hbm>>
    %dma_wait3A_408 = tpu.memref_squeeze %dma_wait3A_407 : memref<1x8x2048xf32, #tpu.memory_space<hbm>> -> memref<8x2048xf32, #tpu.memory_space<hbm>>
    %dma_wait3A_409 = arith.constant 0 : i32
    %dma_wait3A_410 = arith.constant 0 : i32
    %dma_wait3A_411 = tpu.memref_slice %arg7[%dma_wait3A_400, %dma_wait3A_409, %dma_wait3A_410] : memref<4x8x2048xf32, #tpu.memory_space<vmem>> -> memref<1x8x2048xf32, #tpu.memory_space<vmem>>
    %dma_wait3A_412 = tpu.memref_squeeze %dma_wait3A_411 : memref<1x8x2048xf32, #tpu.memory_space<vmem>> -> memref<8x2048xf32, #tpu.memory_space<vmem>>
    tpu.wait_dma2 semaphore(%arg15 : memref<!tpu.dma_semaphore, #tpu.memory_space<semaphore_mem>>) src(%dma_wait3A_412 : memref<8x2048xf32, #tpu.memory_space<vmem>>) dst(%dma_wait3A_408 : memref<8x2048xf32, #tpu.memory_space<hbm>>)
    return
  }
}

</mosaic_0001>

<sc_bundles>
// kernel: kernel.3.cloned.1.call-start
scs
__scs_entry_jumppad:
0x0: {  	(pc) =	sbr.rel $0x88, $3  }
0x1: {  	(tag) =	ssettag $0x0;
	lr =	simm.s32 $0x1  }
0x2: {  	[smem:$0x3F9F] =	sst lr;
	_ =	strace $0xD0000000  }
0x3: {  	_ = 	snop  }
0x4: {  	_ = 	snop  }
0x5: {  	_ = 	snop  }
0x6: {  	_ = 	snop  }
0x7: {  	_ = 	snop  }
__scs_overlays_trampoline_lowered:
0x8: {  	[smem:$0x3FAE] =	sst s0  }
0x9: {  	[smem:$0x3FAF] =	sst s1  }
0xa: {  	[smem:$0x3FB0] =	sst s2  }
0xb: {  	[smem:$0x3FB1] =	sst s3  }
0xc: {  	[smem:$0x3FB2] =	sst s4  }
0xd: {  	[smem:$0x3FB3] =	sst s5  }
0xe: {  	[smem:$0x3FB4] =	sst s6  }
0xf: {  	[smem:$0x3FB5] =	sst s7  }
0x10: {  	[smem:$0x3FB6] =	sst s8  }
0x11: {  	[smem:$0x3FB7] =	sst s9;
	s0 =	simm.s32 @!p0 $0x0  }
0x12: {  	s1 =	sld [smem:$0x3F9D];
	s0 =	simm.s32 @p0 $0x1  }
0x13: {  	[smem:$0x3FB8] =	sst s0;
	s0 =	simm.s32 @!p1 $0x0  }
0x14: {  	s2 =	sld [smem:$0x3F9C];
	s0 =	simm.s32 @p1 $0x1  }
0x15: {  	[smem:$0x3FB9] =	sst s0;
	s0 =	simm.s32 @!p2 $0x0  }
0x16: {  	s3 =	sld [smem:$0x3FDB];
	s0 =	simm.s32 @p2 $0x1  }
0x17: {  	s4 =	simm.s32 $0x1BF5;
	[smem:$0x3FBB] =	sst s0  }
0x18: {  	s0 =	sld [smem:$0x3F9E];
	_ =	swait.ge [sflag:s4], $0x0  }
0x19: {  	s7 =	sld [smem:$0x3F9F]  }
0x1a: {  	s8 =	sadd.s32 $0xFFFFE003, lr  }
0x1b: {  	s9 =	sadd.s32 $0xFFFFFEF7, lr;
	s5 =	simm.s32 $0xFFFFFFFF;
	p2 =	slt.u32 s8, $0xFFFFF086  }
0x1c: {  	p1 =	slt.u32 s9, $0xF7A;
	s5 =	simm.s32 @!p2 $0x0  }
0x1d: {  	s5 =	simm.s32 @p1 $0x1;
	p0 =	seq.s32 s7, s2  }
0x1e: {  	s7 =	smul.u32 @!p0 $0xF7A, s2;
	p2 =	seq.s32 @!p0 s5, $0x0  }
0x1f: {  	s9 =	smul.u32 $0xF7A, s1;
	s8 =	simm.s32 @!p0 $0x1BF5;
	p2 =	por !p2, p0  }
0x20: {  	[sflag:s8] =	ssyncset.s32 @!p0 $0xFFFFF086;
	s6 =	sadd.s32 @!p0 s3, s7;
	s7 =	simm.s32 @!p0 $0x108  }
0x21: {  	s3 =	sadd.s32 s3, s9;
	s6 =	sadd.s32 @!p0 $0x88, s6;
	s7 =	simm.s32 @p2 $0x1082  }
0x22: {  	[simem:s7], [sflag:s8] =	dma.local @!p0 [hbm:s6], $0xF7A  }
0x23: {  	s9 =	sor.u32 $0xD0000000, s2;
	s6 =	simm.s32 $0x108;
	_ =	swait.ge @!p0 [sflag:s8], $0x0  }
0x24: {  	s3 =	sadd.s32 $0x88, s3;
	s6 =	simm.s32 @!p1 $0x1082;
	[sflag:s4] =	ssyncset.s32 $0xFFFFF086  }
0x25: {  	[simem:s6], [sflag:s4] =	dma.local [hbm:s3], $0xF7A  }
0x26: {  	[smem:$0x3F9F] =	sst s1;
	(tag) =	ssettag s2;
	_ =	strace s9  }
0x27: {  	s1 =	sld [smem:$0x3FAF]  }
0x28: {  	s2 =	sld [smem:$0x3FB0]  }
0x29: {  	s4 =	sld [smem:$0x3FB2]  }
0x2a: {  	p0 =	seq.s32 s5, $0x0;
	s5 =	sld [smem:$0x3FB3]  }
0x2b: {  	s6 =	sld [smem:$0x3FB4]  }
0x2c: {  	s7 =	sld [smem:$0x3FB5]  }
0x2d: {  	s3 =	simm.s32 $0x108;
	s8 =	sld [smem:$0x3FB6]  }
0x2e: {  	s3 =	simm.s32 @!p0 $0x1082;
	s9 =	sld [smem:$0x3FB7]  }
0x2f: {  	lr =	sadd.s32 s0, s3;
	s0 =	sld [smem:$0x3FAE]  }
0x30: {  	s3 =	sld [smem:$0x3FB1]  }
0x31: {  	[smem:$0x3FBA] =	sst s10  }
0x32: {  	s10 =	sld [smem:$0x3FB8];
	_ =	sdelay $0x3  }
0x33: {  	p0 =	seq.s32 s10, $0x1;
	s10 =	sld [smem:$0x3FBA];
	_ =	sdelay $0x3  }
0x34: {  	[smem:$0x3FBA] =	sst s10  }
0x35: {  	s10 =	sld [smem:$0x3FB9];
	_ =	sdelay $0x3  }
0x36: {  	p1 =	seq.s32 s10, $0x1;
	s10 =	sld [smem:$0x3FBA];
	_ =	sdelay $0x3  }
0x37: {  	[smem:$0x3FBA] =	sst s10  }
0x38: {  	s10 =	sld [smem:$0x3FBB]  }
0x39: {  	_ = 	snop;
	(pc) =	sbr.ind lr, $3  }
0x3a: {  	_ = 	snop  }
0x3b: {  	_ = 	snop  }
0x3c: {  	p2 =	seq.s32 s10, $0x1;
	s10 =	sld [smem:$0x3FBA]  }
0x3d: {  	_ =	shalt  }
0x3e: {  	_ =	shalt  }
0x3f: {  	_ =	shalt  }
0x40: {  	_ =	shalt  }
0x41: {  	_ =	shalt  }
0x42: {  	_ =	shalt  }
0x43: {  	_ =	shalt  }
0x44: {  	_ =	shalt  }
0x45: {  	_ =	shalt  }
0x46: {  	_ =	shalt  }
0x47: {  	_ =	shalt  }
0x48: {  	_ =	shalt  }
0x49: {  	_ =	shalt  }
0x4a: {  	_ =	shalt  }
0x4b: {  	_ =	shalt  }
0x4c: {  	_ =	shalt  }
0x4d: {  	_ =	shalt  }
0x4e: {  	_ =	shalt  }
0x4f: {  	_ =	shalt  }
0x50: {  	_ =	shalt  }
0x51: {  	_ =	shalt  }
0x52: {  	_ =	shalt  }
0x53: {  	_ =	shalt  }
0x54: {  	_ =	shalt  }
0x55: {  	_ =	shalt  }
0x56: {  	_ =	shalt  }
0x57: {  	_ =	shalt  }
0x58: {  	_ =	shalt  }
0x59: {  	_ =	shalt  }
0x5a: {  	_ =	shalt  }
0x5b: {  	_ =	shalt  }
0x5c: {  	_ =	shalt  }
0x5d: {  	_ =	shalt  }
0x5e: {  	_ =	shalt  }
0x5f: {  	_ =	shalt  }
0x60: {  	_ =	shalt  }
0x61: {  	_ =	shalt  }
0x62: {  	_ =	shalt  }
0x63: {  	_ =	shalt  }
0x64: {  	_ =	shalt  }
0x65: {  	_ =	shalt  }
0x66: {  	_ =	shalt  }
0x67: {  	_ =	shalt  }
0x68: {  	_ =	shalt  }
0x69: {  	_ =	shalt  }
0x6a: {  	_ =	shalt  }
0x6b: {  	_ =	shalt  }
0x6c: {  	_ =	shalt  }
0x6d: {  	_ =	shalt  }
0x6e: {  	_ =	shalt  }
0x6f: {  	_ =	shalt  }
0x70: {  	_ =	shalt  }
0x71: {  	_ =	shalt  }
0x72: {  	_ =	shalt  }
0x73: {  	_ =	shalt  }
0x74: {  	_ =	shalt  }
0x75: {  	_ =	shalt  }
0x76: {  	_ =	shalt  }
0x77: {  	_ =	shalt  }
0x78: {  	_ =	shalt  }
0x79: {  	_ =	shalt  }
0x7a: {  	_ =	shalt  }
0x7b: {  	_ =	shalt  }
0x7c: {  	_ =	shalt  }
0x7d: {  	_ =	shalt  }
0x7e: {  	_ =	shalt  }
0x7f: {  	_ =	shalt  }
0x80: {  	_ =	shalt  }
0x81: {  	_ =	shalt  }
0x82: {  	_ =	shalt  }
0x83: {  	_ =	shalt  }
0x84: {  	_ =	shalt  }
0x85: {  	_ =	shalt  }
0x86: {  	_ =	shalt  }
0x87: {  	_ =	shalt  }
.Lfunc_end0:
.L_simem_size_0:
called_computation_lowered:
.L_overlay_start_0:
0x88: {  	s2 =	sld [smem:$0x3FD9]  }
0x89: {  	s3 =	sld [smem:$0x3FFE];
	_ =	sdelay $0x1  }
0x8a: {  	s1 =	srdreg.scid  }
0x8b: {  	s0 =	sand.u32 $0x1, s1  }
0x8c: {  	s17 =	sshll.u32 s0, $0xA;
	s2 =	sadd.s32 s3, s2  }
0x8d: {  	s2 =	sadd.s32 s2, s17  }
0x8e: {  	[smem:$0x3FC6] =	sst s2  }
0x8f: {  	_ = 	snop  }
0x90: {  	s2 =	sld [smem:$0x3FC9]  }
0x91: {  	s18 =	sld [smem:$0x3FD0];
	(tm) =	ssettm $0x1  }
0x92: {  	s4 =	sld [smem:$0x3FFB];
	_ =	sdelay $0x3  }
0x93: {  	_ =	strace s4  }
0x94: {  	s4 =	sld [smem:$0x3FFC];
	_ =	sdelay $0x3  }
0x95: {  	_ =	strace s4  }
0x96: {  	s4 =	sld [smem:$0x3FFD];
	_ =	sdelay $0x3  }
0x97: {  	_ =	strace s4  }
0x98: {  	_ =	strace $0x8FFFFFFF  }
0x99: {  	s19 =	sld [smem:$0x3FDB];
	_ =	sdelay $0x1  }
0x9a: {  	s5 =	simm.s32 $_scs_section_size  }
0x9b: {  	s6 =	simm.s32 $_size__tile_overlayer_lowered;
	s7 =	simm.s32 $_tile_overlayer_lowered  }
0x9c: {  	s22 =	simm.s32 $0x1BFF;
	s21 =	sshll.u32 s7, $0x1;
	s4 =	sadd.s32 s5, s19  }
0x9d: {  	s8 =	simm.s32 $0x0;
	s20 =	sshll.u32 s6, $0x1;
	s6 =	sadd.s32 s21, s4  }
0x9e: {  	[timem:s8], [sflag:s22] =	dma.local [hbm:s6], s20  }
0x9f: {  	_ =	swait.ge [sflag:s22], s20  }
0xa0: {  	s5 =	ssub.s32 $0x0, s20;
	[sflag:s22] =	ssyncset.done $0x0  }
0xa1: {  	[sflag:s22] =	ssyncadd.s32 s5;
	_ =	sdelay $0x1  }
0xa2: {  	s23 =	simm.s32 $0x1B8B  }
0xa3: {  	_ =	swait.ge [sflag:s23], $0x1  }
0xa4: {  	[sflag:s23] =	ssyncset.done $0x0  }
0xa5: {  	s25 =	simm.s32 $0x1B8E;
	s24 =	sld [smem:$0x3FFE];
	[sflag:s23] =	ssyncadd.s32 $0xFFFFFFFF  }
0xa6: {  	s26 =	simm.s32 $execute0_lowered;
	[smem:$0x3FD2] =	sst s25  }
0xa7: {  	s6 =	sshll.u32 s26, $0x1;
	_ =	strace $0x80000046;
	[dreg:$0x1] =	wrdreg $0xFFFFFFFF  }
0xa8: {  	s28 =	simm.s32 $_size_execute0_lowered;
	s4 =	sadd.s32 s4, s6;
	[dreg:$0x0] =	wrdreg $0x0  }
0xa9: {  	s6 =	sshll.u32 s28, $0x1;
	[dreg:$0x2] =	wrdreg s4  }
0xaa: {  	[dreg:$0x3] =	wrdreg s6  }
0xab: {  	[dreg:$0x4] =	wrdreg $0xC0  }
0xac: {  	_ =	task [dreg:s8], $0x5FFFF  }
0xad: {  	[dreg:$0x1] =	wrdreg $0xFFFFFFFF  }
0xae: {  	[dreg:$0x0] =	wrdreg $0x60  }
0xaf: {  	[dreg:$0x2] =	wrdreg s2  }
0xb0: {  	[dreg:$0x3] =	wrdreg s24  }
0xb1: {  	[dreg:$0x4] =	wrdreg s18  }
0xb2: {  	[dreg:$0x5] =	wrdreg $0x9  }
0xb3: {  	_ =	task.clear_ibuf [dreg:s8], $0x6FFFF;
	_ =	strace $0x90000046  }
0xb4: {  	s29 =	simm.s32 $0x9;
	_ =	strace $0x80000048  }
0xb5: {  	_ =	swait.ge [sflag:s29], $0x1  }
0xb6: {  	[sflag:s29] =	ssyncadd.s32 $0xFFFFFFFF  }
0xb7: {  	_ =	strace $0x90000048  }
0xb8: {  	_ =	sfence  }
0xb9: {  	s30 =	sld [smem:$0x0];
	_ =	sdelay $0x2  }
0xba: {  	s31 =	sshll.u32 s1, $0xD;
	s1 =	sshrl.u32 s1, $0x2  }
0xbb: {  	s3 =	sand.u32 $0x4000, s31;
	s1 =	sadd.s32 s1, s30  }
0xbc: {  	s0 =	sor.u32 s3, s0;
	s1 =	sshll.u32 s1, $0x11  }
0xbd: {  	s0 =	sor.u32 s1, s0  }
0xbe: {  	s0 =	sadd.s32 $0x8F2B, s0  }
0xbf: {  	[sflag:s0] =	ssyncadd.remote.s32 $0x1  }
0xc0: {  	_ =	sfence.sel $0xFFFF  }
0xc1: {  	[dreg:$0x0] =	wrdreg $0xFFFFFFFF;
	(pc) =	sbr.abs _section_cstart, $3  }
0xc2: {  	[dreg:$0x1] =	wrdreg $0xFFFFFFFF  }
0xc3: {  	_ =	task.clear_ibuf [dreg:s8], $0x2FFFF;
	_ =	strace $0x9FFFFFFF  }
0xc4: {  	(tm) =	ssettm $0x7FFFFFFF  }
0xc5: {  	_ =	shalt  }
tec
execute0_lowered:
.L_overlay_start_1:
0x0: {  	(tag) =	ssettag $0x1  }
0x1: {  	s3 =	rddreg [dreg:$0x0]  }
0x2: {  	s0 =	rddreg [dreg:$0x1]  }
0x3: {  	s7 =	rddreg [dreg:$0x2];
	s1 =	srdreg.scid;
	s16 =	simm.s32 $0x0  }
0x4: {  	s4 =	stileid.u32;
	s1 =	sand.u32 $0x1, s1;
	[smem:$0x7FF] =	sst s16  }
0x5: {  	s5 =	sshll.u32 s4, $0x1;
	s0 =	sadd.s32 $0x400, s0;
	s30 =	sadd.s32 $0x800, s3  }
0x6: {  	s31 =	sadd.s32 $0x800, s7;
	s2 =	ssub.s32 $0x2, s1;
	_ =	strace $0x80000047  }
.Ltmp0:
0x7: {  	s1 =	sor.u32 s1, s5;
	[dreg:$0x4] =	wrdreg s0;
	(pc) =	sbr.rel .LBB2_1-.Ltmp0, $4  }
0x8: {  	[dreg:$0x6] =	wrdreg s30;
	s6 =	sshrl.u32 s2, $0x1;
	s1 =	smul.u32 $0x64, s1  }
0x9: {  	[dreg:$0x7] =	wrdreg s31;
	s29 =	ssub.s32 s2, s6  }
0xa: {  	[dreg:$0x5] =	wrdreg s1;
	s0 =	smax.u32 s29, $0x1  }
0xb: {  	s2 =	simm.s32 $0x0;
	[dreg:$0x8] =	wrdreg s0  }
.LBB2_27:
0xc: {  	s0 =	simm.s32 $0x5  }
0xd: {  	_ =	swait.ge [sflag:s0], $0x4000  }
0xe: {  	[sflag:s0] =	ssyncset.done $0x0  }
0xf: {  	s29 =	simm.s32 $0x6;
	[sflag:s0] =	ssyncadd.s32 $0xFFFFC000  }
0x10: {  	_ =	swait.ge [sflag:s29], $0x4000  }
0x11: {  	[sflag:s29] =	ssyncset.done $0x0  }
0x12: {  	s30 =	simm.s32 $0x7;
	[sflag:s29] =	ssyncadd.s32 $0xFFFFC000  }
0x13: {  	_ =	swait.ge [sflag:s30], $0x4000  }
0x14: {  	[sflag:s30] =	ssyncset.done $0x0  }
0x15: {  	s1 =	simm.s32 $0x8;
	[sflag:s30] =	ssyncadd.s32 $0xFFFFC000  }
0x16: {  	_ =	swait.ge [sflag:s1], $0x4000  }
0x17: {  	s2 =	rddreg [dreg:$0x9]  }
0x18: {  	s31 =	rddreg [dreg:$0x8];
	s2 =	sadd.s32 $0x1, s2  }
0x19: {  	p0 =	sne.s32 s2, s31  }
.Ltmp1:
0x1a: {  	_ = 	snop;
	(pc) =	sbr.rel @!p0 .LBB2_28-.Ltmp1, $3  }
0x1b: {  	_ =	sdelay $0x1  }
0x1c: {  	[sflag:s1] =	ssyncset.done $0x0  }
0x1d: {  	[sflag:s1] =	ssyncadd.s32 $0xFFFFC000  }
.LBB2_1:
0x1e: {  	[dreg:$0x9] =	wrdreg s2  }
.Ltmp2:
0x1f: {  	s0 =	rddreg [dreg:$0x4];
	s31 =	simm.s32 $0x9;
	(pc) =	sbr.rel .LBB2_2-.Ltmp2, $4  }
0x20: {  	[tilespmem:s16], [sflag:$0x9] =	stream.linear.gather [hbm4b:s0+s16], $0x3280, $0x38;
	[tilespmem:$0x15280] =	vst v63  }
0x21: {  	_ =	swait.ge [sflag:s31], $0x3280  }
0x22: {  	[sflag:s31] =	ssyncset.done $0x0  }
0x23: {  	s2 =	simm.s32 $0x0;
	[sflag:s31] =	ssyncadd.s32 $0xFFFFCD80  }
.LBB2_26:
0x24: {  	s2 =	rddreg [dreg:$0xa]  }
0x25: {  	s2 =	sadd.s32 $0x1, s2  }
0x26: {  	p0 =	sne.s32 s2, $0x19  }
.Ltmp3:
0x27: {  	_ = 	snop;
	(pc) =	sbr.rel @!p0 .LBB2_27-.Ltmp3, $3  }
0x28: {  	_ =	sdelay $0x1  }
0x29: {  	s0 =	sadd.s32 s1, s6;
	s31 =	simm.s32 $0x11280  }
0x2a: {  	[hbm4b:s0+s16] =	stream.linear.scatter [tilespmem:s31], [sflag:$0x8], $0x4000, $0x38;
	[tilespmem:$0x15280] =	vst v63  }
.LBB2_2:
0x2b: {  	s1 =	sshll.u32 s2, $0x2;
	s0 =	rddreg [dreg:$0x5];
	p0 =	seq.s32 s2, $0x0  }
0x2c: {  	[dreg:$0xa] =	wrdreg s2;
	s11 =	sadd.s32 s0, s1;
	s1 =	simm.s32 @!p0 $0x5  }
0x2d: {  	_ =	swait.ge @!p0 [sflag:s1], $0x4000  }
0x2e: {  	s5 =	sshll.u32 s11, $0x5;
	[sflag:s1] =	ssyncset.done @!p0 $0x0  }
0x2f: {  	s9 =	sand.u32 $0x70, s11;
	s2 =	sand.u32 $0xFFFF000, s5;
	[sflag:s1] =	ssyncadd.s32 @!p0 $0xFFFFC000  }
0x30: {  	s17 =	sor.u32 s9, s2;
	s6 =	rddreg [dreg:$0x0]  }
0x31: {  	s7 =	simm.s32 $0x3280;
	s1 =	sadd.s32 s6, s17  }
0x32: {  	[tilespmem:s7], [sflag:$0x1] =	stream.linear.gather [hbm4b:s1+s16], $0x80, $0x38;
	[tilespmem:$0x15280] =	vst v63  }
0x33: {  	s9 =	simm.s32 $0x3480;
	s8 =	sadd.s32 $0x80, s1  }
0x34: {  	[tilespmem:s9], [sflag:$0x1] =	stream.linear.gather [hbm4b:s8+s16], $0x80, $0x38;
	[tilespmem:$0x15280] =	vst v63  }
0x35: {  	s12 =	simm.s32 $0x3680;
	s10 =	sadd.s32 $0x100, s1  }
0x36: {  	[tilespmem:s12], [sflag:$0x1] =	stream.linear.gather [hbm4b:s10+s16], $0x80, $0x38;
	[tilespmem:$0x15280] =	vst v63  }
0x37: {  	s14 =	simm.s32 $0x3880;
	s13 =	sadd.s32 $0x180, s1  }
0x38: {  	[tilespmem:s14], [sflag:$0x1] =	stream.linear.gather [hbm4b:s13+s16], $0x80, $0x38;
	[tilespmem:$0x15280] =	vst v63  }
0x39: {  	s18 =	simm.s32 $0x3A80;
	s15 =	sadd.s32 $0x200, s1  }
0x3a: {  	[tilespmem:s18], [sflag:$0x1] =	stream.linear.gather [hbm4b:s15+s16], $0x80, $0x38;
	[tilespmem:$0x15280] =	vst v63  }
0x3b: {  	s19 =	simm.s32 $0x3C80;
	s12 =	sadd.s32 $0x280, s1  }
0x3c: {  	[tilespmem:s19], [sflag:$0x1] =	stream.linear.gather [hbm4b:s12+s16], $0x80, $0x38;
	[tilespmem:$0x15280] =	vst v63  }
0x3d: {  	s20 =	simm.s32 $0x3E80;
	[dreg:$0xd] =	wrdreg s13;
	s13 =	sadd.s32 $0x300, s1  }
0x3e: {  	[tilespmem:s20], [sflag:$0x1] =	stream.linear.gather [hbm4b:s13+s16], $0x80, $0x38;
	[tilespmem:$0x15280] =	vst v63  }
0x3f: {  	s21 =	simm.s32 $0x4080;
	s14 =	sadd.s32 $0x380, s1  }
0x40: {  	[tilespmem:s21], [sflag:$0x1] =	stream.linear.gather [hbm4b:s14+s16], $0x80, $0x38;
	[tilespmem:$0x15280] =	vst v63  }
0x41: {  	s22 =	simm.s32 $0x4280;
	[dreg:$0xe] =	wrdreg s15;
	s15 =	sadd.s32 $0x400, s1  }
0x42: {  	[tilespmem:s22], [sflag:$0x1] =	stream.linear.gather [hbm4b:s15+s16], $0x80, $0x38;
	[tilespmem:$0x15280] =	vst v63  }
0x43: {  	s23 =	simm.s32 $0x4480;
	s0 =	simm.s32 $0x0;
	s16 =	sadd.s32 $0x480, s1  }
0x44: {  	[tilespmem:s23], [sflag:$0x1] =	stream.linear.gather [hbm4b:s16+s0], $0x80, $0x38;
	[tilespmem:$0x15280] =	vst v63  }
0x45: {  	s24 =	simm.s32 $0x4680;
	s18 =	sadd.s32 $0x500, s1  }
0x46: {  	[tilespmem:s24], [sflag:$0x1] =	stream.linear.gather [hbm4b:s18+s0], $0x80, $0x38;
	[tilespmem:$0x15280] =	vst v63  }
0x47: {  	s25 =	simm.s32 $0x4880;
	s19 =	sadd.s32 $0x580, s1  }
0x48: {  	[tilespmem:s25], [sflag:$0x1] =	stream.linear.gather [hbm4b:s19+s0], $0x80, $0x38;
	[tilespmem:$0x15280] =	vst v63  }
0x49: {  	s26 =	simm.s32 $0x4A80;
	s20 =	sadd.s32 $0x600, s1  }
0x4a: {  	[tilespmem:s26], [sflag:$0x1] =	stream.linear.gather [hbm4b:s20+s0], $0x80, $0x38;
	[tilespmem:$0x15280] =	vst v63  }
0x4b: {  	s28 =	simm.s32 $0x4C80;
	s29 =	simm.s32 $0x4E80;
	s21 =	sadd.s32 $0x680, s1  }
0x4c: {  	[tilespmem:s28], [sflag:$0x1] =	stream.linear.gather [hbm4b:s21+s0], $0x80, $0x38;
	[tilespmem:$0x15280] =	vst v63  }
0x4d: {  	s30 =	simm.s32 $0x5080;
	[dreg:$0xb] =	wrdreg s8;
	s22 =	sadd.s32 $0x700, s1  }
0x4e: {  	[tilespmem:s29], [sflag:$0x1] =	stream.linear.gather [hbm4b:s22+s0], $0x80, $0x38;
	[tilespmem:$0x15280] =	vst v63  }
0x4f: {  	[dreg:$0xc] =	wrdreg s10;
	s24 =	sadd.s32 $0x780, s1;
	s26 =	simm.s32 @!p0 $0x6  }
0x50: {  	[tilespmem:s30], [sflag:$0x1] =	stream.linear.gather [hbm4b:s24+s0], $0x80, $0x38;
	[tilespmem:$0x15280] =	vst v63  }
0x51: {  	_ =	swait.ge @!p0 [sflag:s26], $0x4000  }
0x52: {  	[sflag:s26] =	ssyncset.done @!p0 $0x0;
	s31 =	rddreg [dreg:$0x6]  }
0x53: {  	s3 =	simm.s32 $0x3300;
	[sflag:s26] =	ssyncadd.s32 @!p0 $0xFFFFC000;
	s17 =	sadd.s32 s17, s31  }
0x54: {  	[tilespmem:s3], [sflag:$0x2] =	stream.linear.gather [hbm4b:s17+s0], $0x80, $0x38;
	[tilespmem:$0x15280] =	vst v63  }
0x55: {  	s4 =	simm.s32 $0x3500;
	s26 =	sadd.s32 $0x80, s17  }
0x56: {  	[tilespmem:s4], [sflag:$0x2] =	stream.linear.gather [hbm4b:s26+s0], $0x80, $0x38;
	[tilespmem:$0x15280] =	vst v63  }
0x57: {  	s5 =	simm.s32 $0x3700;
	s29 =	sadd.s32 $0x100, s17  }
0x58: {  	[tilespmem:s5], [sflag:$0x2] =	stream.linear.gather [hbm4b:s29+s0], $0x80, $0x38;
	[tilespmem:$0x15280] =	vst v63  }
0x59: {  	s6 =	simm.s32 $0x3900;
	s31 =	sadd.s32 $0x180, s17  }
0x5a: {  	[tilespmem:s6], [sflag:$0x2] =	stream.linear.gather [hbm4b:s31+s0], $0x80, $0x38;
	[tilespmem:$0x15280] =	vst v63  }
0x5b: {  	s7 =	simm.s32 $0x3B00;
	s10 =	sadd.s32 $0x200, s17  }
0x5c: {  	[tilespmem:s7], [sflag:$0x2] =	stream.linear.gather [hbm4b:s10+s0], $0x80, $0x38;
	[tilespmem:$0x15280] =	vst v63  }
0x5d: {  	s8 =	simm.s32 $0x3D00;
	s9 =	sadd.s32 $0x280, s17  }
0x5e: {  	[tilespmem:s8], [sflag:$0x2] =	stream.linear.gather [hbm4b:s9+s0], $0x80, $0x38;
	[tilespmem:$0x15280] =	vst v63  }
0x5f: {  	s23 =	simm.s32 $0x3F00;
	s7 =	sadd.s32 $0x300, s17  }
0x60: {  	[tilespmem:s23], [sflag:$0x2] =	stream.linear.gather [hbm4b:s7+s0], $0x80, $0x38;
	[tilespmem:$0x15280] =	vst v63  }
0x61: {  	s25 =	simm.s32 $0x4100;
	s23 =	sadd.s32 $0x380, s17  }
0x62: {  	[tilespmem:s25], [sflag:$0x2] =	stream.linear.gather [hbm4b:s23+s0], $0x80, $0x38;
	[tilespmem:$0x15280] =	vst v63  }
0x63: {  	s28 =	simm.s32 $0x4300;
	s25 =	sadd.s32 $0x400, s17  }
0x64: {  	[tilespmem:s28], [sflag:$0x2] =	stream.linear.gather [hbm4b:s25+s0], $0x80, $0x38;
	[tilespmem:$0x15280] =	vst v63  }
0x65: {  	s30 =	simm.s32 $0x4500;
	s28 =	sadd.s32 $0x480, s17  }
0x66: {  	[tilespmem:s30], [sflag:$0x2] =	stream.linear.gather [hbm4b:s28+s0], $0x80, $0x38;
	[tilespmem:$0x15280] =	vst v63  }
0x67: {  	s3 =	simm.s32 $0x4700;
	s30 =	sadd.s32 $0x500, s17  }
0x68: {  	[tilespmem:s3], [sflag:$0x2] =	stream.linear.gather [hbm4b:s30+s0], $0x80, $0x38;
	[tilespmem:$0x15280] =	vst v63  }
0x69: {  	s4 =	simm.s32 $0x4900;
	s8 =	sadd.s32 $0x580, s17  }
0x6a: {  	[tilespmem:s4], [sflag:$0x2] =	stream.linear.gather [hbm4b:s8+s0], $0x80, $0x38;
	[tilespmem:$0x15280] =	vst v63  }
0x6b: {  	s5 =	simm.s32 $0x4B00;
	s6 =	sadd.s32 $0x600, s17  }
0x6c: {  	[tilespmem:s5], [sflag:$0x2] =	stream.linear.gather [hbm4b:s6+s0], $0x80, $0x38;
	[tilespmem:$0x15280] =	vst v63  }
0x6d: {  	s3 =	simm.s32 $0x4D00;
	s5 =	sadd.s32 $0x680, s17  }
0x6e: {  	[tilespmem:s3], [sflag:$0x2] =	stream.linear.gather [hbm4b:s5+s0], $0x80, $0x38;
	[tilespmem:$0x15280] =	vst v63  }
0x6f: {  	s4 =	simm.s32 $0x4F00;
	s3 =	sadd.s32 $0x700, s17  }
0x70: {  	[tilespmem:s4], [sflag:$0x2] =	stream.linear.gather [hbm4b:s3+s0], $0x80, $0x38;
	[tilespmem:$0x15280] =	vst v63  }
0x71: {  	s2 =	simm.s32 $0x5100;
	s4 =	sadd.s32 $0x780, s17  }
0x72: {  	[tilespmem:s2], [sflag:$0x2] =	stream.linear.gather [hbm4b:s4+s0], $0x80, $0x38;
	[tilespmem:$0x15280] =	vst v63  }
0x73: {  	s2 =	simm.s32 @!p0 $0x7  }
0x74: {  	_ =	swait.ge @!p0 [sflag:s2], $0x4000  }
0x75: {  	[sflag:s2] =	ssyncset.done @!p0 $0x0  }
0x76: {  	[sflag:s2] =	ssyncadd.s32 @!p0 $0xFFFFC000;
	s2 =	simm.s32 $0x3380  }
0x77: {  	[tilespmem:s2], [sflag:$0x3] =	stream.linear.gather [hbm4b:s1+s0], $0x80, $0x38;
	[tilespmem:$0x15280] =	vst v63  }
0x78: {  	s1 =	simm.s32 $0x3580;
	s2 =	rddreg [dreg:$0xb]  }
0x79: {  	[tilespmem:s1], [sflag:$0x3] =	stream.linear.gather [hbm4b:s2+s0], $0x80, $0x38;
	[tilespmem:$0x15280] =	vst v63  }
0x7a: {  	s1 =	simm.s32 $0x3780;
	s2 =	rddreg [dreg:$0xc]  }
0x7b: {  	[tilespmem:s1], [sflag:$0x3] =	stream.linear.gather [hbm4b:s2+s0], $0x80, $0x38;
	[tilespmem:$0x15280] =	vst v63  }
0x7c: {  	s1 =	simm.s32 $0x3980;
	s2 =	rddreg [dreg:$0xd]  }
0x7d: {  	[tilespmem:s1], [sflag:$0x3] =	stream.linear.gather [hbm4b:s2+s0], $0x80, $0x38;
	[tilespmem:$0x15280] =	vst v63  }
0x7e: {  	s1 =	simm.s32 $0x3B80;
	s2 =	rddreg [dreg:$0xe]  }
0x7f: {  	[tilespmem:s1], [sflag:$0x3] =	stream.linear.gather [hbm4b:s2+s0], $0x80, $0x38;
	[tilespmem:$0x15280] =	vst v63  }
0x80: {  	s2 =	simm.s32 $0x3D80  }
0x81: {  	[tilespmem:s2], [sflag:$0x3] =	stream.linear.gather [hbm4b:s12+s0], $0x80, $0x38;
	[tilespmem:$0x15280] =	vst v63  }
0x82: {  	s12 =	simm.s32 $0x3F80  }
0x83: {  	[tilespmem:s12], [sflag:$0x3] =	stream.linear.gather [hbm4b:s13+s0], $0x80, $0x38;
	[tilespmem:$0x15280] =	vst v63  }
0x84: {  	s2 =	simm.s32 $0x4180  }
0x85: {  	[tilespmem:s2], [sflag:$0x3] =	stream.linear.gather [hbm4b:s14+s0], $0x80, $0x38;
	[tilespmem:$0x15280] =	vst v63  }
0x86: {  	s12 =	simm.s32 $0x4380  }
0x87: {  	[tilespmem:s12], [sflag:$0x3] =	stream.linear.gather [hbm4b:s15+s0], $0x80, $0x38;
	[tilespmem:$0x15280] =	vst v63  }
0x88: {  	s13 =	simm.s32 $0x4580  }
0x89: {  	[tilespmem:s13], [sflag:$0x3] =	stream.linear.gather [hbm4b:s16+s0], $0x80, $0x38;
	[tilespmem:$0x15280] =	vst v63  }
0x8a: {  	s14 =	simm.s32 $0x4780;
	s16 =	simm.s32 $0x0  }
0x8b: {  	[tilespmem:s14], [sflag:$0x3] =	stream.linear.gather [hbm4b:s18+s16], $0x80, $0x38;
	[tilespmem:$0x15280] =	vst v63  }
0x8c: {  	s15 =	simm.s32 $0x4980  }
0x8d: {  	[tilespmem:s15], [sflag:$0x3] =	stream.linear.gather [hbm4b:s19+s16], $0x80, $0x38;
	[tilespmem:$0x15280] =	vst v63  }
0x8e: {  	s18 =	simm.s32 $0x4B80  }
0x8f: {  	[tilespmem:s18], [sflag:$0x3] =	stream.linear.gather [hbm4b:s20+s16], $0x80, $0x38;
	[tilespmem:$0x15280] =	vst v63  }
0x90: {  	s19 =	simm.s32 $0x4D80  }
0x91: {  	[tilespmem:s19], [sflag:$0x3] =	stream.linear.gather [hbm4b:s21+s16], $0x80, $0x38;
	[tilespmem:$0x15280] =	vst v63  }
0x92: {  	s20 =	simm.s32 $0x4F80  }
0x93: {  	[tilespmem:s20], [sflag:$0x3] =	stream.linear.gather [hbm4b:s22+s16], $0x80, $0x38;
	[tilespmem:$0x15280] =	vst v63  }
0x94: {  	s0 =	simm.s32 @!p0 $0x8;
	s21 =	simm.s32 $0x5180  }
0x95: {  	[tilespmem:s21], [sflag:$0x3] =	stream.linear.gather [hbm4b:s24+s16], $0x80, $0x38;
	[tilespmem:$0x15280] =	vst v63  }
0x96: {  	_ =	swait.ge @!p0 [sflag:s0], $0x4000  }
0x97: {  	[sflag:s0] =	ssyncset.done @!p0 $0x0  }
0x98: {  	s1 =	simm.s32 $0x0;
	s22 =	simm.s32 $0x3400;
	[sflag:s0] =	ssyncadd.s32 @!p0 $0xFFFFC000  }
0x99: {  	[tilespmem:s22], [sflag:$0x4] =	stream.linear.gather [hbm4b:s17+s1], $0x80, $0x38;
	[tilespmem:$0x15280] =	vst v63  }
0x9a: {  	s24 =	simm.s32 $0x3600  }
0x9b: {  	[tilespmem:s24], [sflag:$0x4] =	stream.linear.gather [hbm4b:s26+s1], $0x80, $0x38;
	[tilespmem:$0x15280] =	vst v63  }
0x9c: {  	s26 =	simm.s32 $0x3800  }
0x9d: {  	[tilespmem:s26], [sflag:$0x4] =	stream.linear.gather [hbm4b:s29+s1], $0x80, $0x38;
	[tilespmem:$0x15280] =	vst v63  }
0x9e: {  	s29 =	simm.s32 $0x3A00  }
0x9f: {  	[tilespmem:s29], [sflag:$0x4] =	stream.linear.gather [hbm4b:s31+s1], $0x80, $0x38;
	[tilespmem:$0x15280] =	vst v63  }
0xa0: {  	s31 =	simm.s32 $0x3C00  }
0xa1: {  	[tilespmem:s31], [sflag:$0x4] =	stream.linear.gather [hbm4b:s10+s1], $0x80, $0x38;
	[tilespmem:$0x15280] =	vst v63  }
0xa2: {  	s2 =	simm.s32 $0x3E00  }
0xa3: {  	[tilespmem:s2], [sflag:$0x4] =	stream.linear.gather [hbm4b:s9+s1], $0x80, $0x38;
	[tilespmem:$0x15280] =	vst v63  }
0xa4: {  	s10 =	simm.s32 $0x4000  }
0xa5: {  	[tilespmem:s10], [sflag:$0x4] =	stream.linear.gather [hbm4b:s7+s1], $0x80, $0x38;
	[tilespmem:$0x15280] =	vst v63  }
0xa6: {  	s12 =	simm.s32 $0x4200  }
0xa7: {  	[tilespmem:s12], [sflag:$0x4] =	stream.linear.gather [hbm4b:s23+s1], $0x80, $0x38;
	[tilespmem:$0x15280] =	vst v63  }
0xa8: {  	s13 =	simm.s32 $0x4400  }
0xa9: {  	[tilespmem:s13], [sflag:$0x4] =	stream.linear.gather [hbm4b:s25+s1], $0x80, $0x38;
	[tilespmem:$0x15280] =	vst v63  }
0xaa: {  	s14 =	simm.s32 $0x4600  }
0xab: {  	[tilespmem:s14], [sflag:$0x4] =	stream.linear.gather [hbm4b:s28+s1], $0x80, $0x38;
	[tilespmem:$0x15280] =	vst v63  }
0xac: {  	s15 =	simm.s32 $0x4800  }
0xad: {  	[tilespmem:s15], [sflag:$0x4] =	stream.linear.gather [hbm4b:s30+s1], $0x80, $0x38;
	[tilespmem:$0x15280] =	vst v63  }
0xae: {  	s17 =	simm.s32 $0x4A00  }
0xaf: {  	[tilespmem:s17], [sflag:$0x4] =	stream.linear.gather [hbm4b:s8+s1], $0x80, $0x38;
	[tilespmem:$0x15280] =	vst v63  }
0xb0: {  	s18 =	simm.s32 $0x4C00;
	s0 =	sshrl.u32 s11, $0x4  }
0xb1: {  	[tilespmem:s18], [sflag:$0x4] =	stream.linear.gather [hbm4b:s6+s1], $0x80, $0x38;
	[tilespmem:$0x15280] =	vst v63  }
0xb2: {  	s19 =	simm.s32 $0x4E00;
	s22 =	sshll.u32 s11, $0x2;
	s23 =	sshll.u32 s0, $0x6  }
0xb3: {  	[tilespmem:s19], [sflag:$0x4] =	stream.linear.gather [hbm4b:s5+s1], $0x80, $0x38;
	[tilespmem:$0x15280] =	vst v63  }
0xb4: {  	s9 =	sadd.s32 $0x40, s23;
	s5 =	sand.u32 $0x30, s22  }
0xb5: {  	s20 =	simm.s32 $0x5000;
	s2 =	sor.u32 s5, s9  }
0xb6: {  	[tilespmem:s20], [sflag:$0x4] =	stream.linear.gather [hbm4b:s3+s1], $0x80, $0x38;
	[tilespmem:$0x15280] =	vst v63  }
0xb7: {  	v0 =	vmov s2;
	s24 =	sor.u32 $0x1, s2  }
0xb8: {  	s21 =	simm.s32 $0x5200;
	s25 =	sor.u32 $0x2, s2;
	v0 =	vbroadcast v0, $0x0;
	v1 =	vmov s24  }
0xb9: {  	s29 =	simm.s32 $0x1;
	s26 =	sor.u32 $0x3, s2;
	s28 =	sor.u32 $0x4, s2;
	v2 =	vmov s25;
	v1 =	vbroadcast v1, $0x0  }
0xba: {  	v3 =	vmov s26;
	[tilespmem:s21], [sflag:$0x4] =	stream.linear.gather [hbm4b:s4+s1], $0x80, $0x38;
	v2 =	vbroadcast v2, $0x0;
	[tilespmem:$0x15280] =	vst v63  }
0xbb: {  	s30 =	sor.u32 $0x5, s2;
	v4 =	vmov s28;
	v3 =	vbroadcast v3, $0x0;
	_ =	swait.ge [sflag:s29], $0x800  }
0xbc: {  	s31 =	sor.u32 $0x6, s2;
	v5 =	vmov s30;
	v4 =	vbroadcast v4, $0x0;
	[sflag:s29] =	ssyncset.done $0x0  }
0xbd: {  	s2 =	sor.u32 $0x7, s2;
	v6 =	vmov s31;
	v5 =	vbroadcast v5, $0x0;
	[sflag:s29] =	ssyncadd.s32 $0xFFFFF800  }
0xbe: {  	v7 =	vmov s2;
	v6 =	vbroadcast v6, $0x0;
	v12 =	vld.idx.msk [tilespmem:v0+s1+$0x0], $0xffff  }
0xbf: {  	v7 =	vbroadcast v7, $0x0;
	v14 =	vld.idx.msk [tilespmem:v1+s1+$0x0], $0xffff  }
0xc0: {  	v15 =	vld.idx.msk [tilespmem:v2+s1+$0x0], $0xffff  }
0xc1: {  	v13 =	vld.idx.msk [tilespmem:v3+s1+$0x0], $0xffff  }
0xc2: {  	v11 =	vld.idx.msk [tilespmem:v4+s1+$0x0], $0xffff  }
0xc3: {  	v10 =	vld.idx.msk [tilespmem:v5+s1+$0x0], $0xffff  }
0xc4: {  	v16 =	vimm.s32 $0x7FFFFFFF;
	v8 =	vld.idx.msk [tilespmem:v6+s1+$0x0], $0xffff  }
0xc5: {  	v17 =	vimm.s32 $0x7FFFFFFF;
	v19 =	vimm.s32 $0x7FFFFFFF;
	v18 =	vimm.s32 $0x7FFFFFFF;
	s10 =	simm.s32 $0x5480;
	v9 =	vld.idx.msk [tilespmem:v7+s1+$0x0], $0xffff  }
.LBB2_3:
0xc6: {  	s11 =	sshra.s32 s1, $0x2  }
0xc7: {  	v20 =	vld [tilespmem:s11+$0x3280];
	[tilespmem:s10+$0xFFFFFE00] =	vst v12  }
0xc8: {  	[tilespmem:s10+$0xFFFFFE80] =	vst v14  }
0xc9: {  	[tilespmem:s10+$0xFFFFFF00] =	vst v15  }
0xca: {  	[tilespmem:s10+$0xFFFFFF80] =	vst v13  }
0xcb: {  	[tilespmem:s10+$0x0] =	vst v11  }
0xcc: {  	[tilespmem:s10+$0x80] =	vst v10  }
0xcd: {  	[tilespmem:s10+$0x100] =	vst v8  }
0xce: {  	[tilespmem:s10+$0x180] =	vst v9  }
0xcf: {  	v21 =	vld [tilespmem:s11+$0x3290];
	[tilespmem:s10+$0xFFFFFE10] =	vst v12  }
0xd0: {  	[tilespmem:s10+$0xFFFFFE90] =	vst v14  }
0xd1: {  	[tilespmem:s10+$0xFFFFFF10] =	vst v15  }
0xd2: {  	[tilespmem:s10+$0xFFFFFF90] =	vst v13  }
0xd3: {  	[tilespmem:s10+$0x10] =	vst v11  }
0xd4: {  	[tilespmem:s10+$0x90] =	vst v10  }
0xd5: {  	[tilespmem:s10+$0x110] =	vst v8  }
0xd6: {  	[tilespmem:s10+$0x190] =	vst v9  }
0xd7: {  	v22 =	vld [tilespmem:s11+$0x32A0];
	[tilespmem:s10+$0xFFFFFE20] =	vst v12  }
0xd8: {  	[tilespmem:s10+$0xFFFFFEA0] =	vst v14  }
0xd9: {  	[tilespmem:s10+$0xFFFFFF20] =	vst v15  }
0xda: {  	[tilespmem:s10+$0xFFFFFFA0] =	vst v13  }
0xdb: {  	[tilespmem:s10+$0x20] =	vst v11  }
0xdc: {  	[tilespmem:s10+$0xA0] =	vst v10  }
0xdd: {  	[tilespmem:s10+$0x120] =	vst v8  }
0xde: {  	[tilespmem:s10+$0x1A0] =	vst v9  }
0xdf: {  	v23 =	vld [tilespmem:s11+$0x32B0];
	[tilespmem:s10+$0xFFFFFE30] =	vst v12  }
0xe0: {  	[tilespmem:s10+$0xFFFFFEB0] =	vst v14  }
0xe1: {  	[tilespmem:s10+$0xFFFFFF30] =	vst v15  }
0xe2: {  	[tilespmem:s10+$0xFFFFFFB0] =	vst v13  }
0xe3: {  	[tilespmem:s10+$0x30] =	vst v11  }
0xe4: {  	[tilespmem:s10+$0xB0] =	vst v10  }
0xe5: {  	[tilespmem:s10+$0x130] =	vst v8  }
0xe6: {  	[tilespmem:s10+$0x1B0] =	vst v9  }
0xe7: {  	v24 =	vld [tilespmem:s11+$0x32C0];
	[tilespmem:s10+$0xFFFFFE40] =	vst v12  }
0xe8: {  	[tilespmem:s10+$0xFFFFFEC0] =	vst v14  }
0xe9: {  	[tilespmem:s10+$0xFFFFFF40] =	vst v15  }
0xea: {  	[tilespmem:s10+$0xFFFFFFC0] =	vst v13  }
0xeb: {  	[tilespmem:s10+$0x40] =	vst v11  }
0xec: {  	[tilespmem:s10+$0xC0] =	vst v10  }
0xed: {  	[tilespmem:s10+$0x140] =	vst v8  }
0xee: {  	[tilespmem:s10+$0x1C0] =	vst v9  }
0xef: {  	v25 =	vld [tilespmem:s11+$0x32D0];
	[tilespmem:s10+$0xFFFFFE50] =	vst v12  }
0xf0: {  	[tilespmem:s10+$0xFFFFFED0] =	vst v14  }
0xf1: {  	[tilespmem:s10+$0xFFFFFF50] =	vst v15  }
0xf2: {  	[tilespmem:s10+$0xFFFFFFD0] =	vst v13  }
0xf3: {  	[tilespmem:s10+$0x50] =	vst v11  }
0xf4: {  	[tilespmem:s10+$0xD0] =	vst v10  }
0xf5: {  	[tilespmem:s10+$0x150] =	vst v8  }
0xf6: {  	[tilespmem:s10+$0x1D0] =	vst v9  }
0xf7: {  	v26 =	vld [tilespmem:s11+$0x32E0];
	[tilespmem:s10+$0xFFFFFE60] =	vst v12  }
0xf8: {  	[tilespmem:s10+$0xFFFFFEE0] =	vst v14  }
0xf9: {  	[tilespmem:s10+$0xFFFFFF60] =	vst v15  }
0xfa: {  	[tilespmem:s10+$0xFFFFFFE0] =	vst v13  }
0xfb: {  	[tilespmem:s10+$0x60] =	vst v11  }
0xfc: {  	[tilespmem:s10+$0xE0] =	vst v10  }
0xfd: {  	[tilespmem:s10+$0x160] =	vst v8  }
0xfe: {  	[tilespmem:s10+$0x1E0] =	vst v9  }
0xff: {  	v27 =	vld [tilespmem:s11+$0x32F0];
	[tilespmem:s10+$0xFFFFFE70] =	vst v12  }
0x100: {  	[tilespmem:s10+$0xFFFFFEF0] =	vst v14  }
0x101: {  	p0 =	sne.s32 s1, $0x7800;
	vm0 =	vlt.s32 v18, v20;
	vm1 =	vlt.s32 v19, v21;
	[tilespmem:s10+$0xFFFFFF70] =	vst v15  }
.Ltmp4:
0x102: {  	v18 =	vsel vm0, v18, v20;
	[tilespmem:s10+$0xFFFFFFF0] =	vst v13;
	v19 =	vsel vm1, v19, v21;
	(pc) =	sbr.rel @p0 .LBB2_3-.Ltmp4, $4  }
0x103: {  	[tilespmem:s10+$0x70] =	vst v11;
	vm11 =	vlt.s32 v17, v22;
	vm12 =	vlt.s32 v16, v23;
	vm2 =	vlt.s32 v18, v24  }
0x104: {  	[tilespmem:s10+$0xF0] =	vst v10;
	v17 =	vsel vm11, v17, v22;
	v16 =	vsel vm12, v16, v23;
	v18 =	vsel vm2, v18, v24  }
0x105: {  	[tilespmem:s10+$0x170] =	vst v8;
	vm13 =	vlt.s32 v19, v25;
	vm14 =	vlt.s32 v17, v26;
	vm15 =	vlt.s32 v16, v27  }
0x106: {  	s1 =	sadd.s32 $0x800, s1;
	[tilespmem:s10+$0x1F0] =	vst v9;
	s10 =	sadd.s32 $0x400, s10;
	v19 =	vsel vm13, v19, v25;
	v17 =	vsel vm14, v17, v26;
	v16 =	vsel vm15, v16, v27  }
0x107: {  	vm0 =	vlt.s32 v18, v19;
	vm1 =	vlt.s32 v17, v16  }
0x108: {  	v18 =	vsel vm0, v18, v19;
	v16 =	vsel vm1, v17, v16  }
0x109: {  	vm0 =	vlt.s32 v18, v16  }
0x10a: {  	v16 =	vsel vm0, v18, v16  }
0x10b: {  	v16 =	vxor.u32 $0x80000000, v16  }
0x10c: {  	(xrf0) =	vmin.scan.msk.u32 $0xffff, v16;
	_ =	sdelay $0x5  }
0x10d: {  	v16, _, _ =	vpop (xrf0)  }
0x10e: {  	(v2sf) =	vpush v16, $0xF;
	_ =	sdelay $0xe  }
0x10f: {  	s1 =	spop (v2sf)  }
0x110: {  	p0 =	sne.s32 s1, $0x80000000  }
.Ltmp5:
0x111: {  	_ = 	snop;
	(pc) =	sbr.rel @p0 .LBB2_8-.Ltmp5, $3  }
0x112: {  	_ =	sdelay $0x1  }
0x113: {  	s4 =	rddreg [dreg:$0x2]  }
0x114: {  	s10 =	simm.s32 $0x0;
	s6 =	rddreg [dreg:$0x7]  }
0x115: {  	s1 =	simm.s32 $0x0  }
0x116: {  	s2 =	sand.u32 $0x70, s10;
	s1 =	sand.u32 $0x3FFFFE00, s1  }
0x117: {  	s1 =	sor.u32 s2, s1  }
0x118: {  	v16 =	vld [tilespmem:s1+$0x3280];
	_ =	sdelay $0x3  }
0x119: {  	s31 =	simm.s32 $0x0  }
0x11a: {  	s1 =	sand.u32 $0x3FFFFC00, s31;
	vm0 =	veq.s32 v16, $0x0  }
0x11b: {  	s11 =	sor.u32 s2, s1;
	v16 =	vsel vm0, $0x0, v12  }
0x11c: {  	v17 =	vsel vm0, $0x0, v14;
	[tilespmem:s11+$0x5280] =	vst v16  }
0x11d: {  	v18 =	vsel vm0, $0x0, v10;
	[tilespmem:s11+$0x5300] =	vst v17  }
0x11e: {  	v16 =	vsel vm0, $0x0, v15;
	[tilespmem:s11+$0x5500] =	vst v18  }
0x11f: {  	v17 =	vsel vm0, $0x0, v13;
	[tilespmem:s11+$0x5380] =	vst v16  }
0x120: {  	s14 =	simm.s32 $0x40;
	v16 =	vsel vm0, $0x0, v11;
	[tilespmem:s11+$0x5400] =	vst v17  }
0x121: {  	s12 =	simm.s32 $0x2;
	s13 =	simm.s32 $0x10;
	s1 =	simm.s32 $0x1;
	v17 =	vsel vm0, $0x0, v8;
	[tilespmem:s11+$0x5480] =	vst v16;
	v16 =	vsel vm0, $0x0, v9  }
.LBB2_6:
0x122: {  	p0 =	sne.s32 s12, $0x7F;
	s2 =	sand.u32 $0x70, s13;
	s3 =	sand.u32 $0x3FFFFE00, s14;
	[tilespmem:s11+$0x5580] =	vst v17  }
0x123: {  	s3 =	sor.u32 s2, s3;
	[tilespmem:s11+$0x5600] =	vst v16  }
0x124: {  	v16 =	vld [tilespmem:s3+$0x3280];
	_ =	sdelay $0x3  }
0x125: {  	s3 =	sshll.u32 s1, $0x7;
	s1 =	smov.u32 s12  }
0x126: {  	s3 =	sand.u32 $0x3FFFFC00, s3;
	vm0 =	veq.s32 v16, $0x0  }
0x127: {  	s11 =	sor.u32 s2, s3;
	v16 =	vsel vm0, $0x0, v12;
	v17 =	vsel vm0, $0x0, v14;
	v18 =	vsel vm0, $0x0, v15  }
0x128: {  	v19 =	vsel vm0, $0x0, v13;
	v20 =	vsel vm0, $0x0, v11;
	v21 =	vsel vm0, $0x0, v10;
	[tilespmem:s11+$0x5280] =	vst v16  }
.Ltmp6:
0x129: {  	v16 =	vsel vm0, $0x0, v9;
	[tilespmem:s11+$0x5300] =	vst v17;
	v17 =	vsel vm0, $0x0, v8;
	(pc) =	sbr.rel @p0 .LBB2_6-.Ltmp6, $4  }
0x12a: {  	[tilespmem:s11+$0x5380] =	vst v18  }
0x12b: {  	[tilespmem:s11+$0x5400] =	vst v19  }
0x12c: {  	[tilespmem:s11+$0x5480] =	vst v20  }
0x12d: {  	s13 =	sadd.s32 $0x10, s13;
	s12 =	sadd.s32 $0x1, s12;
	s14 =	sshll.u32 s1, $0x6;
	[tilespmem:s11+$0x5500] =	vst v21  }
0x12e: {  	s2 =	sand.u32 $0x70, s13;
	s3 =	sand.u32 $0x3FFFFE00, s14;
	[tilespmem:s11+$0x5580] =	vst v17  }
0x12f: {  	[tilespmem:s11+$0x5600] =	vst v16;
	s3 =	sor.u32 s2, s3  }
0x130: {  	v16 =	vld [tilespmem:s3+$0x3280];
	_ =	sdelay $0x3  }
0x131: {  	s1 =	sshll.u32 s1, $0x7  }
0x132: {  	s1 =	sand.u32 $0x3FFFFC00, s1;
	vm0 =	veq.s32 v16, $0x0  }
0x133: {  	s1 =	sor.u32 s2, s1;
	v12 =	vsel vm0, $0x0, v12  }
0x134: {  	v14 =	vsel vm0, $0x0, v14;
	[tilespmem:s1+$0x5280] =	vst v12  }
0x135: {  	v63 =	vsel vm0, $0x0, v15;
	[tilespmem:s1+$0x5300] =	vst v14  }
0x136: {  	v13 =	vsel vm0, $0x0, v13;
	[tilespmem:s1+$0x5380] =	vst v63  }
0x137: {  	v11 =	vsel vm0, $0x0, v11;
	[tilespmem:s1+$0x5400] =	vst v13  }
0x138: {  	v10 =	vsel vm0, $0x0, v10;
	[tilespmem:s1+$0x5480] =	vst v11  }
0x139: {  	v8 =	vsel vm0, $0x0, v8;
	[tilespmem:s1+$0x5500] =	vst v10  }
0x13a: {  	v9 =	vsel vm0, $0x0, v9;
	[tilespmem:s1+$0x5580] =	vst v8  }
0x13b: {  	[tilespmem:s1+$0x5600] =	vst v9  }
.LBB2_8:
0x13c: {  	s2 =	sshll.u32 s0, $0xF;
	s30 =	sshll.u32 s5, $0x9  }
0x13d: {  	s1 =	sor.u32 s2, s30  }
0x13e: {  	s3 =	simm.s32 $0x5280;
	s31 =	simm.s32 $0x2;
	s0 =	sadd.s32 s4, s1  }
0x13f: {  	[hbm4b:s0+s10] =	stream.linear.scatter [tilespmem:s3], [sflag:$0x5], $0x4000, $0x38;
	[tilespmem:$0x15280] =	vst v63  }
0x140: {  	_ =	swait.ge [sflag:s31], $0x800  }
0x141: {  	[sflag:s31] =	ssyncset.done $0x0  }
0x142: {  	[sflag:s31] =	ssyncadd.s32 $0xFFFFF800  }
0x143: {  	v11 =	vld.idx.msk [tilespmem:v0+s10+$0x0], $0xffff  }
0x144: {  	v10 =	vld.idx.msk [tilespmem:v1+s10+$0x0], $0xffff  }
0x145: {  	v9 =	vld.idx.msk [tilespmem:v2+s10+$0x0], $0xffff  }
0x146: {  	v8 =	vld.idx.msk [tilespmem:v3+s10+$0x0], $0xffff  }
0x147: {  	v3 =	vld.idx.msk [tilespmem:v4+s10+$0x0], $0xffff  }
0x148: {  	v2 =	vld.idx.msk [tilespmem:v5+s10+$0x0], $0xffff  }
0x149: {  	v0 =	vld.idx.msk [tilespmem:v6+s10+$0x0], $0xffff;
	v4 =	vimm.s32 $0x7FFFFFFF  }
0x14a: {  	s11 =	simm.s32 $0x3370;
	v1 =	vld.idx.msk [tilespmem:v7+s10+$0x0], $0xffff;
	v5 =	vimm.s32 $0x7FFFFFFF;
	v7 =	vimm.s32 $0x7FFFFFFF;
	v6 =	vimm.s32 $0x7FFFFFFF  }
.LBB2_9:
0x14b: {  	s12 =	sshra.s32 s10, $0x2  }
0x14c: {  	v12 =	vld [tilespmem:s11+$0xFFFFFF90];
	[tilespmem:s12+$0x9280] =	vst v11  }
0x14d: {  	[tilespmem:s12+$0x9300] =	vst v10  }
0x14e: {  	[tilespmem:s12+$0x9380] =	vst v9  }
0x14f: {  	[tilespmem:s12+$0x9400] =	vst v8  }
0x150: {  	[tilespmem:s12+$0x9480] =	vst v3  }
0x151: {  	[tilespmem:s12+$0x9500] =	vst v2  }
0x152: {  	[tilespmem:s12+$0x9580] =	vst v0  }
0x153: {  	[tilespmem:s12+$0x9600] =	vst v1  }
0x154: {  	v13 =	vld [tilespmem:s11+$0xFFFFFFA0];
	[tilespmem:s12+$0x9290] =	vst v11  }
0x155: {  	[tilespmem:s12+$0x9310] =	vst v10  }
0x156: {  	[tilespmem:s12+$0x9390] =	vst v9  }
0x157: {  	[tilespmem:s12+$0x9410] =	vst v8  }
0x158: {  	[tilespmem:s12+$0x9490] =	vst v3  }
0x159: {  	[tilespmem:s12+$0x9510] =	vst v2  }
0x15a: {  	[tilespmem:s12+$0x9590] =	vst v0  }
0x15b: {  	[tilespmem:s12+$0x9610] =	vst v1  }
0x15c: {  	v14 =	vld [tilespmem:s11+$0xFFFFFFB0];
	[tilespmem:s12+$0x92A0] =	vst v11  }
0x15d: {  	[tilespmem:s12+$0x9320] =	vst v10  }
0x15e: {  	[tilespmem:s12+$0x93A0] =	vst v9  }
0x15f: {  	[tilespmem:s12+$0x9420] =	vst v8  }
0x160: {  	[tilespmem:s12+$0x94A0] =	vst v3  }
0x161: {  	[tilespmem:s12+$0x9520] =	vst v2  }
0x162: {  	[tilespmem:s12+$0x95A0] =	vst v0  }
0x163: {  	[tilespmem:s12+$0x9620] =	vst v1  }
0x164: {  	v15 =	vld [tilespmem:s11+$0xFFFFFFC0];
	[tilespmem:s12+$0x92B0] =	vst v11  }
0x165: {  	[tilespmem:s12+$0x9330] =	vst v10  }
0x166: {  	[tilespmem:s12+$0x93B0] =	vst v9  }
0x167: {  	[tilespmem:s12+$0x9430] =	vst v8  }
0x168: {  	[tilespmem:s12+$0x94B0] =	vst v3  }
0x169: {  	[tilespmem:s12+$0x9530] =	vst v2  }
0x16a: {  	[tilespmem:s12+$0x95B0] =	vst v0  }
0x16b: {  	[tilespmem:s12+$0x9630] =	vst v1  }
0x16c: {  	v16 =	vld [tilespmem:s11+$0xFFFFFFD0];
	[tilespmem:s12+$0x92C0] =	vst v11  }
0x16d: {  	[tilespmem:s12+$0x9340] =	vst v10  }
0x16e: {  	[tilespmem:s12+$0x93C0] =	vst v9  }
0x16f: {  	[tilespmem:s12+$0x9440] =	vst v8  }
0x170: {  	[tilespmem:s12+$0x94C0] =	vst v3  }
0x171: {  	[tilespmem:s12+$0x9540] =	vst v2  }
0x172: {  	[tilespmem:s12+$0x95C0] =	vst v0  }
0x173: {  	[tilespmem:s12+$0x9640] =	vst v1  }
0x174: {  	v17 =	vld [tilespmem:s11+$0xFFFFFFE0];
	[tilespmem:s12+$0x92D0] =	vst v11  }
0x175: {  	[tilespmem:s12+$0x9350] =	vst v10  }
0x176: {  	[tilespmem:s12+$0x93D0] =	vst v9  }
0x177: {  	[tilespmem:s12+$0x9450] =	vst v8  }
0x178: {  	[tilespmem:s12+$0x94D0] =	vst v3  }
0x179: {  	[tilespmem:s12+$0x9550] =	vst v2  }
0x17a: {  	[tilespmem:s12+$0x95D0] =	vst v0  }
0x17b: {  	[tilespmem:s12+$0x9650] =	vst v1  }
0x17c: {  	v18 =	vld [tilespmem:s11+$0xFFFFFFF0];
	[tilespmem:s12+$0x92E0] =	vst v11  }
0x17d: {  	[tilespmem:s12+$0x9360] =	vst v10  }
0x17e: {  	[tilespmem:s12+$0x93E0] =	vst v9  }
0x17f: {  	[tilespmem:s12+$0x9460] =	vst v8  }
0x180: {  	[tilespmem:s12+$0x94E0] =	vst v3  }
0x181: {  	[tilespmem:s12+$0x9560] =	vst v2  }
0x182: {  	[tilespmem:s12+$0x95E0] =	vst v0  }
0x183: {  	[tilespmem:s12+$0x9660] =	vst v1  }
0x184: {  	v19 =	vld [tilespmem:s11+$0x0];
	[tilespmem:s12+$0x92F0] =	vst v11  }
0x185: {  	[tilespmem:s12+$0x9370] =	vst v10  }
0x186: {  	p0 =	sne.s32 s10, $0xF000;
	vm0 =	vlt.s32 v6, v12;
	vm1 =	vlt.s32 v7, v13;
	[tilespmem:s12+$0x93F0] =	vst v9  }
.Ltmp7:
0x187: {  	v6 =	vsel vm0, v6, v12;
	v7 =	vsel vm1, v7, v13;
	[tilespmem:s12+$0x9470] =	vst v8;
	(pc) =	sbr.rel @p0 .LBB2_9-.Ltmp7, $4  }
0x188: {  	vm11 =	vlt.s32 v5, v14;
	[tilespmem:s12+$0x94F0] =	vst v3;
	vm12 =	vlt.s32 v4, v15;
	vm2 =	vlt.s32 v6, v16  }
0x189: {  	[tilespmem:s12+$0x9570] =	vst v2;
	v5 =	vsel vm11, v5, v14;
	v4 =	vsel vm12, v4, v15;
	v6 =	vsel vm2, v6, v16  }
0x18a: {  	[tilespmem:s12+$0x95F0] =	vst v0;
	vm13 =	vlt.s32 v7, v17;
	vm14 =	vlt.s32 v5, v18;
	vm15 =	vlt.s32 v4, v19  }
0x18b: {  	s10 =	sadd.s32 $0x1000, s10;
	[tilespmem:s12+$0x9670] =	vst v1;
	s11 =	sadd.s32 $0x200, s11;
	v7 =	vsel vm13, v7, v17;
	v5 =	vsel vm14, v5, v18;
	v4 =	vsel vm15, v4, v19  }
0x18c: {  	vm0 =	vlt.s32 v6, v7;
	vm1 =	vlt.s32 v5, v4  }
0x18d: {  	v6 =	vsel vm0, v6, v7;
	v4 =	vsel vm1, v5, v4  }
0x18e: {  	vm0 =	vlt.s32 v6, v4  }
0x18f: {  	v4 =	vsel vm0, v6, v4  }
0x190: {  	v4 =	vxor.u32 $0x80000000, v4  }
0x191: {  	(xrf0) =	vmin.scan.msk.u32 $0xffff, v4;
	_ =	sdelay $0x5  }
0x192: {  	v4, _, _ =	vpop (xrf0)  }
0x193: {  	(v2sf) =	vpush v4, $0xF;
	_ =	sdelay $0xe  }
0x194: {  	s0 =	spop (v2sf)  }
0x195: {  	p0 =	sne.s32 s0, $0x80000000  }
.Ltmp8:
0x196: {  	_ = 	snop;
	(pc) =	sbr.rel @p0 .LBB2_14-.Ltmp8, $2  }
0x197: {  	_ =	sdelay $0x2  }
0x198: {  	s10 =	simm.s32 $0x0  }
0x199: {  	s0 =	simm.s32 $0x0  }
0x19a: {  	s3 =	sand.u32 $0x70, s10;
	s0 =	sand.u32 $0x3FFFFE00, s0  }
0x19b: {  	s0 =	sor.u32 s3, s0  }
0x19c: {  	v4 =	vld [tilespmem:s0+$0x3300];
	_ =	sdelay $0x3  }
0x19d: {  	s31 =	simm.s32 $0x0  }
0x19e: {  	s0 =	sand.u32 $0x3FFFFC00, s31;
	vm0 =	veq.s32 v4, $0x0  }
0x19f: {  	s12 =	sor.u32 s3, s0;
	v4 =	vsel vm0, $0x0, v11  }
0x1a0: {  	v5 =	vsel vm0, $0x0, v10;
	[tilespmem:s12+$0x9280] =	vst v4  }
0x1a1: {  	v6 =	vsel vm0, $0x0, v2;
	[tilespmem:s12+$0x9300] =	vst v5  }
0x1a2: {  	v4 =	vsel vm0, $0x0, v9;
	[tilespmem:s12+$0x9500] =	vst v6  }
0x1a3: {  	v5 =	vsel vm0, $0x0, v8;
	[tilespmem:s12+$0x9380] =	vst v4  }
0x1a4: {  	s11 =	simm.s32 $0x1;
	v4 =	vsel vm0, $0x0, v3;
	[tilespmem:s12+$0x9400] =	vst v5  }
0x1a5: {  	s15 =	simm.s32 $0x40;
	s13 =	simm.s32 $0x2;
	s14 =	simm.s32 $0x10;
	v5 =	vsel vm0, $0x0, v0;
	[tilespmem:s12+$0x9480] =	vst v4;
	v4 =	vsel vm0, $0x0, v1  }
.LBB2_12:
0x1a6: {  	p0 =	sne.s32 s13, $0x7F;
	s0 =	sand.u32 $0x70, s14;
	s3 =	sand.u32 $0x3FFFFE00, s15;
	[tilespmem:s12+$0x9580] =	vst v5  }
0x1a7: {  	s3 =	sor.u32 s0, s3;
	[tilespmem:s12+$0x9600] =	vst v4  }
0x1a8: {  	v4 =	vld [tilespmem:s3+$0x3300];
	_ =	sdelay $0x3  }
0x1a9: {  	s3 =	sshll.u32 s11, $0x7;
	s11 =	smov.u32 s13  }
0x1aa: {  	s3 =	sand.u32 $0x3FFFFC00, s3;
	vm0 =	veq.s32 v4, $0x0  }
0x1ab: {  	s12 =	sor.u32 s0, s3;
	v4 =	vsel vm0, $0x0, v11;
	v5 =	vsel vm0, $0x0, v10;
	v6 =	vsel vm0, $0x0, v9  }
0x1ac: {  	v7 =	vsel vm0, $0x0, v8;
	v12 =	vsel vm0, $0x0, v3;
	v13 =	vsel vm0, $0x0, v2;
	[tilespmem:s12+$0x9280] =	vst v4  }
.Ltmp9:
0x1ad: {  	v4 =	vsel vm0, $0x0, v1;
	[tilespmem:s12+$0x9300] =	vst v5;
	v5 =	vsel vm0, $0x0, v0;
	(pc) =	sbr.rel @p0 .LBB2_12-.Ltmp9, $4  }
0x1ae: {  	[tilespmem:s12+$0x9380] =	vst v6  }
0x1af: {  	[tilespmem:s12+$0x9400] =	vst v7  }
0x1b0: {  	[tilespmem:s12+$0x9480] =	vst v12  }
0x1b1: {  	s14 =	sadd.s32 $0x10, s14;
	s13 =	sadd.s32 $0x1, s13;
	s15 =	sshll.u32 s11, $0x6;
	[tilespmem:s12+$0x9500] =	vst v13  }
0x1b2: {  	s0 =	sand.u32 $0x70, s14;
	s3 =	sand.u32 $0x3FFFFE00, s15;
	[tilespmem:s12+$0x9580] =	vst v5  }
0x1b3: {  	[tilespmem:s12+$0x9600] =	vst v4;
	s3 =	sor.u32 s0, s3  }
0x1b4: {  	v4 =	vld [tilespmem:s3+$0x3300];
	_ =	sdelay $0x3  }
0x1b5: {  	s31 =	sshll.u32 s11, $0x7  }
0x1b6: {  	s3 =	sand.u32 $0x3FFFFC00, s31;
	vm0 =	veq.s32 v4, $0x0  }
0x1b7: {  	s0 =	sor.u32 s0, s3;
	v4 =	vsel vm0, $0x0, v11  }
0x1b8: {  	v61 =	vsel vm0, $0x0, v10;
	[tilespmem:s0+$0x9280] =	vst v4  }
0x1b9: {  	v62 =	vsel vm0, $0x0, v9;
	[tilespmem:s0+$0x9300] =	vst v61  }
0x1ba: {  	v63 =	vsel vm0, $0x0, v8;
	[tilespmem:s0+$0x9380] =	vst v62  }
0x1bb: {  	v3 =	vsel vm0, $0x0, v3;
	[tilespmem:s0+$0x9400] =	vst v63  }
0x1bc: {  	v2 =	vsel vm0, $0x0, v2;
	[tilespmem:s0+$0x9480] =	vst v3  }
0x1bd: {  	v0 =	vsel vm0, $0x0, v0;
	[tilespmem:s0+$0x9500] =	vst v2  }
0x1be: {  	v1 =	vsel vm0, $0x0, v1;
	[tilespmem:s0+$0x9580] =	vst v0  }
0x1bf: {  	[tilespmem:s0+$0x9600] =	vst v1  }
.LBB2_14:
0x1c0: {  	s0 =	sadd.s32 s1, s6;
	s23 =	simm.s32 $0x9280;
	s5 =	sor.u32 $0x8, s5  }
0x1c1: {  	[hbm4b:s0+s10] =	stream.linear.scatter [tilespmem:s23], [sflag:$0x6], $0x4000, $0x38;
	[tilespmem:$0x15280] =	vst v63  }
0x1c2: {  	s24 =	sor.u32 s5, s9  }
0x1c3: {  	v0 =	vmov s24;
	s25 =	sor.u32 $0x1, s24;
	s26 =	sor.u32 $0x2, s24  }
0x1c4: {  	s0 =	sor.u32 $0x7, s24;
	v0 =	vand.u32 $0xFFFFFFF8, v0;
	v1 =	vmov s25;
	v2 =	vmov s26  }
0x1c5: {  	s28 =	sor.u32 $0x3, s24;
	v7 =	vmov s0;
	v0 =	vbroadcast v0, $0x0;
	v1 =	vand.u32 $0xFFFFFFF9, v1  }
0x1c6: {  	s3 =	simm.s32 $0x3;
	s29 =	sor.u32 $0x4, s24;
	v3 =	vmov s28;
	v2 =	vand.u32 $0xFFFFFFFA, v2;
	v1 =	vbroadcast v1, $0x0  }
0x1c7: {  	s30 =	sor.u32 $0x5, s24;
	_ =	swait.ge [sflag:s3], $0x800;
	v4 =	vmov s29;
	v3 =	vand.u32 $0xFFFFFFFB, v3;
	v2 =	vbroadcast v2, $0x0  }
0x1c8: {  	s31 =	sor.u32 $0x6, s24;
	v5 =	vmov s30;
	[sflag:s3] =	ssyncset.done $0x0;
	v4 =	vand.u32 $0xFFFFFFFC, v4;
	v3 =	vbroadcast v3, $0x0  }
0x1c9: {  	v6 =	vmov s31;
	v5 =	vand.u32 $0xFFFFFFFD, v5;
	[sflag:s3] =	ssyncadd.s32 $0xFFFFF800;
	v4 =	vbroadcast v4, $0x0  }
0x1ca: {  	v6 =	vand.u32 $0xFFFFFFFE, v6;
	v5 =	vbroadcast v5, $0x0;
	v9 =	vld.idx.msk [tilespmem:v7+s10+$0x0], $0xffff  }
0x1cb: {  	v6 =	vbroadcast v6, $0x0;
	v12 =	vld.idx.msk [tilespmem:v0+s10+$0x0], $0xffff  }
0x1cc: {  	v13 =	vld.idx.msk [tilespmem:v1+s10+$0x0], $0xffff  }
0x1cd: {  	v14 =	vld.idx.msk [tilespmem:v2+s10+$0x0], $0xffff  }
0x1ce: {  	v15 =	vld.idx.msk [tilespmem:v3+s10+$0x0], $0xffff  }
0x1cf: {  	v11 =	vld.idx.msk [tilespmem:v4+s10+$0x0], $0xffff  }
0x1d0: {  	v16 =	vimm.s32 $0x7FFFFFFF;
	v10 =	vld.idx.msk [tilespmem:v5+s10+$0x0], $0xffff  }
0x1d1: {  	s1 =	simm.s32 $0x33F0;
	v17 =	vimm.s32 $0x7FFFFFFF;
	v19 =	vimm.s32 $0x7FFFFFFF;
	v18 =	vimm.s32 $0x7FFFFFFF;
	v8 =	vld.idx.msk [tilespmem:v6+s10+$0x0], $0xffff  }
.LBB2_15:
0x1d2: {  	s9 =	sshra.s32 s10, $0x2  }
0x1d3: {  	v20 =	vld [tilespmem:s1+$0xFFFFFF90];
	[tilespmem:s9+$0xD280] =	vst v12  }
0x1d4: {  	[tilespmem:s9+$0xD300] =	vst v13  }
0x1d5: {  	[tilespmem:s9+$0xD380] =	vst v14  }
0x1d6: {  	[tilespmem:s9+$0xD400] =	vst v15  }
0x1d7: {  	[tilespmem:s9+$0xD480] =	vst v11  }
0x1d8: {  	[tilespmem:s9+$0xD500] =	vst v10  }
0x1d9: {  	[tilespmem:s9+$0xD580] =	vst v8  }
0x1da: {  	[tilespmem:s9+$0xD600] =	vst v9  }
0x1db: {  	v21 =	vld [tilespmem:s1+$0xFFFFFFA0];
	[tilespmem:s9+$0xD290] =	vst v12  }
0x1dc: {  	[tilespmem:s9+$0xD310] =	vst v13  }
0x1dd: {  	[tilespmem:s9+$0xD390] =	vst v14  }
0x1de: {  	[tilespmem:s9+$0xD410] =	vst v15  }
0x1df: {  	[tilespmem:s9+$0xD490] =	vst v11  }
0x1e0: {  	[tilespmem:s9+$0xD510] =	vst v10  }
0x1e1: {  	[tilespmem:s9+$0xD590] =	vst v8  }
0x1e2: {  	[tilespmem:s9+$0xD610] =	vst v9  }
0x1e3: {  	v22 =	vld [tilespmem:s1+$0xFFFFFFB0];
	[tilespmem:s9+$0xD2A0] =	vst v12  }
0x1e4: {  	[tilespmem:s9+$0xD320] =	vst v13  }
0x1e5: {  	[tilespmem:s9+$0xD3A0] =	vst v14  }
0x1e6: {  	[tilespmem:s9+$0xD420] =	vst v15  }
0x1e7: {  	[tilespmem:s9+$0xD4A0] =	vst v11  }
0x1e8: {  	[tilespmem:s9+$0xD520] =	vst v10  }
0x1e9: {  	[tilespmem:s9+$0xD5A0] =	vst v8  }
0x1ea: {  	[tilespmem:s9+$0xD620] =	vst v9  }
0x1eb: {  	v23 =	vld [tilespmem:s1+$0xFFFFFFC0];
	[tilespmem:s9+$0xD2B0] =	vst v12  }
0x1ec: {  	[tilespmem:s9+$0xD330] =	vst v13  }
0x1ed: {  	[tilespmem:s9+$0xD3B0] =	vst v14  }
0x1ee: {  	[tilespmem:s9+$0xD430] =	vst v15  }
0x1ef: {  	[tilespmem:s9+$0xD4B0] =	vst v11  }
0x1f0: {  	[tilespmem:s9+$0xD530] =	vst v10  }
0x1f1: {  	[tilespmem:s9+$0xD5B0] =	vst v8  }
0x1f2: {  	[tilespmem:s9+$0xD630] =	vst v9  }
0x1f3: {  	v24 =	vld [tilespmem:s1+$0xFFFFFFD0];
	[tilespmem:s9+$0xD2C0] =	vst v12  }
0x1f4: {  	[tilespmem:s9+$0xD340] =	vst v13  }
0x1f5: {  	[tilespmem:s9+$0xD3C0] =	vst v14  }
0x1f6: {  	[tilespmem:s9+$0xD440] =	vst v15  }
0x1f7: {  	[tilespmem:s9+$0xD4C0] =	vst v11  }
0x1f8: {  	[tilespmem:s9+$0xD540] =	vst v10  }
0x1f9: {  	[tilespmem:s9+$0xD5C0] =	vst v8  }
0x1fa: {  	[tilespmem:s9+$0xD640] =	vst v9  }
0x1fb: {  	v25 =	vld [tilespmem:s1+$0xFFFFFFE0];
	[tilespmem:s9+$0xD2D0] =	vst v12  }
0x1fc: {  	[tilespmem:s9+$0xD350] =	vst v13  }
0x1fd: {  	[tilespmem:s9+$0xD3D0] =	vst v14  }
0x1fe: {  	[tilespmem:s9+$0xD450] =	vst v15  }
0x1ff: {  	[tilespmem:s9+$0xD4D0] =	vst v11  }
0x200: {  	[tilespmem:s9+$0xD550] =	vst v10  }
0x201: {  	[tilespmem:s9+$0xD5D0] =	vst v8  }
0x202: {  	[tilespmem:s9+$0xD650] =	vst v9  }
0x203: {  	v26 =	vld [tilespmem:s1+$0xFFFFFFF0];
	[tilespmem:s9+$0xD2E0] =	vst v12  }
0x204: {  	[tilespmem:s9+$0xD360] =	vst v13  }
0x205: {  	[tilespmem:s9+$0xD3E0] =	vst v14  }
0x206: {  	[tilespmem:s9+$0xD460] =	vst v15  }
0x207: {  	[tilespmem:s9+$0xD4E0] =	vst v11  }
0x208: {  	[tilespmem:s9+$0xD560] =	vst v10  }
0x209: {  	[tilespmem:s9+$0xD5E0] =	vst v8  }
0x20a: {  	[tilespmem:s9+$0xD660] =	vst v9  }
0x20b: {  	v27 =	vld [tilespmem:s1+$0x0];
	[tilespmem:s9+$0xD2F0] =	vst v12  }
0x20c: {  	[tilespmem:s9+$0xD370] =	vst v13  }
0x20d: {  	p0 =	sne.s32 s10, $0xF000;
	vm0 =	vlt.s32 v18, v20;
	vm1 =	vlt.s32 v19, v21;
	[tilespmem:s9+$0xD3F0] =	vst v14  }
.Ltmp10:
0x20e: {  	v18 =	vsel vm0, v18, v20;
	v19 =	vsel vm1, v19, v21;
	[tilespmem:s9+$0xD470] =	vst v15;
	(pc) =	sbr.rel @p0 .LBB2_15-.Ltmp10, $4  }
0x20f: {  	vm11 =	vlt.s32 v17, v22;
	[tilespmem:s9+$0xD4F0] =	vst v11;
	vm12 =	vlt.s32 v16, v23;
	vm2 =	vlt.s32 v18, v24  }
0x210: {  	[tilespmem:s9+$0xD570] =	vst v10;
	v17 =	vsel vm11, v17, v22;
	v16 =	vsel vm12, v16, v23;
	v18 =	vsel vm2, v18, v24  }
0x211: {  	[tilespmem:s9+$0xD5F0] =	vst v8;
	vm13 =	vlt.s32 v19, v25;
	vm14 =	vlt.s32 v17, v26;
	vm15 =	vlt.s32 v16, v27  }
0x212: {  	s10 =	sadd.s32 $0x1000, s10;
	[tilespmem:s9+$0xD670] =	vst v9;
	s1 =	sadd.s32 $0x200, s1;
	v19 =	vsel vm13, v19, v25;
	v17 =	vsel vm14, v17, v26;
	v16 =	vsel vm15, v16, v27  }
0x213: {  	vm0 =	vlt.s32 v18, v19;
	vm1 =	vlt.s32 v17, v16  }
0x214: {  	v18 =	vsel vm0, v18, v19;
	v16 =	vsel vm1, v17, v16  }
0x215: {  	vm0 =	vlt.s32 v18, v16  }
0x216: {  	v16 =	vsel vm0, v18, v16  }
0x217: {  	v16 =	vxor.u32 $0x80000000, v16  }
0x218: {  	(xrf0) =	vmin.scan.msk.u32 $0xffff, v16;
	_ =	sdelay $0x5  }
0x219: {  	v16, _, _ =	vpop (xrf0)  }
0x21a: {  	(v2sf) =	vpush v16, $0xF;
	_ =	sdelay $0xe  }
0x21b: {  	s0 =	spop (v2sf)  }
0x21c: {  	p0 =	sne.s32 s0, $0x80000000  }
.Ltmp11:
0x21d: {  	_ = 	snop;
	(pc) =	sbr.rel @p0 .LBB2_20-.Ltmp11, $2  }
0x21e: {  	_ =	sdelay $0x2  }
0x21f: {  	s9 =	simm.s32 $0x0  }
0x220: {  	s0 =	simm.s32 $0x0  }
0x221: {  	s1 =	sand.u32 $0x70, s9;
	s0 =	sand.u32 $0x3FFFFE00, s0  }
0x222: {  	s0 =	sor.u32 s1, s0  }
0x223: {  	v16 =	vld [tilespmem:s0+$0x3380];
	_ =	sdelay $0x3  }
0x224: {  	s31 =	simm.s32 $0x0  }
0x225: {  	s0 =	sand.u32 $0x3FFFFC00, s31;
	vm0 =	veq.s32 v16, $0x0  }
0x226: {  	s10 =	sor.u32 s1, s0;
	v16 =	vsel vm0, $0x0, v12  }
0x227: {  	v17 =	vsel vm0, $0x0, v13;
	[tilespmem:s10+$0xD280] =	vst v16  }
0x228: {  	v18 =	vsel vm0, $0x0, v10;
	[tilespmem:s10+$0xD300] =	vst v17  }
0x229: {  	v16 =	vsel vm0, $0x0, v14;
	[tilespmem:s10+$0xD500] =	vst v18  }
0x22a: {  	v17 =	vsel vm0, $0x0, v15;
	[tilespmem:s10+$0xD380] =	vst v16  }
0x22b: {  	s13 =	simm.s32 $0x40;
	v16 =	vsel vm0, $0x0, v11;
	[tilespmem:s10+$0xD400] =	vst v17  }
0x22c: {  	s11 =	simm.s32 $0x2;
	s12 =	simm.s32 $0x10;
	s1 =	simm.s32 $0x1;
	v17 =	vsel vm0, $0x0, v8;
	[tilespmem:s10+$0xD480] =	vst v16;
	v16 =	vsel vm0, $0x0, v9  }
.LBB2_18:
0x22d: {  	p0 =	sne.s32 s11, $0x7F;
	s0 =	sand.u32 $0x70, s12;
	s3 =	sand.u32 $0x3FFFFE00, s13;
	[tilespmem:s10+$0xD580] =	vst v17  }
0x22e: {  	s3 =	sor.u32 s0, s3;
	[tilespmem:s10+$0xD600] =	vst v16  }
0x22f: {  	v16 =	vld [tilespmem:s3+$0x3380];
	_ =	sdelay $0x3  }
0x230: {  	s3 =	sshll.u32 s1, $0x7;
	s1 =	smov.u32 s11  }
0x231: {  	s3 =	sand.u32 $0x3FFFFC00, s3;
	vm0 =	veq.s32 v16, $0x0  }
0x232: {  	s10 =	sor.u32 s0, s3;
	v16 =	vsel vm0, $0x0, v12;
	v17 =	vsel vm0, $0x0, v13;
	v18 =	vsel vm0, $0x0, v14  }
0x233: {  	v19 =	vsel vm0, $0x0, v15;
	v20 =	vsel vm0, $0x0, v11;
	v21 =	vsel vm0, $0x0, v10;
	[tilespmem:s10+$0xD280] =	vst v16  }
.Ltmp12:
0x234: {  	v16 =	vsel vm0, $0x0, v9;
	[tilespmem:s10+$0xD300] =	vst v17;
	v17 =	vsel vm0, $0x0, v8;
	(pc) =	sbr.rel @p0 .LBB2_18-.Ltmp12, $4  }
0x235: {  	[tilespmem:s10+$0xD380] =	vst v18  }
0x236: {  	[tilespmem:s10+$0xD400] =	vst v19  }
0x237: {  	[tilespmem:s10+$0xD480] =	vst v20  }
0x238: {  	s12 =	sadd.s32 $0x10, s12;
	s11 =	sadd.s32 $0x1, s11;
	s13 =	sshll.u32 s1, $0x6;
	[tilespmem:s10+$0xD500] =	vst v21  }
0x239: {  	s0 =	sand.u32 $0x70, s12;
	s3 =	sand.u32 $0x3FFFFE00, s13;
	[tilespmem:s10+$0xD580] =	vst v17  }
0x23a: {  	[tilespmem:s10+$0xD600] =	vst v16;
	s3 =	sor.u32 s0, s3  }
0x23b: {  	v16 =	vld [tilespmem:s3+$0x3380];
	_ =	sdelay $0x3  }
0x23c: {  	s1 =	sshll.u32 s1, $0x7  }
0x23d: {  	s1 =	sand.u32 $0x3FFFFC00, s1;
	vm0 =	veq.s32 v16, $0x0  }
0x23e: {  	s0 =	sor.u32 s0, s1;
	v12 =	vsel vm0, $0x0, v12  }
0x23f: {  	v13 =	vsel vm0, $0x0, v13;
	[tilespmem:s0+$0xD280] =	vst v12  }
0x240: {  	v62 =	vsel vm0, $0x0, v14;
	[tilespmem:s0+$0xD300] =	vst v13  }
0x241: {  	v63 =	vsel vm0, $0x0, v15;
	[tilespmem:s0+$0xD380] =	vst v62  }
0x242: {  	v11 =	vsel vm0, $0x0, v11;
	[tilespmem:s0+$0xD400] =	vst v63  }
0x243: {  	v10 =	vsel vm0, $0x0, v10;
	[tilespmem:s0+$0xD480] =	vst v11  }
0x244: {  	v8 =	vsel vm0, $0x0, v8;
	[tilespmem:s0+$0xD500] =	vst v10  }
0x245: {  	v9 =	vsel vm0, $0x0, v9;
	[tilespmem:s0+$0xD580] =	vst v8  }
0x246: {  	[tilespmem:s0+$0xD600] =	vst v9  }
.LBB2_20:
0x247: {  	s0 =	sshll.u32 s5, $0x9  }
0x248: {  	s1 =	sor.u32 s2, s0  }
0x249: {  	s30 =	simm.s32 $0xD280;
	s31 =	simm.s32 $0x4;
	s0 =	sadd.s32 s4, s1  }
0x24a: {  	[hbm4b:s0+s9] =	stream.linear.scatter [tilespmem:s30], [sflag:$0x7], $0x4000, $0x38;
	[tilespmem:$0x15280] =	vst v63  }
0x24b: {  	_ =	swait.ge [sflag:s31], $0x800  }
0x24c: {  	[sflag:s31] =	ssyncset.done $0x0  }
0x24d: {  	[sflag:s31] =	ssyncadd.s32 $0xFFFFF800  }
0x24e: {  	v11 =	vld.idx.msk [tilespmem:v0+s9+$0x0], $0xffff  }
0x24f: {  	v10 =	vld.idx.msk [tilespmem:v1+s9+$0x0], $0xffff  }
0x250: {  	v9 =	vld.idx.msk [tilespmem:v2+s9+$0x0], $0xffff  }
0x251: {  	v8 =	vld.idx.msk [tilespmem:v3+s9+$0x0], $0xffff  }
0x252: {  	v3 =	vld.idx.msk [tilespmem:v4+s9+$0x0], $0xffff  }
0x253: {  	v2 =	vld.idx.msk [tilespmem:v5+s9+$0x0], $0xffff  }
0x254: {  	v0 =	vld.idx.msk [tilespmem:v6+s9+$0x0], $0xffff;
	v4 =	vimm.s32 $0x7FFFFFFF  }
0x255: {  	s2 =	simm.s32 $0x3470;
	v1 =	vld.idx.msk [tilespmem:v7+s9+$0x0], $0xffff;
	v5 =	vimm.s32 $0x7FFFFFFF;
	v7 =	vimm.s32 $0x7FFFFFFF;
	v6 =	vimm.s32 $0x7FFFFFFF  }
.LBB2_21:
0x256: {  	s5 =	sshra.s32 s9, $0x2  }
0x257: {  	v12 =	vld [tilespmem:s2+$0xFFFFFF90];
	[tilespmem:s5+$0x11280] =	vst v11  }
0x258: {  	[tilespmem:s5+$0x11300] =	vst v10  }
0x259: {  	[tilespmem:s5+$0x11380] =	vst v9  }
0x25a: {  	[tilespmem:s5+$0x11400] =	vst v8  }
0x25b: {  	[tilespmem:s5+$0x11480] =	vst v3  }
0x25c: {  	[tilespmem:s5+$0x11500] =	vst v2  }
0x25d: {  	[tilespmem:s5+$0x11580] =	vst v0  }
0x25e: {  	[tilespmem:s5+$0x11600] =	vst v1  }
0x25f: {  	v13 =	vld [tilespmem:s2+$0xFFFFFFA0];
	[tilespmem:s5+$0x11290] =	vst v11  }
0x260: {  	[tilespmem:s5+$0x11310] =	vst v10  }
0x261: {  	[tilespmem:s5+$0x11390] =	vst v9  }
0x262: {  	[tilespmem:s5+$0x11410] =	vst v8  }
0x263: {  	[tilespmem:s5+$0x11490] =	vst v3  }
0x264: {  	[tilespmem:s5+$0x11510] =	vst v2  }
0x265: {  	[tilespmem:s5+$0x11590] =	vst v0  }
0x266: {  	[tilespmem:s5+$0x11610] =	vst v1  }
0x267: {  	v14 =	vld [tilespmem:s2+$0xFFFFFFB0];
	[tilespmem:s5+$0x112A0] =	vst v11  }
0x268: {  	[tilespmem:s5+$0x11320] =	vst v10  }
0x269: {  	[tilespmem:s5+$0x113A0] =	vst v9  }
0x26a: {  	[tilespmem:s5+$0x11420] =	vst v8  }
0x26b: {  	[tilespmem:s5+$0x114A0] =	vst v3  }
0x26c: {  	[tilespmem:s5+$0x11520] =	vst v2  }
0x26d: {  	[tilespmem:s5+$0x115A0] =	vst v0  }
0x26e: {  	[tilespmem:s5+$0x11620] =	vst v1  }
0x26f: {  	v15 =	vld [tilespmem:s2+$0xFFFFFFC0];
	[tilespmem:s5+$0x112B0] =	vst v11  }
0x270: {  	[tilespmem:s5+$0x11330] =	vst v10  }
0x271: {  	[tilespmem:s5+$0x113B0] =	vst v9  }
0x272: {  	[tilespmem:s5+$0x11430] =	vst v8  }
0x273: {  	[tilespmem:s5+$0x114B0] =	vst v3  }
0x274: {  	[tilespmem:s5+$0x11530] =	vst v2  }
0x275: {  	[tilespmem:s5+$0x115B0] =	vst v0  }
0x276: {  	[tilespmem:s5+$0x11630] =	vst v1  }
0x277: {  	v16 =	vld [tilespmem:s2+$0xFFFFFFD0];
	[tilespmem:s5+$0x112C0] =	vst v11  }
0x278: {  	[tilespmem:s5+$0x11340] =	vst v10  }
0x279: {  	[tilespmem:s5+$0x113C0] =	vst v9  }
0x27a: {  	[tilespmem:s5+$0x11440] =	vst v8  }
0x27b: {  	[tilespmem:s5+$0x114C0] =	vst v3  }
0x27c: {  	[tilespmem:s5+$0x11540] =	vst v2  }
0x27d: {  	[tilespmem:s5+$0x115C0] =	vst v0  }
0x27e: {  	[tilespmem:s5+$0x11640] =	vst v1  }
0x27f: {  	v17 =	vld [tilespmem:s2+$0xFFFFFFE0];
	[tilespmem:s5+$0x112D0] =	vst v11  }
0x280: {  	[tilespmem:s5+$0x11350] =	vst v10  }
0x281: {  	[tilespmem:s5+$0x113D0] =	vst v9  }
0x282: {  	[tilespmem:s5+$0x11450] =	vst v8  }
0x283: {  	[tilespmem:s5+$0x114D0] =	vst v3  }
0x284: {  	[tilespmem:s5+$0x11550] =	vst v2  }
0x285: {  	[tilespmem:s5+$0x115D0] =	vst v0  }
0x286: {  	[tilespmem:s5+$0x11650] =	vst v1  }
0x287: {  	v18 =	vld [tilespmem:s2+$0xFFFFFFF0];
	[tilespmem:s5+$0x112E0] =	vst v11  }
0x288: {  	[tilespmem:s5+$0x11360] =	vst v10  }
0x289: {  	[tilespmem:s5+$0x113E0] =	vst v9  }
0x28a: {  	[tilespmem:s5+$0x11460] =	vst v8  }
0x28b: {  	[tilespmem:s5+$0x114E0] =	vst v3  }
0x28c: {  	[tilespmem:s5+$0x11560] =	vst v2  }
0x28d: {  	[tilespmem:s5+$0x115E0] =	vst v0  }
0x28e: {  	[tilespmem:s5+$0x11660] =	vst v1  }
0x28f: {  	v19 =	vld [tilespmem:s2+$0x0];
	[tilespmem:s5+$0x112F0] =	vst v11  }
0x290: {  	[tilespmem:s5+$0x11370] =	vst v10  }
0x291: {  	p0 =	sne.s32 s9, $0xF000;
	vm0 =	vlt.s32 v6, v12;
	vm1 =	vlt.s32 v7, v13;
	[tilespmem:s5+$0x113F0] =	vst v9  }
.Ltmp13:
0x292: {  	v6 =	vsel vm0, v6, v12;
	v7 =	vsel vm1, v7, v13;
	[tilespmem:s5+$0x11470] =	vst v8;
	(pc) =	sbr.rel @p0 .LBB2_21-.Ltmp13, $4  }
0x293: {  	vm11 =	vlt.s32 v5, v14;
	[tilespmem:s5+$0x114F0] =	vst v3;
	vm12 =	vlt.s32 v4, v15;
	vm2 =	vlt.s32 v6, v16  }
0x294: {  	[tilespmem:s5+$0x11570] =	vst v2;
	v5 =	vsel vm11, v5, v14;
	v4 =	vsel vm12, v4, v15;
	v6 =	vsel vm2, v6, v16  }
0x295: {  	[tilespmem:s5+$0x115F0] =	vst v0;
	vm13 =	vlt.s32 v7, v17;
	vm14 =	vlt.s32 v5, v18;
	vm15 =	vlt.s32 v4, v19  }
0x296: {  	s9 =	sadd.s32 $0x1000, s9;
	[tilespmem:s5+$0x11670] =	vst v1;
	s2 =	sadd.s32 $0x200, s2;
	v7 =	vsel vm13, v7, v17;
	v5 =	vsel vm14, v5, v18;
	v4 =	vsel vm15, v4, v19  }
0x297: {  	vm0 =	vlt.s32 v6, v7;
	vm1 =	vlt.s32 v5, v4  }
0x298: {  	v6 =	vsel vm0, v6, v7;
	v4 =	vsel vm1, v5, v4  }
0x299: {  	vm0 =	vlt.s32 v6, v4  }
0x29a: {  	v4 =	vsel vm0, v6, v4  }
0x29b: {  	v4 =	vxor.u32 $0x80000000, v4  }
0x29c: {  	(xrf0) =	vmin.scan.msk.u32 $0xffff, v4;
	_ =	sdelay $0x5  }
0x29d: {  	v4, _, _ =	vpop (xrf0)  }
0x29e: {  	(v2sf) =	vpush v4, $0xF;
	_ =	sdelay $0xe  }
0x29f: {  	s0 =	spop (v2sf)  }
0x2a0: {  	p0 =	sne.s32 s0, $0x80000000  }
.Ltmp14:
0x2a1: {  	_ = 	snop;
	(pc) =	sbr.rel @p0 .LBB2_26-.Ltmp14, $2  }
0x2a2: {  	_ =	sdelay $0x2  }
0x2a3: {  	s2 =	simm.s32 $0x0  }
0x2a4: {  	s0 =	simm.s32 $0x0  }
0x2a5: {  	s2 =	sand.u32 $0x70, s2;
	s0 =	sand.u32 $0x3FFFFE00, s0  }
0x2a6: {  	s0 =	sor.u32 s2, s0  }
0x2a7: {  	v4 =	vld [tilespmem:s0+$0x3400];
	_ =	sdelay $0x3  }
0x2a8: {  	s31 =	simm.s32 $0x0  }
0x2a9: {  	s0 =	sand.u32 $0x3FFFFC00, s31;
	vm0 =	veq.s32 v4, $0x0  }
0x2aa: {  	s5 =	sor.u32 s2, s0;
	v4 =	vsel vm0, $0x0, v11  }
0x2ab: {  	v5 =	vsel vm0, $0x0, v10;
	[tilespmem:s5+$0x11280] =	vst v4  }
0x2ac: {  	v6 =	vsel vm0, $0x0, v2;
	[tilespmem:s5+$0x11300] =	vst v5  }
0x2ad: {  	v4 =	vsel vm0, $0x0, v9;
	[tilespmem:s5+$0x11500] =	vst v6  }
0x2ae: {  	v5 =	vsel vm0, $0x0, v8;
	[tilespmem:s5+$0x11380] =	vst v4  }
0x2af: {  	s11 =	simm.s32 $0x40;
	v4 =	vsel vm0, $0x0, v3;
	[tilespmem:s5+$0x11400] =	vst v5  }
0x2b0: {  	s9 =	simm.s32 $0x2;
	s10 =	simm.s32 $0x10;
	s2 =	simm.s32 $0x1;
	v5 =	vsel vm0, $0x0, v0;
	[tilespmem:s5+$0x11480] =	vst v4;
	v4 =	vsel vm0, $0x0, v1  }
.LBB2_24:
0x2b1: {  	p0 =	sne.s32 s9, $0x7F;
	s0 =	sand.u32 $0x70, s10;
	s3 =	sand.u32 $0x3FFFFE00, s11;
	[tilespmem:s5+$0x11580] =	vst v5  }
0x2b2: {  	s3 =	sor.u32 s0, s3;
	[tilespmem:s5+$0x11600] =	vst v4  }
0x2b3: {  	v4 =	vld [tilespmem:s3+$0x3400];
	_ =	sdelay $0x3  }
0x2b4: {  	s3 =	sshll.u32 s2, $0x7;
	s2 =	smov.u32 s9  }
0x2b5: {  	s3 =	sand.u32 $0x3FFFFC00, s3;
	vm0 =	veq.s32 v4, $0x0  }
0x2b6: {  	s5 =	sor.u32 s0, s3;
	v4 =	vsel vm0, $0x0, v11;
	v5 =	vsel vm0, $0x0, v10;
	v6 =	vsel vm0, $0x0, v9  }
0x2b7: {  	v7 =	vsel vm0, $0x0, v8;
	v12 =	vsel vm0, $0x0, v3;
	v13 =	vsel vm0, $0x0, v2;
	[tilespmem:s5+$0x11280] =	vst v4  }
.Ltmp15:
0x2b8: {  	v4 =	vsel vm0, $0x0, v1;
	[tilespmem:s5+$0x11300] =	vst v5;
	v5 =	vsel vm0, $0x0, v0;
	(pc) =	sbr.rel @p0 .LBB2_24-.Ltmp15, $4  }
0x2b9: {  	[tilespmem:s5+$0x11380] =	vst v6  }
0x2ba: {  	[tilespmem:s5+$0x11400] =	vst v7  }
0x2bb: {  	[tilespmem:s5+$0x11480] =	vst v12  }
0x2bc: {  	s10 =	sadd.s32 $0x10, s10;
	s9 =	sadd.s32 $0x1, s9;
	s11 =	sshll.u32 s2, $0x6;
	[tilespmem:s5+$0x11500] =	vst v13  }
0x2bd: {  	s0 =	sand.u32 $0x70, s10;
	s3 =	sand.u32 $0x3FFFFE00, s11;
	[tilespmem:s5+$0x11580] =	vst v5  }
0x2be: {  	[tilespmem:s5+$0x11600] =	vst v4;
	s3 =	sor.u32 s0, s3  }
0x2bf: {  	v4 =	vld [tilespmem:s3+$0x3400];
	_ =	sdelay $0x3  }
0x2c0: {  	s2 =	sshll.u32 s2, $0x7  }
0x2c1: {  	s2 =	sand.u32 $0x3FFFFC00, s2;
	vm0 =	veq.s32 v4, $0x0  }
0x2c2: {  	s0 =	sor.u32 s0, s2;
	v4 =	vsel vm0, $0x0, v11  }
0x2c3: {  	v61 =	vsel vm0, $0x0, v10;
	[tilespmem:s0+$0x11280] =	vst v4  }
0x2c4: {  	v62 =	vsel vm0, $0x0, v9;
	[tilespmem:s0+$0x11300] =	vst v61  }
0x2c5: {  	v63 =	vsel vm0, $0x0, v8;
	[tilespmem:s0+$0x11380] =	vst v62  }
.Ltmp16:
0x2c6: {  	v3 =	vsel vm0, $0x0, v3;
	[tilespmem:s0+$0x11400] =	vst v63;
	(pc) =	sbr.rel .LBB2_26-.Ltmp16, $4  }
0x2c7: {  	v2 =	vsel vm0, $0x0, v2;
	[tilespmem:s0+$0x11480] =	vst v3  }
0x2c8: {  	v0 =	vsel vm0, $0x0, v0;
	[tilespmem:s0+$0x11500] =	vst v2  }
0x2c9: {  	v1 =	vsel vm0, $0x0, v1;
	[tilespmem:s0+$0x11580] =	vst v0  }
0x2ca: {  	[tilespmem:s0+$0x11600] =	vst v1  }
.LBB2_28:
0x2cb: {  	_ =	sfence.sel $0x180000  }
0x2cc: {  	[bflag:$0x0] =	sbarrier.arrive $0xFFFF  }
0x2cd: {  	_ =	strace $0x90000047  }
0x2ce: {  	s0 =	stileid.u32;
	[bflag:$0x2] =	sbarrier.arrive $0xFFFF  }
0x2cf: {  	p0 =	sne.s32 s0, $0x0;
	s0 =	rddreg [dreg:$0x3]  }
0x2d0: {  	s0 =	sadd.s32 @!p0 $0x100000, s0  }
0x2d1: {  	[sflag:s0] =	ssyncadd.tile.s32 @!p0 $0x1;
	_ =	shalt  }
.Lfunc_end2:
_tile_overlayer_lowered:
.L_overlay_start_2:
0x2d2: {  	(tag) =	ssettag $0x2  }
0x2d3: {  	s0 =	rddreg [dreg:$0x0];
	s2 =	stileid.u32  }
0x2d4: {  	s1 =	rddreg [dreg:$0x1];
	p0 =	sne.s32 s2, $0x0  }
0x2d5: {  	s3 =	rddreg [dreg:$0x2];
	[bflag:$0x3] =	sbarrier.arrive $0xFFFF;
	s2 =	simm.s32 @!p0 $0x1C09  }
0x2d6: {  	[timem:s3], [sflag:s2] =	dma.local @!p0 [hbm:s0], s1  }
0x2d7: {  	s0 =	simm.s32 @!p0 $0x9  }
0x2d8: {  	_ =	swait.ge @!p0 [sflag:s0], s1  }
0x2d9: {  	s1 =	ssub.s32 @!p0 $0x0, s1;
	[sflag:s0] =	ssyncset.done @!p0 $0x0  }
0x2da: {  	[sflag:s0] =	ssyncadd.s32 @!p0 s1  }
0x2db: {  	[bflag:$0x3] =	sbarrier.arrive $0xFFFF  }
0x2dc: {  	_ =	shalt  }

</sc_bundles>
